<compile_context>
chip_gen: v7x
topology: tpu7x:2x2x1
jax: 0.10.2.dev20260603
libtpu: 0.0.44.dev20260713+nightly
codegen_flags: <defaults>
</compile_context>

<pallas_src>
import jax
import jax.numpy as jnp
from jax import lax
from jax.experimental import pallas as pl
from jax.experimental.pallas import tpu as pltpu
from jax.experimental.pallas import tpu_sc as plsc

GRID = 24
RES = 0.25
HALF = GRID * RES / 2.0
PG = GRID + 2
PC = PG * PG
ROWS = 768
ACCN = ROWS * 128
NPTS = 16 * 2048
NWORK = 32
PPW = NPTS // NWORK
STRIPE = ROWS // 16

SHIFTS = [(kh - 1) * PG + (kw - 1) for kh in range(3) for kw in range(3)]



def _sc_body(xs_hbm, ys_hbm, is_hbm, w_hbm, b_hbm, out_hbm,
             xv, yv, iv, wv, bv, idxb, accv, shared, sem):
    f32 = jnp.float32
    i32 = jnp.int32
    sid = lax.axis_index("s")
    cid = lax.axis_index("c")
    wid = sid * 2 + cid
    base = wid * PPW
    cps = [pltpu.async_copy(xs_hbm.at[pl.ds(base, PPW)], xv, sem),
           pltpu.async_copy(ys_hbm.at[pl.ds(base, PPW)], yv, sem),
           pltpu.async_copy(is_hbm.at[pl.ds(base, PPW)], iv, sem)]
    pltpu.sync_copy(w_hbm, wv)
    pltpu.sync_copy(b_hbm, bv)

    lane = lax.broadcasted_iota(i32, (16,), 0)
    zero16 = jnp.zeros((16,), f32)

    @plsc.parallel_loop(0, ROWS, step=1)
    def _(i):
        accv[i, pl.ds(0, 16)] = zero16
        accv[i, pl.ds(16, 16)] = zero16
        accv[i, pl.ds(32, 16)] = zero16
        accv[i, pl.ds(48, 16)] = zero16
        accv[i, pl.ds(64, 16)] = zero16
        accv[i, pl.ds(80, 16)] = zero16
        accv[i, pl.ds(96, 16)] = zero16
        accv[i, pl.ds(112, 16)] = zero16

    for c in range(6):
        for k in range(8):
            idxb[c, pl.ds(k * 16, 16)] = lane + (c * 128 + k * 16)

    pltpu.sync_copy(accv.at[pl.ds(sid * STRIPE, STRIPE)],
                    shared.at[pl.ds(sid * STRIPE, STRIPE)])
    plsc.subcore_barrier()

    for cp in cps:
        cp.wait()

    wvs = [wv[pl.ds(j * 16, 16)] for j in range(8)]
    bvs = [bv[pl.ds(j * 16, 16)] for j in range(8)]

    @plsc.parallel_loop(0, PPW // 16, step=2)
    def _(v):
        for g in range(2):
            sl = pl.ds((v + g) * 16, 16)
            x = xv[sl]
            y = yv[sl]
            it = iv[sl]
            cx = ((x + HALF) / RES).astype(i32)
            cy = ((y + HALF) / RES).astype(i32)
            mask = (cx >= 0) & (cx < GRID) & (cy >= 0) & (cy < GRID)
            rowb = jnp.where(mask, (cx + 1) * PG + (cy + 1), PC)
            for l in range(16):
                off = rowb[l]
                itv = jnp.broadcast_to(it[l], (16,))
                for j in range(8):
                    val = jnp.maximum(itv * wvs[j] + bvs[j], 0.0)
                    plsc.addupdate(accv.at[off, pl.ds(j * 16, 16)], val)

    for c in range(6):
        pltpu.sync_copy(accv.at[pl.ds(c * 128, 128)],
                        shared.at[idxb.at[c]], add=True)
    plsc.subcore_barrier()

    pltpu.sync_copy(shared.at[pl.ds(sid * STRIPE, STRIPE)],
                    out_hbm.at[cid, pl.ds(sid * STRIPE, STRIPE)])


def _sc_scatter(xs, ys, iss, encw, encb):
    mesh = plsc.VectorSubcoreMesh(core_axis_name="c", subcore_axis_name="s")
    f32 = jnp.float32
    i32 = jnp.int32
    return pl.kernel(
        _sc_body,
        out_type=jax.ShapeDtypeStruct((2, ROWS, 128), f32),
        mesh=mesh,
        scratch_types=[
            pltpu.VMEM((PPW,), f32),
            pltpu.VMEM((PPW,), f32),
            pltpu.VMEM((PPW,), f32),
            pltpu.VMEM((128,), f32),
            pltpu.VMEM((128,), f32),
            pltpu.VMEM((6, 128), i32),
            pltpu.VMEM((ROWS, 128), f32),
            pltpu.VMEM_SHARED((ROWS, 128), f32),
            pltpu.SemaphoreType.DMA,
        ],
    )(xs, ys, iss, encw, encb)



def _shift_rows(g, s):
    n = g.shape[0]
    if s == 0:
        return g
    if s > 0:
        return jnp.concatenate([g[s:], g[:s]], axis=0)
    return jnp.concatenate([g[n + s:], g[:n + s]], axis=0)


def _tc_body(gp_ref, w1_ref, b1_ref, w2_ref, b2_ref,
             wh1_ref, bh1_ref,
             w2c_ref, b2c_ref, w2r_ref, b2r_ref, w2s_ref, b2s_ref, w2co_ref, b2co_ref,
             w3c_ref, b3c_ref, w3r_ref, b3r_ref, w3s_ref, b3s_ref, w3co_ref, b3co_ref,
             logits_ref, reg_ref, cyc_ref):
    f32 = jnp.float32
    i32 = jnp.int32

    g = gp_ref[0] + gp_ref[1]

    riot = lax.broadcasted_iota(i32, (ROWS, 1), 0)
    xp = riot // PG
    yp = riot % PG
    interior = ((xp >= 1) & (xp <= GRID) & (yp >= 1) & (yp <= GRID)
                & (riot < PC)).astype(f32)

    bf16 = jnp.bfloat16
    hp = lax.Precision.HIGHEST
    gb = g.astype(bf16)
    h1 = jnp.zeros((ROWS, 64), f32)
    for k, s in enumerate(SHIFTS):
        h1 += lax.dot_general(
            _shift_rows(gb, s), w1_ref[k], (((1,), (0,)), ((), ())),
            preferred_element_type=f32)
    h1 = jnp.maximum(h1 + b1_ref[...], 0.0) * interior

    h1b = h1.astype(bf16)
    h2 = jnp.zeros((ROWS, 32), f32)
    for k, s in enumerate(SHIFTS):
        h2 += lax.dot_general(
            _shift_rows(h1b, s), w2_ref[k], (((1,), (0,)), ((), ())),
            preferred_element_type=f32)
    h2 = jnp.maximum(h2 + b2_ref[...], 0.0)

    br = lax.broadcasted_iota(i32, (36, ROWS), 0)
    rr = lax.broadcasted_iota(i32, (36, ROWS), 1)
    rxp = rr // PG
    ryp = rr % PG
    rvalid = (rxp >= 1) & (rxp <= GRID) & (ryp >= 1) & (ryp <= GRID) & (rr < PC)
    rblk = ((rxp - 1) // 4) * 6 + (ryp - 1) // 4
    pool = jnp.where((br == rblk) & rvalid, 1.0 / 16.0, 0.0).astype(f32)
    emb = lax.dot_general(pool, h2, (((1,), (0,)), ((), ())),
                          preferred_element_type=f32, precision=hp)

    embb = emb.astype(bf16)
    h = jnp.zeros((1, 512), f32)
    for ch in range(32):
        h += lax.dot_general(
            embb[:, ch:ch + 1], wh1_ref[ch], (((0,), (0,)), ((), ())),
            preferred_element_type=f32)
    h = jnp.maximum(h + bh1_ref[...], 0.0)

    def mm(a, w, b):
        return lax.dot_general(a.astype(bf16), w, (((1,), (0,)), ((), ())),
                               preferred_element_type=f32) + b

    hc = jnp.maximum(mm(h[:, 0:128], w2c_ref[...], b2c_ref[...]), 0.0)
    hr = jnp.maximum(mm(h[:, 128:256], w2r_ref[...], b2r_ref[...]), 0.0)
    hs = jnp.maximum(mm(h[:, 256:384], w2s_ref[...], b2s_ref[...]), 0.0)
    ho = jnp.maximum(mm(h[:, 384:512], w2co_ref[...], b2co_ref[...]), 0.0)

    logits_ref[...] = mm(hc, w3c_ref[...], b3c_ref[...])
    reg_ref[...] = mm(hr, w3r_ref[...], b3r_ref[...])
    sin_o = jnp.tanh(mm(hs, w3s_ref[...], b3s_ref[...]))
    cos_o = jnp.tanh(mm(ho, w3co_ref[...], b3co_ref[...]))
    cyc_ref[...] = jnp.concatenate([sin_o, cos_o], axis=1)


def kernel(ventana, params):
    f32 = jnp.float32
    vt = ventana.reshape(-1, 4).T

    encw = params["enc"][0].reshape(128)
    encb = params["enc"][1].reshape(128)

    gp = _sc_scatter(vt[0], vt[1], vt[3], encw, encb)

    bf16 = jnp.bfloat16
    w1 = jnp.transpose(params["conv1"][0], (2, 3, 1, 0)).reshape(9, 128, 64).astype(bf16)
    b1 = params["conv1"][1].reshape(1, 64)
    w2 = jnp.transpose(params["conv2"][0], (2, 3, 1, 0)).reshape(9, 64, 32).astype(bf16)
    b2 = params["conv2"][1].reshape(1, 32)

    wh1 = jnp.concatenate([params[k][0][0] for k in ("clf", "reg", "sin", "cos")],
                          axis=1).reshape(32, 36, 512).astype(bf16)
    bh1 = jnp.concatenate([params[k][0][1] for k in ("clf", "reg", "sin", "cos")]
                          ).reshape(1, 512)

    def l2(k):
        return params[k][1][0].astype(bf16), params[k][1][1].reshape(1, -1)
    def l3(k):
        return params[k][2][0].astype(bf16), params[k][2][1].reshape(1, -1)

    w2c, b2c = l2("clf"); w2r, b2r = l2("reg")
    w2s, b2s = l2("sin"); w2co, b2co = l2("cos")
    w3c, b3c = l3("clf"); w3r, b3r = l3("reg")
    w3s, b3s = l3("sin"); w3co, b3co = l3("cos")

    out = pl.pallas_call(
        _tc_body,
        out_shape=(
            jax.ShapeDtypeStruct((1, 8), f32),
            jax.ShapeDtypeStruct((1, 6), f32),
            jax.ShapeDtypeStruct((1, 2), f32),
        ),
    )(gp, w1, b1, w2, b2, wh1, bh1,
      w2c, b2c, w2r, b2r, w2s, b2s, w2co, b2co,
      w3c, b3c, w3r, b3r, w3s, b3s, w3co, b3co)
    return out

# --- scband reference (transcript-rebuilt; emitter-appended) ---
"""Pipeline reference for scband-ptv3-deteccion-10041633538850 (READ-ONLY COPY).

The authoritative reference and input builder live on the scoring server;
editing this copy changes nothing except your own understanding.
"""

import jax, jax.numpy as jnp
import numpy as np

GRID = 24
RES = 0.25
HALF = GRID * RES / 2.0

def _lin(k, fin, fout):
    return (jax.random.normal(k, (fin, fout), dtype=jnp.float32) / np.sqrt(fin), jnp.zeros((fout,), dtype=jnp.float32))

def _conv(k, cout, cin):
    return (jax.random.normal(k, (cout, cin, 3, 3), dtype=jnp.float32) / np.sqrt(cin * 9.0), jnp.zeros((cout,), dtype=jnp.float32))

def _mlp(keys, dims):
    return [_lin(keys[i], dims[i], dims[i + 1]) for i in range(len(dims) - 1)]

def setup_inputs(seed: int = 0):
    key = jax.random.key(seed)
    ks = jax.random.split(key, 24)
    ventana = jax.random.normal(ks[0], (16, 2048, 4), dtype=jnp.float32)
    params = {
        "enc": _lin(ks[1], 1, 128),
        "conv1": _conv(ks[2], 64, 128),
        "conv2": _conv(ks[3], 32, 64),
        "clf": _mlp(ks[4:7], [1152, 128, 32, 8]),
        "reg": _mlp(ks[7:10], [1152, 128, 32, 6]),
        "sin": _mlp(ks[10:13], [1152, 128, 32, 1]),
        "cos": _mlp(ks[13:16], [1152, 128, 32, 1]),
    }
    return {"ventana": ventana, "params": params}

def _head(x, layers):
    h = x
    n = len(layers)
    for i, (W, b) in enumerate(layers):
        h = h @ W + b
        if i < n - 1:
            h = jax.nn.relu(h)
    return h

def reference(ventana, params):
    pts = ventana.reshape(-1, 4)
    coord = pts[:, :3]
    feat = jax.nn.relu(pts[:, 3:] @ params["enc"][0] + params["enc"][1])
    coord = jax.lax.stop_gradient(coord)
    feat = jax.lax.stop_gradient(feat)
    x = coord[:, 0]
    y = coord[:, 1]
    cx = ((x + HALF) / RES).astype(jnp.int32)
    cy = ((y + HALF) / RES).astype(jnp.int32)
    mask = (cx >= 0) & (cx < GRID) & (cy >= 0) & (cy < GRID)
    idx = jnp.where(mask, cx * GRID + cy, GRID * GRID)
    fm = jnp.where(mask[:, None], feat, 0.0)
    F = feat.shape[1]
    grid = jnp.zeros((F, GRID * GRID + 1), dtype=jnp.float32).at[:, idx].add(fm.T)
    grid = grid[:, : GRID * GRID].reshape(1, F, GRID, GRID)
    dn = ('NCHW', 'OIHW', 'NCHW')
    h = jax.lax.conv_general_dilated(grid, params["conv1"][0], (1, 1), 'SAME', dimension_numbers=dn) + params["conv1"][1][None, :, None, None]
    h = jax.nn.relu(h)
    h = jax.lax.conv_general_dilated(h, params["conv2"][0], (1, 1), 'SAME', dimension_numbers=dn) + params["conv2"][1][None, :, None, None]
    h = jax.nn.relu(h)
    h = h.reshape(1, 32, 6, 4, 6, 4).mean(axis=(3, 5))
    emb = h.reshape(1, -1)
    logits = _head(emb, params["clf"])
    reg_out = _head(emb, params["reg"])
    sin_out = jnp.tanh(_head(emb, params["sin"]))
    cos_out = jnp.tanh(_head(emb, params["cos"]))
    cyc_out = jnp.concatenate([sin_out, cos_out], axis=1)
    return (logits, reg_out, cyc_out)

if __name__ == "__main__":
    import jax
    _d = setup_inputs()
    print(jax.jit(kernel)(*tuple(_d.values())))

</pallas_src>

<mosaic_0001>
#map = affine_map<(d0, d1) -> (0)>
#map1 = affine_map<(d0, d1) -> (0, 0, 0)>
module attributes {stable_mosaic.version = 14 : i64} {
  func.func @_sc_body(%arg0: i32, %arg1: i32, %arg2: memref<32768xf32, #tpu.memory_space<hbm>>, %arg3: memref<32768xf32, #tpu.memory_space<hbm>>, %arg4: memref<32768xf32, #tpu.memory_space<hbm>>, %arg5: memref<128xf32, #tpu.memory_space<hbm>>, %arg6: memref<128xf32, #tpu.memory_space<hbm>>, %arg7: memref<2x768x128xf32, #tpu.memory_space<hbm>>, %arg8: memref<1024xf32, #tpu.memory_space<vmem>>, %arg9: memref<1024xf32, #tpu.memory_space<vmem>>, %arg10: memref<1024xf32, #tpu.memory_space<vmem>>, %arg11: memref<128xf32, #tpu.memory_space<vmem>>, %arg12: memref<128xf32, #tpu.memory_space<vmem>>, %arg13: memref<6x128xi32, #tpu.memory_space<vmem>>, %arg14: memref<768x128xf32, #tpu.memory_space<vmem>>, %arg15: memref<768x128xf32, #tpu.memory_space<vmem_shared>>, %arg16: memref<!tpu.dma_semaphore, #tpu.memory_space<semaphore_mem>>) attributes {dimension_semantics = [#tpu.dimension_semantics<core_parallel>, #tpu.dimension_semantics<subcore_parallel>], iteration_bounds = array<i64: 2, 16>, scalar_prefetch = 0 : i64, scratch_operands = 9 : i64, tpu.core_type = #tpu.core_type<sc_vector_subcore>, window_params = [{transform_indices = #map}, {transform_indices = #map}, {transform_indices = #map}, {transform_indices = #map}, {transform_indices = #map}, {transform_indices = #map1}]} {
    %mul3A = arith.constant 2 : i32
    %mul3A_0 = arith.muli %arg1, %mul3A : i32
    %add3A = arith.addi %mul3A_0, %arg0 : i32
    %mul3A_1 = arith.constant 1024 : i32
    %mul3A_2 = arith.muli %add3A, %mul3A_1 : i32
    %dma_start3A = tpu.memref_slice %arg2[%mul3A_2] : memref<32768xf32, #tpu.memory_space<hbm>> -> memref<1024xf32, #tpu.memory_space<hbm>>
    %dma_start3A_3 = tpu.memref_slice %arg2[%mul3A_2] : memref<32768xf32, #tpu.memory_space<hbm>> -> memref<1024xf32, #tpu.memory_space<hbm>>
    tpu.enqueue_dma source(%dma_start3A_3 : memref<1024xf32, #tpu.memory_space<hbm>>) target(%arg8 : memref<1024xf32, #tpu.memory_space<vmem>>) target_semaphore(%arg16 : memref<!tpu.dma_semaphore, #tpu.memory_space<semaphore_mem>>)
    %dma_start3A_4 = tpu.memref_slice %arg3[%mul3A_2] : memref<32768xf32, #tpu.memory_space<hbm>> -> memref<1024xf32, #tpu.memory_space<hbm>>
    %dma_start3A_5 = tpu.memref_slice %arg3[%mul3A_2] : memref<32768xf32, #tpu.memory_space<hbm>> -> memref<1024xf32, #tpu.memory_space<hbm>>
    tpu.enqueue_dma source(%dma_start3A_5 : memref<1024xf32, #tpu.memory_space<hbm>>) target(%arg9 : memref<1024xf32, #tpu.memory_space<vmem>>) target_semaphore(%arg16 : memref<!tpu.dma_semaphore, #tpu.memory_space<semaphore_mem>>)
    %dma_start3A_6 = tpu.memref_slice %arg4[%mul3A_2] : memref<32768xf32, #tpu.memory_space<hbm>> -> memref<1024xf32, #tpu.memory_space<hbm>>
    %dma_start3A_7 = tpu.memref_slice %arg4[%mul3A_2] : memref<32768xf32, #tpu.memory_space<hbm>> -> memref<1024xf32, #tpu.memory_space<hbm>>
    tpu.enqueue_dma source(%dma_start3A_7 : memref<1024xf32, #tpu.memory_space<hbm>>) target(%arg10 : memref<1024xf32, #tpu.memory_space<vmem>>) target_semaphore(%arg16 : memref<!tpu.dma_semaphore, #tpu.memory_space<semaphore_mem>>)
    "tpu.region"() ({
      %run_scoped3A_511 = tpu.sem_alloc : memref<!tpu.dma_semaphore, #tpu.memory_space<semaphore_mem>>
      tpu.enqueue_dma source(%arg5 : memref<128xf32, #tpu.memory_space<hbm>>) target(%arg11 : memref<128xf32, #tpu.memory_space<vmem>>) target_semaphore(%run_scoped3A_511 : memref<!tpu.dma_semaphore, #tpu.memory_space<semaphore_mem>>)
      tpu.wait_dma2 semaphore(%run_scoped3A_511 : memref<!tpu.dma_semaphore, #tpu.memory_space<semaphore_mem>>) src(%arg5 : memref<128xf32, #tpu.memory_space<hbm>>) dst(%arg11 : memref<128xf32, #tpu.memory_space<vmem>>)
      tpu.yield
    }) : () -> ()
    "tpu.region"() ({
      %run_scoped3A_511 = tpu.sem_alloc : memref<!tpu.dma_semaphore, #tpu.memory_space<semaphore_mem>>
      tpu.enqueue_dma source(%arg6 : memref<128xf32, #tpu.memory_space<hbm>>) target(%arg12 : memref<128xf32, #tpu.memory_space<vmem>>) target_semaphore(%run_scoped3A_511 : memref<!tpu.dma_semaphore, #tpu.memory_space<semaphore_mem>>)
      tpu.wait_dma2 semaphore(%run_scoped3A_511 : memref<!tpu.dma_semaphore, #tpu.memory_space<semaphore_mem>>) src(%arg6 : memref<128xf32, #tpu.memory_space<hbm>>) dst(%arg12 : memref<128xf32, #tpu.memory_space<vmem>>)
      tpu.yield
    }) : () -> ()
    %iota3A = tpu.iota {dimensions = array<i32: 0>} : vector<16xi32>
    %broadcast_in_dim3A = arith.constant 0.000000e+00 : f32
    %broadcast_in_dim3A_8 = vector.broadcast %broadcast_in_dim3A : f32 to vector<16xf32>
    %parallel_loop3A = arith.constant 0 : i32
    %parallel_loop3A_9 = arith.constant 768 : i32
    %parallel_loop3A_10 = arith.constant 1 : i32
    scf.for %parallel_loop3A_511 = %parallel_loop3A to %parallel_loop3A_9 step %parallel_loop3A_10  : i32 {
      %parallel_loop3A_512 = arith.index_cast %parallel_loop3A_511 : i32 to index
      %parallel_loop3A_513 = arith.constant 0 : index
      %parallel_loop3A_514 = tpu.vector_load %arg14[%parallel_loop3A_512, %parallel_loop3A_513] {strides = array<i32>} : memref<768x128xf32, #tpu.memory_space<vmem>>, vector<1x16xf32>,
      %parallel_loop3A_515 = vector.shape_cast %parallel_loop3A_514 : vector<1x16xf32> to vector<16xf32>
      %parallel_loop3A_516 = vector.shape_cast %broadcast_in_dim3A_8 : vector<16xf32> to vector<1x16xf32>
      tpu.vector_store %arg14[%parallel_loop3A_512, %parallel_loop3A_513], %parallel_loop3A_516 {strides = array<i32>} : memref<768x128xf32, #tpu.memory_space<vmem>>, vector<1x16xf32>,
      %parallel_loop3A_517 = arith.index_cast %parallel_loop3A_511 : i32 to index
      %parallel_loop3A_518 = arith.constant 16 : index
      %parallel_loop3A_519 = tpu.vector_load %arg14[%parallel_loop3A_517, %parallel_loop3A_518] {strides = array<i32>} : memref<768x128xf32, #tpu.memory_space<vmem>>, vector<1x16xf32>,
      %parallel_loop3A_520 = vector.shape_cast %parallel_loop3A_519 : vector<1x16xf32> to vector<16xf32>
      %parallel_loop3A_521 = vector.shape_cast %broadcast_in_dim3A_8 : vector<16xf32> to vector<1x16xf32>
      tpu.vector_store %arg14[%parallel_loop3A_517, %parallel_loop3A_518], %parallel_loop3A_521 {strides = array<i32>} : memref<768x128xf32, #tpu.memory_space<vmem>>, vector<1x16xf32>,
      %parallel_loop3A_522 = arith.index_cast %parallel_loop3A_511 : i32 to index
      %parallel_loop3A_523 = arith.constant 32 : index
      %parallel_loop3A_524 = tpu.vector_load %arg14[%parallel_loop3A_522, %parallel_loop3A_523] {strides = array<i32>} : memref<768x128xf32, #tpu.memory_space<vmem>>, vector<1x16xf32>,
      %parallel_loop3A_525 = vector.shape_cast %parallel_loop3A_524 : vector<1x16xf32> to vector<16xf32>
      %parallel_loop3A_526 = vector.shape_cast %broadcast_in_dim3A_8 : vector<16xf32> to vector<1x16xf32>
      tpu.vector_store %arg14[%parallel_loop3A_522, %parallel_loop3A_523], %parallel_loop3A_526 {strides = array<i32>} : memref<768x128xf32, #tpu.memory_space<vmem>>, vector<1x16xf32>,
      %parallel_loop3A_527 = arith.index_cast %parallel_loop3A_511 : i32 to index
      %parallel_loop3A_528 = arith.constant 48 : index
      %parallel_loop3A_529 = tpu.vector_load %arg14[%parallel_loop3A_527, %parallel_loop3A_528] {strides = array<i32>} : memref<768x128xf32, #tpu.memory_space<vmem>>, vector<1x16xf32>,
      %parallel_loop3A_530 = vector.shape_cast %parallel_loop3A_529 : vector<1x16xf32> to vector<16xf32>
      %parallel_loop3A_531 = vector.shape_cast %broadcast_in_dim3A_8 : vector<16xf32> to vector<1x16xf32>
      tpu.vector_store %arg14[%parallel_loop3A_527, %parallel_loop3A_528], %parallel_loop3A_531 {strides = array<i32>} : memref<768x128xf32, #tpu.memory_space<vmem>>, vector<1x16xf32>,
      %parallel_loop3A_532 = arith.index_cast %parallel_loop3A_511 : i32 to index
      %parallel_loop3A_533 = arith.constant 64 : index
      %parallel_loop3A_534 = tpu.vector_load %arg14[%parallel_loop3A_532, %parallel_loop3A_533] {strides = array<i32>} : memref<768x128xf32, #tpu.memory_space<vmem>>, vector<1x16xf32>,
      %parallel_loop3A_535 = vector.shape_cast %parallel_loop3A_534 : vector<1x16xf32> to vector<16xf32>
      %parallel_loop3A_536 = vector.shape_cast %broadcast_in_dim3A_8 : vector<16xf32> to vector<1x16xf32>
      tpu.vector_store %arg14[%parallel_loop3A_532, %parallel_loop3A_533], %parallel_loop3A_536 {strides = array<i32>} : memref<768x128xf32, #tpu.memory_space<vmem>>, vector<1x16xf32>,
      %parallel_loop3A_537 = arith.index_cast %parallel_loop3A_511 : i32 to index
      %parallel_loop3A_538 = arith.constant 80 : index
      %parallel_loop3A_539 = tpu.vector_load %arg14[%parallel_loop3A_537, %parallel_loop3A_538] {strides = array<i32>} : memref<768x128xf32, #tpu.memory_space<vmem>>, vector<1x16xf32>,
      %parallel_loop3A_540 = vector.shape_cast %parallel_loop3A_539 : vector<1x16xf32> to vector<16xf32>
      %parallel_loop3A_541 = vector.shape_cast %broadcast_in_dim3A_8 : vector<16xf32> to vector<1x16xf32>
      tpu.vector_store %arg14[%parallel_loop3A_537, %parallel_loop3A_538], %parallel_loop3A_541 {strides = array<i32>} : memref<768x128xf32, #tpu.memory_space<vmem>>, vector<1x16xf32>,
      %parallel_loop3A_542 = arith.index_cast %parallel_loop3A_511 : i32 to index
      %parallel_loop3A_543 = arith.constant 96 : index
      %parallel_loop3A_544 = tpu.vector_load %arg14[%parallel_loop3A_542, %parallel_loop3A_543] {strides = array<i32>} : memref<768x128xf32, #tpu.memory_space<vmem>>, vector<1x16xf32>,
      %parallel_loop3A_545 = vector.shape_cast %parallel_loop3A_544 : vector<1x16xf32> to vector<16xf32>
      %parallel_loop3A_546 = vector.shape_cast %broadcast_in_dim3A_8 : vector<16xf32> to vector<1x16xf32>
      tpu.vector_store %arg14[%parallel_loop3A_542, %parallel_loop3A_543], %parallel_loop3A_546 {strides = array<i32>} : memref<768x128xf32, #tpu.memory_space<vmem>>, vector<1x16xf32>,
      %parallel_loop3A_547 = arith.index_cast %parallel_loop3A_511 : i32 to index
      %parallel_loop3A_548 = arith.constant 112 : index
      %parallel_loop3A_549 = tpu.vector_load %arg14[%parallel_loop3A_547, %parallel_loop3A_548] {strides = array<i32>} : memref<768x128xf32, #tpu.memory_space<vmem>>, vector<1x16xf32>,
      %parallel_loop3A_550 = vector.shape_cast %parallel_loop3A_549 : vector<1x16xf32> to vector<16xf32>
      %parallel_loop3A_551 = vector.shape_cast %broadcast_in_dim3A_8 : vector<16xf32> to vector<1x16xf32>
      tpu.vector_store %arg14[%parallel_loop3A_547, %parallel_loop3A_548], %parallel_loop3A_551 {strides = array<i32>} : memref<768x128xf32, #tpu.memory_space<vmem>>, vector<1x16xf32>,
    } {sc.loop_unroll_factor = 1 : i64, sc.parallel_access}
    %add3A_11 = arith.constant 0 : i32
    %add3A_12 = vector.broadcast %add3A_11 : i32 to vector<16xi32>
    %add3A_13 = arith.addi %iota3A, %add3A_12 : vector<16xi32>
    %swap3A = arith.constant 0 : i32
    %swap3A_14 = arith.index_cast %swap3A : i32 to index
    %swap3A_15 = arith.constant 0 : index
    %swap3A_16 = tpu.vector_load %arg13[%swap3A_14, %swap3A_15] {strides = array<i32>} : memref<6x128xi32, #tpu.memory_space<vmem>>, vector<1x16xi32>,
    %swap3A_17 = vector.shape_cast %swap3A_16 : vector<1x16xi32> to vector<16xi32>
    %swap3A_18 = vector.shape_cast %add3A_13 : vector<16xi32> to vector<1x16xi32>
    tpu.vector_store %arg13[%swap3A_14, %swap3A_15], %swap3A_18 {strides = array<i32>} : memref<6x128xi32, #tpu.memory_space<vmem>>, vector<1x16xi32>,
    %add3A_19 = arith.constant 16 : i32
    %add3A_20 = vector.broadcast %add3A_19 : i32 to vector<16xi32>
    %add3A_21 = arith.addi %iota3A, %add3A_20 : vector<16xi32>
    %swap3A_22 = arith.constant 0 : i32
    %swap3A_23 = arith.index_cast %swap3A_22 : i32 to index
    %swap3A_24 = arith.constant 16 : index
    %swap3A_25 = tpu.vector_load %arg13[%swap3A_23, %swap3A_24] {strides = array<i32>} : memref<6x128xi32, #tpu.memory_space<vmem>>, vector<1x16xi32>,
    %swap3A_26 = vector.shape_cast %swap3A_25 : vector<1x16xi32> to vector<16xi32>
    %swap3A_27 = vector.shape_cast %add3A_21 : vector<16xi32> to vector<1x16xi32>
    tpu.vector_store %arg13[%swap3A_23, %swap3A_24], %swap3A_27 {strides = array<i32>} : memref<6x128xi32, #tpu.memory_space<vmem>>, vector<1x16xi32>,
    %add3A_28 = arith.constant 32 : i32
    %add3A_29 = vector.broadcast %add3A_28 : i32 to vector<16xi32>
    %add3A_30 = arith.addi %iota3A, %add3A_29 : vector<16xi32>
    %swap3A_31 = arith.constant 0 : i32
    %swap3A_32 = arith.index_cast %swap3A_31 : i32 to index
    %swap3A_33 = arith.constant 32 : index
    %swap3A_34 = tpu.vector_load %arg13[%swap3A_32, %swap3A_33] {strides = array<i32>} : memref<6x128xi32, #tpu.memory_space<vmem>>, vector<1x16xi32>,
    %swap3A_35 = vector.shape_cast %swap3A_34 : vector<1x16xi32> to vector<16xi32>
    %swap3A_36 = vector.shape_cast %add3A_30 : vector<16xi32> to vector<1x16xi32>
    tpu.vector_store %arg13[%swap3A_32, %swap3A_33], %swap3A_36 {strides = array<i32>} : memref<6x128xi32, #tpu.memory_space<vmem>>, vector<1x16xi32>,
    %add3A_37 = arith.constant 48 : i32
    %add3A_38 = vector.broadcast %add3A_37 : i32 to vector<16xi32>
    %add3A_39 = arith.addi %iota3A, %add3A_38 : vector<16xi32>
    %swap3A_40 = arith.constant 0 : i32
    %swap3A_41 = arith.index_cast %swap3A_40 : i32 to index
    %swap3A_42 = arith.constant 48 : index
    %swap3A_43 = tpu.vector_load %arg13[%swap3A_41, %swap3A_42] {strides = array<i32>} : memref<6x128xi32, #tpu.memory_space<vmem>>, vector<1x16xi32>,
    %swap3A_44 = vector.shape_cast %swap3A_43 : vector<1x16xi32> to vector<16xi32>
    %swap3A_45 = vector.shape_cast %add3A_39 : vector<16xi32> to vector<1x16xi32>
    tpu.vector_store %arg13[%swap3A_41, %swap3A_42], %swap3A_45 {strides = array<i32>} : memref<6x128xi32, #tpu.memory_space<vmem>>, vector<1x16xi32>,
    %add3A_46 = arith.constant 64 : i32
    %add3A_47 = vector.broadcast %add3A_46 : i32 to vector<16xi32>
    %add3A_48 = arith.addi %iota3A, %add3A_47 : vector<16xi32>
    %swap3A_49 = arith.constant 0 : i32
    %swap3A_50 = arith.index_cast %swap3A_49 : i32 to index
    %swap3A_51 = arith.constant 64 : index
    %swap3A_52 = tpu.vector_load %arg13[%swap3A_50, %swap3A_51] {strides = array<i32>} : memref<6x128xi32, #tpu.memory_space<vmem>>, vector<1x16xi32>,
    %swap3A_53 = vector.shape_cast %swap3A_52 : vector<1x16xi32> to vector<16xi32>
    %swap3A_54 = vector.shape_cast %add3A_48 : vector<16xi32> to vector<1x16xi32>
    tpu.vector_store %arg13[%swap3A_50, %swap3A_51], %swap3A_54 {strides = array<i32>} : memref<6x128xi32, #tpu.memory_space<vmem>>, vector<1x16xi32>,
    %add3A_55 = arith.constant 80 : i32
    %add3A_56 = vector.broadcast %add3A_55 : i32 to vector<16xi32>
    %add3A_57 = arith.addi %iota3A, %add3A_56 : vector<16xi32>
    %swap3A_58 = arith.constant 0 : i32
    %swap3A_59 = arith.index_cast %swap3A_58 : i32 to index
    %swap3A_60 = arith.constant 80 : index
    %swap3A_61 = tpu.vector_load %arg13[%swap3A_59, %swap3A_60] {strides = array<i32>} : memref<6x128xi32, #tpu.memory_space<vmem>>, vector<1x16xi32>,
    %swap3A_62 = vector.shape_cast %swap3A_61 : vector<1x16xi32> to vector<16xi32>
    %swap3A_63 = vector.shape_cast %add3A_57 : vector<16xi32> to vector<1x16xi32>
    tpu.vector_store %arg13[%swap3A_59, %swap3A_60], %swap3A_63 {strides = array<i32>} : memref<6x128xi32, #tpu.memory_space<vmem>>, vector<1x16xi32>,
    %add3A_64 = arith.constant 96 : i32
    %add3A_65 = vector.broadcast %add3A_64 : i32 to vector<16xi32>
    %add3A_66 = arith.addi %iota3A, %add3A_65 : vector<16xi32>
    %swap3A_67 = arith.constant 0 : i32
    %swap3A_68 = arith.index_cast %swap3A_67 : i32 to index
    %swap3A_69 = arith.constant 96 : index
    %swap3A_70 = tpu.vector_load %arg13[%swap3A_68, %swap3A_69] {strides = array<i32>} : memref<6x128xi32, #tpu.memory_space<vmem>>, vector<1x16xi32>,
    %swap3A_71 = vector.shape_cast %swap3A_70 : vector<1x16xi32> to vector<16xi32>
    %swap3A_72 = vector.shape_cast %add3A_66 : vector<16xi32> to vector<1x16xi32>
    tpu.vector_store %arg13[%swap3A_68, %swap3A_69], %swap3A_72 {strides = array<i32>} : memref<6x128xi32, #tpu.memory_space<vmem>>, vector<1x16xi32>,
    %add3A_73 = arith.constant 112 : i32
    %add3A_74 = vector.broadcast %add3A_73 : i32 to vector<16xi32>
    %add3A_75 = arith.addi %iota3A, %add3A_74 : vector<16xi32>
    %swap3A_76 = arith.constant 0 : i32
    %swap3A_77 = arith.index_cast %swap3A_76 : i32 to index
    %swap3A_78 = arith.constant 112 : index
    %swap3A_79 = tpu.vector_load %arg13[%swap3A_77, %swap3A_78] {strides = array<i32>} : memref<6x128xi32, #tpu.memory_space<vmem>>, vector<1x16xi32>,
    %swap3A_80 = vector.shape_cast %swap3A_79 : vector<1x16xi32> to vector<16xi32>
    %swap3A_81 = vector.shape_cast %add3A_75 : vector<16xi32> to vector<1x16xi32>
    tpu.vector_store %arg13[%swap3A_77, %swap3A_78], %swap3A_81 {strides = array<i32>} : memref<6x128xi32, #tpu.memory_space<vmem>>, vector<1x16xi32>,
    %add3A_82 = arith.constant 128 : i32
    %add3A_83 = vector.broadcast %add3A_82 : i32 to vector<16xi32>
    %add3A_84 = arith.addi %iota3A, %add3A_83 : vector<16xi32>
    %swap3A_85 = arith.constant 1 : i32
    %swap3A_86 = arith.index_cast %swap3A_85 : i32 to index
    %swap3A_87 = arith.constant 0 : index
    %swap3A_88 = tpu.vector_load %arg13[%swap3A_86, %swap3A_87] {strides = array<i32>} : memref<6x128xi32, #tpu.memory_space<vmem>>, vector<1x16xi32>,
    %swap3A_89 = vector.shape_cast %swap3A_88 : vector<1x16xi32> to vector<16xi32>
    %swap3A_90 = vector.shape_cast %add3A_84 : vector<16xi32> to vector<1x16xi32>
    tpu.vector_store %arg13[%swap3A_86, %swap3A_87], %swap3A_90 {strides = array<i32>} : memref<6x128xi32, #tpu.memory_space<vmem>>, vector<1x16xi32>,
    %add3A_91 = arith.constant 144 : i32
    %add3A_92 = vector.broadcast %add3A_91 : i32 to vector<16xi32>
    %add3A_93 = arith.addi %iota3A, %add3A_92 : vector<16xi32>
    %swap3A_94 = arith.constant 1 : i32
    %swap3A_95 = arith.index_cast %swap3A_94 : i32 to index
    %swap3A_96 = arith.constant 16 : index
    %swap3A_97 = tpu.vector_load %arg13[%swap3A_95, %swap3A_96] {strides = array<i32>} : memref<6x128xi32, #tpu.memory_space<vmem>>, vector<1x16xi32>,
    %swap3A_98 = vector.shape_cast %swap3A_97 : vector<1x16xi32> to vector<16xi32>
    %swap3A_99 = vector.shape_cast %add3A_93 : vector<16xi32> to vector<1x16xi32>
    tpu.vector_store %arg13[%swap3A_95, %swap3A_96], %swap3A_99 {strides = array<i32>} : memref<6x128xi32, #tpu.memory_space<vmem>>, vector<1x16xi32>,
    %add3A_100 = arith.constant 160 : i32
    %add3A_101 = vector.broadcast %add3A_100 : i32 to vector<16xi32>
    %add3A_102 = arith.addi %iota3A, %add3A_101 : vector<16xi32>
    %swap3A_103 = arith.constant 1 : i32
    %swap3A_104 = arith.index_cast %swap3A_103 : i32 to index
    %swap3A_105 = arith.constant 32 : index
    %swap3A_106 = tpu.vector_load %arg13[%swap3A_104, %swap3A_105] {strides = array<i32>} : memref<6x128xi32, #tpu.memory_space<vmem>>, vector<1x16xi32>,
    %swap3A_107 = vector.shape_cast %swap3A_106 : vector<1x16xi32> to vector<16xi32>
    %swap3A_108 = vector.shape_cast %add3A_102 : vector<16xi32> to vector<1x16xi32>
    tpu.vector_store %arg13[%swap3A_104, %swap3A_105], %swap3A_108 {strides = array<i32>} : memref<6x128xi32, #tpu.memory_space<vmem>>, vector<1x16xi32>,
    %add3A_109 = arith.constant 176 : i32
    %add3A_110 = vector.broadcast %add3A_109 : i32 to vector<16xi32>
    %add3A_111 = arith.addi %iota3A, %add3A_110 : vector<16xi32>
    %swap3A_112 = arith.constant 1 : i32
    %swap3A_113 = arith.index_cast %swap3A_112 : i32 to index
    %swap3A_114 = arith.constant 48 : index
    %swap3A_115 = tpu.vector_load %arg13[%swap3A_113, %swap3A_114] {strides = array<i32>} : memref<6x128xi32, #tpu.memory_space<vmem>>, vector<1x16xi32>,
    %swap3A_116 = vector.shape_cast %swap3A_115 : vector<1x16xi32> to vector<16xi32>
    %swap3A_117 = vector.shape_cast %add3A_111 : vector<16xi32> to vector<1x16xi32>
    tpu.vector_store %arg13[%swap3A_113, %swap3A_114], %swap3A_117 {strides = array<i32>} : memref<6x128xi32, #tpu.memory_space<vmem>>, vector<1x16xi32>,
    %add3A_118 = arith.constant 192 : i32
    %add3A_119 = vector.broadcast %add3A_118 : i32 to vector<16xi32>
    %add3A_120 = arith.addi %iota3A, %add3A_119 : vector<16xi32>
    %swap3A_121 = arith.constant 1 : i32
    %swap3A_122 = arith.index_cast %swap3A_121 : i32 to index
    %swap3A_123 = arith.constant 64 : index
    %swap3A_124 = tpu.vector_load %arg13[%swap3A_122, %swap3A_123] {strides = array<i32>} : memref<6x128xi32, #tpu.memory_space<vmem>>, vector<1x16xi32>,
    %swap3A_125 = vector.shape_cast %swap3A_124 : vector<1x16xi32> to vector<16xi32>
    %swap3A_126 = vector.shape_cast %add3A_120 : vector<16xi32> to vector<1x16xi32>
    tpu.vector_store %arg13[%swap3A_122, %swap3A_123], %swap3A_126 {strides = array<i32>} : memref<6x128xi32, #tpu.memory_space<vmem>>, vector<1x16xi32>,
    %add3A_127 = arith.constant 208 : i32
    %add3A_128 = vector.broadcast %add3A_127 : i32 to vector<16xi32>
    %add3A_129 = arith.addi %iota3A, %add3A_128 : vector<16xi32>
    %swap3A_130 = arith.constant 1 : i32
    %swap3A_131 = arith.index_cast %swap3A_130 : i32 to index
    %swap3A_132 = arith.constant 80 : index
    %swap3A_133 = tpu.vector_load %arg13[%swap3A_131, %swap3A_132] {strides = array<i32>} : memref<6x128xi32, #tpu.memory_space<vmem>>, vector<1x16xi32>,
    %swap3A_134 = vector.shape_cast %swap3A_133 : vector<1x16xi32> to vector<16xi32>
    %swap3A_135 = vector.shape_cast %add3A_129 : vector<16xi32> to vector<1x16xi32>
    tpu.vector_store %arg13[%swap3A_131, %swap3A_132], %swap3A_135 {strides = array<i32>} : memref<6x128xi32, #tpu.memory_space<vmem>>, vector<1x16xi32>,
    %add3A_136 = arith.constant 224 : i32
    %add3A_137 = vector.broadcast %add3A_136 : i32 to vector<16xi32>
    %add3A_138 = arith.addi %iota3A, %add3A_137 : vector<16xi32>
    %swap3A_139 = arith.constant 1 : i32
    %swap3A_140 = arith.index_cast %swap3A_139 : i32 to index
    %swap3A_141 = arith.constant 96 : index
    %swap3A_142 = tpu.vector_load %arg13[%swap3A_140, %swap3A_141] {strides = array<i32>} : memref<6x128xi32, #tpu.memory_space<vmem>>, vector<1x16xi32>,
    %swap3A_143 = vector.shape_cast %swap3A_142 : vector<1x16xi32> to vector<16xi32>
    %swap3A_144 = vector.shape_cast %add3A_138 : vector<16xi32> to vector<1x16xi32>
    tpu.vector_store %arg13[%swap3A_140, %swap3A_141], %swap3A_144 {strides = array<i32>} : memref<6x128xi32, #tpu.memory_space<vmem>>, vector<1x16xi32>,
    %add3A_145 = arith.constant 240 : i32
    %add3A_146 = vector.broadcast %add3A_145 : i32 to vector<16xi32>
    %add3A_147 = arith.addi %iota3A, %add3A_146 : vector<16xi32>
    %swap3A_148 = arith.constant 1 : i32
    %swap3A_149 = arith.index_cast %swap3A_148 : i32 to index
    %swap3A_150 = arith.constant 112 : index
    %swap3A_151 = tpu.vector_load %arg13[%swap3A_149, %swap3A_150] {strides = array<i32>} : memref<6x128xi32, #tpu.memory_space<vmem>>, vector<1x16xi32>,
    %swap3A_152 = vector.shape_cast %swap3A_151 : vector<1x16xi32> to vector<16xi32>
    %swap3A_153 = vector.shape_cast %add3A_147 : vector<16xi32> to vector<1x16xi32>
    tpu.vector_store %arg13[%swap3A_149, %swap3A_150], %swap3A_153 {strides = array<i32>} : memref<6x128xi32, #tpu.memory_space<vmem>>, vector<1x16xi32>,
    %add3A_154 = arith.constant 256 : i32
    %add3A_155 = vector.broadcast %add3A_154 : i32 to vector<16xi32>
    %add3A_156 = arith.addi %iota3A, %add3A_155 : vector<16xi32>
    %swap3A_157 = arith.constant 2 : i32
    %swap3A_158 = arith.index_cast %swap3A_157 : i32 to index
    %swap3A_159 = arith.constant 0 : index
    %swap3A_160 = tpu.vector_load %arg13[%swap3A_158, %swap3A_159] {strides = array<i32>} : memref<6x128xi32, #tpu.memory_space<vmem>>, vector<1x16xi32>,
    %swap3A_161 = vector.shape_cast %swap3A_160 : vector<1x16xi32> to vector<16xi32>
    %swap3A_162 = vector.shape_cast %add3A_156 : vector<16xi32> to vector<1x16xi32>
    tpu.vector_store %arg13[%swap3A_158, %swap3A_159], %swap3A_162 {strides = array<i32>} : memref<6x128xi32, #tpu.memory_space<vmem>>, vector<1x16xi32>,
    %add3A_163 = arith.constant 272 : i32
    %add3A_164 = vector.broadcast %add3A_163 : i32 to vector<16xi32>
    %add3A_165 = arith.addi %iota3A, %add3A_164 : vector<16xi32>
    %swap3A_166 = arith.constant 2 : i32
    %swap3A_167 = arith.index_cast %swap3A_166 : i32 to index
    %swap3A_168 = arith.constant 16 : index
    %swap3A_169 = tpu.vector_load %arg13[%swap3A_167, %swap3A_168] {strides = array<i32>} : memref<6x128xi32, #tpu.memory_space<vmem>>, vector<1x16xi32>,
    %swap3A_170 = vector.shape_cast %swap3A_169 : vector<1x16xi32> to vector<16xi32>
    %swap3A_171 = vector.shape_cast %add3A_165 : vector<16xi32> to vector<1x16xi32>
    tpu.vector_store %arg13[%swap3A_167, %swap3A_168], %swap3A_171 {strides = array<i32>} : memref<6x128xi32, #tpu.memory_space<vmem>>, vector<1x16xi32>,
    %add3A_172 = arith.constant 288 : i32
    %add3A_173 = vector.broadcast %add3A_172 : i32 to vector<16xi32>
    %add3A_174 = arith.addi %iota3A, %add3A_173 : vector<16xi32>
    %swap3A_175 = arith.constant 2 : i32
    %swap3A_176 = arith.index_cast %swap3A_175 : i32 to index
    %swap3A_177 = arith.constant 32 : index
    %swap3A_178 = tpu.vector_load %arg13[%swap3A_176, %swap3A_177] {strides = array<i32>} : memref<6x128xi32, #tpu.memory_space<vmem>>, vector<1x16xi32>,
    %swap3A_179 = vector.shape_cast %swap3A_178 : vector<1x16xi32> to vector<16xi32>
    %swap3A_180 = vector.shape_cast %add3A_174 : vector<16xi32> to vector<1x16xi32>
    tpu.vector_store %arg13[%swap3A_176, %swap3A_177], %swap3A_180 {strides = array<i32>} : memref<6x128xi32, #tpu.memory_space<vmem>>, vector<1x16xi32>,
    %add3A_181 = arith.constant 304 : i32
    %add3A_182 = vector.broadcast %add3A_181 : i32 to vector<16xi32>
    %add3A_183 = arith.addi %iota3A, %add3A_182 : vector<16xi32>
    %swap3A_184 = arith.constant 2 : i32
    %swap3A_185 = arith.index_cast %swap3A_184 : i32 to index
    %swap3A_186 = arith.constant 48 : index
    %swap3A_187 = tpu.vector_load %arg13[%swap3A_185, %swap3A_186] {strides = array<i32>} : memref<6x128xi32, #tpu.memory_space<vmem>>, vector<1x16xi32>,
    %swap3A_188 = vector.shape_cast %swap3A_187 : vector<1x16xi32> to vector<16xi32>
    %swap3A_189 = vector.shape_cast %add3A_183 : vector<16xi32> to vector<1x16xi32>
    tpu.vector_store %arg13[%swap3A_185, %swap3A_186], %swap3A_189 {strides = array<i32>} : memref<6x128xi32, #tpu.memory_space<vmem>>, vector<1x16xi32>,
    %add3A_190 = arith.constant 320 : i32
    %add3A_191 = vector.broadcast %add3A_190 : i32 to vector<16xi32>
    %add3A_192 = arith.addi %iota3A, %add3A_191 : vector<16xi32>
    %swap3A_193 = arith.constant 2 : i32
    %swap3A_194 = arith.index_cast %swap3A_193 : i32 to index
    %swap3A_195 = arith.constant 64 : index
    %swap3A_196 = tpu.vector_load %arg13[%swap3A_194, %swap3A_195] {strides = array<i32>} : memref<6x128xi32, #tpu.memory_space<vmem>>, vector<1x16xi32>,
    %swap3A_197 = vector.shape_cast %swap3A_196 : vector<1x16xi32> to vector<16xi32>
    %swap3A_198 = vector.shape_cast %add3A_192 : vector<16xi32> to vector<1x16xi32>
    tpu.vector_store %arg13[%swap3A_194, %swap3A_195], %swap3A_198 {strides = array<i32>} : memref<6x128xi32, #tpu.memory_space<vmem>>, vector<1x16xi32>,
    %add3A_199 = arith.constant 336 : i32
    %add3A_200 = vector.broadcast %add3A_199 : i32 to vector<16xi32>
    %add3A_201 = arith.addi %iota3A, %add3A_200 : vector<16xi32>
    %swap3A_202 = arith.constant 2 : i32
    %swap3A_203 = arith.index_cast %swap3A_202 : i32 to index
    %swap3A_204 = arith.constant 80 : index
    %swap3A_205 = tpu.vector_load %arg13[%swap3A_203, %swap3A_204] {strides = array<i32>} : memref<6x128xi32, #tpu.memory_space<vmem>>, vector<1x16xi32>,
    %swap3A_206 = vector.shape_cast %swap3A_205 : vector<1x16xi32> to vector<16xi32>
    %swap3A_207 = vector.shape_cast %add3A_201 : vector<16xi32> to vector<1x16xi32>
    tpu.vector_store %arg13[%swap3A_203, %swap3A_204], %swap3A_207 {strides = array<i32>} : memref<6x128xi32, #tpu.memory_space<vmem>>, vector<1x16xi32>,
    %add3A_208 = arith.constant 352 : i32
    %add3A_209 = vector.broadcast %add3A_208 : i32 to vector<16xi32>
    %add3A_210 = arith.addi %iota3A, %add3A_209 : vector<16xi32>
    %swap3A_211 = arith.constant 2 : i32
    %swap3A_212 = arith.index_cast %swap3A_211 : i32 to index
    %swap3A_213 = arith.constant 96 : index
    %swap3A_214 = tpu.vector_load %arg13[%swap3A_212, %swap3A_213] {strides = array<i32>} : memref<6x128xi32, #tpu.memory_space<vmem>>, vector<1x16xi32>,
    %swap3A_215 = vector.shape_cast %swap3A_214 : vector<1x16xi32> to vector<16xi32>
    %swap3A_216 = vector.shape_cast %add3A_210 : vector<16xi32> to vector<1x16xi32>
    tpu.vector_store %arg13[%swap3A_212, %swap3A_213], %swap3A_216 {strides = array<i32>} : memref<6x128xi32, #tpu.memory_space<vmem>>, vector<1x16xi32>,
    %add3A_217 = arith.constant 368 : i32
    %add3A_218 = vector.broadcast %add3A_217 : i32 to vector<16xi32>
    %add3A_219 = arith.addi %iota3A, %add3A_218 : vector<16xi32>
    %swap3A_220 = arith.constant 2 : i32
    %swap3A_221 = arith.index_cast %swap3A_220 : i32 to index
    %swap3A_222 = arith.constant 112 : index
    %swap3A_223 = tpu.vector_load %arg13[%swap3A_221, %swap3A_222] {strides = array<i32>} : memref<6x128xi32, #tpu.memory_space<vmem>>, vector<1x16xi32>,
    %swap3A_224 = vector.shape_cast %swap3A_223 : vector<1x16xi32> to vector<16xi32>
    %swap3A_225 = vector.shape_cast %add3A_219 : vector<16xi32> to vector<1x16xi32>
    tpu.vector_store %arg13[%swap3A_221, %swap3A_222], %swap3A_225 {strides = array<i32>} : memref<6x128xi32, #tpu.memory_space<vmem>>, vector<1x16xi32>,
    %add3A_226 = arith.constant 384 : i32
    %add3A_227 = vector.broadcast %add3A_226 : i32 to vector<16xi32>
    %add3A_228 = arith.addi %iota3A, %add3A_227 : vector<16xi32>
    %swap3A_229 = arith.constant 3 : i32
    %swap3A_230 = arith.index_cast %swap3A_229 : i32 to index
    %swap3A_231 = arith.constant 0 : index
    %swap3A_232 = tpu.vector_load %arg13[%swap3A_230, %swap3A_231] {strides = array<i32>} : memref<6x128xi32, #tpu.memory_space<vmem>>, vector<1x16xi32>,
    %swap3A_233 = vector.shape_cast %swap3A_232 : vector<1x16xi32> to vector<16xi32>
    %swap3A_234 = vector.shape_cast %add3A_228 : vector<16xi32> to vector<1x16xi32>
    tpu.vector_store %arg13[%swap3A_230, %swap3A_231], %swap3A_234 {strides = array<i32>} : memref<6x128xi32, #tpu.memory_space<vmem>>, vector<1x16xi32>,
    %add3A_235 = arith.constant 400 : i32
    %add3A_236 = vector.broadcast %add3A_235 : i32 to vector<16xi32>
    %add3A_237 = arith.addi %iota3A, %add3A_236 : vector<16xi32>
    %swap3A_238 = arith.constant 3 : i32
    %swap3A_239 = arith.index_cast %swap3A_238 : i32 to index
    %swap3A_240 = arith.constant 16 : index
    %swap3A_241 = tpu.vector_load %arg13[%swap3A_239, %swap3A_240] {strides = array<i32>} : memref<6x128xi32, #tpu.memory_space<vmem>>, vector<1x16xi32>,
    %swap3A_242 = vector.shape_cast %swap3A_241 : vector<1x16xi32> to vector<16xi32>
    %swap3A_243 = vector.shape_cast %add3A_237 : vector<16xi32> to vector<1x16xi32>
    tpu.vector_store %arg13[%swap3A_239, %swap3A_240], %swap3A_243 {strides = array<i32>} : memref<6x128xi32, #tpu.memory_space<vmem>>, vector<1x16xi32>,
    %add3A_244 = arith.constant 416 : i32
    %add3A_245 = vector.broadcast %add3A_244 : i32 to vector<16xi32>
    %add3A_246 = arith.addi %iota3A, %add3A_245 : vector<16xi32>
    %swap3A_247 = arith.constant 3 : i32
    %swap3A_248 = arith.index_cast %swap3A_247 : i32 to index
    %swap3A_249 = arith.constant 32 : index
    %swap3A_250 = tpu.vector_load %arg13[%swap3A_248, %swap3A_249] {strides = array<i32>} : memref<6x128xi32, #tpu.memory_space<vmem>>, vector<1x16xi32>,
    %swap3A_251 = vector.shape_cast %swap3A_250 : vector<1x16xi32> to vector<16xi32>
    %swap3A_252 = vector.shape_cast %add3A_246 : vector<16xi32> to vector<1x16xi32>
    tpu.vector_store %arg13[%swap3A_248, %swap3A_249], %swap3A_252 {strides = array<i32>} : memref<6x128xi32, #tpu.memory_space<vmem>>, vector<1x16xi32>,
    %add3A_253 = arith.constant 432 : i32
    %add3A_254 = vector.broadcast %add3A_253 : i32 to vector<16xi32>
    %add3A_255 = arith.addi %iota3A, %add3A_254 : vector<16xi32>
    %swap3A_256 = arith.constant 3 : i32
    %swap3A_257 = arith.index_cast %swap3A_256 : i32 to index
    %swap3A_258 = arith.constant 48 : index
    %swap3A_259 = tpu.vector_load %arg13[%swap3A_257, %swap3A_258] {strides = array<i32>} : memref<6x128xi32, #tpu.memory_space<vmem>>, vector<1x16xi32>,
    %swap3A_260 = vector.shape_cast %swap3A_259 : vector<1x16xi32> to vector<16xi32>
    %swap3A_261 = vector.shape_cast %add3A_255 : vector<16xi32> to vector<1x16xi32>
    tpu.vector_store %arg13[%swap3A_257, %swap3A_258], %swap3A_261 {strides = array<i32>} : memref<6x128xi32, #tpu.memory_space<vmem>>, vector<1x16xi32>,
    %add3A_262 = arith.constant 448 : i32
    %add3A_263 = vector.broadcast %add3A_262 : i32 to vector<16xi32>
    %add3A_264 = arith.addi %iota3A, %add3A_263 : vector<16xi32>
    %swap3A_265 = arith.constant 3 : i32
    %swap3A_266 = arith.index_cast %swap3A_265 : i32 to index
    %swap3A_267 = arith.constant 64 : index
    %swap3A_268 = tpu.vector_load %arg13[%swap3A_266, %swap3A_267] {strides = array<i32>} : memref<6x128xi32, #tpu.memory_space<vmem>>, vector<1x16xi32>,
    %swap3A_269 = vector.shape_cast %swap3A_268 : vector<1x16xi32> to vector<16xi32>
    %swap3A_270 = vector.shape_cast %add3A_264 : vector<16xi32> to vector<1x16xi32>
    tpu.vector_store %arg13[%swap3A_266, %swap3A_267], %swap3A_270 {strides = array<i32>} : memref<6x128xi32, #tpu.memory_space<vmem>>, vector<1x16xi32>,
    %add3A_271 = arith.constant 464 : i32
    %add3A_272 = vector.broadcast %add3A_271 : i32 to vector<16xi32>
    %add3A_273 = arith.addi %iota3A, %add3A_272 : vector<16xi32>
    %swap3A_274 = arith.constant 3 : i32
    %swap3A_275 = arith.index_cast %swap3A_274 : i32 to index
    %swap3A_276 = arith.constant 80 : index
    %swap3A_277 = tpu.vector_load %arg13[%swap3A_275, %swap3A_276] {strides = array<i32>} : memref<6x128xi32, #tpu.memory_space<vmem>>, vector<1x16xi32>,
    %swap3A_278 = vector.shape_cast %swap3A_277 : vector<1x16xi32> to vector<16xi32>
    %swap3A_279 = vector.shape_cast %add3A_273 : vector<16xi32> to vector<1x16xi32>
    tpu.vector_store %arg13[%swap3A_275, %swap3A_276], %swap3A_279 {strides = array<i32>} : memref<6x128xi32, #tpu.memory_space<vmem>>, vector<1x16xi32>,
    %add3A_280 = arith.constant 480 : i32
    %add3A_281 = vector.broadcast %add3A_280 : i32 to vector<16xi32>
    %add3A_282 = arith.addi %iota3A, %add3A_281 : vector<16xi32>
    %swap3A_283 = arith.constant 3 : i32
    %swap3A_284 = arith.index_cast %swap3A_283 : i32 to index
    %swap3A_285 = arith.constant 96 : index
    %swap3A_286 = tpu.vector_load %arg13[%swap3A_284, %swap3A_285] {strides = array<i32>} : memref<6x128xi32, #tpu.memory_space<vmem>>, vector<1x16xi32>,
    %swap3A_287 = vector.shape_cast %swap3A_286 : vector<1x16xi32> to vector<16xi32>
    %swap3A_288 = vector.shape_cast %add3A_282 : vector<16xi32> to vector<1x16xi32>
    tpu.vector_store %arg13[%swap3A_284, %swap3A_285], %swap3A_288 {strides = array<i32>} : memref<6x128xi32, #tpu.memory_space<vmem>>, vector<1x16xi32>,
    %add3A_289 = arith.constant 496 : i32
    %add3A_290 = vector.broadcast %add3A_289 : i32 to vector<16xi32>
    %add3A_291 = arith.addi %iota3A, %add3A_290 : vector<16xi32>
    %swap3A_292 = arith.constant 3 : i32
    %swap3A_293 = arith.index_cast %swap3A_292 : i32 to index
    %swap3A_294 = arith.constant 112 : index
    %swap3A_295 = tpu.vector_load %arg13[%swap3A_293, %swap3A_294] {strides = array<i32>} : memref<6x128xi32, #tpu.memory_space<vmem>>, vector<1x16xi32>,
    %swap3A_296 = vector.shape_cast %swap3A_295 : vector<1x16xi32> to vector<16xi32>
    %swap3A_297 = vector.shape_cast %add3A_291 : vector<16xi32> to vector<1x16xi32>
    tpu.vector_store %arg13[%swap3A_293, %swap3A_294], %swap3A_297 {strides = array<i32>} : memref<6x128xi32, #tpu.memory_space<vmem>>, vector<1x16xi32>,
    %add3A_298 = arith.constant 512 : i32
    %add3A_299 = vector.broadcast %add3A_298 : i32 to vector<16xi32>
    %add3A_300 = arith.addi %iota3A, %add3A_299 : vector<16xi32>
    %swap3A_301 = arith.constant 4 : i32
    %swap3A_302 = arith.index_cast %swap3A_301 : i32 to index
    %swap3A_303 = arith.constant 0 : index
    %swap3A_304 = tpu.vector_load %arg13[%swap3A_302, %swap3A_303] {strides = array<i32>} : memref<6x128xi32, #tpu.memory_space<vmem>>, vector<1x16xi32>,
    %swap3A_305 = vector.shape_cast %swap3A_304 : vector<1x16xi32> to vector<16xi32>
    %swap3A_306 = vector.shape_cast %add3A_300 : vector<16xi32> to vector<1x16xi32>
    tpu.vector_store %arg13[%swap3A_302, %swap3A_303], %swap3A_306 {strides = array<i32>} : memref<6x128xi32, #tpu.memory_space<vmem>>, vector<1x16xi32>,
    %add3A_307 = arith.constant 528 : i32
    %add3A_308 = vector.broadcast %add3A_307 : i32 to vector<16xi32>
    %add3A_309 = arith.addi %iota3A, %add3A_308 : vector<16xi32>
    %swap3A_310 = arith.constant 4 : i32
    %swap3A_311 = arith.index_cast %swap3A_310 : i32 to index
    %swap3A_312 = arith.constant 16 : index
    %swap3A_313 = tpu.vector_load %arg13[%swap3A_311, %swap3A_312] {strides = array<i32>} : memref<6x128xi32, #tpu.memory_space<vmem>>, vector<1x16xi32>,
    %swap3A_314 = vector.shape_cast %swap3A_313 : vector<1x16xi32> to vector<16xi32>
    %swap3A_315 = vector.shape_cast %add3A_309 : vector<16xi32> to vector<1x16xi32>
    tpu.vector_store %arg13[%swap3A_311, %swap3A_312], %swap3A_315 {strides = array<i32>} : memref<6x128xi32, #tpu.memory_space<vmem>>, vector<1x16xi32>,
    %add3A_316 = arith.constant 544 : i32
    %add3A_317 = vector.broadcast %add3A_316 : i32 to vector<16xi32>
    %add3A_318 = arith.addi %iota3A, %add3A_317 : vector<16xi32>
    %swap3A_319 = arith.constant 4 : i32
    %swap3A_320 = arith.index_cast %swap3A_319 : i32 to index
    %swap3A_321 = arith.constant 32 : index
    %swap3A_322 = tpu.vector_load %arg13[%swap3A_320, %swap3A_321] {strides = array<i32>} : memref<6x128xi32, #tpu.memory_space<vmem>>, vector<1x16xi32>,
    %swap3A_323 = vector.shape_cast %swap3A_322 : vector<1x16xi32> to vector<16xi32>
    %swap3A_324 = vector.shape_cast %add3A_318 : vector<16xi32> to vector<1x16xi32>
    tpu.vector_store %arg13[%swap3A_320, %swap3A_321], %swap3A_324 {strides = array<i32>} : memref<6x128xi32, #tpu.memory_space<vmem>>, vector<1x16xi32>,
    %add3A_325 = arith.constant 560 : i32
    %add3A_326 = vector.broadcast %add3A_325 : i32 to vector<16xi32>
    %add3A_327 = arith.addi %iota3A, %add3A_326 : vector<16xi32>
    %swap3A_328 = arith.constant 4 : i32
    %swap3A_329 = arith.index_cast %swap3A_328 : i32 to index
    %swap3A_330 = arith.constant 48 : index
    %swap3A_331 = tpu.vector_load %arg13[%swap3A_329, %swap3A_330] {strides = array<i32>} : memref<6x128xi32, #tpu.memory_space<vmem>>, vector<1x16xi32>,
    %swap3A_332 = vector.shape_cast %swap3A_331 : vector<1x16xi32> to vector<16xi32>
    %swap3A_333 = vector.shape_cast %add3A_327 : vector<16xi32> to vector<1x16xi32>
    tpu.vector_store %arg13[%swap3A_329, %swap3A_330], %swap3A_333 {strides = array<i32>} : memref<6x128xi32, #tpu.memory_space<vmem>>, vector<1x16xi32>,
    %add3A_334 = arith.constant 576 : i32
    %add3A_335 = vector.broadcast %add3A_334 : i32 to vector<16xi32>
    %add3A_336 = arith.addi %iota3A, %add3A_335 : vector<16xi32>
    %swap3A_337 = arith.constant 4 : i32
    %swap3A_338 = arith.index_cast %swap3A_337 : i32 to index
    %swap3A_339 = arith.constant 64 : index
    %swap3A_340 = tpu.vector_load %arg13[%swap3A_338, %swap3A_339] {strides = array<i32>} : memref<6x128xi32, #tpu.memory_space<vmem>>, vector<1x16xi32>,
    %swap3A_341 = vector.shape_cast %swap3A_340 : vector<1x16xi32> to vector<16xi32>
    %swap3A_342 = vector.shape_cast %add3A_336 : vector<16xi32> to vector<1x16xi32>
    tpu.vector_store %arg13[%swap3A_338, %swap3A_339], %swap3A_342 {strides = array<i32>} : memref<6x128xi32, #tpu.memory_space<vmem>>, vector<1x16xi32>,
    %add3A_343 = arith.constant 592 : i32
    %add3A_344 = vector.broadcast %add3A_343 : i32 to vector<16xi32>
    %add3A_345 = arith.addi %iota3A, %add3A_344 : vector<16xi32>
    %swap3A_346 = arith.constant 4 : i32
    %swap3A_347 = arith.index_cast %swap3A_346 : i32 to index
    %swap3A_348 = arith.constant 80 : index
    %swap3A_349 = tpu.vector_load %arg13[%swap3A_347, %swap3A_348] {strides = array<i32>} : memref<6x128xi32, #tpu.memory_space<vmem>>, vector<1x16xi32>,
    %swap3A_350 = vector.shape_cast %swap3A_349 : vector<1x16xi32> to vector<16xi32>
    %swap3A_351 = vector.shape_cast %add3A_345 : vector<16xi32> to vector<1x16xi32>
    tpu.vector_store %arg13[%swap3A_347, %swap3A_348], %swap3A_351 {strides = array<i32>} : memref<6x128xi32, #tpu.memory_space<vmem>>, vector<1x16xi32>,
    %add3A_352 = arith.constant 608 : i32
    %add3A_353 = vector.broadcast %add3A_352 : i32 to vector<16xi32>
    %add3A_354 = arith.addi %iota3A, %add3A_353 : vector<16xi32>
    %swap3A_355 = arith.constant 4 : i32
    %swap3A_356 = arith.index_cast %swap3A_355 : i32 to index
    %swap3A_357 = arith.constant 96 : index
    %swap3A_358 = tpu.vector_load %arg13[%swap3A_356, %swap3A_357] {strides = array<i32>} : memref<6x128xi32, #tpu.memory_space<vmem>>, vector<1x16xi32>,
    %swap3A_359 = vector.shape_cast %swap3A_358 : vector<1x16xi32> to vector<16xi32>
    %swap3A_360 = vector.shape_cast %add3A_354 : vector<16xi32> to vector<1x16xi32>
    tpu.vector_store %arg13[%swap3A_356, %swap3A_357], %swap3A_360 {strides = array<i32>} : memref<6x128xi32, #tpu.memory_space<vmem>>, vector<1x16xi32>,
    %add3A_361 = arith.constant 624 : i32
    %add3A_362 = vector.broadcast %add3A_361 : i32 to vector<16xi32>
    %add3A_363 = arith.addi %iota3A, %add3A_362 : vector<16xi32>
    %swap3A_364 = arith.constant 4 : i32
    %swap3A_365 = arith.index_cast %swap3A_364 : i32 to index
    %swap3A_366 = arith.constant 112 : index
    %swap3A_367 = tpu.vector_load %arg13[%swap3A_365, %swap3A_366] {strides = array<i32>} : memref<6x128xi32, #tpu.memory_space<vmem>>, vector<1x16xi32>,
    %swap3A_368 = vector.shape_cast %swap3A_367 : vector<1x16xi32> to vector<16xi32>
    %swap3A_369 = vector.shape_cast %add3A_363 : vector<16xi32> to vector<1x16xi32>
    tpu.vector_store %arg13[%swap3A_365, %swap3A_366], %swap3A_369 {strides = array<i32>} : memref<6x128xi32, #tpu.memory_space<vmem>>, vector<1x16xi32>,
    %add3A_370 = arith.constant 640 : i32
    %add3A_371 = vector.broadcast %add3A_370 : i32 to vector<16xi32>
    %add3A_372 = arith.addi %iota3A, %add3A_371 : vector<16xi32>
    %swap3A_373 = arith.constant 5 : i32
    %swap3A_374 = arith.index_cast %swap3A_373 : i32 to index
    %swap3A_375 = arith.constant 0 : index
    %swap3A_376 = tpu.vector_load %arg13[%swap3A_374, %swap3A_375] {strides = array<i32>} : memref<6x128xi32, #tpu.memory_space<vmem>>, vector<1x16xi32>,
    %swap3A_377 = vector.shape_cast %swap3A_376 : vector<1x16xi32> to vector<16xi32>
    %swap3A_378 = vector.shape_cast %add3A_372 : vector<16xi32> to vector<1x16xi32>
    tpu.vector_store %arg13[%swap3A_374, %swap3A_375], %swap3A_378 {strides = array<i32>} : memref<6x128xi32, #tpu.memory_space<vmem>>, vector<1x16xi32>,
    %add3A_379 = arith.constant 656 : i32
    %add3A_380 = vector.broadcast %add3A_379 : i32 to vector<16xi32>
    %add3A_381 = arith.addi %iota3A, %add3A_380 : vector<16xi32>
    %swap3A_382 = arith.constant 5 : i32
    %swap3A_383 = arith.index_cast %swap3A_382 : i32 to index
    %swap3A_384 = arith.constant 16 : index
    %swap3A_385 = tpu.vector_load %arg13[%swap3A_383, %swap3A_384] {strides = array<i32>} : memref<6x128xi32, #tpu.memory_space<vmem>>, vector<1x16xi32>,
    %swap3A_386 = vector.shape_cast %swap3A_385 : vector<1x16xi32> to vector<16xi32>
    %swap3A_387 = vector.shape_cast %add3A_381 : vector<16xi32> to vector<1x16xi32>
    tpu.vector_store %arg13[%swap3A_383, %swap3A_384], %swap3A_387 {strides = array<i32>} : memref<6x128xi32, #tpu.memory_space<vmem>>, vector<1x16xi32>,
    %add3A_388 = arith.constant 672 : i32
    %add3A_389 = vector.broadcast %add3A_388 : i32 to vector<16xi32>
    %add3A_390 = arith.addi %iota3A, %add3A_389 : vector<16xi32>
    %swap3A_391 = arith.constant 5 : i32
    %swap3A_392 = arith.index_cast %swap3A_391 : i32 to index
    %swap3A_393 = arith.constant 32 : index
    %swap3A_394 = tpu.vector_load %arg13[%swap3A_392, %swap3A_393] {strides = array<i32>} : memref<6x128xi32, #tpu.memory_space<vmem>>, vector<1x16xi32>,
    %swap3A_395 = vector.shape_cast %swap3A_394 : vector<1x16xi32> to vector<16xi32>
    %swap3A_396 = vector.shape_cast %add3A_390 : vector<16xi32> to vector<1x16xi32>
    tpu.vector_store %arg13[%swap3A_392, %swap3A_393], %swap3A_396 {strides = array<i32>} : memref<6x128xi32, #tpu.memory_space<vmem>>, vector<1x16xi32>,
    %add3A_397 = arith.constant 688 : i32
    %add3A_398 = vector.broadcast %add3A_397 : i32 to vector<16xi32>
    %add3A_399 = arith.addi %iota3A, %add3A_398 : vector<16xi32>
    %swap3A_400 = arith.constant 5 : i32
    %swap3A_401 = arith.index_cast %swap3A_400 : i32 to index
    %swap3A_402 = arith.constant 48 : index
    %swap3A_403 = tpu.vector_load %arg13[%swap3A_401, %swap3A_402] {strides = array<i32>} : memref<6x128xi32, #tpu.memory_space<vmem>>, vector<1x16xi32>,
    %swap3A_404 = vector.shape_cast %swap3A_403 : vector<1x16xi32> to vector<16xi32>
    %swap3A_405 = vector.shape_cast %add3A_399 : vector<16xi32> to vector<1x16xi32>
    tpu.vector_store %arg13[%swap3A_401, %swap3A_402], %swap3A_405 {strides = array<i32>} : memref<6x128xi32, #tpu.memory_space<vmem>>, vector<1x16xi32>,
    %add3A_406 = arith.constant 704 : i32
    %add3A_407 = vector.broadcast %add3A_406 : i32 to vector<16xi32>
    %add3A_408 = arith.addi %iota3A, %add3A_407 : vector<16xi32>
    %swap3A_409 = arith.constant 5 : i32
    %swap3A_410 = arith.index_cast %swap3A_409 : i32 to index
    %swap3A_411 = arith.constant 64 : index
    %swap3A_412 = tpu.vector_load %arg13[%swap3A_410, %swap3A_411] {strides = array<i32>} : memref<6x128xi32, #tpu.memory_space<vmem>>, vector<1x16xi32>,
    %swap3A_413 = vector.shape_cast %swap3A_412 : vector<1x16xi32> to vector<16xi32>
    %swap3A_414 = vector.shape_cast %add3A_408 : vector<16xi32> to vector<1x16xi32>
    tpu.vector_store %arg13[%swap3A_410, %swap3A_411], %swap3A_414 {strides = array<i32>} : memref<6x128xi32, #tpu.memory_space<vmem>>, vector<1x16xi32>,
    %add3A_415 = arith.constant 720 : i32
    %add3A_416 = vector.broadcast %add3A_415 : i32 to vector<16xi32>
    %add3A_417 = arith.addi %iota3A, %add3A_416 : vector<16xi32>
    %swap3A_418 = arith.constant 5 : i32
    %swap3A_419 = arith.index_cast %swap3A_418 : i32 to index
    %swap3A_420 = arith.constant 80 : index
    %swap3A_421 = tpu.vector_load %arg13[%swap3A_419, %swap3A_420] {strides = array<i32>} : memref<6x128xi32, #tpu.memory_space<vmem>>, vector<1x16xi32>,
    %swap3A_422 = vector.shape_cast %swap3A_421 : vector<1x16xi32> to vector<16xi32>
    %swap3A_423 = vector.shape_cast %add3A_417 : vector<16xi32> to vector<1x16xi32>
    tpu.vector_store %arg13[%swap3A_419, %swap3A_420], %swap3A_423 {strides = array<i32>} : memref<6x128xi32, #tpu.memory_space<vmem>>, vector<1x16xi32>,
    %add3A_424 = arith.constant 736 : i32
    %add3A_425 = vector.broadcast %add3A_424 : i32 to vector<16xi32>
    %add3A_426 = arith.addi %iota3A, %add3A_425 : vector<16xi32>
    %swap3A_427 = arith.constant 5 : i32
    %swap3A_428 = arith.index_cast %swap3A_427 : i32 to index
    %swap3A_429 = arith.constant 96 : index
    %swap3A_430 = tpu.vector_load %arg13[%swap3A_428, %swap3A_429] {strides = array<i32>} : memref<6x128xi32, #tpu.memory_space<vmem>>, vector<1x16xi32>,
    %swap3A_431 = vector.shape_cast %swap3A_430 : vector<1x16xi32> to vector<16xi32>
    %swap3A_432 = vector.shape_cast %add3A_426 : vector<16xi32> to vector<1x16xi32>
    tpu.vector_store %arg13[%swap3A_428, %swap3A_429], %swap3A_432 {strides = array<i32>} : memref<6x128xi32, #tpu.memory_space<vmem>>, vector<1x16xi32>,
    %add3A_433 = arith.constant 752 : i32
    %add3A_434 = vector.broadcast %add3A_433 : i32 to vector<16xi32>
    %add3A_435 = arith.addi %iota3A, %add3A_434 : vector<16xi32>
    %swap3A_436 = arith.constant 5 : i32
    %swap3A_437 = arith.index_cast %swap3A_436 : i32 to index
    %swap3A_438 = arith.constant 112 : index
    %swap3A_439 = tpu.vector_load %arg13[%swap3A_437, %swap3A_438] {strides = array<i32>} : memref<6x128xi32, #tpu.memory_space<vmem>>, vector<1x16xi32>,
    %swap3A_440 = vector.shape_cast %swap3A_439 : vector<1x16xi32> to vector<16xi32>
    %swap3A_441 = vector.shape_cast %add3A_435 : vector<16xi32> to vector<1x16xi32>
    tpu.vector_store %arg13[%swap3A_437, %swap3A_438], %swap3A_441 {strides = array<i32>} : memref<6x128xi32, #tpu.memory_space<vmem>>, vector<1x16xi32>,
    %mul3A_442 = arith.constant 48 : i32
    %mul3A_443 = arith.muli %arg1, %mul3A_442 : i32
    %mul3A_444 = arith.constant 48 : i32
    %mul3A_445 = arith.muli %arg1, %mul3A_444 : i32
    "tpu.region"() ({
      %run_scoped3A_511 = tpu.sem_alloc : memref<!tpu.dma_semaphore, #tpu.memory_space<semaphore_mem>>
      %dma_start3A_512 = arith.constant 0 : i32
      %dma_start3A_513 = tpu.memref_slice %arg14[%mul3A_443, %dma_start3A_512] : memref<768x128xf32, #tpu.memory_space<vmem>> -> memref<48x128xf32, #tpu.memory_space<vmem>>
      %dma_start3A_514 = arith.constant 0 : i32
      %dma_start3A_515 = tpu.memref_slice %arg15[%mul3A_445, %dma_start3A_514] : memref<768x128xf32, #tpu.memory_space<vmem_shared>> -> memref<48x128xf32, #tpu.memory_space<vmem_shared>>
      %dma_start3A_516 = arith.constant 0 : i32
      %dma_start3A_517 = tpu.memref_slice %arg15[%mul3A_445, %dma_start3A_516] : memref<768x128xf32, #tpu.memory_space<vmem_shared>> -> memref<48x128xf32, #tpu.memory_space<vmem_shared>>
      %dma_start3A_518 = arith.constant 0 : i32
      %dma_start3A_519 = tpu.memref_slice %arg14[%mul3A_443, %dma_start3A_518] : memref<768x128xf32, #tpu.memory_space<vmem>> -> memref<48x128xf32, #tpu.memory_space<vmem>>
      tpu.enqueue_dma source(%dma_start3A_519 : memref<48x128xf32, #tpu.memory_space<vmem>>) target(%dma_start3A_517 : memref<48x128xf32, #tpu.memory_space<vmem_shared>>) target_semaphore(%run_scoped3A_511 : memref<!tpu.dma_semaphore, #tpu.memory_space<semaphore_mem>>)
      %dma_wait3A_520 = arith.constant 0 : i32
      %dma_wait3A_521 = tpu.memref_slice %arg14[%mul3A_443, %dma_wait3A_520] : memref<768x128xf32, #tpu.memory_space<vmem>> -> memref<48x128xf32, #tpu.memory_space<vmem>>
      %dma_wait3A_522 = arith.constant 0 : i32
      %dma_wait3A_523 = tpu.memref_slice %arg15[%mul3A_445, %dma_wait3A_522] : memref<768x128xf32, #tpu.memory_space<vmem_shared>> -> memref<48x128xf32, #tpu.memory_space<vmem_shared>>
      %dma_wait3A_524 = arith.constant 0 : i32
      %dma_wait3A_525 = tpu.memref_slice %arg15[%mul3A_445, %dma_wait3A_524] : memref<768x128xf32, #tpu.memory_space<vmem_shared>> -> memref<48x128xf32, #tpu.memory_space<vmem_shared>>
      %dma_wait3A_526 = arith.constant 0 : i32
      %dma_wait3A_527 = tpu.memref_slice %arg14[%mul3A_443, %dma_wait3A_526] : memref<768x128xf32, #tpu.memory_space<vmem>> -> memref<48x128xf32, #tpu.memory_space<vmem>>
      tpu.wait_dma2 semaphore(%run_scoped3A_511 : memref<!tpu.dma_semaphore, #tpu.memory_space<semaphore_mem>>) src(%dma_wait3A_527 : memref<48x128xf32, #tpu.memory_space<vmem>>) dst(%dma_wait3A_525 : memref<48x128xf32, #tpu.memory_space<vmem_shared>>)
      tpu.yield
    }) : () -> ()
    %barrier3A = arith.constant 0 : index
    tpu.barrier barrier_id(%barrier3A)
    %dma_wait3A = tpu.memref_slice %arg2[%mul3A_2] : memref<32768xf32, #tpu.memory_space<hbm>> -> memref<1024xf32, #tpu.memory_space<hbm>>
    %dma_wait3A_446 = tpu.memref_slice %arg2[%mul3A_2] : memref<32768xf32, #tpu.memory_space<hbm>> -> memref<1024xf32, #tpu.memory_space<hbm>>
    tpu.wait_dma2 semaphore(%arg16 : memref<!tpu.dma_semaphore, #tpu.memory_space<semaphore_mem>>) src(%dma_wait3A_446 : memref<1024xf32, #tpu.memory_space<hbm>>) dst(%arg8 : memref<1024xf32, #tpu.memory_space<vmem>>)
    %dma_wait3A_447 = tpu.memref_slice %arg3[%mul3A_2] : memref<32768xf32, #tpu.memory_space<hbm>> -> memref<1024xf32, #tpu.memory_space<hbm>>
    %dma_wait3A_448 = tpu.memref_slice %arg3[%mul3A_2] : memref<32768xf32, #tpu.memory_space<hbm>> -> memref<1024xf32, #tpu.memory_space<hbm>>
    tpu.wait_dma2 semaphore(%arg16 : memref<!tpu.dma_semaphore, #tpu.memory_space<semaphore_mem>>) src(%dma_wait3A_448 : memref<1024xf32, #tpu.memory_space<hbm>>) dst(%arg9 : memref<1024xf32, #tpu.memory_space<vmem>>)
    %dma_wait3A_449 = tpu.memref_slice %arg4[%mul3A_2] : memref<32768xf32, #tpu.memory_space<hbm>> -> memref<1024xf32, #tpu.memory_space<hbm>>
    %dma_wait3A_450 = tpu.memref_slice %arg4[%mul3A_2] : memref<32768xf32, #tpu.memory_space<hbm>> -> memref<1024xf32, #tpu.memory_space<hbm>>
    tpu.wait_dma2 semaphore(%arg16 : memref<!tpu.dma_semaphore, #tpu.memory_space<semaphore_mem>>) src(%dma_wait3A_450 : memref<1024xf32, #tpu.memory_space<hbm>>) dst(%arg10 : memref<1024xf32, #tpu.memory_space<vmem>>)
    %get3A = arith.constant 0 : index
    %get3A_451 = tpu.vector_load %arg11[%get3A] {strides = array<i32>} : memref<128xf32, #tpu.memory_space<vmem>>, vector<16xf32>,
    %get3A_452 = vector.shape_cast %get3A_451 : vector<16xf32> to vector<16xf32>
    %get3A_453 = arith.constant 16 : index
    %get3A_454 = tpu.vector_load %arg11[%get3A_453] {strides = array<i32>} : memref<128xf32, #tpu.memory_space<vmem>>, vector<16xf32>,
    %get3A_455 = vector.shape_cast %get3A_454 : vector<16xf32> to vector<16xf32>
    %get3A_456 = arith.constant 32 : index
    %get3A_457 = tpu.vector_load %arg11[%get3A_456] {strides = array<i32>} : memref<128xf32, #tpu.memory_space<vmem>>, vector<16xf32>,
    %get3A_458 = vector.shape_cast %get3A_457 : vector<16xf32> to vector<16xf32>
    %get3A_459 = arith.constant 48 : index
    %get3A_460 = tpu.vector_load %arg11[%get3A_459] {strides = array<i32>} : memref<128xf32, #tpu.memory_space<vmem>>, vector<16xf32>,
    %get3A_461 = vector.shape_cast %get3A_460 : vector<16xf32> to vector<16xf32>
    %get3A_462 = arith.constant 64 : index
    %get3A_463 = tpu.vector_load %arg11[%get3A_462] {strides = array<i32>} : memref<128xf32, #tpu.memory_space<vmem>>, vector<16xf32>,
    %get3A_464 = vector.shape_cast %get3A_463 : vector<16xf32> to vector<16xf32>
    %get3A_465 = arith.constant 80 : index
    %get3A_466 = tpu.vector_load %arg11[%get3A_465] {strides = array<i32>} : memref<128xf32, #tpu.memory_space<vmem>>, vector<16xf32>,
    %get3A_467 = vector.shape_cast %get3A_466 : vector<16xf32> to vector<16xf32>
    %get3A_468 = arith.constant 96 : index
    %get3A_469 = tpu.vector_load %arg11[%get3A_468] {strides = array<i32>} : memref<128xf32, #tpu.memory_space<vmem>>, vector<16xf32>,
    %get3A_470 = vector.shape_cast %get3A_469 : vector<16xf32> to vector<16xf32>
    %get3A_471 = arith.constant 112 : index
    %get3A_472 = tpu.vector_load %arg11[%get3A_471] {strides = array<i32>} : memref<128xf32, #tpu.memory_space<vmem>>, vector<16xf32>,
    %get3A_473 = vector.shape_cast %get3A_472 : vector<16xf32> to vector<16xf32>
    %get3A_474 = arith.constant 0 : index
    %get3A_475 = tpu.vector_load %arg12[%get3A_474] {strides = array<i32>} : memref<128xf32, #tpu.memory_space<vmem>>, vector<16xf32>,
    %get3A_476 = vector.shape_cast %get3A_475 : vector<16xf32> to vector<16xf32>
    %get3A_477 = arith.constant 16 : index
    %get3A_478 = tpu.vector_load %arg12[%get3A_477] {strides = array<i32>} : memref<128xf32, #tpu.memory_space<vmem>>, vector<16xf32>,
    %get3A_479 = vector.shape_cast %get3A_478 : vector<16xf32> to vector<16xf32>
    %get3A_480 = arith.constant 32 : index
    %get3A_481 = tpu.vector_load %arg12[%get3A_480] {strides = array<i32>} : memref<128xf32, #tpu.memory_space<vmem>>, vector<16xf32>,
    %get3A_482 = vector.shape_cast %get3A_481 : vector<16xf32> to vector<16xf32>
    %get3A_483 = arith.constant 48 : index
    %get3A_484 = tpu.vector_load %arg12[%get3A_483] {strides = array<i32>} : memref<128xf32, #tpu.memory_space<vmem>>, vector<16xf32>,
    %get3A_485 = vector.shape_cast %get3A_484 : vector<16xf32> to vector<16xf32>
    %get3A_486 = arith.constant 64 : index
    %get3A_487 = tpu.vector_load %arg12[%get3A_486] {strides = array<i32>} : memref<128xf32, #tpu.memory_space<vmem>>, vector<16xf32>,
    %get3A_488 = vector.shape_cast %get3A_487 : vector<16xf32> to vector<16xf32>
    %get3A_489 = arith.constant 80 : index
    %get3A_490 = tpu.vector_load %arg12[%get3A_489] {strides = array<i32>} : memref<128xf32, #tpu.memory_space<vmem>>, vector<16xf32>,
    %get3A_491 = vector.shape_cast %get3A_490 : vector<16xf32> to vector<16xf32>
    %get3A_492 = arith.constant 96 : index
    %get3A_493 = tpu.vector_load %arg12[%get3A_492] {strides = array<i32>} : memref<128xf32, #tpu.memory_space<vmem>>, vector<16xf32>,
    %get3A_494 = vector.shape_cast %get3A_493 : vector<16xf32> to vector<16xf32>
    %get3A_495 = arith.constant 112 : index
    %get3A_496 = tpu.vector_load %arg12[%get3A_495] {strides = array<i32>} : memref<128xf32, #tpu.memory_space<vmem>>, vector<16xf32>,
    %get3A_497 = vector.shape_cast %get3A_496 : vector<16xf32> to vector<16xf32>
    %parallel_loop3A_498 = arith.constant 0 : i32
    %parallel_loop3A_499 = arith.constant 64 : i32
    %parallel_loop3A_500 = arith.constant 2 : i32
    scf.for %parallel_loop3A_511 = %parallel_loop3A_498 to %parallel_loop3A_499 step %parallel_loop3A_500  : i32 {
      %parallel_loop3A_512 = arith.constant 0 : i32
      %parallel_loop3A_513 = arith.addi %parallel_loop3A_511, %parallel_loop3A_512 : i32
      %parallel_loop3A_514 = arith.constant 16 : i32
      %parallel_loop3A_515 = arith.muli %parallel_loop3A_513, %parallel_loop3A_514 : i32
      %parallel_loop3A_516 = arith.index_cast %parallel_loop3A_515 : i32 to index
      %parallel_loop3A_517 = tpu.vector_load %arg8[%parallel_loop3A_516] {strides = array<i32>} : memref<1024xf32, #tpu.memory_space<vmem>>, vector<16xf32>,
      %parallel_loop3A_518 = vector.shape_cast %parallel_loop3A_517 : vector<16xf32> to vector<16xf32>
      %parallel_loop3A_519 = arith.index_cast %parallel_loop3A_515 : i32 to index
      %parallel_loop3A_520 = tpu.vector_load %arg9[%parallel_loop3A_519] {strides = array<i32>} : memref<1024xf32, #tpu.memory_space<vmem>>, vector<16xf32>,
      %parallel_loop3A_521 = vector.shape_cast %parallel_loop3A_520 : vector<16xf32> to vector<16xf32>
      %parallel_loop3A_522 = arith.index_cast %parallel_loop3A_515 : i32 to index
      %parallel_loop3A_523 = tpu.vector_load %arg10[%parallel_loop3A_522] {strides = array<i32>} : memref<1024xf32, #tpu.memory_space<vmem>>, vector<16xf32>,
      %parallel_loop3A_524 = vector.shape_cast %parallel_loop3A_523 : vector<16xf32> to vector<16xf32>
      %parallel_loop3A_525 = arith.constant 3.000000e+00 : f32
      %parallel_loop3A_526 = vector.broadcast %parallel_loop3A_525 : f32 to vector<16xf32>
      %parallel_loop3A_527 = arith.addf %parallel_loop3A_518, %parallel_loop3A_526 : vector<16xf32>
      %parallel_loop3A_528 = arith.constant 2.500000e-01 : f32
      %parallel_loop3A_529 = vector.broadcast %parallel_loop3A_528 : f32 to vector<16xf32>
      %parallel_loop3A_530 = arith.divf %parallel_loop3A_527, %parallel_loop3A_529 : vector<16xf32>
      %parallel_loop3A_531 = arith.fptosi %parallel_loop3A_530 : vector<16xf32> to vector<16xi32>
      %parallel_loop3A_532 = arith.constant 3.000000e+00 : f32
      %parallel_loop3A_533 = vector.broadcast %parallel_loop3A_532 : f32 to vector<16xf32>
      %parallel_loop3A_534 = arith.addf %parallel_loop3A_521, %parallel_loop3A_533 : vector<16xf32>
      %parallel_loop3A_535 = arith.constant 2.500000e-01 : f32
      %parallel_loop3A_536 = vector.broadcast %parallel_loop3A_535 : f32 to vector<16xf32>
      %parallel_loop3A_537 = arith.divf %parallel_loop3A_534, %parallel_loop3A_536 : vector<16xf32>
      %parallel_loop3A_538 = arith.fptosi %parallel_loop3A_537 : vector<16xf32> to vector<16xi32>
      %parallel_loop3A_539 = arith.constant 0 : i32
      %parallel_loop3A_540 = vector.broadcast %parallel_loop3A_539 : i32 to vector<16xi32>
      %parallel_loop3A_541 = arith.cmpi sge, %parallel_loop3A_531, %parallel_loop3A_540 : vector<16xi32>
      %parallel_loop3A_542 = arith.constant 24 : i32
      %parallel_loop3A_543 = vector.broadcast %parallel_loop3A_542 : i32 to vector<16xi32>
      %parallel_loop3A_544 = arith.cmpi slt, %parallel_loop3A_531, %parallel_loop3A_543 : vector<16xi32>
      %parallel_loop3A_545 = arith.andi %parallel_loop3A_541, %parallel_loop3A_544 : vector<16xi1>
      %parallel_loop3A_546 = arith.constant 0 : i32
      %parallel_loop3A_547 = vector.broadcast %parallel_loop3A_546 : i32 to vector<16xi32>
      %parallel_loop3A_548 = arith.cmpi sge, %parallel_loop3A_538, %parallel_loop3A_547 : vector<16xi32>
      %parallel_loop3A_549 = arith.andi %parallel_loop3A_545, %parallel_loop3A_548 : vector<16xi1>
      %parallel_loop3A_550 = arith.constant 24 : i32
      %parallel_loop3A_551 = vector.broadcast %parallel_loop3A_550 : i32 to vector<16xi32>
      %parallel_loop3A_552 = arith.cmpi slt, %parallel_loop3A_538, %parallel_loop3A_551 : vector<16xi32>
      %parallel_loop3A_553 = arith.andi %parallel_loop3A_549, %parallel_loop3A_552 : vector<16xi1>
      %parallel_loop3A_554 = arith.constant 1 : i32
      %parallel_loop3A_555 = vector.broadcast %parallel_loop3A_554 : i32 to vector<16xi32>
      %parallel_loop3A_556 = arith.addi %parallel_loop3A_531, %parallel_loop3A_555 : vector<16xi32>
      %parallel_loop3A_557 = arith.constant 26 : i32
      %parallel_loop3A_558 = vector.broadcast %parallel_loop3A_557 : i32 to vector<16xi32>
      %parallel_loop3A_559 = arith.muli %parallel_loop3A_556, %parallel_loop3A_558 : vector<16xi32>
      %parallel_loop3A_560 = arith.constant 1 : i32
      %parallel_loop3A_561 = vector.broadcast %parallel_loop3A_560 : i32 to vector<16xi32>
      %parallel_loop3A_562 = arith.addi %parallel_loop3A_538, %parallel_loop3A_561 : vector<16xi32>
      %parallel_loop3A_563 = arith.addi %parallel_loop3A_559, %parallel_loop3A_562 : vector<16xi32>
      %parallel_loop3A_564 = arith.constant 676 : i32
      %parallel_loop3A_565 = vector.broadcast %parallel_loop3A_564 : i32 to vector<16xi32>
      %parallel_loop3A_566 = arith.select %parallel_loop3A_553, %parallel_loop3A_563, %parallel_loop3A_565 : vector<16xi1>, vector<16xi32>
      %parallel_loop3A_567 = vector.extract_strided_slice %parallel_loop3A_566 {offsets = [0], sizes = [1], strides = [1]} : vector<16xi32> to vector<1xi32>
      %parallel_loop3A_568 = vector.extract %parallel_loop3A_567[0] : i32 from vector<1xi32>
      %parallel_loop3A_569 = vector.extract_strided_slice %parallel_loop3A_524 {offsets = [0], sizes = [1], strides = [1]} : vector<16xf32> to vector<1xf32>
      %parallel_loop3A_570 = vector.extract %parallel_loop3A_569[0] : f32 from vector<1xf32>
      %parallel_loop3A_571 = vector.broadcast %parallel_loop3A_570 : f32 to vector<16xf32>
      %parallel_loop3A_572 = arith.mulf %parallel_loop3A_571, %get3A_452 : vector<16xf32>
      %parallel_loop3A_573 = arith.addf %parallel_loop3A_572, %get3A_476 : vector<16xf32>
      %parallel_loop3A_574 = arith.constant 0.000000e+00 : f32
      %parallel_loop3A_575 = vector.broadcast %parallel_loop3A_574 : f32 to vector<16xf32>
      %parallel_loop3A_576 = arith.maximumf %parallel_loop3A_573, %parallel_loop3A_575 : vector<16xf32>
      %parallel_loop3A_577 = arith.index_cast %parallel_loop3A_568 : i32 to index
      %parallel_loop3A_578 = arith.constant 0 : index
      %parallel_loop3A_579 = tpu.vector_load %arg14[%parallel_loop3A_577, %parallel_loop3A_578] {strides = array<i32>} : memref<768x128xf32, #tpu.memory_space<vmem>>, vector<1x16xf32>,
      %parallel_loop3A_580 = vector.shape_cast %parallel_loop3A_579 : vector<1x16xf32> to vector<16xf32>
      %parallel_loop3A_581 = vector.shape_cast %parallel_loop3A_576 : vector<16xf32> to vector<1x16xf32>
      tpu.vector_store %arg14[%parallel_loop3A_577, %parallel_loop3A_578], %parallel_loop3A_581 {add = true, strides = array<i32>} : memref<768x128xf32, #tpu.memory_space<vmem>>, vector<1x16xf32>,
      %parallel_loop3A_582 = arith.mulf %parallel_loop3A_571, %get3A_455 : vector<16xf32>
      %parallel_loop3A_583 = arith.addf %parallel_loop3A_582, %get3A_479 : vector<16xf32>
      %parallel_loop3A_584 = arith.constant 0.000000e+00 : f32
      %parallel_loop3A_585 = vector.broadcast %parallel_loop3A_584 : f32 to vector<16xf32>
      %parallel_loop3A_586 = arith.maximumf %parallel_loop3A_583, %parallel_loop3A_585 : vector<16xf32>
      %parallel_loop3A_587 = arith.index_cast %parallel_loop3A_568 : i32 to index
      %parallel_loop3A_588 = arith.constant 16 : index
      %parallel_loop3A_589 = tpu.vector_load %arg14[%parallel_loop3A_587, %parallel_loop3A_588] {strides = array<i32>} : memref<768x128xf32, #tpu.memory_space<vmem>>, vector<1x16xf32>,
      %parallel_loop3A_590 = vector.shape_cast %parallel_loop3A_589 : vector<1x16xf32> to vector<16xf32>
      %parallel_loop3A_591 = vector.shape_cast %parallel_loop3A_586 : vector<16xf32> to vector<1x16xf32>
      tpu.vector_store %arg14[%parallel_loop3A_587, %parallel_loop3A_588], %parallel_loop3A_591 {add = true, strides = array<i32>} : memref<768x128xf32, #tpu.memory_space<vmem>>, vector<1x16xf32>,
      %parallel_loop3A_592 = arith.mulf %parallel_loop3A_571, %get3A_458 : vector<16xf32>
      %parallel_loop3A_593 = arith.addf %parallel_loop3A_592, %get3A_482 : vector<16xf32>
      %parallel_loop3A_594 = arith.constant 0.000000e+00 : f32
      %parallel_loop3A_595 = vector.broadcast %parallel_loop3A_594 : f32 to vector<16xf32>
      %parallel_loop3A_596 = arith.maximumf %parallel_loop3A_593, %parallel_loop3A_595 : vector<16xf32>
      %parallel_loop3A_597 = arith.index_cast %parallel_loop3A_568 : i32 to index
      %parallel_loop3A_598 = arith.constant 32 : index
      %parallel_loop3A_599 = tpu.vector_load %arg14[%parallel_loop3A_597, %parallel_loop3A_598] {strides = array<i32>} : memref<768x128xf32, #tpu.memory_space<vmem>>, vector<1x16xf32>,
      %parallel_loop3A_600 = vector.shape_cast %parallel_loop3A_599 : vector<1x16xf32> to vector<16xf32>
      %parallel_loop3A_601 = vector.shape_cast %parallel_loop3A_596 : vector<16xf32> to vector<1x16xf32>
      tpu.vector_store %arg14[%parallel_loop3A_597, %parallel_loop3A_598], %parallel_loop3A_601 {add = true, strides = array<i32>} : memref<768x128xf32, #tpu.memory_space<vmem>>, vector<1x16xf32>,
      %parallel_loop3A_602 = arith.mulf %parallel_loop3A_571, %get3A_461 : vector<16xf32>
      %parallel_loop3A_603 = arith.addf %parallel_loop3A_602, %get3A_485 : vector<16xf32>
      %parallel_loop3A_604 = arith.constant 0.000000e+00 : f32
      %parallel_loop3A_605 = vector.broadcast %parallel_loop3A_604 : f32 to vector<16xf32>
      %parallel_loop3A_606 = arith.maximumf %parallel_loop3A_603, %parallel_loop3A_605 : vector<16xf32>
      %parallel_loop3A_607 = arith.index_cast %parallel_loop3A_568 : i32 to index
      %parallel_loop3A_608 = arith.constant 48 : index
      %parallel_loop3A_609 = tpu.vector_load %arg14[%parallel_loop3A_607, %parallel_loop3A_608] {strides = array<i32>} : memref<768x128xf32, #tpu.memory_space<vmem>>, vector<1x16xf32>,
      %parallel_loop3A_610 = vector.shape_cast %parallel_loop3A_609 : vector<1x16xf32> to vector<16xf32>
      %parallel_loop3A_611 = vector.shape_cast %parallel_loop3A_606 : vector<16xf32> to vector<1x16xf32>
      tpu.vector_store %arg14[%parallel_loop3A_607, %parallel_loop3A_608], %parallel_loop3A_611 {add = true, strides = array<i32>} : memref<768x128xf32, #tpu.memory_space<vmem>>, vector<1x16xf32>,
      %parallel_loop3A_612 = arith.mulf %parallel_loop3A_571, %get3A_464 : vector<16xf32>
      %parallel_loop3A_613 = arith.addf %parallel_loop3A_612, %get3A_488 : vector<16xf32>
      %parallel_loop3A_614 = arith.constant 0.000000e+00 : f32
      %parallel_loop3A_615 = vector.broadcast %parallel_loop3A_614 : f32 to vector<16xf32>
      %parallel_loop3A_616 = arith.maximumf %parallel_loop3A_613, %parallel_loop3A_615 : vector<16xf32>
      %parallel_loop3A_617 = arith.index_cast %parallel_loop3A_568 : i32 to index
      %parallel_loop3A_618 = arith.constant 64 : index
      %parallel_loop3A_619 = tpu.vector_load %arg14[%parallel_loop3A_617, %parallel_loop3A_618] {strides = array<i32>} : memref<768x128xf32, #tpu.memory_space<vmem>>, vector<1x16xf32>,
      %parallel_loop3A_620 = vector.shape_cast %parallel_loop3A_619 : vector<1x16xf32> to vector<16xf32>
      %parallel_loop3A_621 = vector.shape_cast %parallel_loop3A_616 : vector<16xf32> to vector<1x16xf32>
      tpu.vector_store %arg14[%parallel_loop3A_617, %parallel_loop3A_618], %parallel_loop3A_621 {add = true, strides = array<i32>} : memref<768x128xf32, #tpu.memory_space<vmem>>, vector<1x16xf32>,
      %parallel_loop3A_622 = arith.mulf %parallel_loop3A_571, %get3A_467 : vector<16xf32>
      %parallel_loop3A_623 = arith.addf %parallel_loop3A_622, %get3A_491 : vector<16xf32>
      %parallel_loop3A_624 = arith.constant 0.000000e+00 : f32
      %parallel_loop3A_625 = vector.broadcast %parallel_loop3A_624 : f32 to vector<16xf32>
      %parallel_loop3A_626 = arith.maximumf %parallel_loop3A_623, %parallel_loop3A_625 : vector<16xf32>
      %parallel_loop3A_627 = arith.index_cast %parallel_loop3A_568 : i32 to index
      %parallel_loop3A_628 = arith.constant 80 : index
      %parallel_loop3A_629 = tpu.vector_load %arg14[%parallel_loop3A_627, %parallel_loop3A_628] {strides = array<i32>} : memref<768x128xf32, #tpu.memory_space<vmem>>, vector<1x16xf32>,
      %parallel_loop3A_630 = vector.shape_cast %parallel_loop3A_629 : vector<1x16xf32> to vector<16xf32>
      %parallel_loop3A_631 = vector.shape_cast %parallel_loop3A_626 : vector<16xf32> to vector<1x16xf32>
      tpu.vector_store %arg14[%parallel_loop3A_627, %parallel_loop3A_628], %parallel_loop3A_631 {add = true, strides = array<i32>} : memref<768x128xf32, #tpu.memory_space<vmem>>, vector<1x16xf32>,
      %parallel_loop3A_632 = arith.mulf %parallel_loop3A_571, %get3A_470 : vector<16xf32>
      %parallel_loop3A_633 = arith.addf %parallel_loop3A_632, %get3A_494 : vector<16xf32>
      %parallel_loop3A_634 = arith.constant 0.000000e+00 : f32
      %parallel_loop3A_635 = vector.broadcast %parallel_loop3A_634 : f32 to vector<16xf32>
      %parallel_loop3A_636 = arith.maximumf %parallel_loop3A_633, %parallel_loop3A_635 : vector<16xf32>
      %parallel_loop3A_637 = arith.index_cast %parallel_loop3A_568 : i32 to index
      %parallel_loop3A_638 = arith.constant 96 : index
      %parallel_loop3A_639 = tpu.vector_load %arg14[%parallel_loop3A_637, %parallel_loop3A_638] {strides = array<i32>} : memref<768x128xf32, #tpu.memory_space<vmem>>, vector<1x16xf32>,
      %parallel_loop3A_640 = vector.shape_cast %parallel_loop3A_639 : vector<1x16xf32> to vector<16xf32>
      %parallel_loop3A_641 = vector.shape_cast %parallel_loop3A_636 : vector<16xf32> to vector<1x16xf32>
      tpu.vector_store %arg14[%parallel_loop3A_637, %parallel_loop3A_638], %parallel_loop3A_641 {add = true, strides = array<i32>} : memref<768x128xf32, #tpu.memory_space<vmem>>, vector<1x16xf32>,
      %parallel_loop3A_642 = arith.mulf %parallel_loop3A_571, %get3A_473 : vector<16xf32>
      %parallel_loop3A_643 = arith.addf %parallel_loop3A_642, %get3A_497 : vector<16xf32>
      %parallel_loop3A_644 = arith.constant 0.000000e+00 : f32
      %parallel_loop3A_645 = vector.broadcast %parallel_loop3A_644 : f32 to vector<16xf32>
      %parallel_loop3A_646 = arith.maximumf %parallel_loop3A_643, %parallel_loop3A_645 : vector<16xf32>
      %parallel_loop3A_647 = arith.index_cast %parallel_loop3A_568 : i32 to index
      %parallel_loop3A_648 = arith.constant 112 : index
      %parallel_loop3A_649 = tpu.vector_load %arg14[%parallel_loop3A_647, %parallel_loop3A_648] {strides = array<i32>} : memref<768x128xf32, #tpu.memory_space<vmem>>, vector<1x16xf32>,
      %parallel_loop3A_650 = vector.shape_cast %parallel_loop3A_649 : vector<1x16xf32> to vector<16xf32>
      %parallel_loop3A_651 = vector.shape_cast %parallel_loop3A_646 : vector<16xf32> to vector<1x16xf32>
      tpu.vector_store %arg14[%parallel_loop3A_647, %parallel_loop3A_648], %parallel_loop3A_651 {add = true, strides = array<i32>} : memref<768x128xf32, #tpu.memory_space<vmem>>, vector<1x16xf32>,
      %parallel_loop3A_652 = vector.extract_strided_slice %parallel_loop3A_566 {offsets = [1], sizes = [1], strides = [1]} : vector<16xi32> to vector<1xi32>
      %parallel_loop3A_653 = vector.extract %parallel_loop3A_652[0] : i32 from vector<1xi32>
      %parallel_loop3A_654 = vector.extract_strided_slice %parallel_loop3A_524 {offsets = [1], sizes = [1], strides = [1]} : vector<16xf32> to vector<1xf32>
      %parallel_loop3A_655 = vector.extract %parallel_loop3A_654[0] : f32 from vector<1xf32>
      %parallel_loop3A_656 = vector.broadcast %parallel_loop3A_655 : f32 to vector<16xf32>
      %parallel_loop3A_657 = arith.mulf %parallel_loop3A_656, %get3A_452 : vector<16xf32>
      %parallel_loop3A_658 = arith.addf %parallel_loop3A_657, %get3A_476 : vector<16xf32>
      %parallel_loop3A_659 = arith.constant 0.000000e+00 : f32
      %parallel_loop3A_660 = vector.broadcast %parallel_loop3A_659 : f32 to vector<16xf32>
      %parallel_loop3A_661 = arith.maximumf %parallel_loop3A_658, %parallel_loop3A_660 : vector<16xf32>
      %parallel_loop3A_662 = arith.index_cast %parallel_loop3A_653 : i32 to index
      %parallel_loop3A_663 = arith.constant 0 : index
      %parallel_loop3A_664 = tpu.vector_load %arg14[%parallel_loop3A_662, %parallel_loop3A_663] {strides = array<i32>} : memref<768x128xf32, #tpu.memory_space<vmem>>, vector<1x16xf32>,
      %parallel_loop3A_665 = vector.shape_cast %parallel_loop3A_664 : vector<1x16xf32> to vector<16xf32>
      %parallel_loop3A_666 = vector.shape_cast %parallel_loop3A_661 : vector<16xf32> to vector<1x16xf32>
      tpu.vector_store %arg14[%parallel_loop3A_662, %parallel_loop3A_663], %parallel_loop3A_666 {add = true, strides = array<i32>} : memref<768x128xf32, #tpu.memory_space<vmem>>, vector<1x16xf32>,
      %parallel_loop3A_667 = arith.mulf %parallel_loop3A_656, %get3A_455 : vector<16xf32>
      %parallel_loop3A_668 = arith.addf %parallel_loop3A_667, %get3A_479 : vector<16xf32>
      %parallel_loop3A_669 = arith.constant 0.000000e+00 : f32
      %parallel_loop3A_670 = vector.broadcast %parallel_loop3A_669 : f32 to vector<16xf32>
      %parallel_loop3A_671 = arith.maximumf %parallel_loop3A_668, %parallel_loop3A_670 : vector<16xf32>
      %parallel_loop3A_672 = arith.index_cast %parallel_loop3A_653 : i32 to index
      %parallel_loop3A_673 = arith.constant 16 : index
      %parallel_loop3A_674 = tpu.vector_load %arg14[%parallel_loop3A_672, %parallel_loop3A_673] {strides = array<i32>} : memref<768x128xf32, #tpu.memory_space<vmem>>, vector<1x16xf32>,
      %parallel_loop3A_675 = vector.shape_cast %parallel_loop3A_674 : vector<1x16xf32> to vector<16xf32>
      %parallel_loop3A_676 = vector.shape_cast %parallel_loop3A_671 : vector<16xf32> to vector<1x16xf32>
      tpu.vector_store %arg14[%parallel_loop3A_672, %parallel_loop3A_673], %parallel_loop3A_676 {add = true, strides = array<i32>} : memref<768x128xf32, #tpu.memory_space<vmem>>, vector<1x16xf32>,
      %parallel_loop3A_677 = arith.mulf %parallel_loop3A_656, %get3A_458 : vector<16xf32>
      %parallel_loop3A_678 = arith.addf %parallel_loop3A_677, %get3A_482 : vector<16xf32>
      %parallel_loop3A_679 = arith.constant 0.000000e+00 : f32
      %parallel_loop3A_680 = vector.broadcast %parallel_loop3A_679 : f32 to vector<16xf32>
      %parallel_loop3A_681 = arith.maximumf %parallel_loop3A_678, %parallel_loop3A_680 : vector<16xf32>
      %parallel_loop3A_682 = arith.index_cast %parallel_loop3A_653 : i32 to index
      %parallel_loop3A_683 = arith.constant 32 : index
      %parallel_loop3A_684 = tpu.vector_load %arg14[%parallel_loop3A_682, %parallel_loop3A_683] {strides = array<i32>} : memref<768x128xf32, #tpu.memory_space<vmem>>, vector<1x16xf32>,
      %parallel_loop3A_685 = vector.shape_cast %parallel_loop3A_684 : vector<1x16xf32> to vector<16xf32>
      %parallel_loop3A_686 = vector.shape_cast %parallel_loop3A_681 : vector<16xf32> to vector<1x16xf32>
      tpu.vector_store %arg14[%parallel_loop3A_682, %parallel_loop3A_683], %parallel_loop3A_686 {add = true, strides = array<i32>} : memref<768x128xf32, #tpu.memory_space<vmem>>, vector<1x16xf32>,
      %parallel_loop3A_687 = arith.mulf %parallel_loop3A_656, %get3A_461 : vector<16xf32>
      %parallel_loop3A_688 = arith.addf %parallel_loop3A_687, %get3A_485 : vector<16xf32>
      %parallel_loop3A_689 = arith.constant 0.000000e+00 : f32
      %parallel_loop3A_690 = vector.broadcast %parallel_loop3A_689 : f32 to vector<16xf32>
      %parallel_loop3A_691 = arith.maximumf %parallel_loop3A_688, %parallel_loop3A_690 : vector<16xf32>
      %parallel_loop3A_692 = arith.index_cast %parallel_loop3A_653 : i32 to index
      %parallel_loop3A_693 = arith.constant 48 : index
      %parallel_loop3A_694 = tpu.vector_load %arg14[%parallel_loop3A_692, %parallel_loop3A_693] {strides = array<i32>} : memref<768x128xf32, #tpu.memory_space<vmem>>, vector<1x16xf32>,
      %parallel_loop3A_695 = vector.shape_cast %parallel_loop3A_694 : vector<1x16xf32> to vector<16xf32>
      %parallel_loop3A_696 = vector.shape_cast %parallel_loop3A_691 : vector<16xf32> to vector<1x16xf32>
      tpu.vector_store %arg14[%parallel_loop3A_692, %parallel_loop3A_693], %parallel_loop3A_696 {add = true, strides = array<i32>} : memref<768x128xf32, #tpu.memory_space<vmem>>, vector<1x16xf32>,
      %parallel_loop3A_697 = arith.mulf %parallel_loop3A_656, %get3A_464 : vector<16xf32>
      %parallel_loop3A_698 = arith.addf %parallel_loop3A_697, %get3A_488 : vector<16xf32>
      %parallel_loop3A_699 = arith.constant 0.000000e+00 : f32
      %parallel_loop3A_700 = vector.broadcast %parallel_loop3A_699 : f32 to vector<16xf32>
      %parallel_loop3A_701 = arith.maximumf %parallel_loop3A_698, %parallel_loop3A_700 : vector<16xf32>
      %parallel_loop3A_702 = arith.index_cast %parallel_loop3A_653 : i32 to index
      %parallel_loop3A_703 = arith.constant 64 : index
      %parallel_loop3A_704 = tpu.vector_load %arg14[%parallel_loop3A_702, %parallel_loop3A_703] {strides = array<i32>} : memref<768x128xf32, #tpu.memory_space<vmem>>, vector<1x16xf32>,
      %parallel_loop3A_705 = vector.shape_cast %parallel_loop3A_704 : vector<1x16xf32> to vector<16xf32>
      %parallel_loop3A_706 = vector.shape_cast %parallel_loop3A_701 : vector<16xf32> to vector<1x16xf32>
      tpu.vector_store %arg14[%parallel_loop3A_702, %parallel_loop3A_703], %parallel_loop3A_706 {add = true, strides = array<i32>} : memref<768x128xf32, #tpu.memory_space<vmem>>, vector<1x16xf32>,
      %parallel_loop3A_707 = arith.mulf %parallel_loop3A_656, %get3A_467 : vector<16xf32>
      %parallel_loop3A_708 = arith.addf %parallel_loop3A_707, %get3A_491 : vector<16xf32>
      %parallel_loop3A_709 = arith.constant 0.000000e+00 : f32
      %parallel_loop3A_710 = vector.broadcast %parallel_loop3A_709 : f32 to vector<16xf32>
      %parallel_loop3A_711 = arith.maximumf %parallel_loop3A_708, %parallel_loop3A_710 : vector<16xf32>
      %parallel_loop3A_712 = arith.index_cast %parallel_loop3A_653 : i32 to index
      %parallel_loop3A_713 = arith.constant 80 : index
      %parallel_loop3A_714 = tpu.vector_load %arg14[%parallel_loop3A_712, %parallel_loop3A_713] {strides = array<i32>} : memref<768x128xf32, #tpu.memory_space<vmem>>, vector<1x16xf32>,
      %parallel_loop3A_715 = vector.shape_cast %parallel_loop3A_714 : vector<1x16xf32> to vector<16xf32>
      %parallel_loop3A_716 = vector.shape_cast %parallel_loop3A_711 : vector<16xf32> to vector<1x16xf32>
      tpu.vector_store %arg14[%parallel_loop3A_712, %parallel_loop3A_713], %parallel_loop3A_716 {add = true, strides = array<i32>} : memref<768x128xf32, #tpu.memory_space<vmem>>, vector<1x16xf32>,
      %parallel_loop3A_717 = arith.mulf %parallel_loop3A_656, %get3A_470 : vector<16xf32>
      %parallel_loop3A_718 = arith.addf %parallel_loop3A_717, %get3A_494 : vector<16xf32>
      %parallel_loop3A_719 = arith.constant 0.000000e+00 : f32
      %parallel_loop3A_720 = vector.broadcast %parallel_loop3A_719 : f32 to vector<16xf32>
      %parallel_loop3A_721 = arith.maximumf %parallel_loop3A_718, %parallel_loop3A_720 : vector<16xf32>
      %parallel_loop3A_722 = arith.index_cast %parallel_loop3A_653 : i32 to index
      %parallel_loop3A_723 = arith.constant 96 : index
      %parallel_loop3A_724 = tpu.vector_load %arg14[%parallel_loop3A_722, %parallel_loop3A_723] {strides = array<i32>} : memref<768x128xf32, #tpu.memory_space<vmem>>, vector<1x16xf32>,
      %parallel_loop3A_725 = vector.shape_cast %parallel_loop3A_724 : vector<1x16xf32> to vector<16xf32>
      %parallel_loop3A_726 = vector.shape_cast %parallel_loop3A_721 : vector<16xf32> to vector<1x16xf32>
      tpu.vector_store %arg14[%parallel_loop3A_722, %parallel_loop3A_723], %parallel_loop3A_726 {add = true, strides = array<i32>} : memref<768x128xf32, #tpu.memory_space<vmem>>, vector<1x16xf32>,
      %parallel_loop3A_727 = arith.mulf %parallel_loop3A_656, %get3A_473 : vector<16xf32>
      %parallel_loop3A_728 = arith.addf %parallel_loop3A_727, %get3A_497 : vector<16xf32>
      %parallel_loop3A_729 = arith.constant 0.000000e+00 : f32
      %parallel_loop3A_730 = vector.broadcast %parallel_loop3A_729 : f32 to vector<16xf32>
      %parallel_loop3A_731 = arith.maximumf %parallel_loop3A_728, %parallel_loop3A_730 : vector<16xf32>
      %parallel_loop3A_732 = arith.index_cast %parallel_loop3A_653 : i32 to index
      %parallel_loop3A_733 = arith.constant 112 : index
      %parallel_loop3A_734 = tpu.vector_load %arg14[%parallel_loop3A_732, %parallel_loop3A_733] {strides = array<i32>} : memref<768x128xf32, #tpu.memory_space<vmem>>, vector<1x16xf32>,
      %parallel_loop3A_735 = vector.shape_cast %parallel_loop3A_734 : vector<1x16xf32> to vector<16xf32>
      %parallel_loop3A_736 = vector.shape_cast %parallel_loop3A_731 : vector<16xf32> to vector<1x16xf32>
      tpu.vector_store %arg14[%parallel_loop3A_732, %parallel_loop3A_733], %parallel_loop3A_736 {add = true, strides = array<i32>} : memref<768x128xf32, #tpu.memory_space<vmem>>, vector<1x16xf32>,
      %parallel_loop3A_737 = vector.extract_strided_slice %parallel_loop3A_566 {offsets = [2], sizes = [1], strides = [1]} : vector<16xi32> to vector<1xi32>
      %parallel_loop3A_738 = vector.extract %parallel_loop3A_737[0] : i32 from vector<1xi32>
      %parallel_loop3A_739 = vector.extract_strided_slice %parallel_loop3A_524 {offsets = [2], sizes = [1], strides = [1]} : vector<16xf32> to vector<1xf32>
      %parallel_loop3A_740 = vector.extract %parallel_loop3A_739[0] : f32 from vector<1xf32>
      %parallel_loop3A_741 = vector.broadcast %parallel_loop3A_740 : f32 to vector<16xf32>
      %parallel_loop3A_742 = arith.mulf %parallel_loop3A_741, %get3A_452 : vector<16xf32>
      %parallel_loop3A_743 = arith.addf %parallel_loop3A_742, %get3A_476 : vector<16xf32>
      %parallel_loop3A_744 = arith.constant 0.000000e+00 : f32
      %parallel_loop3A_745 = vector.broadcast %parallel_loop3A_744 : f32 to vector<16xf32>
      %parallel_loop3A_746 = arith.maximumf %parallel_loop3A_743, %parallel_loop3A_745 : vector<16xf32>
      %parallel_loop3A_747 = arith.index_cast %parallel_loop3A_738 : i32 to index
      %parallel_loop3A_748 = arith.constant 0 : index
      %parallel_loop3A_749 = tpu.vector_load %arg14[%parallel_loop3A_747, %parallel_loop3A_748] {strides = array<i32>} : memref<768x128xf32, #tpu.memory_space<vmem>>, vector<1x16xf32>,
      %parallel_loop3A_750 = vector.shape_cast %parallel_loop3A_749 : vector<1x16xf32> to vector<16xf32>
      %parallel_loop3A_751 = vector.shape_cast %parallel_loop3A_746 : vector<16xf32> to vector<1x16xf32>
      tpu.vector_store %arg14[%parallel_loop3A_747, %parallel_loop3A_748], %parallel_loop3A_751 {add = true, strides = array<i32>} : memref<768x128xf32, #tpu.memory_space<vmem>>, vector<1x16xf32>,
      %parallel_loop3A_752 = arith.mulf %parallel_loop3A_741, %get3A_455 : vector<16xf32>
      %parallel_loop3A_753 = arith.addf %parallel_loop3A_752, %get3A_479 : vector<16xf32>
      %parallel_loop3A_754 = arith.constant 0.000000e+00 : f32
      %parallel_loop3A_755 = vector.broadcast %parallel_loop3A_754 : f32 to vector<16xf32>
      %parallel_loop3A_756 = arith.maximumf %parallel_loop3A_753, %parallel_loop3A_755 : vector<16xf32>
      %parallel_loop3A_757 = arith.index_cast %parallel_loop3A_738 : i32 to index
      %parallel_loop3A_758 = arith.constant 16 : index
      %parallel_loop3A_759 = tpu.vector_load %arg14[%parallel_loop3A_757, %parallel_loop3A_758] {strides = array<i32>} : memref<768x128xf32, #tpu.memory_space<vmem>>, vector<1x16xf32>,
      %parallel_loop3A_760 = vector.shape_cast %parallel_loop3A_759 : vector<1x16xf32> to vector<16xf32>
      %parallel_loop3A_761 = vector.shape_cast %parallel_loop3A_756 : vector<16xf32> to vector<1x16xf32>
      tpu.vector_store %arg14[%parallel_loop3A_757, %parallel_loop3A_758], %parallel_loop3A_761 {add = true, strides = array<i32>} : memref<768x128xf32, #tpu.memory_space<vmem>>, vector<1x16xf32>,
      %parallel_loop3A_762 = arith.mulf %parallel_loop3A_741, %get3A_458 : vector<16xf32>
      %parallel_loop3A_763 = arith.addf %parallel_loop3A_762, %get3A_482 : vector<16xf32>
      %parallel_loop3A_764 = arith.constant 0.000000e+00 : f32
      %parallel_loop3A_765 = vector.broadcast %parallel_loop3A_764 : f32 to vector<16xf32>
      %parallel_loop3A_766 = arith.maximumf %parallel_loop3A_763, %parallel_loop3A_765 : vector<16xf32>
      %parallel_loop3A_767 = arith.index_cast %parallel_loop3A_738 : i32 to index
      %parallel_loop3A_768 = arith.constant 32 : index
      %parallel_loop3A_769 = tpu.vector_load %arg14[%parallel_loop3A_767, %parallel_loop3A_768] {strides = array<i32>} : memref<768x128xf32, #tpu.memory_space<vmem>>, vector<1x16xf32>,
      %parallel_loop3A_770 = vector.shape_cast %parallel_loop3A_769 : vector<1x16xf32> to vector<16xf32>
      %parallel_loop3A_771 = vector.shape_cast %parallel_loop3A_766 : vector<16xf32> to vector<1x16xf32>
      tpu.vector_store %arg14[%parallel_loop3A_767, %parallel_loop3A_768], %parallel_loop3A_771 {add = true, strides = array<i32>} : memref<768x128xf32, #tpu.memory_space<vmem>>, vector<1x16xf32>,
      %parallel_loop3A_772 = arith.mulf %parallel_loop3A_741, %get3A_461 : vector<16xf32>
      %parallel_loop3A_773 = arith.addf %parallel_loop3A_772, %get3A_485 : vector<16xf32>
      %parallel_loop3A_774 = arith.constant 0.000000e+00 : f32
      %parallel_loop3A_775 = vector.broadcast %parallel_loop3A_774 : f32 to vector<16xf32>
      %parallel_loop3A_776 = arith.maximumf %parallel_loop3A_773, %parallel_loop3A_775 : vector<16xf32>
      %parallel_loop3A_777 = arith.index_cast %parallel_loop3A_738 : i32 to index
      %parallel_loop3A_778 = arith.constant 48 : index
      %parallel_loop3A_779 = tpu.vector_load %arg14[%parallel_loop3A_777, %parallel_loop3A_778] {strides = array<i32>} : memref<768x128xf32, #tpu.memory_space<vmem>>, vector<1x16xf32>,
      %parallel_loop3A_780 = vector.shape_cast %parallel_loop3A_779 : vector<1x16xf32> to vector<16xf32>
      %parallel_loop3A_781 = vector.shape_cast %parallel_loop3A_776 : vector<16xf32> to vector<1x16xf32>
      tpu.vector_store %arg14[%parallel_loop3A_777, %parallel_loop3A_778], %parallel_loop3A_781 {add = true, strides = array<i32>} : memref<768x128xf32, #tpu.memory_space<vmem>>, vector<1x16xf32>,
      %parallel_loop3A_782 = arith.mulf %parallel_loop3A_741, %get3A_464 : vector<16xf32>
      %parallel_loop3A_783 = arith.addf %parallel_loop3A_782, %get3A_488 : vector<16xf32>
      %parallel_loop3A_784 = arith.constant 0.000000e+00 : f32
      %parallel_loop3A_785 = vector.broadcast %parallel_loop3A_784 : f32 to vector<16xf32>
      %parallel_loop3A_786 = arith.maximumf %parallel_loop3A_783, %parallel_loop3A_785 : vector<16xf32>
      %parallel_loop3A_787 = arith.index_cast %parallel_loop3A_738 : i32 to index
      %parallel_loop3A_788 = arith.constant 64 : index
      %parallel_loop3A_789 = tpu.vector_load %arg14[%parallel_loop3A_787, %parallel_loop3A_788] {strides = array<i32>} : memref<768x128xf32, #tpu.memory_space<vmem>>, vector<1x16xf32>,
      %parallel_loop3A_790 = vector.shape_cast %parallel_loop3A_789 : vector<1x16xf32> to vector<16xf32>
      %parallel_loop3A_791 = vector.shape_cast %parallel_loop3A_786 : vector<16xf32> to vector<1x16xf32>
      tpu.vector_store %arg14[%parallel_loop3A_787, %parallel_loop3A_788], %parallel_loop3A_791 {add = true, strides = array<i32>} : memref<768x128xf32, #tpu.memory_space<vmem>>, vector<1x16xf32>,
      %parallel_loop3A_792 = arith.mulf %parallel_loop3A_741, %get3A_467 : vector<16xf32>
      %parallel_loop3A_793 = arith.addf %parallel_loop3A_792, %get3A_491 : vector<16xf32>
      %parallel_loop3A_794 = arith.constant 0.000000e+00 : f32
      %parallel_loop3A_795 = vector.broadcast %parallel_loop3A_794 : f32 to vector<16xf32>
      %parallel_loop3A_796 = arith.maximumf %parallel_loop3A_793, %parallel_loop3A_795 : vector<16xf32>
      %parallel_loop3A_797 = arith.index_cast %parallel_loop3A_738 : i32 to index
      %parallel_loop3A_798 = arith.constant 80 : index
      %parallel_loop3A_799 = tpu.vector_load %arg14[%parallel_loop3A_797, %parallel_loop3A_798] {strides = array<i32>} : memref<768x128xf32, #tpu.memory_space<vmem>>, vector<1x16xf32>,
      %parallel_loop3A_800 = vector.shape_cast %parallel_loop3A_799 : vector<1x16xf32> to vector<16xf32>
      %parallel_loop3A_801 = vector.shape_cast %parallel_loop3A_796 : vector<16xf32> to vector<1x16xf32>
      tpu.vector_store %arg14[%parallel_loop3A_797, %parallel_loop3A_798], %parallel_loop3A_801 {add = true, strides = array<i32>} : memref<768x128xf32, #tpu.memory_space<vmem>>, vector<1x16xf32>,
      %parallel_loop3A_802 = arith.mulf %parallel_loop3A_741, %get3A_470 : vector<16xf32>
      %parallel_loop3A_803 = arith.addf %parallel_loop3A_802, %get3A_494 : vector<16xf32>
      %parallel_loop3A_804 = arith.constant 0.000000e+00 : f32
      %parallel_loop3A_805 = vector.broadcast %parallel_loop3A_804 : f32 to vector<16xf32>
      %parallel_loop3A_806 = arith.maximumf %parallel_loop3A_803, %parallel_loop3A_805 : vector<16xf32>
      %parallel_loop3A_807 = arith.index_cast %parallel_loop3A_738 : i32 to index
      %parallel_loop3A_808 = arith.constant 96 : index
      %parallel_loop3A_809 = tpu.vector_load %arg14[%parallel_loop3A_807, %parallel_loop3A_808] {strides = array<i32>} : memref<768x128xf32, #tpu.memory_space<vmem>>, vector<1x16xf32>,
      %parallel_loop3A_810 = vector.shape_cast %parallel_loop3A_809 : vector<1x16xf32> to vector<16xf32>
      %parallel_loop3A_811 = vector.shape_cast %parallel_loop3A_806 : vector<16xf32> to vector<1x16xf32>
      tpu.vector_store %arg14[%parallel_loop3A_807, %parallel_loop3A_808], %parallel_loop3A_811 {add = true, strides = array<i32>} : memref<768x128xf32, #tpu.memory_space<vmem>>, vector<1x16xf32>,
      %parallel_loop3A_812 = arith.mulf %parallel_loop3A_741, %get3A_473 : vector<16xf32>
      %parallel_loop3A_813 = arith.addf %parallel_loop3A_812, %get3A_497 : vector<16xf32>
      %parallel_loop3A_814 = arith.constant 0.000000e+00 : f32
      %parallel_loop3A_815 = vector.broadcast %parallel_loop3A_814 : f32 to vector<16xf32>
      %parallel_loop3A_816 = arith.maximumf %parallel_loop3A_813, %parallel_loop3A_815 : vector<16xf32>
      %parallel_loop3A_817 = arith.index_cast %parallel_loop3A_738 : i32 to index
      %parallel_loop3A_818 = arith.constant 112 : index
      %parallel_loop3A_819 = tpu.vector_load %arg14[%parallel_loop3A_817, %parallel_loop3A_818] {strides = array<i32>} : memref<768x128xf32, #tpu.memory_space<vmem>>, vector<1x16xf32>,
      %parallel_loop3A_820 = vector.shape_cast %parallel_loop3A_819 : vector<1x16xf32> to vector<16xf32>
      %parallel_loop3A_821 = vector.shape_cast %parallel_loop3A_816 : vector<16xf32> to vector<1x16xf32>
      tpu.vector_store %arg14[%parallel_loop3A_817, %parallel_loop3A_818], %parallel_loop3A_821 {add = true, strides = array<i32>} : memref<768x128xf32, #tpu.memory_space<vmem>>, vector<1x16xf32>,
      %parallel_loop3A_822 = vector.extract_strided_slice %parallel_loop3A_566 {offsets = [3], sizes = [1], strides = [1]} : vector<16xi32> to vector<1xi32>
      %parallel_loop3A_823 = vector.extract %parallel_loop3A_822[0] : i32 from vector<1xi32>
      %parallel_loop3A_824 = vector.extract_strided_slice %parallel_loop3A_524 {offsets = [3], sizes = [1], strides = [1]} : vector<16xf32> to vector<1xf32>
      %parallel_loop3A_825 = vector.extract %parallel_loop3A_824[0] : f32 from vector<1xf32>
      %parallel_loop3A_826 = vector.broadcast %parallel_loop3A_825 : f32 to vector<16xf32>
      %parallel_loop3A_827 = arith.mulf %parallel_loop3A_826, %get3A_452 : vector<16xf32>
      %parallel_loop3A_828 = arith.addf %parallel_loop3A_827, %get3A_476 : vector<16xf32>
      %parallel_loop3A_829 = arith.constant 0.000000e+00 : f32
      %parallel_loop3A_830 = vector.broadcast %parallel_loop3A_829 : f32 to vector<16xf32>
      %parallel_loop3A_831 = arith.maximumf %parallel_loop3A_828, %parallel_loop3A_830 : vector<16xf32>
      %parallel_loop3A_832 = arith.index_cast %parallel_loop3A_823 : i32 to index
      %parallel_loop3A_833 = arith.constant 0 : index
      %parallel_loop3A_834 = tpu.vector_load %arg14[%parallel_loop3A_832, %parallel_loop3A_833] {strides = array<i32>} : memref<768x128xf32, #tpu.memory_space<vmem>>, vector<1x16xf32>,
      %parallel_loop3A_835 = vector.shape_cast %parallel_loop3A_834 : vector<1x16xf32> to vector<16xf32>
      %parallel_loop3A_836 = vector.shape_cast %parallel_loop3A_831 : vector<16xf32> to vector<1x16xf32>
      tpu.vector_store %arg14[%parallel_loop3A_832, %parallel_loop3A_833], %parallel_loop3A_836 {add = true, strides = array<i32>} : memref<768x128xf32, #tpu.memory_space<vmem>>, vector<1x16xf32>,
      %parallel_loop3A_837 = arith.mulf %parallel_loop3A_826, %get3A_455 : vector<16xf32>
      %parallel_loop3A_838 = arith.addf %parallel_loop3A_837, %get3A_479 : vector<16xf32>
      %parallel_loop3A_839 = arith.constant 0.000000e+00 : f32
      %parallel_loop3A_840 = vector.broadcast %parallel_loop3A_839 : f32 to vector<16xf32>
      %parallel_loop3A_841 = arith.maximumf %parallel_loop3A_838, %parallel_loop3A_840 : vector<16xf32>
      %parallel_loop3A_842 = arith.index_cast %parallel_loop3A_823 : i32 to index
      %parallel_loop3A_843 = arith.constant 16 : index
      %parallel_loop3A_844 = tpu.vector_load %arg14[%parallel_loop3A_842, %parallel_loop3A_843] {strides = array<i32>} : memref<768x128xf32, #tpu.memory_space<vmem>>, vector<1x16xf32>,
      %parallel_loop3A_845 = vector.shape_cast %parallel_loop3A_844 : vector<1x16xf32> to vector<16xf32>
      %parallel_loop3A_846 = vector.shape_cast %parallel_loop3A_841 : vector<16xf32> to vector<1x16xf32>
      tpu.vector_store %arg14[%parallel_loop3A_842, %parallel_loop3A_843], %parallel_loop3A_846 {add = true, strides = array<i32>} : memref<768x128xf32, #tpu.memory_space<vmem>>, vector<1x16xf32>,
      %parallel_loop3A_847 = arith.mulf %parallel_loop3A_826, %get3A_458 : vector<16xf32>
      %parallel_loop3A_848 = arith.addf %parallel_loop3A_847, %get3A_482 : vector<16xf32>
      %parallel_loop3A_849 = arith.constant 0.000000e+00 : f32
      %parallel_loop3A_850 = vector.broadcast %parallel_loop3A_849 : f32 to vector<16xf32>
      %parallel_loop3A_851 = arith.maximumf %parallel_loop3A_848, %parallel_loop3A_850 : vector<16xf32>
      %parallel_loop3A_852 = arith.index_cast %parallel_loop3A_823 : i32 to index
      %parallel_loop3A_853 = arith.constant 32 : index
      %parallel_loop3A_854 = tpu.vector_load %arg14[%parallel_loop3A_852, %parallel_loop3A_853] {strides = array<i32>} : memref<768x128xf32, #tpu.memory_space<vmem>>, vector<1x16xf32>,
      %parallel_loop3A_855 = vector.shape_cast %parallel_loop3A_854 : vector<1x16xf32> to vector<16xf32>
      %parallel_loop3A_856 = vector.shape_cast %parallel_loop3A_851 : vector<16xf32> to vector<1x16xf32>
      tpu.vector_store %arg14[%parallel_loop3A_852, %parallel_loop3A_853], %parallel_loop3A_856 {add = true, strides = array<i32>} : memref<768x128xf32, #tpu.memory_space<vmem>>, vector<1x16xf32>,
      %parallel_loop3A_857 = arith.mulf %parallel_loop3A_826, %get3A_461 : vector<16xf32>
      %parallel_loop3A_858 = arith.addf %parallel_loop3A_857, %get3A_485 : vector<16xf32>
      %parallel_loop3A_859 = arith.constant 0.000000e+00 : f32
      %parallel_loop3A_860 = vector.broadcast %parallel_loop3A_859 : f32 to vector<16xf32>
      %parallel_loop3A_861 = arith.maximumf %parallel_loop3A_858, %parallel_loop3A_860 : vector<16xf32>
      %parallel_loop3A_862 = arith.index_cast %parallel_loop3A_823 : i32 to index
      %parallel_loop3A_863 = arith.constant 48 : index
      %parallel_loop3A_864 = tpu.vector_load %arg14[%parallel_loop3A_862, %parallel_loop3A_863] {strides = array<i32>} : memref<768x128xf32, #tpu.memory_space<vmem>>, vector<1x16xf32>,
      %parallel_loop3A_865 = vector.shape_cast %parallel_loop3A_864 : vector<1x16xf32> to vector<16xf32>
      %parallel_loop3A_866 = vector.shape_cast %parallel_loop3A_861 : vector<16xf32> to vector<1x16xf32>
      tpu.vector_store %arg14[%parallel_loop3A_862, %parallel_loop3A_863], %parallel_loop3A_866 {add = true, strides = array<i32>} : memref<768x128xf32, #tpu.memory_space<vmem>>, vector<1x16xf32>,
      %parallel_loop3A_867 = arith.mulf %parallel_loop3A_826, %get3A_464 : vector<16xf32>
      %parallel_loop3A_868 = arith.addf %parallel_loop3A_867, %get3A_488 : vector<16xf32>
      %parallel_loop3A_869 = arith.constant 0.000000e+00 : f32
      %parallel_loop3A_870 = vector.broadcast %parallel_loop3A_869 : f32 to vector<16xf32>
      %parallel_loop3A_871 = arith.maximumf %parallel_loop3A_868, %parallel_loop3A_870 : vector<16xf32>
      %parallel_loop3A_872 = arith.index_cast %parallel_loop3A_823 : i32 to index
      %parallel_loop3A_873 = arith.constant 64 : index
      %parallel_loop3A_874 = tpu.vector_load %arg14[%parallel_loop3A_872, %parallel_loop3A_873] {strides = array<i32>} : memref<768x128xf32, #tpu.memory_space<vmem>>, vector<1x16xf32>,
      %parallel_loop3A_875 = vector.shape_cast %parallel_loop3A_874 : vector<1x16xf32> to vector<16xf32>
      %parallel_loop3A_876 = vector.shape_cast %parallel_loop3A_871 : vector<16xf32> to vector<1x16xf32>
      tpu.vector_store %arg14[%parallel_loop3A_872, %parallel_loop3A_873], %parallel_loop3A_876 {add = true, strides = array<i32>} : memref<768x128xf32, #tpu.memory_space<vmem>>, vector<1x16xf32>,
      %parallel_loop3A_877 = arith.mulf %parallel_loop3A_826, %get3A_467 : vector<16xf32>
      %parallel_loop3A_878 = arith.addf %parallel_loop3A_877, %get3A_491 : vector<16xf32>
      %parallel_loop3A_879 = arith.constant 0.000000e+00 : f32
      %parallel_loop3A_880 = vector.broadcast %parallel_loop3A_879 : f32 to vector<16xf32>
      %parallel_loop3A_881 = arith.maximumf %parallel_loop3A_878, %parallel_loop3A_880 : vector<16xf32>
      %parallel_loop3A_882 = arith.index_cast %parallel_loop3A_823 : i32 to index
      %parallel_loop3A_883 = arith.constant 80 : index
      %parallel_loop3A_884 = tpu.vector_load %arg14[%parallel_loop3A_882, %parallel_loop3A_883] {strides = array<i32>} : memref<768x128xf32, #tpu.memory_space<vmem>>, vector<1x16xf32>,
      %parallel_loop3A_885 = vector.shape_cast %parallel_loop3A_884 : vector<1x16xf32> to vector<16xf32>
      %parallel_loop3A_886 = vector.shape_cast %parallel_loop3A_881 : vector<16xf32> to vector<1x16xf32>
      tpu.vector_store %arg14[%parallel_loop3A_882, %parallel_loop3A_883], %parallel_loop3A_886 {add = true, strides = array<i32>} : memref<768x128xf32, #tpu.memory_space<vmem>>, vector<1x16xf32>,
      %parallel_loop3A_887 = arith.mulf %parallel_loop3A_826, %get3A_470 : vector<16xf32>
      %parallel_loop3A_888 = arith.addf %parallel_loop3A_887, %get3A_494 : vector<16xf32>
      %parallel_loop3A_889 = arith.constant 0.000000e+00 : f32
      %parallel_loop3A_890 = vector.broadcast %parallel_loop3A_889 : f32 to vector<16xf32>
      %parallel_loop3A_891 = arith.maximumf %parallel_loop3A_888, %parallel_loop3A_890 : vector<16xf32>
      %parallel_loop3A_892 = arith.index_cast %parallel_loop3A_823 : i32 to index
      %parallel_loop3A_893 = arith.constant 96 : index
      %parallel_loop3A_894 = tpu.vector_load %arg14[%parallel_loop3A_892, %parallel_loop3A_893] {strides = array<i32>} : memref<768x128xf32, #tpu.memory_space<vmem>>, vector<1x16xf32>,
      %parallel_loop3A_895 = vector.shape_cast %parallel_loop3A_894 : vector<1x16xf32> to vector<16xf32>
      %parallel_loop3A_896 = vector.shape_cast %parallel_loop3A_891 : vector<16xf32> to vector<1x16xf32>
      tpu.vector_store %arg14[%parallel_loop3A_892, %parallel_loop3A_893], %parallel_loop3A_896 {add = true, strides = array<i32>} : memref<768x128xf32, #tpu.memory_space<vmem>>, vector<1x16xf32>,
      %parallel_loop3A_897 = arith.mulf %parallel_loop3A_826, %get3A_473 : vector<16xf32>
      %parallel_loop3A_898 = arith.addf %parallel_loop3A_897, %get3A_497 : vector<16xf32>
      %parallel_loop3A_899 = arith.constant 0.000000e+00 : f32
      %parallel_loop3A_900 = vector.broadcast %parallel_loop3A_899 : f32 to vector<16xf32>
      %parallel_loop3A_901 = arith.maximumf %parallel_loop3A_898, %parallel_loop3A_900 : vector<16xf32>
      %parallel_loop3A_902 = arith.index_cast %parallel_loop3A_823 : i32 to index
      %parallel_loop3A_903 = arith.constant 112 : index
      %parallel_loop3A_904 = tpu.vector_load %arg14[%parallel_loop3A_902, %parallel_loop3A_903] {strides = array<i32>} : memref<768x128xf32, #tpu.memory_space<vmem>>, vector<1x16xf32>,
      %parallel_loop3A_905 = vector.shape_cast %parallel_loop3A_904 : vector<1x16xf32> to vector<16xf32>
      %parallel_loop3A_906 = vector.shape_cast %parallel_loop3A_901 : vector<16xf32> to vector<1x16xf32>
      tpu.vector_store %arg14[%parallel_loop3A_902, %parallel_loop3A_903], %parallel_loop3A_906 {add = true, strides = array<i32>} : memref<768x128xf32, #tpu.memory_space<vmem>>, vector<1x16xf32>,
      %parallel_loop3A_907 = vector.extract_strided_slice %parallel_loop3A_566 {offsets = [4], sizes = [1], strides = [1]} : vector<16xi32> to vector<1xi32>
      %parallel_loop3A_908 = vector.extract %parallel_loop3A_907[0] : i32 from vector<1xi32>
      %parallel_loop3A_909 = vector.extract_strided_slice %parallel_loop3A_524 {offsets = [4], sizes = [1], strides = [1]} : vector<16xf32> to vector<1xf32>
      %parallel_loop3A_910 = vector.extract %parallel_loop3A_909[0] : f32 from vector<1xf32>
      %parallel_loop3A_911 = vector.broadcast %parallel_loop3A_910 : f32 to vector<16xf32>
      %parallel_loop3A_912 = arith.mulf %parallel_loop3A_911, %get3A_452 : vector<16xf32>
      %parallel_loop3A_913 = arith.addf %parallel_loop3A_912, %get3A_476 : vector<16xf32>
      %parallel_loop3A_914 = arith.constant 0.000000e+00 : f32
      %parallel_loop3A_915 = vector.broadcast %parallel_loop3A_914 : f32 to vector<16xf32>
      %parallel_loop3A_916 = arith.maximumf %parallel_loop3A_913, %parallel_loop3A_915 : vector<16xf32>
      %parallel_loop3A_917 = arith.index_cast %parallel_loop3A_908 : i32 to index
      %parallel_loop3A_918 = arith.constant 0 : index
      %parallel_loop3A_919 = tpu.vector_load %arg14[%parallel_loop3A_917, %parallel_loop3A_918] {strides = array<i32>} : memref<768x128xf32, #tpu.memory_space<vmem>>, vector<1x16xf32>,
      %parallel_loop3A_920 = vector.shape_cast %parallel_loop3A_919 : vector<1x16xf32> to vector<16xf32>
      %parallel_loop3A_921 = vector.shape_cast %parallel_loop3A_916 : vector<16xf32> to vector<1x16xf32>
      tpu.vector_store %arg14[%parallel_loop3A_917, %parallel_loop3A_918], %parallel_loop3A_921 {add = true, strides = array<i32>} : memref<768x128xf32, #tpu.memory_space<vmem>>, vector<1x16xf32>,
      %parallel_loop3A_922 = arith.mulf %parallel_loop3A_911, %get3A_455 : vector<16xf32>
      %parallel_loop3A_923 = arith.addf %parallel_loop3A_922, %get3A_479 : vector<16xf32>
      %parallel_loop3A_924 = arith.constant 0.000000e+00 : f32
      %parallel_loop3A_925 = vector.broadcast %parallel_loop3A_924 : f32 to vector<16xf32>
      %parallel_loop3A_926 = arith.maximumf %parallel_loop3A_923, %parallel_loop3A_925 : vector<16xf32>
      %parallel_loop3A_927 = arith.index_cast %parallel_loop3A_908 : i32 to index
      %parallel_loop3A_928 = arith.constant 16 : index
      %parallel_loop3A_929 = tpu.vector_load %arg14[%parallel_loop3A_927, %parallel_loop3A_928] {strides = array<i32>} : memref<768x128xf32, #tpu.memory_space<vmem>>, vector<1x16xf32>,
      %parallel_loop3A_930 = vector.shape_cast %parallel_loop3A_929 : vector<1x16xf32> to vector<16xf32>
      %parallel_loop3A_931 = vector.shape_cast %parallel_loop3A_926 : vector<16xf32> to vector<1x16xf32>
      tpu.vector_store %arg14[%parallel_loop3A_927, %parallel_loop3A_928], %parallel_loop3A_931 {add = true, strides = array<i32>} : memref<768x128xf32, #tpu.memory_space<vmem>>, vector<1x16xf32>,
      %parallel_loop3A_932 = arith.mulf %parallel_loop3A_911, %get3A_458 : vector<16xf32>
      %parallel_loop3A_933 = arith.addf %parallel_loop3A_932, %get3A_482 : vector<16xf32>
      %parallel_loop3A_934 = arith.constant 0.000000e+00 : f32
      %parallel_loop3A_935 = vector.broadcast %parallel_loop3A_934 : f32 to vector<16xf32>
      %parallel_loop3A_936 = arith.maximumf %parallel_loop3A_933, %parallel_loop3A_935 : vector<16xf32>
      %parallel_loop3A_937 = arith.index_cast %parallel_loop3A_908 : i32 to index
      %parallel_loop3A_938 = arith.constant 32 : index
      %parallel_loop3A_939 = tpu.vector_load %arg14[%parallel_loop3A_937, %parallel_loop3A_938] {strides = array<i32>} : memref<768x128xf32, #tpu.memory_space<vmem>>, vector<1x16xf32>,
      %parallel_loop3A_940 = vector.shape_cast %parallel_loop3A_939 : vector<1x16xf32> to vector<16xf32>
      %parallel_loop3A_941 = vector.shape_cast %parallel_loop3A_936 : vector<16xf32> to vector<1x16xf32>
      tpu.vector_store %arg14[%parallel_loop3A_937, %parallel_loop3A_938], %parallel_loop3A_941 {add = true, strides = array<i32>} : memref<768x128xf32, #tpu.memory_space<vmem>>, vector<1x16xf32>,
      %parallel_loop3A_942 = arith.mulf %parallel_loop3A_911, %get3A_461 : vector<16xf32>
      %parallel_loop3A_943 = arith.addf %parallel_loop3A_942, %get3A_485 : vector<16xf32>
      %parallel_loop3A_944 = arith.constant 0.000000e+00 : f32
      %parallel_loop3A_945 = vector.broadcast %parallel_loop3A_944 : f32 to vector<16xf32>
      %parallel_loop3A_946 = arith.maximumf %parallel_loop3A_943, %parallel_loop3A_945 : vector<16xf32>
      %parallel_loop3A_947 = arith.index_cast %parallel_loop3A_908 : i32 to index
      %parallel_loop3A_948 = arith.constant 48 : index
      %parallel_loop3A_949 = tpu.vector_load %arg14[%parallel_loop3A_947, %parallel_loop3A_948] {strides = array<i32>} : memref<768x128xf32, #tpu.memory_space<vmem>>, vector<1x16xf32>,
      %parallel_loop3A_950 = vector.shape_cast %parallel_loop3A_949 : vector<1x16xf32> to vector<16xf32>
      %parallel_loop3A_951 = vector.shape_cast %parallel_loop3A_946 : vector<16xf32> to vector<1x16xf32>
      tpu.vector_store %arg14[%parallel_loop3A_947, %parallel_loop3A_948], %parallel_loop3A_951 {add = true, strides = array<i32>} : memref<768x128xf32, #tpu.memory_space<vmem>>, vector<1x16xf32>,
      %parallel_loop3A_952 = arith.mulf %parallel_loop3A_911, %get3A_464 : vector<16xf32>
      %parallel_loop3A_953 = arith.addf %parallel_loop3A_952, %get3A_488 : vector<16xf32>
      %parallel_loop3A_954 = arith.constant 0.000000e+00 : f32
      %parallel_loop3A_955 = vector.broadcast %parallel_loop3A_954 : f32 to vector<16xf32>
      %parallel_loop3A_956 = arith.maximumf %parallel_loop3A_953, %parallel_loop3A_955 : vector<16xf32>
      %parallel_loop3A_957 = arith.index_cast %parallel_loop3A_908 : i32 to index
      %parallel_loop3A_958 = arith.constant 64 : index
      %parallel_loop3A_959 = tpu.vector_load %arg14[%parallel_loop3A_957, %parallel_loop3A_958] {strides = array<i32>} : memref<768x128xf32, #tpu.memory_space<vmem>>, vector<1x16xf32>,
      %parallel_loop3A_960 = vector.shape_cast %parallel_loop3A_959 : vector<1x16xf32> to vector<16xf32>
      %parallel_loop3A_961 = vector.shape_cast %parallel_loop3A_956 : vector<16xf32> to vector<1x16xf32>
      tpu.vector_store %arg14[%parallel_loop3A_957, %parallel_loop3A_958], %parallel_loop3A_961 {add = true, strides = array<i32>} : memref<768x128xf32, #tpu.memory_space<vmem>>, vector<1x16xf32>,
      %parallel_loop3A_962 = arith.mulf %parallel_loop3A_911, %get3A_467 : vector<16xf32>
      %parallel_loop3A_963 = arith.addf %parallel_loop3A_962, %get3A_491 : vector<16xf32>
      %parallel_loop3A_964 = arith.constant 0.000000e+00 : f32
      %parallel_loop3A_965 = vector.broadcast %parallel_loop3A_964 : f32 to vector<16xf32>
      %parallel_loop3A_966 = arith.maximumf %parallel_loop3A_963, %parallel_loop3A_965 : vector<16xf32>
      %parallel_loop3A_967 = arith.index_cast %parallel_loop3A_908 : i32 to index
      %parallel_loop3A_968 = arith.constant 80 : index
      %parallel_loop3A_969 = tpu.vector_load %arg14[%parallel_loop3A_967, %parallel_loop3A_968] {strides = array<i32>} : memref<768x128xf32, #tpu.memory_space<vmem>>, vector<1x16xf32>,
      %parallel_loop3A_970 = vector.shape_cast %parallel_loop3A_969 : vector<1x16xf32> to vector<16xf32>
      %parallel_loop3A_971 = vector.shape_cast %parallel_loop3A_966 : vector<16xf32> to vector<1x16xf32>
      tpu.vector_store %arg14[%parallel_loop3A_967, %parallel_loop3A_968], %parallel_loop3A_971 {add = true, strides = array<i32>} : memref<768x128xf32, #tpu.memory_space<vmem>>, vector<1x16xf32>,
      %parallel_loop3A_972 = arith.mulf %parallel_loop3A_911, %get3A_470 : vector<16xf32>
      %parallel_loop3A_973 = arith.addf %parallel_loop3A_972, %get3A_494 : vector<16xf32>
      %parallel_loop3A_974 = arith.constant 0.000000e+00 : f32
      %parallel_loop3A_975 = vector.broadcast %parallel_loop3A_974 : f32 to vector<16xf32>
      %parallel_loop3A_976 = arith.maximumf %parallel_loop3A_973, %parallel_loop3A_975 : vector<16xf32>
      %parallel_loop3A_977 = arith.index_cast %parallel_loop3A_908 : i32 to index
      %parallel_loop3A_978 = arith.constant 96 : index
      %parallel_loop3A_979 = tpu.vector_load %arg14[%parallel_loop3A_977, %parallel_loop3A_978] {strides = array<i32>} : memref<768x128xf32, #tpu.memory_space<vmem>>, vector<1x16xf32>,
      %parallel_loop3A_980 = vector.shape_cast %parallel_loop3A_979 : vector<1x16xf32> to vector<16xf32>
      %parallel_loop3A_981 = vector.shape_cast %parallel_loop3A_976 : vector<16xf32> to vector<1x16xf32>
      tpu.vector_store %arg14[%parallel_loop3A_977, %parallel_loop3A_978], %parallel_loop3A_981 {add = true, strides = array<i32>} : memref<768x128xf32, #tpu.memory_space<vmem>>, vector<1x16xf32>,
      %parallel_loop3A_982 = arith.mulf %parallel_loop3A_911, %get3A_473 : vector<16xf32>
      %parallel_loop3A_983 = arith.addf %parallel_loop3A_982, %get3A_497 : vector<16xf32>
      %parallel_loop3A_984 = arith.constant 0.000000e+00 : f32
      %parallel_loop3A_985 = vector.broadcast %parallel_loop3A_984 : f32 to vector<16xf32>
      %parallel_loop3A_986 = arith.maximumf %parallel_loop3A_983, %parallel_loop3A_985 : vector<16xf32>
      %parallel_loop3A_987 = arith.index_cast %parallel_loop3A_908 : i32 to index
      %parallel_loop3A_988 = arith.constant 112 : index
      %parallel_loop3A_989 = tpu.vector_load %arg14[%parallel_loop3A_987, %parallel_loop3A_988] {strides = array<i32>} : memref<768x128xf32, #tpu.memory_space<vmem>>, vector<1x16xf32>,
      %parallel_loop3A_990 = vector.shape_cast %parallel_loop3A_989 : vector<1x16xf32> to vector<16xf32>
      %parallel_loop3A_991 = vector.shape_cast %parallel_loop3A_986 : vector<16xf32> to vector<1x16xf32>
      tpu.vector_store %arg14[%parallel_loop3A_987, %parallel_loop3A_988], %parallel_loop3A_991 {add = true, strides = array<i32>} : memref<768x128xf32, #tpu.memory_space<vmem>>, vector<1x16xf32>,
      %parallel_loop3A_992 = vector.extract_strided_slice %parallel_loop3A_566 {offsets = [5], sizes = [1], strides = [1]} : vector<16xi32> to vector<1xi32>
      %parallel_loop3A_993 = vector.extract %parallel_loop3A_992[0] : i32 from vector<1xi32>
      %parallel_loop3A_994 = vector.extract_strided_slice %parallel_loop3A_524 {offsets = [5], sizes = [1], strides = [1]} : vector<16xf32> to vector<1xf32>
      %parallel_loop3A_995 = vector.extract %parallel_loop3A_994[0] : f32 from vector<1xf32>
      %parallel_loop3A_996 = vector.broadcast %parallel_loop3A_995 : f32 to vector<16xf32>
      %parallel_loop3A_997 = arith.mulf %parallel_loop3A_996, %get3A_452 : vector<16xf32>
      %parallel_loop3A_998 = arith.addf %parallel_loop3A_997, %get3A_476 : vector<16xf32>
      %parallel_loop3A_999 = arith.constant 0.000000e+00 : f32
      %parallel_loop3A_1000 = vector.broadcast %parallel_loop3A_999 : f32 to vector<16xf32>
      %parallel_loop3A_1001 = arith.maximumf %parallel_loop3A_998, %parallel_loop3A_1000 : vector<16xf32>
      %parallel_loop3A_1002 = arith.index_cast %parallel_loop3A_993 : i32 to index
      %parallel_loop3A_1003 = arith.constant 0 : index
      %parallel_loop3A_1004 = tpu.vector_load %arg14[%parallel_loop3A_1002, %parallel_loop3A_1003] {strides = array<i32>} : memref<768x128xf32, #tpu.memory_space<vmem>>, vector<1x16xf32>,
      %parallel_loop3A_1005 = vector.shape_cast %parallel_loop3A_1004 : vector<1x16xf32> to vector<16xf32>
      %parallel_loop3A_1006 = vector.shape_cast %parallel_loop3A_1001 : vector<16xf32> to vector<1x16xf32>
      tpu.vector_store %arg14[%parallel_loop3A_1002, %parallel_loop3A_1003], %parallel_loop3A_1006 {add = true, strides = array<i32>} : memref<768x128xf32, #tpu.memory_space<vmem>>, vector<1x16xf32>,
      %parallel_loop3A_1007 = arith.mulf %parallel_loop3A_996, %get3A_455 : vector<16xf32>
      %parallel_loop3A_1008 = arith.addf %parallel_loop3A_1007, %get3A_479 : vector<16xf32>
      %parallel_loop3A_1009 = arith.constant 0.000000e+00 : f32
      %parallel_loop3A_1010 = vector.broadcast %parallel_loop3A_1009 : f32 to vector<16xf32>
      %parallel_loop3A_1011 = arith.maximumf %parallel_loop3A_1008, %parallel_loop3A_1010 : vector<16xf32>
      %parallel_loop3A_1012 = arith.index_cast %parallel_loop3A_993 : i32 to index
      %parallel_loop3A_1013 = arith.constant 16 : index
      %parallel_loop3A_1014 = tpu.vector_load %arg14[%parallel_loop3A_1012, %parallel_loop3A_1013] {strides = array<i32>} : memref<768x128xf32, #tpu.memory_space<vmem>>, vector<1x16xf32>,
      %parallel_loop3A_1015 = vector.shape_cast %parallel_loop3A_1014 : vector<1x16xf32> to vector<16xf32>
      %parallel_loop3A_1016 = vector.shape_cast %parallel_loop3A_1011 : vector<16xf32> to vector<1x16xf32>
      tpu.vector_store %arg14[%parallel_loop3A_1012, %parallel_loop3A_1013], %parallel_loop3A_1016 {add = true, strides = array<i32>} : memref<768x128xf32, #tpu.memory_space<vmem>>, vector<1x16xf32>,
      %parallel_loop3A_1017 = arith.mulf %parallel_loop3A_996, %get3A_458 : vector<16xf32>
      %parallel_loop3A_1018 = arith.addf %parallel_loop3A_1017, %get3A_482 : vector<16xf32>
      %parallel_loop3A_1019 = arith.constant 0.000000e+00 : f32
      %parallel_loop3A_1020 = vector.broadcast %parallel_loop3A_1019 : f32 to vector<16xf32>
      %parallel_loop3A_1021 = arith.maximumf %parallel_loop3A_1018, %parallel_loop3A_1020 : vector<16xf32>
      %parallel_loop3A_1022 = arith.index_cast %parallel_loop3A_993 : i32 to index
      %parallel_loop3A_1023 = arith.constant 32 : index
      %parallel_loop3A_1024 = tpu.vector_load %arg14[%parallel_loop3A_1022, %parallel_loop3A_1023] {strides = array<i32>} : memref<768x128xf32, #tpu.memory_space<vmem>>, vector<1x16xf32>,
      %parallel_loop3A_1025 = vector.shape_cast %parallel_loop3A_1024 : vector<1x16xf32> to vector<16xf32>
      %parallel_loop3A_1026 = vector.shape_cast %parallel_loop3A_1021 : vector<16xf32> to vector<1x16xf32>
      tpu.vector_store %arg14[%parallel_loop3A_1022, %parallel_loop3A_1023], %parallel_loop3A_1026 {add = true, strides = array<i32>} : memref<768x128xf32, #tpu.memory_space<vmem>>, vector<1x16xf32>,
      %parallel_loop3A_1027 = arith.mulf %parallel_loop3A_996, %get3A_461 : vector<16xf32>
      %parallel_loop3A_1028 = arith.addf %parallel_loop3A_1027, %get3A_485 : vector<16xf32>
      %parallel_loop3A_1029 = arith.constant 0.000000e+00 : f32
      %parallel_loop3A_1030 = vector.broadcast %parallel_loop3A_1029 : f32 to vector<16xf32>
      %parallel_loop3A_1031 = arith.maximumf %parallel_loop3A_1028, %parallel_loop3A_1030 : vector<16xf32>
      %parallel_loop3A_1032 = arith.index_cast %parallel_loop3A_993 : i32 to index
      %parallel_loop3A_1033 = arith.constant 48 : index
      %parallel_loop3A_1034 = tpu.vector_load %arg14[%parallel_loop3A_1032, %parallel_loop3A_1033] {strides = array<i32>} : memref<768x128xf32, #tpu.memory_space<vmem>>, vector<1x16xf32>,
      %parallel_loop3A_1035 = vector.shape_cast %parallel_loop3A_1034 : vector<1x16xf32> to vector<16xf32>
      %parallel_loop3A_1036 = vector.shape_cast %parallel_loop3A_1031 : vector<16xf32> to vector<1x16xf32>
      tpu.vector_store %arg14[%parallel_loop3A_1032, %parallel_loop3A_1033], %parallel_loop3A_1036 {add = true, strides = array<i32>} : memref<768x128xf32, #tpu.memory_space<vmem>>, vector<1x16xf32>,
      %parallel_loop3A_1037 = arith.mulf %parallel_loop3A_996, %get3A_464 : vector<16xf32>
      %parallel_loop3A_1038 = arith.addf %parallel_loop3A_1037, %get3A_488 : vector<16xf32>
      %parallel_loop3A_1039 = arith.constant 0.000000e+00 : f32
      %parallel_loop3A_1040 = vector.broadcast %parallel_loop3A_1039 : f32 to vector<16xf32>
      %parallel_loop3A_1041 = arith.maximumf %parallel_loop3A_1038, %parallel_loop3A_1040 : vector<16xf32>
      %parallel_loop3A_1042 = arith.index_cast %parallel_loop3A_993 : i32 to index
      %parallel_loop3A_1043 = arith.constant 64 : index
      %parallel_loop3A_1044 = tpu.vector_load %arg14[%parallel_loop3A_1042, %parallel_loop3A_1043] {strides = array<i32>} : memref<768x128xf32, #tpu.memory_space<vmem>>, vector<1x16xf32>,
      %parallel_loop3A_1045 = vector.shape_cast %parallel_loop3A_1044 : vector<1x16xf32> to vector<16xf32>
      %parallel_loop3A_1046 = vector.shape_cast %parallel_loop3A_1041 : vector<16xf32> to vector<1x16xf32>
      tpu.vector_store %arg14[%parallel_loop3A_1042, %parallel_loop3A_1043], %parallel_loop3A_1046 {add = true, strides = array<i32>} : memref<768x128xf32, #tpu.memory_space<vmem>>, vector<1x16xf32>,
      %parallel_loop3A_1047 = arith.mulf %parallel_loop3A_996, %get3A_467 : vector<16xf32>
      %parallel_loop3A_1048 = arith.addf %parallel_loop3A_1047, %get3A_491 : vector<16xf32>
      %parallel_loop3A_1049 = arith.constant 0.000000e+00 : f32
      %parallel_loop3A_1050 = vector.broadcast %parallel_loop3A_1049 : f32 to vector<16xf32>
      %parallel_loop3A_1051 = arith.maximumf %parallel_loop3A_1048, %parallel_loop3A_1050 : vector<16xf32>
      %parallel_loop3A_1052 = arith.index_cast %parallel_loop3A_993 : i32 to index
      %parallel_loop3A_1053 = arith.constant 80 : index
      %parallel_loop3A_1054 = tpu.vector_load %arg14[%parallel_loop3A_1052, %parallel_loop3A_1053] {strides = array<i32>} : memref<768x128xf32, #tpu.memory_space<vmem>>, vector<1x16xf32>,
      %parallel_loop3A_1055 = vector.shape_cast %parallel_loop3A_1054 : vector<1x16xf32> to vector<16xf32>
      %parallel_loop3A_1056 = vector.shape_cast %parallel_loop3A_1051 : vector<16xf32> to vector<1x16xf32>
      tpu.vector_store %arg14[%parallel_loop3A_1052, %parallel_loop3A_1053], %parallel_loop3A_1056 {add = true, strides = array<i32>} : memref<768x128xf32, #tpu.memory_space<vmem>>, vector<1x16xf32>,
      %parallel_loop3A_1057 = arith.mulf %parallel_loop3A_996, %get3A_470 : vector<16xf32>
      %parallel_loop3A_1058 = arith.addf %parallel_loop3A_1057, %get3A_494 : vector<16xf32>
      %parallel_loop3A_1059 = arith.constant 0.000000e+00 : f32
      %parallel_loop3A_1060 = vector.broadcast %parallel_loop3A_1059 : f32 to vector<16xf32>
      %parallel_loop3A_1061 = arith.maximumf %parallel_loop3A_1058, %parallel_loop3A_1060 : vector<16xf32>
      %parallel_loop3A_1062 = arith.index_cast %parallel_loop3A_993 : i32 to index
      %parallel_loop3A_1063 = arith.constant 96 : index
      %parallel_loop3A_1064 = tpu.vector_load %arg14[%parallel_loop3A_1062, %parallel_loop3A_1063] {strides = array<i32>} : memref<768x128xf32, #tpu.memory_space<vmem>>, vector<1x16xf32>,
      %parallel_loop3A_1065 = vector.shape_cast %parallel_loop3A_1064 : vector<1x16xf32> to vector<16xf32>
      %parallel_loop3A_1066 = vector.shape_cast %parallel_loop3A_1061 : vector<16xf32> to vector<1x16xf32>
      tpu.vector_store %arg14[%parallel_loop3A_1062, %parallel_loop3A_1063], %parallel_loop3A_1066 {add = true, strides = array<i32>} : memref<768x128xf32, #tpu.memory_space<vmem>>, vector<1x16xf32>,
      %parallel_loop3A_1067 = arith.mulf %parallel_loop3A_996, %get3A_473 : vector<16xf32>
      %parallel_loop3A_1068 = arith.addf %parallel_loop3A_1067, %get3A_497 : vector<16xf32>
      %parallel_loop3A_1069 = arith.constant 0.000000e+00 : f32
      %parallel_loop3A_1070 = vector.broadcast %parallel_loop3A_1069 : f32 to vector<16xf32>
      %parallel_loop3A_1071 = arith.maximumf %parallel_loop3A_1068, %parallel_loop3A_1070 : vector<16xf32>
      %parallel_loop3A_1072 = arith.index_cast %parallel_loop3A_993 : i32 to index
      %parallel_loop3A_1073 = arith.constant 112 : index
      %parallel_loop3A_1074 = tpu.vector_load %arg14[%parallel_loop3A_1072, %parallel_loop3A_1073] {strides = array<i32>} : memref<768x128xf32, #tpu.memory_space<vmem>>, vector<1x16xf32>,
      %parallel_loop3A_1075 = vector.shape_cast %parallel_loop3A_1074 : vector<1x16xf32> to vector<16xf32>
      %parallel_loop3A_1076 = vector.shape_cast %parallel_loop3A_1071 : vector<16xf32> to vector<1x16xf32>
      tpu.vector_store %arg14[%parallel_loop3A_1072, %parallel_loop3A_1073], %parallel_loop3A_1076 {add = true, strides = array<i32>} : memref<768x128xf32, #tpu.memory_space<vmem>>, vector<1x16xf32>,
      %parallel_loop3A_1077 = vector.extract_strided_slice %parallel_loop3A_566 {offsets = [6], sizes = [1], strides = [1]} : vector<16xi32> to vector<1xi32>
      %parallel_loop3A_1078 = vector.extract %parallel_loop3A_1077[0] : i32 from vector<1xi32>
      %parallel_loop3A_1079 = vector.extract_strided_slice %parallel_loop3A_524 {offsets = [6], sizes = [1], strides = [1]} : vector<16xf32> to vector<1xf32>
      %parallel_loop3A_1080 = vector.extract %parallel_loop3A_1079[0] : f32 from vector<1xf32>
      %parallel_loop3A_1081 = vector.broadcast %parallel_loop3A_1080 : f32 to vector<16xf32>
      %parallel_loop3A_1082 = arith.mulf %parallel_loop3A_1081, %get3A_452 : vector<16xf32>
      %parallel_loop3A_1083 = arith.addf %parallel_loop3A_1082, %get3A_476 : vector<16xf32>
      %parallel_loop3A_1084 = arith.constant 0.000000e+00 : f32
      %parallel_loop3A_1085 = vector.broadcast %parallel_loop3A_1084 : f32 to vector<16xf32>
      %parallel_loop3A_1086 = arith.maximumf %parallel_loop3A_1083, %parallel_loop3A_1085 : vector<16xf32>
      %parallel_loop3A_1087 = arith.index_cast %parallel_loop3A_1078 : i32 to index
      %parallel_loop3A_1088 = arith.constant 0 : index
      %parallel_loop3A_1089 = tpu.vector_load %arg14[%parallel_loop3A_1087, %parallel_loop3A_1088] {strides = array<i32>} : memref<768x128xf32, #tpu.memory_space<vmem>>, vector<1x16xf32>,
      %parallel_loop3A_1090 = vector.shape_cast %parallel_loop3A_1089 : vector<1x16xf32> to vector<16xf32>
      %parallel_loop3A_1091 = vector.shape_cast %parallel_loop3A_1086 : vector<16xf32> to vector<1x16xf32>
      tpu.vector_store %arg14[%parallel_loop3A_1087, %parallel_loop3A_1088], %parallel_loop3A_1091 {add = true, strides = array<i32>} : memref<768x128xf32, #tpu.memory_space<vmem>>, vector<1x16xf32>,
      %parallel_loop3A_1092 = arith.mulf %parallel_loop3A_1081, %get3A_455 : vector<16xf32>
      %parallel_loop3A_1093 = arith.addf %parallel_loop3A_1092, %get3A_479 : vector<16xf32>
      %parallel_loop3A_1094 = arith.constant 0.000000e+00 : f32
      %parallel_loop3A_1095 = vector.broadcast %parallel_loop3A_1094 : f32 to vector<16xf32>
      %parallel_loop3A_1096 = arith.maximumf %parallel_loop3A_1093, %parallel_loop3A_1095 : vector<16xf32>
      %parallel_loop3A_1097 = arith.index_cast %parallel_loop3A_1078 : i32 to index
      %parallel_loop3A_1098 = arith.constant 16 : index
      %parallel_loop3A_1099 = tpu.vector_load %arg14[%parallel_loop3A_1097, %parallel_loop3A_1098] {strides = array<i32>} : memref<768x128xf32, #tpu.memory_space<vmem>>, vector<1x16xf32>,
      %parallel_loop3A_1100 = vector.shape_cast %parallel_loop3A_1099 : vector<1x16xf32> to vector<16xf32>
      %parallel_loop3A_1101 = vector.shape_cast %parallel_loop3A_1096 : vector<16xf32> to vector<1x16xf32>
      tpu.vector_store %arg14[%parallel_loop3A_1097, %parallel_loop3A_1098], %parallel_loop3A_1101 {add = true, strides = array<i32>} : memref<768x128xf32, #tpu.memory_space<vmem>>, vector<1x16xf32>,
      %parallel_loop3A_1102 = arith.mulf %parallel_loop3A_1081, %get3A_458 : vector<16xf32>
      %parallel_loop3A_1103 = arith.addf %parallel_loop3A_1102, %get3A_482 : vector<16xf32>
      %parallel_loop3A_1104 = arith.constant 0.000000e+00 : f32
      %parallel_loop3A_1105 = vector.broadcast %parallel_loop3A_1104 : f32 to vector<16xf32>
      %parallel_loop3A_1106 = arith.maximumf %parallel_loop3A_1103, %parallel_loop3A_1105 : vector<16xf32>
      %parallel_loop3A_1107 = arith.index_cast %parallel_loop3A_1078 : i32 to index
      %parallel_loop3A_1108 = arith.constant 32 : index
      %parallel_loop3A_1109 = tpu.vector_load %arg14[%parallel_loop3A_1107, %parallel_loop3A_1108] {strides = array<i32>} : memref<768x128xf32, #tpu.memory_space<vmem>>, vector<1x16xf32>,
      %parallel_loop3A_1110 = vector.shape_cast %parallel_loop3A_1109 : vector<1x16xf32> to vector<16xf32>
      %parallel_loop3A_1111 = vector.shape_cast %parallel_loop3A_1106 : vector<16xf32> to vector<1x16xf32>
      tpu.vector_store %arg14[%parallel_loop3A_1107, %parallel_loop3A_1108], %parallel_loop3A_1111 {add = true, strides = array<i32>} : memref<768x128xf32, #tpu.memory_space<vmem>>, vector<1x16xf32>,
      %parallel_loop3A_1112 = arith.mulf %parallel_loop3A_1081, %get3A_461 : vector<16xf32>
      %parallel_loop3A_1113 = arith.addf %parallel_loop3A_1112, %get3A_485 : vector<16xf32>
      %parallel_loop3A_1114 = arith.constant 0.000000e+00 : f32
      %parallel_loop3A_1115 = vector.broadcast %parallel_loop3A_1114 : f32 to vector<16xf32>
      %parallel_loop3A_1116 = arith.maximumf %parallel_loop3A_1113, %parallel_loop3A_1115 : vector<16xf32>
      %parallel_loop3A_1117 = arith.index_cast %parallel_loop3A_1078 : i32 to index
      %parallel_loop3A_1118 = arith.constant 48 : index
      %parallel_loop3A_1119 = tpu.vector_load %arg14[%parallel_loop3A_1117, %parallel_loop3A_1118] {strides = array<i32>} : memref<768x128xf32, #tpu.memory_space<vmem>>, vector<1x16xf32>,
      %parallel_loop3A_1120 = vector.shape_cast %parallel_loop3A_1119 : vector<1x16xf32> to vector<16xf32>
      %parallel_loop3A_1121 = vector.shape_cast %parallel_loop3A_1116 : vector<16xf32> to vector<1x16xf32>
      tpu.vector_store %arg14[%parallel_loop3A_1117, %parallel_loop3A_1118], %parallel_loop3A_1121 {add = true, strides = array<i32>} : memref<768x128xf32, #tpu.memory_space<vmem>>, vector<1x16xf32>,
      %parallel_loop3A_1122 = arith.mulf %parallel_loop3A_1081, %get3A_464 : vector<16xf32>
      %parallel_loop3A_1123 = arith.addf %parallel_loop3A_1122, %get3A_488 : vector<16xf32>
      %parallel_loop3A_1124 = arith.constant 0.000000e+00 : f32
      %parallel_loop3A_1125 = vector.broadcast %parallel_loop3A_1124 : f32 to vector<16xf32>
      %parallel_loop3A_1126 = arith.maximumf %parallel_loop3A_1123, %parallel_loop3A_1125 : vector<16xf32>
      %parallel_loop3A_1127 = arith.index_cast %parallel_loop3A_1078 : i32 to index
      %parallel_loop3A_1128 = arith.constant 64 : index
      %parallel_loop3A_1129 = tpu.vector_load %arg14[%parallel_loop3A_1127, %parallel_loop3A_1128] {strides = array<i32>} : memref<768x128xf32, #tpu.memory_space<vmem>>, vector<1x16xf32>,
      %parallel_loop3A_1130 = vector.shape_cast %parallel_loop3A_1129 : vector<1x16xf32> to vector<16xf32>
      %parallel_loop3A_1131 = vector.shape_cast %parallel_loop3A_1126 : vector<16xf32> to vector<1x16xf32>
      tpu.vector_store %arg14[%parallel_loop3A_1127, %parallel_loop3A_1128], %parallel_loop3A_1131 {add = true, strides = array<i32>} : memref<768x128xf32, #tpu.memory_space<vmem>>, vector<1x16xf32>,
      %parallel_loop3A_1132 = arith.mulf %parallel_loop3A_1081, %get3A_467 : vector<16xf32>
      %parallel_loop3A_1133 = arith.addf %parallel_loop3A_1132, %get3A_491 : vector<16xf32>
      %parallel_loop3A_1134 = arith.constant 0.000000e+00 : f32
      %parallel_loop3A_1135 = vector.broadcast %parallel_loop3A_1134 : f32 to vector<16xf32>
      %parallel_loop3A_1136 = arith.maximumf %parallel_loop3A_1133, %parallel_loop3A_1135 : vector<16xf32>
      %parallel_loop3A_1137 = arith.index_cast %parallel_loop3A_1078 : i32 to index
      %parallel_loop3A_1138 = arith.constant 80 : index
      %parallel_loop3A_1139 = tpu.vector_load %arg14[%parallel_loop3A_1137, %parallel_loop3A_1138] {strides = array<i32>} : memref<768x128xf32, #tpu.memory_space<vmem>>, vector<1x16xf32>,
      %parallel_loop3A_1140 = vector.shape_cast %parallel_loop3A_1139 : vector<1x16xf32> to vector<16xf32>
      %parallel_loop3A_1141 = vector.shape_cast %parallel_loop3A_1136 : vector<16xf32> to vector<1x16xf32>
      tpu.vector_store %arg14[%parallel_loop3A_1137, %parallel_loop3A_1138], %parallel_loop3A_1141 {add = true, strides = array<i32>} : memref<768x128xf32, #tpu.memory_space<vmem>>, vector<1x16xf32>,
      %parallel_loop3A_1142 = arith.mulf %parallel_loop3A_1081, %get3A_470 : vector<16xf32>
      %parallel_loop3A_1143 = arith.addf %parallel_loop3A_1142, %get3A_494 : vector<16xf32>
      %parallel_loop3A_1144 = arith.constant 0.000000e+00 : f32
      %parallel_loop3A_1145 = vector.broadcast %parallel_loop3A_1144 : f32 to vector<16xf32>
      %parallel_loop3A_1146 = arith.maximumf %parallel_loop3A_1143, %parallel_loop3A_1145 : vector<16xf32>
      %parallel_loop3A_1147 = arith.index_cast %parallel_loop3A_1078 : i32 to index
      %parallel_loop3A_1148 = arith.constant 96 : index
      %parallel_loop3A_1149 = tpu.vector_load %arg14[%parallel_loop3A_1147, %parallel_loop3A_1148] {strides = array<i32>} : memref<768x128xf32, #tpu.memory_space<vmem>>, vector<1x16xf32>,
      %parallel_loop3A_1150 = vector.shape_cast %parallel_loop3A_1149 : vector<1x16xf32> to vector<16xf32>
      %parallel_loop3A_1151 = vector.shape_cast %parallel_loop3A_1146 : vector<16xf32> to vector<1x16xf32>
      tpu.vector_store %arg14[%parallel_loop3A_1147, %parallel_loop3A_1148], %parallel_loop3A_1151 {add = true, strides = array<i32>} : memref<768x128xf32, #tpu.memory_space<vmem>>, vector<1x16xf32>,
      %parallel_loop3A_1152 = arith.mulf %parallel_loop3A_1081, %get3A_473 : vector<16xf32>
      %parallel_loop3A_1153 = arith.addf %parallel_loop3A_1152, %get3A_497 : vector<16xf32>
      %parallel_loop3A_1154 = arith.constant 0.000000e+00 : f32
      %parallel_loop3A_1155 = vector.broadcast %parallel_loop3A_1154 : f32 to vector<16xf32>
      %parallel_loop3A_1156 = arith.maximumf %parallel_loop3A_1153, %parallel_loop3A_1155 : vector<16xf32>
      %parallel_loop3A_1157 = arith.index_cast %parallel_loop3A_1078 : i32 to index
      %parallel_loop3A_1158 = arith.constant 112 : index
      %parallel_loop3A_1159 = tpu.vector_load %arg14[%parallel_loop3A_1157, %parallel_loop3A_1158] {strides = array<i32>} : memref<768x128xf32, #tpu.memory_space<vmem>>, vector<1x16xf32>,
      %parallel_loop3A_1160 = vector.shape_cast %parallel_loop3A_1159 : vector<1x16xf32> to vector<16xf32>
      %parallel_loop3A_1161 = vector.shape_cast %parallel_loop3A_1156 : vector<16xf32> to vector<1x16xf32>
      tpu.vector_store %arg14[%parallel_loop3A_1157, %parallel_loop3A_1158], %parallel_loop3A_1161 {add = true, strides = array<i32>} : memref<768x128xf32, #tpu.memory_space<vmem>>, vector<1x16xf32>,
      %parallel_loop3A_1162 = vector.extract_strided_slice %parallel_loop3A_566 {offsets = [7], sizes = [1], strides = [1]} : vector<16xi32> to vector<1xi32>
      %parallel_loop3A_1163 = vector.extract %parallel_loop3A_1162[0] : i32 from vector<1xi32>
      %parallel_loop3A_1164 = vector.extract_strided_slice %parallel_loop3A_524 {offsets = [7], sizes = [1], strides = [1]} : vector<16xf32> to vector<1xf32>
      %parallel_loop3A_1165 = vector.extract %parallel_loop3A_1164[0] : f32 from vector<1xf32>
      %parallel_loop3A_1166 = vector.broadcast %parallel_loop3A_1165 : f32 to vector<16xf32>
      %parallel_loop3A_1167 = arith.mulf %parallel_loop3A_1166, %get3A_452 : vector<16xf32>
      %parallel_loop3A_1168 = arith.addf %parallel_loop3A_1167, %get3A_476 : vector<16xf32>
      %parallel_loop3A_1169 = arith.constant 0.000000e+00 : f32
      %parallel_loop3A_1170 = vector.broadcast %parallel_loop3A_1169 : f32 to vector<16xf32>
      %parallel_loop3A_1171 = arith.maximumf %parallel_loop3A_1168, %parallel_loop3A_1170 : vector<16xf32>
      %parallel_loop3A_1172 = arith.index_cast %parallel_loop3A_1163 : i32 to index
      %parallel_loop3A_1173 = arith.constant 0 : index
      %parallel_loop3A_1174 = tpu.vector_load %arg14[%parallel_loop3A_1172, %parallel_loop3A_1173] {strides = array<i32>} : memref<768x128xf32, #tpu.memory_space<vmem>>, vector<1x16xf32>,
      %parallel_loop3A_1175 = vector.shape_cast %parallel_loop3A_1174 : vector<1x16xf32> to vector<16xf32>
      %parallel_loop3A_1176 = vector.shape_cast %parallel_loop3A_1171 : vector<16xf32> to vector<1x16xf32>
      tpu.vector_store %arg14[%parallel_loop3A_1172, %parallel_loop3A_1173], %parallel_loop3A_1176 {add = true, strides = array<i32>} : memref<768x128xf32, #tpu.memory_space<vmem>>, vector<1x16xf32>,
      %parallel_loop3A_1177 = arith.mulf %parallel_loop3A_1166, %get3A_455 : vector<16xf32>
      %parallel_loop3A_1178 = arith.addf %parallel_loop3A_1177, %get3A_479 : vector<16xf32>
      %parallel_loop3A_1179 = arith.constant 0.000000e+00 : f32
      %parallel_loop3A_1180 = vector.broadcast %parallel_loop3A_1179 : f32 to vector<16xf32>
      %parallel_loop3A_1181 = arith.maximumf %parallel_loop3A_1178, %parallel_loop3A_1180 : vector<16xf32>
      %parallel_loop3A_1182 = arith.index_cast %parallel_loop3A_1163 : i32 to index
      %parallel_loop3A_1183 = arith.constant 16 : index
      %parallel_loop3A_1184 = tpu.vector_load %arg14[%parallel_loop3A_1182, %parallel_loop3A_1183] {strides = array<i32>} : memref<768x128xf32, #tpu.memory_space<vmem>>, vector<1x16xf32>,
      %parallel_loop3A_1185 = vector.shape_cast %parallel_loop3A_1184 : vector<1x16xf32> to vector<16xf32>
      %parallel_loop3A_1186 = vector.shape_cast %parallel_loop3A_1181 : vector<16xf32> to vector<1x16xf32>
      tpu.vector_store %arg14[%parallel_loop3A_1182, %parallel_loop3A_1183], %parallel_loop3A_1186 {add = true, strides = array<i32>} : memref<768x128xf32, #tpu.memory_space<vmem>>, vector<1x16xf32>,
      %parallel_loop3A_1187 = arith.mulf %parallel_loop3A_1166, %get3A_458 : vector<16xf32>
      %parallel_loop3A_1188 = arith.addf %parallel_loop3A_1187, %get3A_482 : vector<16xf32>
      %parallel_loop3A_1189 = arith.constant 0.000000e+00 : f32
      %parallel_loop3A_1190 = vector.broadcast %parallel_loop3A_1189 : f32 to vector<16xf32>
      %parallel_loop3A_1191 = arith.maximumf %parallel_loop3A_1188, %parallel_loop3A_1190 : vector<16xf32>
      %parallel_loop3A_1192 = arith.index_cast %parallel_loop3A_1163 : i32 to index
      %parallel_loop3A_1193 = arith.constant 32 : index
      %parallel_loop3A_1194 = tpu.vector_load %arg14[%parallel_loop3A_1192, %parallel_loop3A_1193] {strides = array<i32>} : memref<768x128xf32, #tpu.memory_space<vmem>>, vector<1x16xf32>,
      %parallel_loop3A_1195 = vector.shape_cast %parallel_loop3A_1194 : vector<1x16xf32> to vector<16xf32>
      %parallel_loop3A_1196 = vector.shape_cast %parallel_loop3A_1191 : vector<16xf32> to vector<1x16xf32>
      tpu.vector_store %arg14[%parallel_loop3A_1192, %parallel_loop3A_1193], %parallel_loop3A_1196 {add = true, strides = array<i32>} : memref<768x128xf32, #tpu.memory_space<vmem>>, vector<1x16xf32>,
      %parallel_loop3A_1197 = arith.mulf %parallel_loop3A_1166, %get3A_461 : vector<16xf32>
      %parallel_loop3A_1198 = arith.addf %parallel_loop3A_1197, %get3A_485 : vector<16xf32>
      %parallel_loop3A_1199 = arith.constant 0.000000e+00 : f32
      %parallel_loop3A_1200 = vector.broadcast %parallel_loop3A_1199 : f32 to vector<16xf32>
      %parallel_loop3A_1201 = arith.maximumf %parallel_loop3A_1198, %parallel_loop3A_1200 : vector<16xf32>
      %parallel_loop3A_1202 = arith.index_cast %parallel_loop3A_1163 : i32 to index
      %parallel_loop3A_1203 = arith.constant 48 : index
      %parallel_loop3A_1204 = tpu.vector_load %arg14[%parallel_loop3A_1202, %parallel_loop3A_1203] {strides = array<i32>} : memref<768x128xf32, #tpu.memory_space<vmem>>, vector<1x16xf32>,
      %parallel_loop3A_1205 = vector.shape_cast %parallel_loop3A_1204 : vector<1x16xf32> to vector<16xf32>
      %parallel_loop3A_1206 = vector.shape_cast %parallel_loop3A_1201 : vector<16xf32> to vector<1x16xf32>
      tpu.vector_store %arg14[%parallel_loop3A_1202, %parallel_loop3A_1203], %parallel_loop3A_1206 {add = true, strides = array<i32>} : memref<768x128xf32, #tpu.memory_space<vmem>>, vector<1x16xf32>,
      %parallel_loop3A_1207 = arith.mulf %parallel_loop3A_1166, %get3A_464 : vector<16xf32>
      %parallel_loop3A_1208 = arith.addf %parallel_loop3A_1207, %get3A_488 : vector<16xf32>
      %parallel_loop3A_1209 = arith.constant 0.000000e+00 : f32
      %parallel_loop3A_1210 = vector.broadcast %parallel_loop3A_1209 : f32 to vector<16xf32>
      %parallel_loop3A_1211 = arith.maximumf %parallel_loop3A_1208, %parallel_loop3A_1210 : vector<16xf32>
      %parallel_loop3A_1212 = arith.index_cast %parallel_loop3A_1163 : i32 to index
      %parallel_loop3A_1213 = arith.constant 64 : index
      %parallel_loop3A_1214 = tpu.vector_load %arg14[%parallel_loop3A_1212, %parallel_loop3A_1213] {strides = array<i32>} : memref<768x128xf32, #tpu.memory_space<vmem>>, vector<1x16xf32>,
      %parallel_loop3A_1215 = vector.shape_cast %parallel_loop3A_1214 : vector<1x16xf32> to vector<16xf32>
      %parallel_loop3A_1216 = vector.shape_cast %parallel_loop3A_1211 : vector<16xf32> to vector<1x16xf32>
      tpu.vector_store %arg14[%parallel_loop3A_1212, %parallel_loop3A_1213], %parallel_loop3A_1216 {add = true, strides = array<i32>} : memref<768x128xf32, #tpu.memory_space<vmem>>, vector<1x16xf32>,
      %parallel_loop3A_1217 = arith.mulf %parallel_loop3A_1166, %get3A_467 : vector<16xf32>
      %parallel_loop3A_1218 = arith.addf %parallel_loop3A_1217, %get3A_491 : vector<16xf32>
      %parallel_loop3A_1219 = arith.constant 0.000000e+00 : f32
      %parallel_loop3A_1220 = vector.broadcast %parallel_loop3A_1219 : f32 to vector<16xf32>
      %parallel_loop3A_1221 = arith.maximumf %parallel_loop3A_1218, %parallel_loop3A_1220 : vector<16xf32>
      %parallel_loop3A_1222 = arith.index_cast %parallel_loop3A_1163 : i32 to index
      %parallel_loop3A_1223 = arith.constant 80 : index
      %parallel_loop3A_1224 = tpu.vector_load %arg14[%parallel_loop3A_1222, %parallel_loop3A_1223] {strides = array<i32>} : memref<768x128xf32, #tpu.memory_space<vmem>>, vector<1x16xf32>,
      %parallel_loop3A_1225 = vector.shape_cast %parallel_loop3A_1224 : vector<1x16xf32> to vector<16xf32>
      %parallel_loop3A_1226 = vector.shape_cast %parallel_loop3A_1221 : vector<16xf32> to vector<1x16xf32>
      tpu.vector_store %arg14[%parallel_loop3A_1222, %parallel_loop3A_1223], %parallel_loop3A_1226 {add = true, strides = array<i32>} : memref<768x128xf32, #tpu.memory_space<vmem>>, vector<1x16xf32>,
      %parallel_loop3A_1227 = arith.mulf %parallel_loop3A_1166, %get3A_470 : vector<16xf32>
      %parallel_loop3A_1228 = arith.addf %parallel_loop3A_1227, %get3A_494 : vector<16xf32>
      %parallel_loop3A_1229 = arith.constant 0.000000e+00 : f32
      %parallel_loop3A_1230 = vector.broadcast %parallel_loop3A_1229 : f32 to vector<16xf32>
      %parallel_loop3A_1231 = arith.maximumf %parallel_loop3A_1228, %parallel_loop3A_1230 : vector<16xf32>
      %parallel_loop3A_1232 = arith.index_cast %parallel_loop3A_1163 : i32 to index
      %parallel_loop3A_1233 = arith.constant 96 : index
      %parallel_loop3A_1234 = tpu.vector_load %arg14[%parallel_loop3A_1232, %parallel_loop3A_1233] {strides = array<i32>} : memref<768x128xf32, #tpu.memory_space<vmem>>, vector<1x16xf32>,
      %parallel_loop3A_1235 = vector.shape_cast %parallel_loop3A_1234 : vector<1x16xf32> to vector<16xf32>
      %parallel_loop3A_1236 = vector.shape_cast %parallel_loop3A_1231 : vector<16xf32> to vector<1x16xf32>
      tpu.vector_store %arg14[%parallel_loop3A_1232, %parallel_loop3A_1233], %parallel_loop3A_1236 {add = true, strides = array<i32>} : memref<768x128xf32, #tpu.memory_space<vmem>>, vector<1x16xf32>,
      %parallel_loop3A_1237 = arith.mulf %parallel_loop3A_1166, %get3A_473 : vector<16xf32>
      %parallel_loop3A_1238 = arith.addf %parallel_loop3A_1237, %get3A_497 : vector<16xf32>
      %parallel_loop3A_1239 = arith.constant 0.000000e+00 : f32
      %parallel_loop3A_1240 = vector.broadcast %parallel_loop3A_1239 : f32 to vector<16xf32>
      %parallel_loop3A_1241 = arith.maximumf %parallel_loop3A_1238, %parallel_loop3A_1240 : vector<16xf32>
      %parallel_loop3A_1242 = arith.index_cast %parallel_loop3A_1163 : i32 to index
      %parallel_loop3A_1243 = arith.constant 112 : index
      %parallel_loop3A_1244 = tpu.vector_load %arg14[%parallel_loop3A_1242, %parallel_loop3A_1243] {strides = array<i32>} : memref<768x128xf32, #tpu.memory_space<vmem>>, vector<1x16xf32>,
      %parallel_loop3A_1245 = vector.shape_cast %parallel_loop3A_1244 : vector<1x16xf32> to vector<16xf32>
      %parallel_loop3A_1246 = vector.shape_cast %parallel_loop3A_1241 : vector<16xf32> to vector<1x16xf32>
      tpu.vector_store %arg14[%parallel_loop3A_1242, %parallel_loop3A_1243], %parallel_loop3A_1246 {add = true, strides = array<i32>} : memref<768x128xf32, #tpu.memory_space<vmem>>, vector<1x16xf32>,
      %parallel_loop3A_1247 = vector.extract_strided_slice %parallel_loop3A_566 {offsets = [8], sizes = [1], strides = [1]} : vector<16xi32> to vector<1xi32>
      %parallel_loop3A_1248 = vector.extract %parallel_loop3A_1247[0] : i32 from vector<1xi32>
      %parallel_loop3A_1249 = vector.extract_strided_slice %parallel_loop3A_524 {offsets = [8], sizes = [1], strides = [1]} : vector<16xf32> to vector<1xf32>
      %parallel_loop3A_1250 = vector.extract %parallel_loop3A_1249[0] : f32 from vector<1xf32>
      %parallel_loop3A_1251 = vector.broadcast %parallel_loop3A_1250 : f32 to vector<16xf32>
      %parallel_loop3A_1252 = arith.mulf %parallel_loop3A_1251, %get3A_452 : vector<16xf32>
      %parallel_loop3A_1253 = arith.addf %parallel_loop3A_1252, %get3A_476 : vector<16xf32>
      %parallel_loop3A_1254 = arith.constant 0.000000e+00 : f32
      %parallel_loop3A_1255 = vector.broadcast %parallel_loop3A_1254 : f32 to vector<16xf32>
      %parallel_loop3A_1256 = arith.maximumf %parallel_loop3A_1253, %parallel_loop3A_1255 : vector<16xf32>
      %parallel_loop3A_1257 = arith.index_cast %parallel_loop3A_1248 : i32 to index
      %parallel_loop3A_1258 = arith.constant 0 : index
      %parallel_loop3A_1259 = tpu.vector_load %arg14[%parallel_loop3A_1257, %parallel_loop3A_1258] {strides = array<i32>} : memref<768x128xf32, #tpu.memory_space<vmem>>, vector<1x16xf32>,
      %parallel_loop3A_1260 = vector.shape_cast %parallel_loop3A_1259 : vector<1x16xf32> to vector<16xf32>
      %parallel_loop3A_1261 = vector.shape_cast %parallel_loop3A_1256 : vector<16xf32> to vector<1x16xf32>
      tpu.vector_store %arg14[%parallel_loop3A_1257, %parallel_loop3A_1258], %parallel_loop3A_1261 {add = true, strides = array<i32>} : memref<768x128xf32, #tpu.memory_space<vmem>>, vector<1x16xf32>,
      %parallel_loop3A_1262 = arith.mulf %parallel_loop3A_1251, %get3A_455 : vector<16xf32>
      %parallel_loop3A_1263 = arith.addf %parallel_loop3A_1262, %get3A_479 : vector<16xf32>
      %parallel_loop3A_1264 = arith.constant 0.000000e+00 : f32
      %parallel_loop3A_1265 = vector.broadcast %parallel_loop3A_1264 : f32 to vector<16xf32>
      %parallel_loop3A_1266 = arith.maximumf %parallel_loop3A_1263, %parallel_loop3A_1265 : vector<16xf32>
      %parallel_loop3A_1267 = arith.index_cast %parallel_loop3A_1248 : i32 to index
      %parallel_loop3A_1268 = arith.constant 16 : index
      %parallel_loop3A_1269 = tpu.vector_load %arg14[%parallel_loop3A_1267, %parallel_loop3A_1268] {strides = array<i32>} : memref<768x128xf32, #tpu.memory_space<vmem>>, vector<1x16xf32>,
      %parallel_loop3A_1270 = vector.shape_cast %parallel_loop3A_1269 : vector<1x16xf32> to vector<16xf32>
      %parallel_loop3A_1271 = vector.shape_cast %parallel_loop3A_1266 : vector<16xf32> to vector<1x16xf32>
      tpu.vector_store %arg14[%parallel_loop3A_1267, %parallel_loop3A_1268], %parallel_loop3A_1271 {add = true, strides = array<i32>} : memref<768x128xf32, #tpu.memory_space<vmem>>, vector<1x16xf32>,
      %parallel_loop3A_1272 = arith.mulf %parallel_loop3A_1251, %get3A_458 : vector<16xf32>
      %parallel_loop3A_1273 = arith.addf %parallel_loop3A_1272, %get3A_482 : vector<16xf32>
      %parallel_loop3A_1274 = arith.constant 0.000000e+00 : f32
      %parallel_loop3A_1275 = vector.broadcast %parallel_loop3A_1274 : f32 to vector<16xf32>
      %parallel_loop3A_1276 = arith.maximumf %parallel_loop3A_1273, %parallel_loop3A_1275 : vector<16xf32>
      %parallel_loop3A_1277 = arith.index_cast %parallel_loop3A_1248 : i32 to index
      %parallel_loop3A_1278 = arith.constant 32 : index
      %parallel_loop3A_1279 = tpu.vector_load %arg14[%parallel_loop3A_1277, %parallel_loop3A_1278] {strides = array<i32>} : memref<768x128xf32, #tpu.memory_space<vmem>>, vector<1x16xf32>,
      %parallel_loop3A_1280 = vector.shape_cast %parallel_loop3A_1279 : vector<1x16xf32> to vector<16xf32>
      %parallel_loop3A_1281 = vector.shape_cast %parallel_loop3A_1276 : vector<16xf32> to vector<1x16xf32>
      tpu.vector_store %arg14[%parallel_loop3A_1277, %parallel_loop3A_1278], %parallel_loop3A_1281 {add = true, strides = array<i32>} : memref<768x128xf32, #tpu.memory_space<vmem>>, vector<1x16xf32>,
      %parallel_loop3A_1282 = arith.mulf %parallel_loop3A_1251, %get3A_461 : vector<16xf32>
      %parallel_loop3A_1283 = arith.addf %parallel_loop3A_1282, %get3A_485 : vector<16xf32>
      %parallel_loop3A_1284 = arith.constant 0.000000e+00 : f32
      %parallel_loop3A_1285 = vector.broadcast %parallel_loop3A_1284 : f32 to vector<16xf32>
      %parallel_loop3A_1286 = arith.maximumf %parallel_loop3A_1283, %parallel_loop3A_1285 : vector<16xf32>
      %parallel_loop3A_1287 = arith.index_cast %parallel_loop3A_1248 : i32 to index
      %parallel_loop3A_1288 = arith.constant 48 : index
      %parallel_loop3A_1289 = tpu.vector_load %arg14[%parallel_loop3A_1287, %parallel_loop3A_1288] {strides = array<i32>} : memref<768x128xf32, #tpu.memory_space<vmem>>, vector<1x16xf32>,
      %parallel_loop3A_1290 = vector.shape_cast %parallel_loop3A_1289 : vector<1x16xf32> to vector<16xf32>
      %parallel_loop3A_1291 = vector.shape_cast %parallel_loop3A_1286 : vector<16xf32> to vector<1x16xf32>
      tpu.vector_store %arg14[%parallel_loop3A_1287, %parallel_loop3A_1288], %parallel_loop3A_1291 {add = true, strides = array<i32>} : memref<768x128xf32, #tpu.memory_space<vmem>>, vector<1x16xf32>,
      %parallel_loop3A_1292 = arith.mulf %parallel_loop3A_1251, %get3A_464 : vector<16xf32>
      %parallel_loop3A_1293 = arith.addf %parallel_loop3A_1292, %get3A_488 : vector<16xf32>
      %parallel_loop3A_1294 = arith.constant 0.000000e+00 : f32
      %parallel_loop3A_1295 = vector.broadcast %parallel_loop3A_1294 : f32 to vector<16xf32>
      %parallel_loop3A_1296 = arith.maximumf %parallel_loop3A_1293, %parallel_loop3A_1295 : vector<16xf32>
      %parallel_loop3A_1297 = arith.index_cast %parallel_loop3A_1248 : i32 to index
      %parallel_loop3A_1298 = arith.constant 64 : index
      %parallel_loop3A_1299 = tpu.vector_load %arg14[%parallel_loop3A_1297, %parallel_loop3A_1298] {strides = array<i32>} : memref<768x128xf32, #tpu.memory_space<vmem>>, vector<1x16xf32>,
      %parallel_loop3A_1300 = vector.shape_cast %parallel_loop3A_1299 : vector<1x16xf32> to vector<16xf32>
      %parallel_loop3A_1301 = vector.shape_cast %parallel_loop3A_1296 : vector<16xf32> to vector<1x16xf32>
      tpu.vector_store %arg14[%parallel_loop3A_1297, %parallel_loop3A_1298], %parallel_loop3A_1301 {add = true, strides = array<i32>} : memref<768x128xf32, #tpu.memory_space<vmem>>, vector<1x16xf32>,
      %parallel_loop3A_1302 = arith.mulf %parallel_loop3A_1251, %get3A_467 : vector<16xf32>
      %parallel_loop3A_1303 = arith.addf %parallel_loop3A_1302, %get3A_491 : vector<16xf32>
      %parallel_loop3A_1304 = arith.constant 0.000000e+00 : f32
      %parallel_loop3A_1305 = vector.broadcast %parallel_loop3A_1304 : f32 to vector<16xf32>
      %parallel_loop3A_1306 = arith.maximumf %parallel_loop3A_1303, %parallel_loop3A_1305 : vector<16xf32>
      %parallel_loop3A_1307 = arith.index_cast %parallel_loop3A_1248 : i32 to index
      %parallel_loop3A_1308 = arith.constant 80 : index
      %parallel_loop3A_1309 = tpu.vector_load %arg14[%parallel_loop3A_1307, %parallel_loop3A_1308] {strides = array<i32>} : memref<768x128xf32, #tpu.memory_space<vmem>>, vector<1x16xf32>,
      %parallel_loop3A_1310 = vector.shape_cast %parallel_loop3A_1309 : vector<1x16xf32> to vector<16xf32>
      %parallel_loop3A_1311 = vector.shape_cast %parallel_loop3A_1306 : vector<16xf32> to vector<1x16xf32>
      tpu.vector_store %arg14[%parallel_loop3A_1307, %parallel_loop3A_1308], %parallel_loop3A_1311 {add = true, strides = array<i32>} : memref<768x128xf32, #tpu.memory_space<vmem>>, vector<1x16xf32>,
      %parallel_loop3A_1312 = arith.mulf %parallel_loop3A_1251, %get3A_470 : vector<16xf32>
      %parallel_loop3A_1313 = arith.addf %parallel_loop3A_1312, %get3A_494 : vector<16xf32>
      %parallel_loop3A_1314 = arith.constant 0.000000e+00 : f32
      %parallel_loop3A_1315 = vector.broadcast %parallel_loop3A_1314 : f32 to vector<16xf32>
      %parallel_loop3A_1316 = arith.maximumf %parallel_loop3A_1313, %parallel_loop3A_1315 : vector<16xf32>
      %parallel_loop3A_1317 = arith.index_cast %parallel_loop3A_1248 : i32 to index
      %parallel_loop3A_1318 = arith.constant 96 : index
      %parallel_loop3A_1319 = tpu.vector_load %arg14[%parallel_loop3A_1317, %parallel_loop3A_1318] {strides = array<i32>} : memref<768x128xf32, #tpu.memory_space<vmem>>, vector<1x16xf32>,
      %parallel_loop3A_1320 = vector.shape_cast %parallel_loop3A_1319 : vector<1x16xf32> to vector<16xf32>
      %parallel_loop3A_1321 = vector.shape_cast %parallel_loop3A_1316 : vector<16xf32> to vector<1x16xf32>
      tpu.vector_store %arg14[%parallel_loop3A_1317, %parallel_loop3A_1318], %parallel_loop3A_1321 {add = true, strides = array<i32>} : memref<768x128xf32, #tpu.memory_space<vmem>>, vector<1x16xf32>,
      %parallel_loop3A_1322 = arith.mulf %parallel_loop3A_1251, %get3A_473 : vector<16xf32>
      %parallel_loop3A_1323 = arith.addf %parallel_loop3A_1322, %get3A_497 : vector<16xf32>
      %parallel_loop3A_1324 = arith.constant 0.000000e+00 : f32
      %parallel_loop3A_1325 = vector.broadcast %parallel_loop3A_1324 : f32 to vector<16xf32>
      %parallel_loop3A_1326 = arith.maximumf %parallel_loop3A_1323, %parallel_loop3A_1325 : vector<16xf32>
      %parallel_loop3A_1327 = arith.index_cast %parallel_loop3A_1248 : i32 to index
      %parallel_loop3A_1328 = arith.constant 112 : index
      %parallel_loop3A_1329 = tpu.vector_load %arg14[%parallel_loop3A_1327, %parallel_loop3A_1328] {strides = array<i32>} : memref<768x128xf32, #tpu.memory_space<vmem>>, vector<1x16xf32>,
      %parallel_loop3A_1330 = vector.shape_cast %parallel_loop3A_1329 : vector<1x16xf32> to vector<16xf32>
      %parallel_loop3A_1331 = vector.shape_cast %parallel_loop3A_1326 : vector<16xf32> to vector<1x16xf32>
      tpu.vector_store %arg14[%parallel_loop3A_1327, %parallel_loop3A_1328], %parallel_loop3A_1331 {add = true, strides = array<i32>} : memref<768x128xf32, #tpu.memory_space<vmem>>, vector<1x16xf32>,
      %parallel_loop3A_1332 = vector.extract_strided_slice %parallel_loop3A_566 {offsets = [9], sizes = [1], strides = [1]} : vector<16xi32> to vector<1xi32>
      %parallel_loop3A_1333 = vector.extract %parallel_loop3A_1332[0] : i32 from vector<1xi32>
      %parallel_loop3A_1334 = vector.extract_strided_slice %parallel_loop3A_524 {offsets = [9], sizes = [1], strides = [1]} : vector<16xf32> to vector<1xf32>
      %parallel_loop3A_1335 = vector.extract %parallel_loop3A_1334[0] : f32 from vector<1xf32>
      %parallel_loop3A_1336 = vector.broadcast %parallel_loop3A_1335 : f32 to vector<16xf32>
      %parallel_loop3A_1337 = arith.mulf %parallel_loop3A_1336, %get3A_452 : vector<16xf32>
      %parallel_loop3A_1338 = arith.addf %parallel_loop3A_1337, %get3A_476 : vector<16xf32>
      %parallel_loop3A_1339 = arith.constant 0.000000e+00 : f32
      %parallel_loop3A_1340 = vector.broadcast %parallel_loop3A_1339 : f32 to vector<16xf32>
      %parallel_loop3A_1341 = arith.maximumf %parallel_loop3A_1338, %parallel_loop3A_1340 : vector<16xf32>
      %parallel_loop3A_1342 = arith.index_cast %parallel_loop3A_1333 : i32 to index
      %parallel_loop3A_1343 = arith.constant 0 : index
      %parallel_loop3A_1344 = tpu.vector_load %arg14[%parallel_loop3A_1342, %parallel_loop3A_1343] {strides = array<i32>} : memref<768x128xf32, #tpu.memory_space<vmem>>, vector<1x16xf32>,
      %parallel_loop3A_1345 = vector.shape_cast %parallel_loop3A_1344 : vector<1x16xf32> to vector<16xf32>
      %parallel_loop3A_1346 = vector.shape_cast %parallel_loop3A_1341 : vector<16xf32> to vector<1x16xf32>
      tpu.vector_store %arg14[%parallel_loop3A_1342, %parallel_loop3A_1343], %parallel_loop3A_1346 {add = true, strides = array<i32>} : memref<768x128xf32, #tpu.memory_space<vmem>>, vector<1x16xf32>,
      %parallel_loop3A_1347 = arith.mulf %parallel_loop3A_1336, %get3A_455 : vector<16xf32>
      %parallel_loop3A_1348 = arith.addf %parallel_loop3A_1347, %get3A_479 : vector<16xf32>
      %parallel_loop3A_1349 = arith.constant 0.000000e+00 : f32
      %parallel_loop3A_1350 = vector.broadcast %parallel_loop3A_1349 : f32 to vector<16xf32>
      %parallel_loop3A_1351 = arith.maximumf %parallel_loop3A_1348, %parallel_loop3A_1350 : vector<16xf32>
      %parallel_loop3A_1352 = arith.index_cast %parallel_loop3A_1333 : i32 to index
      %parallel_loop3A_1353 = arith.constant 16 : index
      %parallel_loop3A_1354 = tpu.vector_load %arg14[%parallel_loop3A_1352, %parallel_loop3A_1353] {strides = array<i32>} : memref<768x128xf32, #tpu.memory_space<vmem>>, vector<1x16xf32>,
      %parallel_loop3A_1355 = vector.shape_cast %parallel_loop3A_1354 : vector<1x16xf32> to vector<16xf32>
      %parallel_loop3A_1356 = vector.shape_cast %parallel_loop3A_1351 : vector<16xf32> to vector<1x16xf32>
      tpu.vector_store %arg14[%parallel_loop3A_1352, %parallel_loop3A_1353], %parallel_loop3A_1356 {add = true, strides = array<i32>} : memref<768x128xf32, #tpu.memory_space<vmem>>, vector<1x16xf32>,
      %parallel_loop3A_1357 = arith.mulf %parallel_loop3A_1336, %get3A_458 : vector<16xf32>
      %parallel_loop3A_1358 = arith.addf %parallel_loop3A_1357, %get3A_482 : vector<16xf32>
      %parallel_loop3A_1359 = arith.constant 0.000000e+00 : f32
      %parallel_loop3A_1360 = vector.broadcast %parallel_loop3A_1359 : f32 to vector<16xf32>
      %parallel_loop3A_1361 = arith.maximumf %parallel_loop3A_1358, %parallel_loop3A_1360 : vector<16xf32>
      %parallel_loop3A_1362 = arith.index_cast %parallel_loop3A_1333 : i32 to index
      %parallel_loop3A_1363 = arith.constant 32 : index
      %parallel_loop3A_1364 = tpu.vector_load %arg14[%parallel_loop3A_1362, %parallel_loop3A_1363] {strides = array<i32>} : memref<768x128xf32, #tpu.memory_space<vmem>>, vector<1x16xf32>,
      %parallel_loop3A_1365 = vector.shape_cast %parallel_loop3A_1364 : vector<1x16xf32> to vector<16xf32>
      %parallel_loop3A_1366 = vector.shape_cast %parallel_loop3A_1361 : vector<16xf32> to vector<1x16xf32>
      tpu.vector_store %arg14[%parallel_loop3A_1362, %parallel_loop3A_1363], %parallel_loop3A_1366 {add = true, strides = array<i32>} : memref<768x128xf32, #tpu.memory_space<vmem>>, vector<1x16xf32>,
      %parallel_loop3A_1367 = arith.mulf %parallel_loop3A_1336, %get3A_461 : vector<16xf32>
      %parallel_loop3A_1368 = arith.addf %parallel_loop3A_1367, %get3A_485 : vector<16xf32>
      %parallel_loop3A_1369 = arith.constant 0.000000e+00 : f32
      %parallel_loop3A_1370 = vector.broadcast %parallel_loop3A_1369 : f32 to vector<16xf32>
      %parallel_loop3A_1371 = arith.maximumf %parallel_loop3A_1368, %parallel_loop3A_1370 : vector<16xf32>
      %parallel_loop3A_1372 = arith.index_cast %parallel_loop3A_1333 : i32 to index
      %parallel_loop3A_1373 = arith.constant 48 : index
      %parallel_loop3A_1374 = tpu.vector_load %arg14[%parallel_loop3A_1372, %parallel_loop3A_1373] {strides = array<i32>} : memref<768x128xf32, #tpu.memory_space<vmem>>, vector<1x16xf32>,
      %parallel_loop3A_1375 = vector.shape_cast %parallel_loop3A_1374 : vector<1x16xf32> to vector<16xf32>
      %parallel_loop3A_1376 = vector.shape_cast %parallel_loop3A_1371 : vector<16xf32> to vector<1x16xf32>
      tpu.vector_store %arg14[%parallel_loop3A_1372, %parallel_loop3A_1373], %parallel_loop3A_1376 {add = true, strides = array<i32>} : memref<768x128xf32, #tpu.memory_space<vmem>>, vector<1x16xf32>,
      %parallel_loop3A_1377 = arith.mulf %parallel_loop3A_1336, %get3A_464 : vector<16xf32>
      %parallel_loop3A_1378 = arith.addf %parallel_loop3A_1377, %get3A_488 : vector<16xf32>
      %parallel_loop3A_1379 = arith.constant 0.000000e+00 : f32
      %parallel_loop3A_1380 = vector.broadcast %parallel_loop3A_1379 : f32 to vector<16xf32>
      %parallel_loop3A_1381 = arith.maximumf %parallel_loop3A_1378, %parallel_loop3A_1380 : vector<16xf32>
      %parallel_loop3A_1382 = arith.index_cast %parallel_loop3A_1333 : i32 to index
      %parallel_loop3A_1383 = arith.constant 64 : index
      %parallel_loop3A_1384 = tpu.vector_load %arg14[%parallel_loop3A_1382, %parallel_loop3A_1383] {strides = array<i32>} : memref<768x128xf32, #tpu.memory_space<vmem>>, vector<1x16xf32>,
      %parallel_loop3A_1385 = vector.shape_cast %parallel_loop3A_1384 : vector<1x16xf32> to vector<16xf32>
      %parallel_loop3A_1386 = vector.shape_cast %parallel_loop3A_1381 : vector<16xf32> to vector<1x16xf32>
      tpu.vector_store %arg14[%parallel_loop3A_1382, %parallel_loop3A_1383], %parallel_loop3A_1386 {add = true, strides = array<i32>} : memref<768x128xf32, #tpu.memory_space<vmem>>, vector<1x16xf32>,
      %parallel_loop3A_1387 = arith.mulf %parallel_loop3A_1336, %get3A_467 : vector<16xf32>
      %parallel_loop3A_1388 = arith.addf %parallel_loop3A_1387, %get3A_491 : vector<16xf32>
      %parallel_loop3A_1389 = arith.constant 0.000000e+00 : f32
      %parallel_loop3A_1390 = vector.broadcast %parallel_loop3A_1389 : f32 to vector<16xf32>
      %parallel_loop3A_1391 = arith.maximumf %parallel_loop3A_1388, %parallel_loop3A_1390 : vector<16xf32>
      %parallel_loop3A_1392 = arith.index_cast %parallel_loop3A_1333 : i32 to index
      %parallel_loop3A_1393 = arith.constant 80 : index
      %parallel_loop3A_1394 = tpu.vector_load %arg14[%parallel_loop3A_1392, %parallel_loop3A_1393] {strides = array<i32>} : memref<768x128xf32, #tpu.memory_space<vmem>>, vector<1x16xf32>,
      %parallel_loop3A_1395 = vector.shape_cast %parallel_loop3A_1394 : vector<1x16xf32> to vector<16xf32>
      %parallel_loop3A_1396 = vector.shape_cast %parallel_loop3A_1391 : vector<16xf32> to vector<1x16xf32>
      tpu.vector_store %arg14[%parallel_loop3A_1392, %parallel_loop3A_1393], %parallel_loop3A_1396 {add = true, strides = array<i32>} : memref<768x128xf32, #tpu.memory_space<vmem>>, vector<1x16xf32>,
      %parallel_loop3A_1397 = arith.mulf %parallel_loop3A_1336, %get3A_470 : vector<16xf32>
      %parallel_loop3A_1398 = arith.addf %parallel_loop3A_1397, %get3A_494 : vector<16xf32>
      %parallel_loop3A_1399 = arith.constant 0.000000e+00 : f32
      %parallel_loop3A_1400 = vector.broadcast %parallel_loop3A_1399 : f32 to vector<16xf32>
      %parallel_loop3A_1401 = arith.maximumf %parallel_loop3A_1398, %parallel_loop3A_1400 : vector<16xf32>
      %parallel_loop3A_1402 = arith.index_cast %parallel_loop3A_1333 : i32 to index
      %parallel_loop3A_1403 = arith.constant 96 : index
      %parallel_loop3A_1404 = tpu.vector_load %arg14[%parallel_loop3A_1402, %parallel_loop3A_1403] {strides = array<i32>} : memref<768x128xf32, #tpu.memory_space<vmem>>, vector<1x16xf32>,
      %parallel_loop3A_1405 = vector.shape_cast %parallel_loop3A_1404 : vector<1x16xf32> to vector<16xf32>
      %parallel_loop3A_1406 = vector.shape_cast %parallel_loop3A_1401 : vector<16xf32> to vector<1x16xf32>
      tpu.vector_store %arg14[%parallel_loop3A_1402, %parallel_loop3A_1403], %parallel_loop3A_1406 {add = true, strides = array<i32>} : memref<768x128xf32, #tpu.memory_space<vmem>>, vector<1x16xf32>,
      %parallel_loop3A_1407 = arith.mulf %parallel_loop3A_1336, %get3A_473 : vector<16xf32>
      %parallel_loop3A_1408 = arith.addf %parallel_loop3A_1407, %get3A_497 : vector<16xf32>
      %parallel_loop3A_1409 = arith.constant 0.000000e+00 : f32
      %parallel_loop3A_1410 = vector.broadcast %parallel_loop3A_1409 : f32 to vector<16xf32>
      %parallel_loop3A_1411 = arith.maximumf %parallel_loop3A_1408, %parallel_loop3A_1410 : vector<16xf32>
      %parallel_loop3A_1412 = arith.index_cast %parallel_loop3A_1333 : i32 to index
      %parallel_loop3A_1413 = arith.constant 112 : index
      %parallel_loop3A_1414 = tpu.vector_load %arg14[%parallel_loop3A_1412, %parallel_loop3A_1413] {strides = array<i32>} : memref<768x128xf32, #tpu.memory_space<vmem>>, vector<1x16xf32>,
      %parallel_loop3A_1415 = vector.shape_cast %parallel_loop3A_1414 : vector<1x16xf32> to vector<16xf32>
      %parallel_loop3A_1416 = vector.shape_cast %parallel_loop3A_1411 : vector<16xf32> to vector<1x16xf32>
      tpu.vector_store %arg14[%parallel_loop3A_1412, %parallel_loop3A_1413], %parallel_loop3A_1416 {add = true, strides = array<i32>} : memref<768x128xf32, #tpu.memory_space<vmem>>, vector<1x16xf32>,
      %parallel_loop3A_1417 = vector.extract_strided_slice %parallel_loop3A_566 {offsets = [10], sizes = [1], strides = [1]} : vector<16xi32> to vector<1xi32>
      %parallel_loop3A_1418 = vector.extract %parallel_loop3A_1417[0] : i32 from vector<1xi32>
      %parallel_loop3A_1419 = vector.extract_strided_slice %parallel_loop3A_524 {offsets = [10], sizes = [1], strides = [1]} : vector<16xf32> to vector<1xf32>
      %parallel_loop3A_1420 = vector.extract %parallel_loop3A_1419[0] : f32 from vector<1xf32>
      %parallel_loop3A_1421 = vector.broadcast %parallel_loop3A_1420 : f32 to vector<16xf32>
      %parallel_loop3A_1422 = arith.mulf %parallel_loop3A_1421, %get3A_452 : vector<16xf32>
      %parallel_loop3A_1423 = arith.addf %parallel_loop3A_1422, %get3A_476 : vector<16xf32>
      %parallel_loop3A_1424 = arith.constant 0.000000e+00 : f32
      %parallel_loop3A_1425 = vector.broadcast %parallel_loop3A_1424 : f32 to vector<16xf32>
      %parallel_loop3A_1426 = arith.maximumf %parallel_loop3A_1423, %parallel_loop3A_1425 : vector<16xf32>
      %parallel_loop3A_1427 = arith.index_cast %parallel_loop3A_1418 : i32 to index
      %parallel_loop3A_1428 = arith.constant 0 : index
      %parallel_loop3A_1429 = tpu.vector_load %arg14[%parallel_loop3A_1427, %parallel_loop3A_1428] {strides = array<i32>} : memref<768x128xf32, #tpu.memory_space<vmem>>, vector<1x16xf32>,
      %parallel_loop3A_1430 = vector.shape_cast %parallel_loop3A_1429 : vector<1x16xf32> to vector<16xf32>
      %parallel_loop3A_1431 = vector.shape_cast %parallel_loop3A_1426 : vector<16xf32> to vector<1x16xf32>
      tpu.vector_store %arg14[%parallel_loop3A_1427, %parallel_loop3A_1428], %parallel_loop3A_1431 {add = true, strides = array<i32>} : memref<768x128xf32, #tpu.memory_space<vmem>>, vector<1x16xf32>,
      %parallel_loop3A_1432 = arith.mulf %parallel_loop3A_1421, %get3A_455 : vector<16xf32>
      %parallel_loop3A_1433 = arith.addf %parallel_loop3A_1432, %get3A_479 : vector<16xf32>
      %parallel_loop3A_1434 = arith.constant 0.000000e+00 : f32
      %parallel_loop3A_1435 = vector.broadcast %parallel_loop3A_1434 : f32 to vector<16xf32>
      %parallel_loop3A_1436 = arith.maximumf %parallel_loop3A_1433, %parallel_loop3A_1435 : vector<16xf32>
      %parallel_loop3A_1437 = arith.index_cast %parallel_loop3A_1418 : i32 to index
      %parallel_loop3A_1438 = arith.constant 16 : index
      %parallel_loop3A_1439 = tpu.vector_load %arg14[%parallel_loop3A_1437, %parallel_loop3A_1438] {strides = array<i32>} : memref<768x128xf32, #tpu.memory_space<vmem>>, vector<1x16xf32>,
      %parallel_loop3A_1440 = vector.shape_cast %parallel_loop3A_1439 : vector<1x16xf32> to vector<16xf32>
      %parallel_loop3A_1441 = vector.shape_cast %parallel_loop3A_1436 : vector<16xf32> to vector<1x16xf32>
      tpu.vector_store %arg14[%parallel_loop3A_1437, %parallel_loop3A_1438], %parallel_loop3A_1441 {add = true, strides = array<i32>} : memref<768x128xf32, #tpu.memory_space<vmem>>, vector<1x16xf32>,
      %parallel_loop3A_1442 = arith.mulf %parallel_loop3A_1421, %get3A_458 : vector<16xf32>
      %parallel_loop3A_1443 = arith.addf %parallel_loop3A_1442, %get3A_482 : vector<16xf32>
      %parallel_loop3A_1444 = arith.constant 0.000000e+00 : f32
      %parallel_loop3A_1445 = vector.broadcast %parallel_loop3A_1444 : f32 to vector<16xf32>
      %parallel_loop3A_1446 = arith.maximumf %parallel_loop3A_1443, %parallel_loop3A_1445 : vector<16xf32>
      %parallel_loop3A_1447 = arith.index_cast %parallel_loop3A_1418 : i32 to index
      %parallel_loop3A_1448 = arith.constant 32 : index
      %parallel_loop3A_1449 = tpu.vector_load %arg14[%parallel_loop3A_1447, %parallel_loop3A_1448] {strides = array<i32>} : memref<768x128xf32, #tpu.memory_space<vmem>>, vector<1x16xf32>,
      %parallel_loop3A_1450 = vector.shape_cast %parallel_loop3A_1449 : vector<1x16xf32> to vector<16xf32>
      %parallel_loop3A_1451 = vector.shape_cast %parallel_loop3A_1446 : vector<16xf32> to vector<1x16xf32>
      tpu.vector_store %arg14[%parallel_loop3A_1447, %parallel_loop3A_1448], %parallel_loop3A_1451 {add = true, strides = array<i32>} : memref<768x128xf32, #tpu.memory_space<vmem>>, vector<1x16xf32>,
      %parallel_loop3A_1452 = arith.mulf %parallel_loop3A_1421, %get3A_461 : vector<16xf32>
      %parallel_loop3A_1453 = arith.addf %parallel_loop3A_1452, %get3A_485 : vector<16xf32>
      %parallel_loop3A_1454 = arith.constant 0.000000e+00 : f32
      %parallel_loop3A_1455 = vector.broadcast %parallel_loop3A_1454 : f32 to vector<16xf32>
      %parallel_loop3A_1456 = arith.maximumf %parallel_loop3A_1453, %parallel_loop3A_1455 : vector<16xf32>
      %parallel_loop3A_1457 = arith.index_cast %parallel_loop3A_1418 : i32 to index
      %parallel_loop3A_1458 = arith.constant 48 : index
      %parallel_loop3A_1459 = tpu.vector_load %arg14[%parallel_loop3A_1457, %parallel_loop3A_1458] {strides = array<i32>} : memref<768x128xf32, #tpu.memory_space<vmem>>, vector<1x16xf32>,
      %parallel_loop3A_1460 = vector.shape_cast %parallel_loop3A_1459 : vector<1x16xf32> to vector<16xf32>
      %parallel_loop3A_1461 = vector.shape_cast %parallel_loop3A_1456 : vector<16xf32> to vector<1x16xf32>
      tpu.vector_store %arg14[%parallel_loop3A_1457, %parallel_loop3A_1458], %parallel_loop3A_1461 {add = true, strides = array<i32>} : memref<768x128xf32, #tpu.memory_space<vmem>>, vector<1x16xf32>,
      %parallel_loop3A_1462 = arith.mulf %parallel_loop3A_1421, %get3A_464 : vector<16xf32>
      %parallel_loop3A_1463 = arith.addf %parallel_loop3A_1462, %get3A_488 : vector<16xf32>
      %parallel_loop3A_1464 = arith.constant 0.000000e+00 : f32
      %parallel_loop3A_1465 = vector.broadcast %parallel_loop3A_1464 : f32 to vector<16xf32>
      %parallel_loop3A_1466 = arith.maximumf %parallel_loop3A_1463, %parallel_loop3A_1465 : vector<16xf32>
      %parallel_loop3A_1467 = arith.index_cast %parallel_loop3A_1418 : i32 to index
      %parallel_loop3A_1468 = arith.constant 64 : index
      %parallel_loop3A_1469 = tpu.vector_load %arg14[%parallel_loop3A_1467, %parallel_loop3A_1468] {strides = array<i32>} : memref<768x128xf32, #tpu.memory_space<vmem>>, vector<1x16xf32>,
      %parallel_loop3A_1470 = vector.shape_cast %parallel_loop3A_1469 : vector<1x16xf32> to vector<16xf32>
      %parallel_loop3A_1471 = vector.shape_cast %parallel_loop3A_1466 : vector<16xf32> to vector<1x16xf32>
      tpu.vector_store %arg14[%parallel_loop3A_1467, %parallel_loop3A_1468], %parallel_loop3A_1471 {add = true, strides = array<i32>} : memref<768x128xf32, #tpu.memory_space<vmem>>, vector<1x16xf32>,
      %parallel_loop3A_1472 = arith.mulf %parallel_loop3A_1421, %get3A_467 : vector<16xf32>
      %parallel_loop3A_1473 = arith.addf %parallel_loop3A_1472, %get3A_491 : vector<16xf32>
      %parallel_loop3A_1474 = arith.constant 0.000000e+00 : f32
      %parallel_loop3A_1475 = vector.broadcast %parallel_loop3A_1474 : f32 to vector<16xf32>
      %parallel_loop3A_1476 = arith.maximumf %parallel_loop3A_1473, %parallel_loop3A_1475 : vector<16xf32>
      %parallel_loop3A_1477 = arith.index_cast %parallel_loop3A_1418 : i32 to index
      %parallel_loop3A_1478 = arith.constant 80 : index
      %parallel_loop3A_1479 = tpu.vector_load %arg14[%parallel_loop3A_1477, %parallel_loop3A_1478] {strides = array<i32>} : memref<768x128xf32, #tpu.memory_space<vmem>>, vector<1x16xf32>,
      %parallel_loop3A_1480 = vector.shape_cast %parallel_loop3A_1479 : vector<1x16xf32> to vector<16xf32>
      %parallel_loop3A_1481 = vector.shape_cast %parallel_loop3A_1476 : vector<16xf32> to vector<1x16xf32>
      tpu.vector_store %arg14[%parallel_loop3A_1477, %parallel_loop3A_1478], %parallel_loop3A_1481 {add = true, strides = array<i32>} : memref<768x128xf32, #tpu.memory_space<vmem>>, vector<1x16xf32>,
      %parallel_loop3A_1482 = arith.mulf %parallel_loop3A_1421, %get3A_470 : vector<16xf32>
      %parallel_loop3A_1483 = arith.addf %parallel_loop3A_1482, %get3A_494 : vector<16xf32>
      %parallel_loop3A_1484 = arith.constant 0.000000e+00 : f32
      %parallel_loop3A_1485 = vector.broadcast %parallel_loop3A_1484 : f32 to vector<16xf32>
      %parallel_loop3A_1486 = arith.maximumf %parallel_loop3A_1483, %parallel_loop3A_1485 : vector<16xf32>
      %parallel_loop3A_1487 = arith.index_cast %parallel_loop3A_1418 : i32 to index
      %parallel_loop3A_1488 = arith.constant 96 : index
      %parallel_loop3A_1489 = tpu.vector_load %arg14[%parallel_loop3A_1487, %parallel_loop3A_1488] {strides = array<i32>} : memref<768x128xf32, #tpu.memory_space<vmem>>, vector<1x16xf32>,
      %parallel_loop3A_1490 = vector.shape_cast %parallel_loop3A_1489 : vector<1x16xf32> to vector<16xf32>
      %parallel_loop3A_1491 = vector.shape_cast %parallel_loop3A_1486 : vector<16xf32> to vector<1x16xf32>
      tpu.vector_store %arg14[%parallel_loop3A_1487, %parallel_loop3A_1488], %parallel_loop3A_1491 {add = true, strides = array<i32>} : memref<768x128xf32, #tpu.memory_space<vmem>>, vector<1x16xf32>,
      %parallel_loop3A_1492 = arith.mulf %parallel_loop3A_1421, %get3A_473 : vector<16xf32>
      %parallel_loop3A_1493 = arith.addf %parallel_loop3A_1492, %get3A_497 : vector<16xf32>
      %parallel_loop3A_1494 = arith.constant 0.000000e+00 : f32
      %parallel_loop3A_1495 = vector.broadcast %parallel_loop3A_1494 : f32 to vector<16xf32>
      %parallel_loop3A_1496 = arith.maximumf %parallel_loop3A_1493, %parallel_loop3A_1495 : vector<16xf32>
      %parallel_loop3A_1497 = arith.index_cast %parallel_loop3A_1418 : i32 to index
      %parallel_loop3A_1498 = arith.constant 112 : index
      %parallel_loop3A_1499 = tpu.vector_load %arg14[%parallel_loop3A_1497, %parallel_loop3A_1498] {strides = array<i32>} : memref<768x128xf32, #tpu.memory_space<vmem>>, vector<1x16xf32>,
      %parallel_loop3A_1500 = vector.shape_cast %parallel_loop3A_1499 : vector<1x16xf32> to vector<16xf32>
      %parallel_loop3A_1501 = vector.shape_cast %parallel_loop3A_1496 : vector<16xf32> to vector<1x16xf32>
      tpu.vector_store %arg14[%parallel_loop3A_1497, %parallel_loop3A_1498], %parallel_loop3A_1501 {add = true, strides = array<i32>} : memref<768x128xf32, #tpu.memory_space<vmem>>, vector<1x16xf32>,
      %parallel_loop3A_1502 = vector.extract_strided_slice %parallel_loop3A_566 {offsets = [11], sizes = [1], strides = [1]} : vector<16xi32> to vector<1xi32>
      %parallel_loop3A_1503 = vector.extract %parallel_loop3A_1502[0] : i32 from vector<1xi32>
      %parallel_loop3A_1504 = vector.extract_strided_slice %parallel_loop3A_524 {offsets = [11], sizes = [1], strides = [1]} : vector<16xf32> to vector<1xf32>
      %parallel_loop3A_1505 = vector.extract %parallel_loop3A_1504[0] : f32 from vector<1xf32>
      %parallel_loop3A_1506 = vector.broadcast %parallel_loop3A_1505 : f32 to vector<16xf32>
      %parallel_loop3A_1507 = arith.mulf %parallel_loop3A_1506, %get3A_452 : vector<16xf32>
      %parallel_loop3A_1508 = arith.addf %parallel_loop3A_1507, %get3A_476 : vector<16xf32>
      %parallel_loop3A_1509 = arith.constant 0.000000e+00 : f32
      %parallel_loop3A_1510 = vector.broadcast %parallel_loop3A_1509 : f32 to vector<16xf32>
      %parallel_loop3A_1511 = arith.maximumf %parallel_loop3A_1508, %parallel_loop3A_1510 : vector<16xf32>
      %parallel_loop3A_1512 = arith.index_cast %parallel_loop3A_1503 : i32 to index
      %parallel_loop3A_1513 = arith.constant 0 : index
      %parallel_loop3A_1514 = tpu.vector_load %arg14[%parallel_loop3A_1512, %parallel_loop3A_1513] {strides = array<i32>} : memref<768x128xf32, #tpu.memory_space<vmem>>, vector<1x16xf32>,
      %parallel_loop3A_1515 = vector.shape_cast %parallel_loop3A_1514 : vector<1x16xf32> to vector<16xf32>
      %parallel_loop3A_1516 = vector.shape_cast %parallel_loop3A_1511 : vector<16xf32> to vector<1x16xf32>
      tpu.vector_store %arg14[%parallel_loop3A_1512, %parallel_loop3A_1513], %parallel_loop3A_1516 {add = true, strides = array<i32>} : memref<768x128xf32, #tpu.memory_space<vmem>>, vector<1x16xf32>,
      %parallel_loop3A_1517 = arith.mulf %parallel_loop3A_1506, %get3A_455 : vector<16xf32>
      %parallel_loop3A_1518 = arith.addf %parallel_loop3A_1517, %get3A_479 : vector<16xf32>
      %parallel_loop3A_1519 = arith.constant 0.000000e+00 : f32
      %parallel_loop3A_1520 = vector.broadcast %parallel_loop3A_1519 : f32 to vector<16xf32>
      %parallel_loop3A_1521 = arith.maximumf %parallel_loop3A_1518, %parallel_loop3A_1520 : vector<16xf32>
      %parallel_loop3A_1522 = arith.index_cast %parallel_loop3A_1503 : i32 to index
      %parallel_loop3A_1523 = arith.constant 16 : index
      %parallel_loop3A_1524 = tpu.vector_load %arg14[%parallel_loop3A_1522, %parallel_loop3A_1523] {strides = array<i32>} : memref<768x128xf32, #tpu.memory_space<vmem>>, vector<1x16xf32>,
      %parallel_loop3A_1525 = vector.shape_cast %parallel_loop3A_1524 : vector<1x16xf32> to vector<16xf32>
      %parallel_loop3A_1526 = vector.shape_cast %parallel_loop3A_1521 : vector<16xf32> to vector<1x16xf32>
      tpu.vector_store %arg14[%parallel_loop3A_1522, %parallel_loop3A_1523], %parallel_loop3A_1526 {add = true, strides = array<i32>} : memref<768x128xf32, #tpu.memory_space<vmem>>, vector<1x16xf32>,
      %parallel_loop3A_1527 = arith.mulf %parallel_loop3A_1506, %get3A_458 : vector<16xf32>
      %parallel_loop3A_1528 = arith.addf %parallel_loop3A_1527, %get3A_482 : vector<16xf32>
      %parallel_loop3A_1529 = arith.constant 0.000000e+00 : f32
      %parallel_loop3A_1530 = vector.broadcast %parallel_loop3A_1529 : f32 to vector<16xf32>
      %parallel_loop3A_1531 = arith.maximumf %parallel_loop3A_1528, %parallel_loop3A_1530 : vector<16xf32>
      %parallel_loop3A_1532 = arith.index_cast %parallel_loop3A_1503 : i32 to index
      %parallel_loop3A_1533 = arith.constant 32 : index
      %parallel_loop3A_1534 = tpu.vector_load %arg14[%parallel_loop3A_1532, %parallel_loop3A_1533] {strides = array<i32>} : memref<768x128xf32, #tpu.memory_space<vmem>>, vector<1x16xf32>,
      %parallel_loop3A_1535 = vector.shape_cast %parallel_loop3A_1534 : vector<1x16xf32> to vector<16xf32>
      %parallel_loop3A_1536 = vector.shape_cast %parallel_loop3A_1531 : vector<16xf32> to vector<1x16xf32>
      tpu.vector_store %arg14[%parallel_loop3A_1532, %parallel_loop3A_1533], %parallel_loop3A_1536 {add = true, strides = array<i32>} : memref<768x128xf32, #tpu.memory_space<vmem>>, vector<1x16xf32>,
      %parallel_loop3A_1537 = arith.mulf %parallel_loop3A_1506, %get3A_461 : vector<16xf32>
      %parallel_loop3A_1538 = arith.addf %parallel_loop3A_1537, %get3A_485 : vector<16xf32>
      %parallel_loop3A_1539 = arith.constant 0.000000e+00 : f32
      %parallel_loop3A_1540 = vector.broadcast %parallel_loop3A_1539 : f32 to vector<16xf32>
      %parallel_loop3A_1541 = arith.maximumf %parallel_loop3A_1538, %parallel_loop3A_1540 : vector<16xf32>
      %parallel_loop3A_1542 = arith.index_cast %parallel_loop3A_1503 : i32 to index
      %parallel_loop3A_1543 = arith.constant 48 : index
      %parallel_loop3A_1544 = tpu.vector_load %arg14[%parallel_loop3A_1542, %parallel_loop3A_1543] {strides = array<i32>} : memref<768x128xf32, #tpu.memory_space<vmem>>, vector<1x16xf32>,
      %parallel_loop3A_1545 = vector.shape_cast %parallel_loop3A_1544 : vector<1x16xf32> to vector<16xf32>
      %parallel_loop3A_1546 = vector.shape_cast %parallel_loop3A_1541 : vector<16xf32> to vector<1x16xf32>
      tpu.vector_store %arg14[%parallel_loop3A_1542, %parallel_loop3A_1543], %parallel_loop3A_1546 {add = true, strides = array<i32>} : memref<768x128xf32, #tpu.memory_space<vmem>>, vector<1x16xf32>,
      %parallel_loop3A_1547 = arith.mulf %parallel_loop3A_1506, %get3A_464 : vector<16xf32>
      %parallel_loop3A_1548 = arith.addf %parallel_loop3A_1547, %get3A_488 : vector<16xf32>
      %parallel_loop3A_1549 = arith.constant 0.000000e+00 : f32
      %parallel_loop3A_1550 = vector.broadcast %parallel_loop3A_1549 : f32 to vector<16xf32>
      %parallel_loop3A_1551 = arith.maximumf %parallel_loop3A_1548, %parallel_loop3A_1550 : vector<16xf32>
      %parallel_loop3A_1552 = arith.index_cast %parallel_loop3A_1503 : i32 to index
      %parallel_loop3A_1553 = arith.constant 64 : index
      %parallel_loop3A_1554 = tpu.vector_load %arg14[%parallel_loop3A_1552, %parallel_loop3A_1553] {strides = array<i32>} : memref<768x128xf32, #tpu.memory_space<vmem>>, vector<1x16xf32>,
      %parallel_loop3A_1555 = vector.shape_cast %parallel_loop3A_1554 : vector<1x16xf32> to vector<16xf32>
      %parallel_loop3A_1556 = vector.shape_cast %parallel_loop3A_1551 : vector<16xf32> to vector<1x16xf32>
      tpu.vector_store %arg14[%parallel_loop3A_1552, %parallel_loop3A_1553], %parallel_loop3A_1556 {add = true, strides = array<i32>} : memref<768x128xf32, #tpu.memory_space<vmem>>, vector<1x16xf32>,
      %parallel_loop3A_1557 = arith.mulf %parallel_loop3A_1506, %get3A_467 : vector<16xf32>
      %parallel_loop3A_1558 = arith.addf %parallel_loop3A_1557, %get3A_491 : vector<16xf32>
      %parallel_loop3A_1559 = arith.constant 0.000000e+00 : f32
      %parallel_loop3A_1560 = vector.broadcast %parallel_loop3A_1559 : f32 to vector<16xf32>
      %parallel_loop3A_1561 = arith.maximumf %parallel_loop3A_1558, %parallel_loop3A_1560 : vector<16xf32>
      %parallel_loop3A_1562 = arith.index_cast %parallel_loop3A_1503 : i32 to index
      %parallel_loop3A_1563 = arith.constant 80 : index
      %parallel_loop3A_1564 = tpu.vector_load %arg14[%parallel_loop3A_1562, %parallel_loop3A_1563] {strides = array<i32>} : memref<768x128xf32, #tpu.memory_space<vmem>>, vector<1x16xf32>,
      %parallel_loop3A_1565 = vector.shape_cast %parallel_loop3A_1564 : vector<1x16xf32> to vector<16xf32>
      %parallel_loop3A_1566 = vector.shape_cast %parallel_loop3A_1561 : vector<16xf32> to vector<1x16xf32>
      tpu.vector_store %arg14[%parallel_loop3A_1562, %parallel_loop3A_1563], %parallel_loop3A_1566 {add = true, strides = array<i32>} : memref<768x128xf32, #tpu.memory_space<vmem>>, vector<1x16xf32>,
      %parallel_loop3A_1567 = arith.mulf %parallel_loop3A_1506, %get3A_470 : vector<16xf32>
      %parallel_loop3A_1568 = arith.addf %parallel_loop3A_1567, %get3A_494 : vector<16xf32>
      %parallel_loop3A_1569 = arith.constant 0.000000e+00 : f32
      %parallel_loop3A_1570 = vector.broadcast %parallel_loop3A_1569 : f32 to vector<16xf32>
      %parallel_loop3A_1571 = arith.maximumf %parallel_loop3A_1568, %parallel_loop3A_1570 : vector<16xf32>
      %parallel_loop3A_1572 = arith.index_cast %parallel_loop3A_1503 : i32 to index
      %parallel_loop3A_1573 = arith.constant 96 : index
      %parallel_loop3A_1574 = tpu.vector_load %arg14[%parallel_loop3A_1572, %parallel_loop3A_1573] {strides = array<i32>} : memref<768x128xf32, #tpu.memory_space<vmem>>, vector<1x16xf32>,
      %parallel_loop3A_1575 = vector.shape_cast %parallel_loop3A_1574 : vector<1x16xf32> to vector<16xf32>
      %parallel_loop3A_1576 = vector.shape_cast %parallel_loop3A_1571 : vector<16xf32> to vector<1x16xf32>
      tpu.vector_store %arg14[%parallel_loop3A_1572, %parallel_loop3A_1573], %parallel_loop3A_1576 {add = true, strides = array<i32>} : memref<768x128xf32, #tpu.memory_space<vmem>>, vector<1x16xf32>,
      %parallel_loop3A_1577 = arith.mulf %parallel_loop3A_1506, %get3A_473 : vector<16xf32>
      %parallel_loop3A_1578 = arith.addf %parallel_loop3A_1577, %get3A_497 : vector<16xf32>
      %parallel_loop3A_1579 = arith.constant 0.000000e+00 : f32
      %parallel_loop3A_1580 = vector.broadcast %parallel_loop3A_1579 : f32 to vector<16xf32>
      %parallel_loop3A_1581 = arith.maximumf %parallel_loop3A_1578, %parallel_loop3A_1580 : vector<16xf32>
      %parallel_loop3A_1582 = arith.index_cast %parallel_loop3A_1503 : i32 to index
      %parallel_loop3A_1583 = arith.constant 112 : index
      %parallel_loop3A_1584 = tpu.vector_load %arg14[%parallel_loop3A_1582, %parallel_loop3A_1583] {strides = array<i32>} : memref<768x128xf32, #tpu.memory_space<vmem>>, vector<1x16xf32>,
      %parallel_loop3A_1585 = vector.shape_cast %parallel_loop3A_1584 : vector<1x16xf32> to vector<16xf32>
      %parallel_loop3A_1586 = vector.shape_cast %parallel_loop3A_1581 : vector<16xf32> to vector<1x16xf32>
      tpu.vector_store %arg14[%parallel_loop3A_1582, %parallel_loop3A_1583], %parallel_loop3A_1586 {add = true, strides = array<i32>} : memref<768x128xf32, #tpu.memory_space<vmem>>, vector<1x16xf32>,
      %parallel_loop3A_1587 = vector.extract_strided_slice %parallel_loop3A_566 {offsets = [12], sizes = [1], strides = [1]} : vector<16xi32> to vector<1xi32>
      %parallel_loop3A_1588 = vector.extract %parallel_loop3A_1587[0] : i32 from vector<1xi32>
      %parallel_loop3A_1589 = vector.extract_strided_slice %parallel_loop3A_524 {offsets = [12], sizes = [1], strides = [1]} : vector<16xf32> to vector<1xf32>
      %parallel_loop3A_1590 = vector.extract %parallel_loop3A_1589[0] : f32 from vector<1xf32>
      %parallel_loop3A_1591 = vector.broadcast %parallel_loop3A_1590 : f32 to vector<16xf32>
      %parallel_loop3A_1592 = arith.mulf %parallel_loop3A_1591, %get3A_452 : vector<16xf32>
      %parallel_loop3A_1593 = arith.addf %parallel_loop3A_1592, %get3A_476 : vector<16xf32>
      %parallel_loop3A_1594 = arith.constant 0.000000e+00 : f32
      %parallel_loop3A_1595 = vector.broadcast %parallel_loop3A_1594 : f32 to vector<16xf32>
      %parallel_loop3A_1596 = arith.maximumf %parallel_loop3A_1593, %parallel_loop3A_1595 : vector<16xf32>
      %parallel_loop3A_1597 = arith.index_cast %parallel_loop3A_1588 : i32 to index
      %parallel_loop3A_1598 = arith.constant 0 : index
      %parallel_loop3A_1599 = tpu.vector_load %arg14[%parallel_loop3A_1597, %parallel_loop3A_1598] {strides = array<i32>} : memref<768x128xf32, #tpu.memory_space<vmem>>, vector<1x16xf32>,
      %parallel_loop3A_1600 = vector.shape_cast %parallel_loop3A_1599 : vector<1x16xf32> to vector<16xf32>
      %parallel_loop3A_1601 = vector.shape_cast %parallel_loop3A_1596 : vector<16xf32> to vector<1x16xf32>
      tpu.vector_store %arg14[%parallel_loop3A_1597, %parallel_loop3A_1598], %parallel_loop3A_1601 {add = true, strides = array<i32>} : memref<768x128xf32, #tpu.memory_space<vmem>>, vector<1x16xf32>,
      %parallel_loop3A_1602 = arith.mulf %parallel_loop3A_1591, %get3A_455 : vector<16xf32>
      %parallel_loop3A_1603 = arith.addf %parallel_loop3A_1602, %get3A_479 : vector<16xf32>
      %parallel_loop3A_1604 = arith.constant 0.000000e+00 : f32
      %parallel_loop3A_1605 = vector.broadcast %parallel_loop3A_1604 : f32 to vector<16xf32>
      %parallel_loop3A_1606 = arith.maximumf %parallel_loop3A_1603, %parallel_loop3A_1605 : vector<16xf32>
      %parallel_loop3A_1607 = arith.index_cast %parallel_loop3A_1588 : i32 to index
      %parallel_loop3A_1608 = arith.constant 16 : index
      %parallel_loop3A_1609 = tpu.vector_load %arg14[%parallel_loop3A_1607, %parallel_loop3A_1608] {strides = array<i32>} : memref<768x128xf32, #tpu.memory_space<vmem>>, vector<1x16xf32>,
      %parallel_loop3A_1610 = vector.shape_cast %parallel_loop3A_1609 : vector<1x16xf32> to vector<16xf32>
      %parallel_loop3A_1611 = vector.shape_cast %parallel_loop3A_1606 : vector<16xf32> to vector<1x16xf32>
      tpu.vector_store %arg14[%parallel_loop3A_1607, %parallel_loop3A_1608], %parallel_loop3A_1611 {add = true, strides = array<i32>} : memref<768x128xf32, #tpu.memory_space<vmem>>, vector<1x16xf32>,
      %parallel_loop3A_1612 = arith.mulf %parallel_loop3A_1591, %get3A_458 : vector<16xf32>
      %parallel_loop3A_1613 = arith.addf %parallel_loop3A_1612, %get3A_482 : vector<16xf32>
      %parallel_loop3A_1614 = arith.constant 0.000000e+00 : f32
      %parallel_loop3A_1615 = vector.broadcast %parallel_loop3A_1614 : f32 to vector<16xf32>
      %parallel_loop3A_1616 = arith.maximumf %parallel_loop3A_1613, %parallel_loop3A_1615 : vector<16xf32>
      %parallel_loop3A_1617 = arith.index_cast %parallel_loop3A_1588 : i32 to index
      %parallel_loop3A_1618 = arith.constant 32 : index
      %parallel_loop3A_1619 = tpu.vector_load %arg14[%parallel_loop3A_1617, %parallel_loop3A_1618] {strides = array<i32>} : memref<768x128xf32, #tpu.memory_space<vmem>>, vector<1x16xf32>,
      %parallel_loop3A_1620 = vector.shape_cast %parallel_loop3A_1619 : vector<1x16xf32> to vector<16xf32>
      %parallel_loop3A_1621 = vector.shape_cast %parallel_loop3A_1616 : vector<16xf32> to vector<1x16xf32>
      tpu.vector_store %arg14[%parallel_loop3A_1617, %parallel_loop3A_1618], %parallel_loop3A_1621 {add = true, strides = array<i32>} : memref<768x128xf32, #tpu.memory_space<vmem>>, vector<1x16xf32>,
      %parallel_loop3A_1622 = arith.mulf %parallel_loop3A_1591, %get3A_461 : vector<16xf32>
      %parallel_loop3A_1623 = arith.addf %parallel_loop3A_1622, %get3A_485 : vector<16xf32>
      %parallel_loop3A_1624 = arith.constant 0.000000e+00 : f32
      %parallel_loop3A_1625 = vector.broadcast %parallel_loop3A_1624 : f32 to vector<16xf32>
      %parallel_loop3A_1626 = arith.maximumf %parallel_loop3A_1623, %parallel_loop3A_1625 : vector<16xf32>
      %parallel_loop3A_1627 = arith.index_cast %parallel_loop3A_1588 : i32 to index
      %parallel_loop3A_1628 = arith.constant 48 : index
      %parallel_loop3A_1629 = tpu.vector_load %arg14[%parallel_loop3A_1627, %parallel_loop3A_1628] {strides = array<i32>} : memref<768x128xf32, #tpu.memory_space<vmem>>, vector<1x16xf32>,
      %parallel_loop3A_1630 = vector.shape_cast %parallel_loop3A_1629 : vector<1x16xf32> to vector<16xf32>
      %parallel_loop3A_1631 = vector.shape_cast %parallel_loop3A_1626 : vector<16xf32> to vector<1x16xf32>
      tpu.vector_store %arg14[%parallel_loop3A_1627, %parallel_loop3A_1628], %parallel_loop3A_1631 {add = true, strides = array<i32>} : memref<768x128xf32, #tpu.memory_space<vmem>>, vector<1x16xf32>,
      %parallel_loop3A_1632 = arith.mulf %parallel_loop3A_1591, %get3A_464 : vector<16xf32>
      %parallel_loop3A_1633 = arith.addf %parallel_loop3A_1632, %get3A_488 : vector<16xf32>
      %parallel_loop3A_1634 = arith.constant 0.000000e+00 : f32
      %parallel_loop3A_1635 = vector.broadcast %parallel_loop3A_1634 : f32 to vector<16xf32>
      %parallel_loop3A_1636 = arith.maximumf %parallel_loop3A_1633, %parallel_loop3A_1635 : vector<16xf32>
      %parallel_loop3A_1637 = arith.index_cast %parallel_loop3A_1588 : i32 to index
      %parallel_loop3A_1638 = arith.constant 64 : index
      %parallel_loop3A_1639 = tpu.vector_load %arg14[%parallel_loop3A_1637, %parallel_loop3A_1638] {strides = array<i32>} : memref<768x128xf32, #tpu.memory_space<vmem>>, vector<1x16xf32>,
      %parallel_loop3A_1640 = vector.shape_cast %parallel_loop3A_1639 : vector<1x16xf32> to vector<16xf32>
      %parallel_loop3A_1641 = vector.shape_cast %parallel_loop3A_1636 : vector<16xf32> to vector<1x16xf32>
      tpu.vector_store %arg14[%parallel_loop3A_1637, %parallel_loop3A_1638], %parallel_loop3A_1641 {add = true, strides = array<i32>} : memref<768x128xf32, #tpu.memory_space<vmem>>, vector<1x16xf32>,
      %parallel_loop3A_1642 = arith.mulf %parallel_loop3A_1591, %get3A_467 : vector<16xf32>
      %parallel_loop3A_1643 = arith.addf %parallel_loop3A_1642, %get3A_491 : vector<16xf32>
      %parallel_loop3A_1644 = arith.constant 0.000000e+00 : f32
      %parallel_loop3A_1645 = vector.broadcast %parallel_loop3A_1644 : f32 to vector<16xf32>
      %parallel_loop3A_1646 = arith.maximumf %parallel_loop3A_1643, %parallel_loop3A_1645 : vector<16xf32>
      %parallel_loop3A_1647 = arith.index_cast %parallel_loop3A_1588 : i32 to index
      %parallel_loop3A_1648 = arith.constant 80 : index
      %parallel_loop3A_1649 = tpu.vector_load %arg14[%parallel_loop3A_1647, %parallel_loop3A_1648] {strides = array<i32>} : memref<768x128xf32, #tpu.memory_space<vmem>>, vector<1x16xf32>,
      %parallel_loop3A_1650 = vector.shape_cast %parallel_loop3A_1649 : vector<1x16xf32> to vector<16xf32>
      %parallel_loop3A_1651 = vector.shape_cast %parallel_loop3A_1646 : vector<16xf32> to vector<1x16xf32>
      tpu.vector_store %arg14[%parallel_loop3A_1647, %parallel_loop3A_1648], %parallel_loop3A_1651 {add = true, strides = array<i32>} : memref<768x128xf32, #tpu.memory_space<vmem>>, vector<1x16xf32>,
      %parallel_loop3A_1652 = arith.mulf %parallel_loop3A_1591, %get3A_470 : vector<16xf32>
      %parallel_loop3A_1653 = arith.addf %parallel_loop3A_1652, %get3A_494 : vector<16xf32>
      %parallel_loop3A_1654 = arith.constant 0.000000e+00 : f32
      %parallel_loop3A_1655 = vector.broadcast %parallel_loop3A_1654 : f32 to vector<16xf32>
      %parallel_loop3A_1656 = arith.maximumf %parallel_loop3A_1653, %parallel_loop3A_1655 : vector<16xf32>
      %parallel_loop3A_1657 = arith.index_cast %parallel_loop3A_1588 : i32 to index
      %parallel_loop3A_1658 = arith.constant 96 : index
      %parallel_loop3A_1659 = tpu.vector_load %arg14[%parallel_loop3A_1657, %parallel_loop3A_1658] {strides = array<i32>} : memref<768x128xf32, #tpu.memory_space<vmem>>, vector<1x16xf32>,
      %parallel_loop3A_1660 = vector.shape_cast %parallel_loop3A_1659 : vector<1x16xf32> to vector<16xf32>
      %parallel_loop3A_1661 = vector.shape_cast %parallel_loop3A_1656 : vector<16xf32> to vector<1x16xf32>
      tpu.vector_store %arg14[%parallel_loop3A_1657, %parallel_loop3A_1658], %parallel_loop3A_1661 {add = true, strides = array<i32>} : memref<768x128xf32, #tpu.memory_space<vmem>>, vector<1x16xf32>,
      %parallel_loop3A_1662 = arith.mulf %parallel_loop3A_1591, %get3A_473 : vector<16xf32>
      %parallel_loop3A_1663 = arith.addf %parallel_loop3A_1662, %get3A_497 : vector<16xf32>
      %parallel_loop3A_1664 = arith.constant 0.000000e+00 : f32
      %parallel_loop3A_1665 = vector.broadcast %parallel_loop3A_1664 : f32 to vector<16xf32>
      %parallel_loop3A_1666 = arith.maximumf %parallel_loop3A_1663, %parallel_loop3A_1665 : vector<16xf32>
      %parallel_loop3A_1667 = arith.index_cast %parallel_loop3A_1588 : i32 to index
      %parallel_loop3A_1668 = arith.constant 112 : index
      %parallel_loop3A_1669 = tpu.vector_load %arg14[%parallel_loop3A_1667, %parallel_loop3A_1668] {strides = array<i32>} : memref<768x128xf32, #tpu.memory_space<vmem>>, vector<1x16xf32>,
      %parallel_loop3A_1670 = vector.shape_cast %parallel_loop3A_1669 : vector<1x16xf32> to vector<16xf32>
      %parallel_loop3A_1671 = vector.shape_cast %parallel_loop3A_1666 : vector<16xf32> to vector<1x16xf32>
      tpu.vector_store %arg14[%parallel_loop3A_1667, %parallel_loop3A_1668], %parallel_loop3A_1671 {add = true, strides = array<i32>} : memref<768x128xf32, #tpu.memory_space<vmem>>, vector<1x16xf32>,
      %parallel_loop3A_1672 = vector.extract_strided_slice %parallel_loop3A_566 {offsets = [13], sizes = [1], strides = [1]} : vector<16xi32> to vector<1xi32>
      %parallel_loop3A_1673 = vector.extract %parallel_loop3A_1672[0] : i32 from vector<1xi32>
      %parallel_loop3A_1674 = vector.extract_strided_slice %parallel_loop3A_524 {offsets = [13], sizes = [1], strides = [1]} : vector<16xf32> to vector<1xf32>
      %parallel_loop3A_1675 = vector.extract %parallel_loop3A_1674[0] : f32 from vector<1xf32>
      %parallel_loop3A_1676 = vector.broadcast %parallel_loop3A_1675 : f32 to vector<16xf32>
      %parallel_loop3A_1677 = arith.mulf %parallel_loop3A_1676, %get3A_452 : vector<16xf32>
      %parallel_loop3A_1678 = arith.addf %parallel_loop3A_1677, %get3A_476 : vector<16xf32>
      %parallel_loop3A_1679 = arith.constant 0.000000e+00 : f32
      %parallel_loop3A_1680 = vector.broadcast %parallel_loop3A_1679 : f32 to vector<16xf32>
      %parallel_loop3A_1681 = arith.maximumf %parallel_loop3A_1678, %parallel_loop3A_1680 : vector<16xf32>
      %parallel_loop3A_1682 = arith.index_cast %parallel_loop3A_1673 : i32 to index
      %parallel_loop3A_1683 = arith.constant 0 : index
      %parallel_loop3A_1684 = tpu.vector_load %arg14[%parallel_loop3A_1682, %parallel_loop3A_1683] {strides = array<i32>} : memref<768x128xf32, #tpu.memory_space<vmem>>, vector<1x16xf32>,
      %parallel_loop3A_1685 = vector.shape_cast %parallel_loop3A_1684 : vector<1x16xf32> to vector<16xf32>
      %parallel_loop3A_1686 = vector.shape_cast %parallel_loop3A_1681 : vector<16xf32> to vector<1x16xf32>
      tpu.vector_store %arg14[%parallel_loop3A_1682, %parallel_loop3A_1683], %parallel_loop3A_1686 {add = true, strides = array<i32>} : memref<768x128xf32, #tpu.memory_space<vmem>>, vector<1x16xf32>,
      %parallel_loop3A_1687 = arith.mulf %parallel_loop3A_1676, %get3A_455 : vector<16xf32>
      %parallel_loop3A_1688 = arith.addf %parallel_loop3A_1687, %get3A_479 : vector<16xf32>
      %parallel_loop3A_1689 = arith.constant 0.000000e+00 : f32
      %parallel_loop3A_1690 = vector.broadcast %parallel_loop3A_1689 : f32 to vector<16xf32>
      %parallel_loop3A_1691 = arith.maximumf %parallel_loop3A_1688, %parallel_loop3A_1690 : vector<16xf32>
      %parallel_loop3A_1692 = arith.index_cast %parallel_loop3A_1673 : i32 to index
      %parallel_loop3A_1693 = arith.constant 16 : index
      %parallel_loop3A_1694 = tpu.vector_load %arg14[%parallel_loop3A_1692, %parallel_loop3A_1693] {strides = array<i32>} : memref<768x128xf32, #tpu.memory_space<vmem>>, vector<1x16xf32>,
      %parallel_loop3A_1695 = vector.shape_cast %parallel_loop3A_1694 : vector<1x16xf32> to vector<16xf32>
      %parallel_loop3A_1696 = vector.shape_cast %parallel_loop3A_1691 : vector<16xf32> to vector<1x16xf32>
      tpu.vector_store %arg14[%parallel_loop3A_1692, %parallel_loop3A_1693], %parallel_loop3A_1696 {add = true, strides = array<i32>} : memref<768x128xf32, #tpu.memory_space<vmem>>, vector<1x16xf32>,
      %parallel_loop3A_1697 = arith.mulf %parallel_loop3A_1676, %get3A_458 : vector<16xf32>
      %parallel_loop3A_1698 = arith.addf %parallel_loop3A_1697, %get3A_482 : vector<16xf32>
      %parallel_loop3A_1699 = arith.constant 0.000000e+00 : f32
      %parallel_loop3A_1700 = vector.broadcast %parallel_loop3A_1699 : f32 to vector<16xf32>
      %parallel_loop3A_1701 = arith.maximumf %parallel_loop3A_1698, %parallel_loop3A_1700 : vector<16xf32>
      %parallel_loop3A_1702 = arith.index_cast %parallel_loop3A_1673 : i32 to index
      %parallel_loop3A_1703 = arith.constant 32 : index
      %parallel_loop3A_1704 = tpu.vector_load %arg14[%parallel_loop3A_1702, %parallel_loop3A_1703] {strides = array<i32>} : memref<768x128xf32, #tpu.memory_space<vmem>>, vector<1x16xf32>,
      %parallel_loop3A_1705 = vector.shape_cast %parallel_loop3A_1704 : vector<1x16xf32> to vector<16xf32>
      %parallel_loop3A_1706 = vector.shape_cast %parallel_loop3A_1701 : vector<16xf32> to vector<1x16xf32>
      tpu.vector_store %arg14[%parallel_loop3A_1702, %parallel_loop3A_1703], %parallel_loop3A_1706 {add = true, strides = array<i32>} : memref<768x128xf32, #tpu.memory_space<vmem>>, vector<1x16xf32>,
      %parallel_loop3A_1707 = arith.mulf %parallel_loop3A_1676, %get3A_461 : vector<16xf32>
      %parallel_loop3A_1708 = arith.addf %parallel_loop3A_1707, %get3A_485 : vector<16xf32>
      %parallel_loop3A_1709 = arith.constant 0.000000e+00 : f32
      %parallel_loop3A_1710 = vector.broadcast %parallel_loop3A_1709 : f32 to vector<16xf32>
      %parallel_loop3A_1711 = arith.maximumf %parallel_loop3A_1708, %parallel_loop3A_1710 : vector<16xf32>
      %parallel_loop3A_1712 = arith.index_cast %parallel_loop3A_1673 : i32 to index
      %parallel_loop3A_1713 = arith.constant 48 : index
      %parallel_loop3A_1714 = tpu.vector_load %arg14[%parallel_loop3A_1712, %parallel_loop3A_1713] {strides = array<i32>} : memref<768x128xf32, #tpu.memory_space<vmem>>, vector<1x16xf32>,
      %parallel_loop3A_1715 = vector.shape_cast %parallel_loop3A_1714 : vector<1x16xf32> to vector<16xf32>
      %parallel_loop3A_1716 = vector.shape_cast %parallel_loop3A_1711 : vector<16xf32> to vector<1x16xf32>
      tpu.vector_store %arg14[%parallel_loop3A_1712, %parallel_loop3A_1713], %parallel_loop3A_1716 {add = true, strides = array<i32>} : memref<768x128xf32, #tpu.memory_space<vmem>>, vector<1x16xf32>,
      %parallel_loop3A_1717 = arith.mulf %parallel_loop3A_1676, %get3A_464 : vector<16xf32>
      %parallel_loop3A_1718 = arith.addf %parallel_loop3A_1717, %get3A_488 : vector<16xf32>
      %parallel_loop3A_1719 = arith.constant 0.000000e+00 : f32
      %parallel_loop3A_1720 = vector.broadcast %parallel_loop3A_1719 : f32 to vector<16xf32>
      %parallel_loop3A_1721 = arith.maximumf %parallel_loop3A_1718, %parallel_loop3A_1720 : vector<16xf32>
      %parallel_loop3A_1722 = arith.index_cast %parallel_loop3A_1673 : i32 to index
      %parallel_loop3A_1723 = arith.constant 64 : index
      %parallel_loop3A_1724 = tpu.vector_load %arg14[%parallel_loop3A_1722, %parallel_loop3A_1723] {strides = array<i32>} : memref<768x128xf32, #tpu.memory_space<vmem>>, vector<1x16xf32>,
      %parallel_loop3A_1725 = vector.shape_cast %parallel_loop3A_1724 : vector<1x16xf32> to vector<16xf32>
      %parallel_loop3A_1726 = vector.shape_cast %parallel_loop3A_1721 : vector<16xf32> to vector<1x16xf32>
      tpu.vector_store %arg14[%parallel_loop3A_1722, %parallel_loop3A_1723], %parallel_loop3A_1726 {add = true, strides = array<i32>} : memref<768x128xf32, #tpu.memory_space<vmem>>, vector<1x16xf32>,
      %parallel_loop3A_1727 = arith.mulf %parallel_loop3A_1676, %get3A_467 : vector<16xf32>
      %parallel_loop3A_1728 = arith.addf %parallel_loop3A_1727, %get3A_491 : vector<16xf32>
      %parallel_loop3A_1729 = arith.constant 0.000000e+00 : f32
      %parallel_loop3A_1730 = vector.broadcast %parallel_loop3A_1729 : f32 to vector<16xf32>
      %parallel_loop3A_1731 = arith.maximumf %parallel_loop3A_1728, %parallel_loop3A_1730 : vector<16xf32>
      %parallel_loop3A_1732 = arith.index_cast %parallel_loop3A_1673 : i32 to index
      %parallel_loop3A_1733 = arith.constant 80 : index
      %parallel_loop3A_1734 = tpu.vector_load %arg14[%parallel_loop3A_1732, %parallel_loop3A_1733] {strides = array<i32>} : memref<768x128xf32, #tpu.memory_space<vmem>>, vector<1x16xf32>,
      %parallel_loop3A_1735 = vector.shape_cast %parallel_loop3A_1734 : vector<1x16xf32> to vector<16xf32>
      %parallel_loop3A_1736 = vector.shape_cast %parallel_loop3A_1731 : vector<16xf32> to vector<1x16xf32>
      tpu.vector_store %arg14[%parallel_loop3A_1732, %parallel_loop3A_1733], %parallel_loop3A_1736 {add = true, strides = array<i32>} : memref<768x128xf32, #tpu.memory_space<vmem>>, vector<1x16xf32>,
      %parallel_loop3A_1737 = arith.mulf %parallel_loop3A_1676, %get3A_470 : vector<16xf32>
      %parallel_loop3A_1738 = arith.addf %parallel_loop3A_1737, %get3A_494 : vector<16xf32>
      %parallel_loop3A_1739 = arith.constant 0.000000e+00 : f32
      %parallel_loop3A_1740 = vector.broadcast %parallel_loop3A_1739 : f32 to vector<16xf32>
      %parallel_loop3A_1741 = arith.maximumf %parallel_loop3A_1738, %parallel_loop3A_1740 : vector<16xf32>
      %parallel_loop3A_1742 = arith.index_cast %parallel_loop3A_1673 : i32 to index
      %parallel_loop3A_1743 = arith.constant 96 : index
      %parallel_loop3A_1744 = tpu.vector_load %arg14[%parallel_loop3A_1742, %parallel_loop3A_1743] {strides = array<i32>} : memref<768x128xf32, #tpu.memory_space<vmem>>, vector<1x16xf32>,
      %parallel_loop3A_1745 = vector.shape_cast %parallel_loop3A_1744 : vector<1x16xf32> to vector<16xf32>
      %parallel_loop3A_1746 = vector.shape_cast %parallel_loop3A_1741 : vector<16xf32> to vector<1x16xf32>
      tpu.vector_store %arg14[%parallel_loop3A_1742, %parallel_loop3A_1743], %parallel_loop3A_1746 {add = true, strides = array<i32>} : memref<768x128xf32, #tpu.memory_space<vmem>>, vector<1x16xf32>,
      %parallel_loop3A_1747 = arith.mulf %parallel_loop3A_1676, %get3A_473 : vector<16xf32>
      %parallel_loop3A_1748 = arith.addf %parallel_loop3A_1747, %get3A_497 : vector<16xf32>
      %parallel_loop3A_1749 = arith.constant 0.000000e+00 : f32
      %parallel_loop3A_1750 = vector.broadcast %parallel_loop3A_1749 : f32 to vector<16xf32>
      %parallel_loop3A_1751 = arith.maximumf %parallel_loop3A_1748, %parallel_loop3A_1750 : vector<16xf32>
      %parallel_loop3A_1752 = arith.index_cast %parallel_loop3A_1673 : i32 to index
      %parallel_loop3A_1753 = arith.constant 112 : index
      %parallel_loop3A_1754 = tpu.vector_load %arg14[%parallel_loop3A_1752, %parallel_loop3A_1753] {strides = array<i32>} : memref<768x128xf32, #tpu.memory_space<vmem>>, vector<1x16xf32>,
      %parallel_loop3A_1755 = vector.shape_cast %parallel_loop3A_1754 : vector<1x16xf32> to vector<16xf32>
      %parallel_loop3A_1756 = vector.shape_cast %parallel_loop3A_1751 : vector<16xf32> to vector<1x16xf32>
      tpu.vector_store %arg14[%parallel_loop3A_1752, %parallel_loop3A_1753], %parallel_loop3A_1756 {add = true, strides = array<i32>} : memref<768x128xf32, #tpu.memory_space<vmem>>, vector<1x16xf32>,
      %parallel_loop3A_1757 = vector.extract_strided_slice %parallel_loop3A_566 {offsets = [14], sizes = [1], strides = [1]} : vector<16xi32> to vector<1xi32>
      %parallel_loop3A_1758 = vector.extract %parallel_loop3A_1757[0] : i32 from vector<1xi32>
      %parallel_loop3A_1759 = vector.extract_strided_slice %parallel_loop3A_524 {offsets = [14], sizes = [1], strides = [1]} : vector<16xf32> to vector<1xf32>
      %parallel_loop3A_1760 = vector.extract %parallel_loop3A_1759[0] : f32 from vector<1xf32>
      %parallel_loop3A_1761 = vector.broadcast %parallel_loop3A_1760 : f32 to vector<16xf32>
      %parallel_loop3A_1762 = arith.mulf %parallel_loop3A_1761, %get3A_452 : vector<16xf32>
      %parallel_loop3A_1763 = arith.addf %parallel_loop3A_1762, %get3A_476 : vector<16xf32>
      %parallel_loop3A_1764 = arith.constant 0.000000e+00 : f32
      %parallel_loop3A_1765 = vector.broadcast %parallel_loop3A_1764 : f32 to vector<16xf32>
      %parallel_loop3A_1766 = arith.maximumf %parallel_loop3A_1763, %parallel_loop3A_1765 : vector<16xf32>
      %parallel_loop3A_1767 = arith.index_cast %parallel_loop3A_1758 : i32 to index
      %parallel_loop3A_1768 = arith.constant 0 : index
      %parallel_loop3A_1769 = tpu.vector_load %arg14[%parallel_loop3A_1767, %parallel_loop3A_1768] {strides = array<i32>} : memref<768x128xf32, #tpu.memory_space<vmem>>, vector<1x16xf32>,
      %parallel_loop3A_1770 = vector.shape_cast %parallel_loop3A_1769 : vector<1x16xf32> to vector<16xf32>
      %parallel_loop3A_1771 = vector.shape_cast %parallel_loop3A_1766 : vector<16xf32> to vector<1x16xf32>
      tpu.vector_store %arg14[%parallel_loop3A_1767, %parallel_loop3A_1768], %parallel_loop3A_1771 {add = true, strides = array<i32>} : memref<768x128xf32, #tpu.memory_space<vmem>>, vector<1x16xf32>,
      %parallel_loop3A_1772 = arith.mulf %parallel_loop3A_1761, %get3A_455 : vector<16xf32>
      %parallel_loop3A_1773 = arith.addf %parallel_loop3A_1772, %get3A_479 : vector<16xf32>
      %parallel_loop3A_1774 = arith.constant 0.000000e+00 : f32
      %parallel_loop3A_1775 = vector.broadcast %parallel_loop3A_1774 : f32 to vector<16xf32>
      %parallel_loop3A_1776 = arith.maximumf %parallel_loop3A_1773, %parallel_loop3A_1775 : vector<16xf32>
      %parallel_loop3A_1777 = arith.index_cast %parallel_loop3A_1758 : i32 to index
      %parallel_loop3A_1778 = arith.constant 16 : index
      %parallel_loop3A_1779 = tpu.vector_load %arg14[%parallel_loop3A_1777, %parallel_loop3A_1778] {strides = array<i32>} : memref<768x128xf32, #tpu.memory_space<vmem>>, vector<1x16xf32>,
      %parallel_loop3A_1780 = vector.shape_cast %parallel_loop3A_1779 : vector<1x16xf32> to vector<16xf32>
      %parallel_loop3A_1781 = vector.shape_cast %parallel_loop3A_1776 : vector<16xf32> to vector<1x16xf32>
      tpu.vector_store %arg14[%parallel_loop3A_1777, %parallel_loop3A_1778], %parallel_loop3A_1781 {add = true, strides = array<i32>} : memref<768x128xf32, #tpu.memory_space<vmem>>, vector<1x16xf32>,
      %parallel_loop3A_1782 = arith.mulf %parallel_loop3A_1761, %get3A_458 : vector<16xf32>
      %parallel_loop3A_1783 = arith.addf %parallel_loop3A_1782, %get3A_482 : vector<16xf32>
      %parallel_loop3A_1784 = arith.constant 0.000000e+00 : f32
      %parallel_loop3A_1785 = vector.broadcast %parallel_loop3A_1784 : f32 to vector<16xf32>
      %parallel_loop3A_1786 = arith.maximumf %parallel_loop3A_1783, %parallel_loop3A_1785 : vector<16xf32>
      %parallel_loop3A_1787 = arith.index_cast %parallel_loop3A_1758 : i32 to index
      %parallel_loop3A_1788 = arith.constant 32 : index
      %parallel_loop3A_1789 = tpu.vector_load %arg14[%parallel_loop3A_1787, %parallel_loop3A_1788] {strides = array<i32>} : memref<768x128xf32, #tpu.memory_space<vmem>>, vector<1x16xf32>,
      %parallel_loop3A_1790 = vector.shape_cast %parallel_loop3A_1789 : vector<1x16xf32> to vector<16xf32>
      %parallel_loop3A_1791 = vector.shape_cast %parallel_loop3A_1786 : vector<16xf32> to vector<1x16xf32>
      tpu.vector_store %arg14[%parallel_loop3A_1787, %parallel_loop3A_1788], %parallel_loop3A_1791 {add = true, strides = array<i32>} : memref<768x128xf32, #tpu.memory_space<vmem>>, vector<1x16xf32>,
      %parallel_loop3A_1792 = arith.mulf %parallel_loop3A_1761, %get3A_461 : vector<16xf32>
      %parallel_loop3A_1793 = arith.addf %parallel_loop3A_1792, %get3A_485 : vector<16xf32>
      %parallel_loop3A_1794 = arith.constant 0.000000e+00 : f32
      %parallel_loop3A_1795 = vector.broadcast %parallel_loop3A_1794 : f32 to vector<16xf32>
      %parallel_loop3A_1796 = arith.maximumf %parallel_loop3A_1793, %parallel_loop3A_1795 : vector<16xf32>
      %parallel_loop3A_1797 = arith.index_cast %parallel_loop3A_1758 : i32 to index
      %parallel_loop3A_1798 = arith.constant 48 : index
      %parallel_loop3A_1799 = tpu.vector_load %arg14[%parallel_loop3A_1797, %parallel_loop3A_1798] {strides = array<i32>} : memref<768x128xf32, #tpu.memory_space<vmem>>, vector<1x16xf32>,
      %parallel_loop3A_1800 = vector.shape_cast %parallel_loop3A_1799 : vector<1x16xf32> to vector<16xf32>
      %parallel_loop3A_1801 = vector.shape_cast %parallel_loop3A_1796 : vector<16xf32> to vector<1x16xf32>
      tpu.vector_store %arg14[%parallel_loop3A_1797, %parallel_loop3A_1798], %parallel_loop3A_1801 {add = true, strides = array<i32>} : memref<768x128xf32, #tpu.memory_space<vmem>>, vector<1x16xf32>,
      %parallel_loop3A_1802 = arith.mulf %parallel_loop3A_1761, %get3A_464 : vector<16xf32>
      %parallel_loop3A_1803 = arith.addf %parallel_loop3A_1802, %get3A_488 : vector<16xf32>
      %parallel_loop3A_1804 = arith.constant 0.000000e+00 : f32
      %parallel_loop3A_1805 = vector.broadcast %parallel_loop3A_1804 : f32 to vector<16xf32>
      %parallel_loop3A_1806 = arith.maximumf %parallel_loop3A_1803, %parallel_loop3A_1805 : vector<16xf32>
      %parallel_loop3A_1807 = arith.index_cast %parallel_loop3A_1758 : i32 to index
      %parallel_loop3A_1808 = arith.constant 64 : index
      %parallel_loop3A_1809 = tpu.vector_load %arg14[%parallel_loop3A_1807, %parallel_loop3A_1808] {strides = array<i32>} : memref<768x128xf32, #tpu.memory_space<vmem>>, vector<1x16xf32>,
      %parallel_loop3A_1810 = vector.shape_cast %parallel_loop3A_1809 : vector<1x16xf32> to vector<16xf32>
      %parallel_loop3A_1811 = vector.shape_cast %parallel_loop3A_1806 : vector<16xf32> to vector<1x16xf32>
      tpu.vector_store %arg14[%parallel_loop3A_1807, %parallel_loop3A_1808], %parallel_loop3A_1811 {add = true, strides = array<i32>} : memref<768x128xf32, #tpu.memory_space<vmem>>, vector<1x16xf32>,
      %parallel_loop3A_1812 = arith.mulf %parallel_loop3A_1761, %get3A_467 : vector<16xf32>
      %parallel_loop3A_1813 = arith.addf %parallel_loop3A_1812, %get3A_491 : vector<16xf32>
      %parallel_loop3A_1814 = arith.constant 0.000000e+00 : f32
      %parallel_loop3A_1815 = vector.broadcast %parallel_loop3A_1814 : f32 to vector<16xf32>
      %parallel_loop3A_1816 = arith.maximumf %parallel_loop3A_1813, %parallel_loop3A_1815 : vector<16xf32>
      %parallel_loop3A_1817 = arith.index_cast %parallel_loop3A_1758 : i32 to index
      %parallel_loop3A_1818 = arith.constant 80 : index
      %parallel_loop3A_1819 = tpu.vector_load %arg14[%parallel_loop3A_1817, %parallel_loop3A_1818] {strides = array<i32>} : memref<768x128xf32, #tpu.memory_space<vmem>>, vector<1x16xf32>,
      %parallel_loop3A_1820 = vector.shape_cast %parallel_loop3A_1819 : vector<1x16xf32> to vector<16xf32>
      %parallel_loop3A_1821 = vector.shape_cast %parallel_loop3A_1816 : vector<16xf32> to vector<1x16xf32>
      tpu.vector_store %arg14[%parallel_loop3A_1817, %parallel_loop3A_1818], %parallel_loop3A_1821 {add = true, strides = array<i32>} : memref<768x128xf32, #tpu.memory_space<vmem>>, vector<1x16xf32>,
      %parallel_loop3A_1822 = arith.mulf %parallel_loop3A_1761, %get3A_470 : vector<16xf32>
      %parallel_loop3A_1823 = arith.addf %parallel_loop3A_1822, %get3A_494 : vector<16xf32>
      %parallel_loop3A_1824 = arith.constant 0.000000e+00 : f32
      %parallel_loop3A_1825 = vector.broadcast %parallel_loop3A_1824 : f32 to vector<16xf32>
      %parallel_loop3A_1826 = arith.maximumf %parallel_loop3A_1823, %parallel_loop3A_1825 : vector<16xf32>
      %parallel_loop3A_1827 = arith.index_cast %parallel_loop3A_1758 : i32 to index
      %parallel_loop3A_1828 = arith.constant 96 : index
      %parallel_loop3A_1829 = tpu.vector_load %arg14[%parallel_loop3A_1827, %parallel_loop3A_1828] {strides = array<i32>} : memref<768x128xf32, #tpu.memory_space<vmem>>, vector<1x16xf32>,
      %parallel_loop3A_1830 = vector.shape_cast %parallel_loop3A_1829 : vector<1x16xf32> to vector<16xf32>
      %parallel_loop3A_1831 = vector.shape_cast %parallel_loop3A_1826 : vector<16xf32> to vector<1x16xf32>
      tpu.vector_store %arg14[%parallel_loop3A_1827, %parallel_loop3A_1828], %parallel_loop3A_1831 {add = true, strides = array<i32>} : memref<768x128xf32, #tpu.memory_space<vmem>>, vector<1x16xf32>,
      %parallel_loop3A_1832 = arith.mulf %parallel_loop3A_1761, %get3A_473 : vector<16xf32>
      %parallel_loop3A_1833 = arith.addf %parallel_loop3A_1832, %get3A_497 : vector<16xf32>
      %parallel_loop3A_1834 = arith.constant 0.000000e+00 : f32
      %parallel_loop3A_1835 = vector.broadcast %parallel_loop3A_1834 : f32 to vector<16xf32>
      %parallel_loop3A_1836 = arith.maximumf %parallel_loop3A_1833, %parallel_loop3A_1835 : vector<16xf32>
      %parallel_loop3A_1837 = arith.index_cast %parallel_loop3A_1758 : i32 to index
      %parallel_loop3A_1838 = arith.constant 112 : index
      %parallel_loop3A_1839 = tpu.vector_load %arg14[%parallel_loop3A_1837, %parallel_loop3A_1838] {strides = array<i32>} : memref<768x128xf32, #tpu.memory_space<vmem>>, vector<1x16xf32>,
      %parallel_loop3A_1840 = vector.shape_cast %parallel_loop3A_1839 : vector<1x16xf32> to vector<16xf32>
      %parallel_loop3A_1841 = vector.shape_cast %parallel_loop3A_1836 : vector<16xf32> to vector<1x16xf32>
      tpu.vector_store %arg14[%parallel_loop3A_1837, %parallel_loop3A_1838], %parallel_loop3A_1841 {add = true, strides = array<i32>} : memref<768x128xf32, #tpu.memory_space<vmem>>, vector<1x16xf32>,
      %parallel_loop3A_1842 = vector.extract_strided_slice %parallel_loop3A_566 {offsets = [15], sizes = [1], strides = [1]} : vector<16xi32> to vector<1xi32>
      %parallel_loop3A_1843 = vector.extract %parallel_loop3A_1842[0] : i32 from vector<1xi32>
      %parallel_loop3A_1844 = vector.extract_strided_slice %parallel_loop3A_524 {offsets = [15], sizes = [1], strides = [1]} : vector<16xf32> to vector<1xf32>
      %parallel_loop3A_1845 = vector.extract %parallel_loop3A_1844[0] : f32 from vector<1xf32>
      %parallel_loop3A_1846 = vector.broadcast %parallel_loop3A_1845 : f32 to vector<16xf32>
      %parallel_loop3A_1847 = arith.mulf %parallel_loop3A_1846, %get3A_452 : vector<16xf32>
      %parallel_loop3A_1848 = arith.addf %parallel_loop3A_1847, %get3A_476 : vector<16xf32>
      %parallel_loop3A_1849 = arith.constant 0.000000e+00 : f32
      %parallel_loop3A_1850 = vector.broadcast %parallel_loop3A_1849 : f32 to vector<16xf32>
      %parallel_loop3A_1851 = arith.maximumf %parallel_loop3A_1848, %parallel_loop3A_1850 : vector<16xf32>
      %parallel_loop3A_1852 = arith.index_cast %parallel_loop3A_1843 : i32 to index
      %parallel_loop3A_1853 = arith.constant 0 : index
      %parallel_loop3A_1854 = tpu.vector_load %arg14[%parallel_loop3A_1852, %parallel_loop3A_1853] {strides = array<i32>} : memref<768x128xf32, #tpu.memory_space<vmem>>, vector<1x16xf32>,
      %parallel_loop3A_1855 = vector.shape_cast %parallel_loop3A_1854 : vector<1x16xf32> to vector<16xf32>
      %parallel_loop3A_1856 = vector.shape_cast %parallel_loop3A_1851 : vector<16xf32> to vector<1x16xf32>
      tpu.vector_store %arg14[%parallel_loop3A_1852, %parallel_loop3A_1853], %parallel_loop3A_1856 {add = true, strides = array<i32>} : memref<768x128xf32, #tpu.memory_space<vmem>>, vector<1x16xf32>,
      %parallel_loop3A_1857 = arith.mulf %parallel_loop3A_1846, %get3A_455 : vector<16xf32>
      %parallel_loop3A_1858 = arith.addf %parallel_loop3A_1857, %get3A_479 : vector<16xf32>
      %parallel_loop3A_1859 = arith.constant 0.000000e+00 : f32
      %parallel_loop3A_1860 = vector.broadcast %parallel_loop3A_1859 : f32 to vector<16xf32>
      %parallel_loop3A_1861 = arith.maximumf %parallel_loop3A_1858, %parallel_loop3A_1860 : vector<16xf32>
      %parallel_loop3A_1862 = arith.index_cast %parallel_loop3A_1843 : i32 to index
      %parallel_loop3A_1863 = arith.constant 16 : index
      %parallel_loop3A_1864 = tpu.vector_load %arg14[%parallel_loop3A_1862, %parallel_loop3A_1863] {strides = array<i32>} : memref<768x128xf32, #tpu.memory_space<vmem>>, vector<1x16xf32>,
      %parallel_loop3A_1865 = vector.shape_cast %parallel_loop3A_1864 : vector<1x16xf32> to vector<16xf32>
      %parallel_loop3A_1866 = vector.shape_cast %parallel_loop3A_1861 : vector<16xf32> to vector<1x16xf32>
      tpu.vector_store %arg14[%parallel_loop3A_1862, %parallel_loop3A_1863], %parallel_loop3A_1866 {add = true, strides = array<i32>} : memref<768x128xf32, #tpu.memory_space<vmem>>, vector<1x16xf32>,
      %parallel_loop3A_1867 = arith.mulf %parallel_loop3A_1846, %get3A_458 : vector<16xf32>
      %parallel_loop3A_1868 = arith.addf %parallel_loop3A_1867, %get3A_482 : vector<16xf32>
      %parallel_loop3A_1869 = arith.constant 0.000000e+00 : f32
      %parallel_loop3A_1870 = vector.broadcast %parallel_loop3A_1869 : f32 to vector<16xf32>
      %parallel_loop3A_1871 = arith.maximumf %parallel_loop3A_1868, %parallel_loop3A_1870 : vector<16xf32>
      %parallel_loop3A_1872 = arith.index_cast %parallel_loop3A_1843 : i32 to index
      %parallel_loop3A_1873 = arith.constant 32 : index
      %parallel_loop3A_1874 = tpu.vector_load %arg14[%parallel_loop3A_1872, %parallel_loop3A_1873] {strides = array<i32>} : memref<768x128xf32, #tpu.memory_space<vmem>>, vector<1x16xf32>,
      %parallel_loop3A_1875 = vector.shape_cast %parallel_loop3A_1874 : vector<1x16xf32> to vector<16xf32>
      %parallel_loop3A_1876 = vector.shape_cast %parallel_loop3A_1871 : vector<16xf32> to vector<1x16xf32>
      tpu.vector_store %arg14[%parallel_loop3A_1872, %parallel_loop3A_1873], %parallel_loop3A_1876 {add = true, strides = array<i32>} : memref<768x128xf32, #tpu.memory_space<vmem>>, vector<1x16xf32>,
      %parallel_loop3A_1877 = arith.mulf %parallel_loop3A_1846, %get3A_461 : vector<16xf32>
      %parallel_loop3A_1878 = arith.addf %parallel_loop3A_1877, %get3A_485 : vector<16xf32>
      %parallel_loop3A_1879 = arith.constant 0.000000e+00 : f32
      %parallel_loop3A_1880 = vector.broadcast %parallel_loop3A_1879 : f32 to vector<16xf32>
      %parallel_loop3A_1881 = arith.maximumf %parallel_loop3A_1878, %parallel_loop3A_1880 : vector<16xf32>
      %parallel_loop3A_1882 = arith.index_cast %parallel_loop3A_1843 : i32 to index
      %parallel_loop3A_1883 = arith.constant 48 : index
      %parallel_loop3A_1884 = tpu.vector_load %arg14[%parallel_loop3A_1882, %parallel_loop3A_1883] {strides = array<i32>} : memref<768x128xf32, #tpu.memory_space<vmem>>, vector<1x16xf32>,
      %parallel_loop3A_1885 = vector.shape_cast %parallel_loop3A_1884 : vector<1x16xf32> to vector<16xf32>
      %parallel_loop3A_1886 = vector.shape_cast %parallel_loop3A_1881 : vector<16xf32> to vector<1x16xf32>
      tpu.vector_store %arg14[%parallel_loop3A_1882, %parallel_loop3A_1883], %parallel_loop3A_1886 {add = true, strides = array<i32>} : memref<768x128xf32, #tpu.memory_space<vmem>>, vector<1x16xf32>,
      %parallel_loop3A_1887 = arith.mulf %parallel_loop3A_1846, %get3A_464 : vector<16xf32>
      %parallel_loop3A_1888 = arith.addf %parallel_loop3A_1887, %get3A_488 : vector<16xf32>
      %parallel_loop3A_1889 = arith.constant 0.000000e+00 : f32
      %parallel_loop3A_1890 = vector.broadcast %parallel_loop3A_1889 : f32 to vector<16xf32>
      %parallel_loop3A_1891 = arith.maximumf %parallel_loop3A_1888, %parallel_loop3A_1890 : vector<16xf32>
      %parallel_loop3A_1892 = arith.index_cast %parallel_loop3A_1843 : i32 to index
      %parallel_loop3A_1893 = arith.constant 64 : index
      %parallel_loop3A_1894 = tpu.vector_load %arg14[%parallel_loop3A_1892, %parallel_loop3A_1893] {strides = array<i32>} : memref<768x128xf32, #tpu.memory_space<vmem>>, vector<1x16xf32>,
      %parallel_loop3A_1895 = vector.shape_cast %parallel_loop3A_1894 : vector<1x16xf32> to vector<16xf32>
      %parallel_loop3A_1896 = vector.shape_cast %parallel_loop3A_1891 : vector<16xf32> to vector<1x16xf32>
      tpu.vector_store %arg14[%parallel_loop3A_1892, %parallel_loop3A_1893], %parallel_loop3A_1896 {add = true, strides = array<i32>} : memref<768x128xf32, #tpu.memory_space<vmem>>, vector<1x16xf32>,
      %parallel_loop3A_1897 = arith.mulf %parallel_loop3A_1846, %get3A_467 : vector<16xf32>
      %parallel_loop3A_1898 = arith.addf %parallel_loop3A_1897, %get3A_491 : vector<16xf32>
      %parallel_loop3A_1899 = arith.constant 0.000000e+00 : f32
      %parallel_loop3A_1900 = vector.broadcast %parallel_loop3A_1899 : f32 to vector<16xf32>
      %parallel_loop3A_1901 = arith.maximumf %parallel_loop3A_1898, %parallel_loop3A_1900 : vector<16xf32>
      %parallel_loop3A_1902 = arith.index_cast %parallel_loop3A_1843 : i32 to index
      %parallel_loop3A_1903 = arith.constant 80 : index
      %parallel_loop3A_1904 = tpu.vector_load %arg14[%parallel_loop3A_1902, %parallel_loop3A_1903] {strides = array<i32>} : memref<768x128xf32, #tpu.memory_space<vmem>>, vector<1x16xf32>,
      %parallel_loop3A_1905 = vector.shape_cast %parallel_loop3A_1904 : vector<1x16xf32> to vector<16xf32>
      %parallel_loop3A_1906 = vector.shape_cast %parallel_loop3A_1901 : vector<16xf32> to vector<1x16xf32>
      tpu.vector_store %arg14[%parallel_loop3A_1902, %parallel_loop3A_1903], %parallel_loop3A_1906 {add = true, strides = array<i32>} : memref<768x128xf32, #tpu.memory_space<vmem>>, vector<1x16xf32>,
      %parallel_loop3A_1907 = arith.mulf %parallel_loop3A_1846, %get3A_470 : vector<16xf32>
      %parallel_loop3A_1908 = arith.addf %parallel_loop3A_1907, %get3A_494 : vector<16xf32>
      %parallel_loop3A_1909 = arith.constant 0.000000e+00 : f32
      %parallel_loop3A_1910 = vector.broadcast %parallel_loop3A_1909 : f32 to vector<16xf32>
      %parallel_loop3A_1911 = arith.maximumf %parallel_loop3A_1908, %parallel_loop3A_1910 : vector<16xf32>
      %parallel_loop3A_1912 = arith.index_cast %parallel_loop3A_1843 : i32 to index
      %parallel_loop3A_1913 = arith.constant 96 : index
      %parallel_loop3A_1914 = tpu.vector_load %arg14[%parallel_loop3A_1912, %parallel_loop3A_1913] {strides = array<i32>} : memref<768x128xf32, #tpu.memory_space<vmem>>, vector<1x16xf32>,
      %parallel_loop3A_1915 = vector.shape_cast %parallel_loop3A_1914 : vector<1x16xf32> to vector<16xf32>
      %parallel_loop3A_1916 = vector.shape_cast %parallel_loop3A_1911 : vector<16xf32> to vector<1x16xf32>
      tpu.vector_store %arg14[%parallel_loop3A_1912, %parallel_loop3A_1913], %parallel_loop3A_1916 {add = true, strides = array<i32>} : memref<768x128xf32, #tpu.memory_space<vmem>>, vector<1x16xf32>,
      %parallel_loop3A_1917 = arith.mulf %parallel_loop3A_1846, %get3A_473 : vector<16xf32>
      %parallel_loop3A_1918 = arith.addf %parallel_loop3A_1917, %get3A_497 : vector<16xf32>
      %parallel_loop3A_1919 = arith.constant 0.000000e+00 : f32
      %parallel_loop3A_1920 = vector.broadcast %parallel_loop3A_1919 : f32 to vector<16xf32>
      %parallel_loop3A_1921 = arith.maximumf %parallel_loop3A_1918, %parallel_loop3A_1920 : vector<16xf32>
      %parallel_loop3A_1922 = arith.index_cast %parallel_loop3A_1843 : i32 to index
      %parallel_loop3A_1923 = arith.constant 112 : index
      %parallel_loop3A_1924 = tpu.vector_load %arg14[%parallel_loop3A_1922, %parallel_loop3A_1923] {strides = array<i32>} : memref<768x128xf32, #tpu.memory_space<vmem>>, vector<1x16xf32>,
      %parallel_loop3A_1925 = vector.shape_cast %parallel_loop3A_1924 : vector<1x16xf32> to vector<16xf32>
      %parallel_loop3A_1926 = vector.shape_cast %parallel_loop3A_1921 : vector<16xf32> to vector<1x16xf32>
      tpu.vector_store %arg14[%parallel_loop3A_1922, %parallel_loop3A_1923], %parallel_loop3A_1926 {add = true, strides = array<i32>} : memref<768x128xf32, #tpu.memory_space<vmem>>, vector<1x16xf32>,
      %parallel_loop3A_1927 = arith.constant 1 : i32
      %parallel_loop3A_1928 = arith.addi %parallel_loop3A_511, %parallel_loop3A_1927 : i32
      %parallel_loop3A_1929 = arith.constant 16 : i32
      %parallel_loop3A_1930 = arith.muli %parallel_loop3A_1928, %parallel_loop3A_1929 : i32
      %parallel_loop3A_1931 = arith.index_cast %parallel_loop3A_1930 : i32 to index
      %parallel_loop3A_1932 = tpu.vector_load %arg8[%parallel_loop3A_1931] {strides = array<i32>} : memref<1024xf32, #tpu.memory_space<vmem>>, vector<16xf32>,
      %parallel_loop3A_1933 = vector.shape_cast %parallel_loop3A_1932 : vector<16xf32> to vector<16xf32>
      %parallel_loop3A_1934 = arith.index_cast %parallel_loop3A_1930 : i32 to index
      %parallel_loop3A_1935 = tpu.vector_load %arg9[%parallel_loop3A_1934] {strides = array<i32>} : memref<1024xf32, #tpu.memory_space<vmem>>, vector<16xf32>,
      %parallel_loop3A_1936 = vector.shape_cast %parallel_loop3A_1935 : vector<16xf32> to vector<16xf32>
      %parallel_loop3A_1937 = arith.index_cast %parallel_loop3A_1930 : i32 to index
      %parallel_loop3A_1938 = tpu.vector_load %arg10[%parallel_loop3A_1937] {strides = array<i32>} : memref<1024xf32, #tpu.memory_space<vmem>>, vector<16xf32>,
      %parallel_loop3A_1939 = vector.shape_cast %parallel_loop3A_1938 : vector<16xf32> to vector<16xf32>
      %parallel_loop3A_1940 = arith.constant 3.000000e+00 : f32
      %parallel_loop3A_1941 = vector.broadcast %parallel_loop3A_1940 : f32 to vector<16xf32>
      %parallel_loop3A_1942 = arith.addf %parallel_loop3A_1933, %parallel_loop3A_1941 : vector<16xf32>
      %parallel_loop3A_1943 = arith.constant 2.500000e-01 : f32
      %parallel_loop3A_1944 = vector.broadcast %parallel_loop3A_1943 : f32 to vector<16xf32>
      %parallel_loop3A_1945 = arith.divf %parallel_loop3A_1942, %parallel_loop3A_1944 : vector<16xf32>
      %parallel_loop3A_1946 = arith.fptosi %parallel_loop3A_1945 : vector<16xf32> to vector<16xi32>
      %parallel_loop3A_1947 = arith.constant 3.000000e+00 : f32
      %parallel_loop3A_1948 = vector.broadcast %parallel_loop3A_1947 : f32 to vector<16xf32>
      %parallel_loop3A_1949 = arith.addf %parallel_loop3A_1936, %parallel_loop3A_1948 : vector<16xf32>
      %parallel_loop3A_1950 = arith.constant 2.500000e-01 : f32
      %parallel_loop3A_1951 = vector.broadcast %parallel_loop3A_1950 : f32 to vector<16xf32>
      %parallel_loop3A_1952 = arith.divf %parallel_loop3A_1949, %parallel_loop3A_1951 : vector<16xf32>
      %parallel_loop3A_1953 = arith.fptosi %parallel_loop3A_1952 : vector<16xf32> to vector<16xi32>
      %parallel_loop3A_1954 = arith.constant 0 : i32
      %parallel_loop3A_1955 = vector.broadcast %parallel_loop3A_1954 : i32 to vector<16xi32>
      %parallel_loop3A_1956 = arith.cmpi sge, %parallel_loop3A_1946, %parallel_loop3A_1955 : vector<16xi32>
      %parallel_loop3A_1957 = arith.constant 24 : i32
      %parallel_loop3A_1958 = vector.broadcast %parallel_loop3A_1957 : i32 to vector<16xi32>
      %parallel_loop3A_1959 = arith.cmpi slt, %parallel_loop3A_1946, %parallel_loop3A_1958 : vector<16xi32>
      %parallel_loop3A_1960 = arith.andi %parallel_loop3A_1956, %parallel_loop3A_1959 : vector<16xi1>
      %parallel_loop3A_1961 = arith.constant 0 : i32
      %parallel_loop3A_1962 = vector.broadcast %parallel_loop3A_1961 : i32 to vector<16xi32>
      %parallel_loop3A_1963 = arith.cmpi sge, %parallel_loop3A_1953, %parallel_loop3A_1962 : vector<16xi32>
      %parallel_loop3A_1964 = arith.andi %parallel_loop3A_1960, %parallel_loop3A_1963 : vector<16xi1>
      %parallel_loop3A_1965 = arith.constant 24 : i32
      %parallel_loop3A_1966 = vector.broadcast %parallel_loop3A_1965 : i32 to vector<16xi32>
      %parallel_loop3A_1967 = arith.cmpi slt, %parallel_loop3A_1953, %parallel_loop3A_1966 : vector<16xi32>
      %parallel_loop3A_1968 = arith.andi %parallel_loop3A_1964, %parallel_loop3A_1967 : vector<16xi1>
      %parallel_loop3A_1969 = arith.constant 1 : i32
      %parallel_loop3A_1970 = vector.broadcast %parallel_loop3A_1969 : i32 to vector<16xi32>
      %parallel_loop3A_1971 = arith.addi %parallel_loop3A_1946, %parallel_loop3A_1970 : vector<16xi32>
      %parallel_loop3A_1972 = arith.constant 26 : i32
      %parallel_loop3A_1973 = vector.broadcast %parallel_loop3A_1972 : i32 to vector<16xi32>
      %parallel_loop3A_1974 = arith.muli %parallel_loop3A_1971, %parallel_loop3A_1973 : vector<16xi32>
      %parallel_loop3A_1975 = arith.constant 1 : i32
      %parallel_loop3A_1976 = vector.broadcast %parallel_loop3A_1975 : i32 to vector<16xi32>
      %parallel_loop3A_1977 = arith.addi %parallel_loop3A_1953, %parallel_loop3A_1976 : vector<16xi32>
      %parallel_loop3A_1978 = arith.addi %parallel_loop3A_1974, %parallel_loop3A_1977 : vector<16xi32>
      %parallel_loop3A_1979 = arith.constant 676 : i32
      %parallel_loop3A_1980 = vector.broadcast %parallel_loop3A_1979 : i32 to vector<16xi32>
      %parallel_loop3A_1981 = arith.select %parallel_loop3A_1968, %parallel_loop3A_1978, %parallel_loop3A_1980 : vector<16xi1>, vector<16xi32>
      %parallel_loop3A_1982 = vector.extract_strided_slice %parallel_loop3A_1981 {offsets = [0], sizes = [1], strides = [1]} : vector<16xi32> to vector<1xi32>
      %parallel_loop3A_1983 = vector.extract %parallel_loop3A_1982[0] : i32 from vector<1xi32>
      %parallel_loop3A_1984 = vector.extract_strided_slice %parallel_loop3A_1939 {offsets = [0], sizes = [1], strides = [1]} : vector<16xf32> to vector<1xf32>
      %parallel_loop3A_1985 = vector.extract %parallel_loop3A_1984[0] : f32 from vector<1xf32>
      %parallel_loop3A_1986 = vector.broadcast %parallel_loop3A_1985 : f32 to vector<16xf32>
      %parallel_loop3A_1987 = arith.mulf %parallel_loop3A_1986, %get3A_452 : vector<16xf32>
      %parallel_loop3A_1988 = arith.addf %parallel_loop3A_1987, %get3A_476 : vector<16xf32>
      %parallel_loop3A_1989 = arith.constant 0.000000e+00 : f32
      %parallel_loop3A_1990 = vector.broadcast %parallel_loop3A_1989 : f32 to vector<16xf32>
      %parallel_loop3A_1991 = arith.maximumf %parallel_loop3A_1988, %parallel_loop3A_1990 : vector<16xf32>
      %parallel_loop3A_1992 = arith.index_cast %parallel_loop3A_1983 : i32 to index
      %parallel_loop3A_1993 = arith.constant 0 : index
      %parallel_loop3A_1994 = tpu.vector_load %arg14[%parallel_loop3A_1992, %parallel_loop3A_1993] {strides = array<i32>} : memref<768x128xf32, #tpu.memory_space<vmem>>, vector<1x16xf32>,
      %parallel_loop3A_1995 = vector.shape_cast %parallel_loop3A_1994 : vector<1x16xf32> to vector<16xf32>
      %parallel_loop3A_1996 = vector.shape_cast %parallel_loop3A_1991 : vector<16xf32> to vector<1x16xf32>
      tpu.vector_store %arg14[%parallel_loop3A_1992, %parallel_loop3A_1993], %parallel_loop3A_1996 {add = true, strides = array<i32>} : memref<768x128xf32, #tpu.memory_space<vmem>>, vector<1x16xf32>,
      %parallel_loop3A_1997 = arith.mulf %parallel_loop3A_1986, %get3A_455 : vector<16xf32>
      %parallel_loop3A_1998 = arith.addf %parallel_loop3A_1997, %get3A_479 : vector<16xf32>
      %parallel_loop3A_1999 = arith.constant 0.000000e+00 : f32
      %parallel_loop3A_2000 = vector.broadcast %parallel_loop3A_1999 : f32 to vector<16xf32>
      %parallel_loop3A_2001 = arith.maximumf %parallel_loop3A_1998, %parallel_loop3A_2000 : vector<16xf32>
      %parallel_loop3A_2002 = arith.index_cast %parallel_loop3A_1983 : i32 to index
      %parallel_loop3A_2003 = arith.constant 16 : index
      %parallel_loop3A_2004 = tpu.vector_load %arg14[%parallel_loop3A_2002, %parallel_loop3A_2003] {strides = array<i32>} : memref<768x128xf32, #tpu.memory_space<vmem>>, vector<1x16xf32>,
      %parallel_loop3A_2005 = vector.shape_cast %parallel_loop3A_2004 : vector<1x16xf32> to vector<16xf32>
      %parallel_loop3A_2006 = vector.shape_cast %parallel_loop3A_2001 : vector<16xf32> to vector<1x16xf32>
      tpu.vector_store %arg14[%parallel_loop3A_2002, %parallel_loop3A_2003], %parallel_loop3A_2006 {add = true, strides = array<i32>} : memref<768x128xf32, #tpu.memory_space<vmem>>, vector<1x16xf32>,
      %parallel_loop3A_2007 = arith.mulf %parallel_loop3A_1986, %get3A_458 : vector<16xf32>
      %parallel_loop3A_2008 = arith.addf %parallel_loop3A_2007, %get3A_482 : vector<16xf32>
      %parallel_loop3A_2009 = arith.constant 0.000000e+00 : f32
      %parallel_loop3A_2010 = vector.broadcast %parallel_loop3A_2009 : f32 to vector<16xf32>
      %parallel_loop3A_2011 = arith.maximumf %parallel_loop3A_2008, %parallel_loop3A_2010 : vector<16xf32>
      %parallel_loop3A_2012 = arith.index_cast %parallel_loop3A_1983 : i32 to index
      %parallel_loop3A_2013 = arith.constant 32 : index
      %parallel_loop3A_2014 = tpu.vector_load %arg14[%parallel_loop3A_2012, %parallel_loop3A_2013] {strides = array<i32>} : memref<768x128xf32, #tpu.memory_space<vmem>>, vector<1x16xf32>,
      %parallel_loop3A_2015 = vector.shape_cast %parallel_loop3A_2014 : vector<1x16xf32> to vector<16xf32>
      %parallel_loop3A_2016 = vector.shape_cast %parallel_loop3A_2011 : vector<16xf32> to vector<1x16xf32>
      tpu.vector_store %arg14[%parallel_loop3A_2012, %parallel_loop3A_2013], %parallel_loop3A_2016 {add = true, strides = array<i32>} : memref<768x128xf32, #tpu.memory_space<vmem>>, vector<1x16xf32>,
      %parallel_loop3A_2017 = arith.mulf %parallel_loop3A_1986, %get3A_461 : vector<16xf32>
      %parallel_loop3A_2018 = arith.addf %parallel_loop3A_2017, %get3A_485 : vector<16xf32>
      %parallel_loop3A_2019 = arith.constant 0.000000e+00 : f32
      %parallel_loop3A_2020 = vector.broadcast %parallel_loop3A_2019 : f32 to vector<16xf32>
      %parallel_loop3A_2021 = arith.maximumf %parallel_loop3A_2018, %parallel_loop3A_2020 : vector<16xf32>
      %parallel_loop3A_2022 = arith.index_cast %parallel_loop3A_1983 : i32 to index
      %parallel_loop3A_2023 = arith.constant 48 : index
      %parallel_loop3A_2024 = tpu.vector_load %arg14[%parallel_loop3A_2022, %parallel_loop3A_2023] {strides = array<i32>} : memref<768x128xf32, #tpu.memory_space<vmem>>, vector<1x16xf32>,
      %parallel_loop3A_2025 = vector.shape_cast %parallel_loop3A_2024 : vector<1x16xf32> to vector<16xf32>
      %parallel_loop3A_2026 = vector.shape_cast %parallel_loop3A_2021 : vector<16xf32> to vector<1x16xf32>
      tpu.vector_store %arg14[%parallel_loop3A_2022, %parallel_loop3A_2023], %parallel_loop3A_2026 {add = true, strides = array<i32>} : memref<768x128xf32, #tpu.memory_space<vmem>>, vector<1x16xf32>,
      %parallel_loop3A_2027 = arith.mulf %parallel_loop3A_1986, %get3A_464 : vector<16xf32>
      %parallel_loop3A_2028 = arith.addf %parallel_loop3A_2027, %get3A_488 : vector<16xf32>
      %parallel_loop3A_2029 = arith.constant 0.000000e+00 : f32
      %parallel_loop3A_2030 = vector.broadcast %parallel_loop3A_2029 : f32 to vector<16xf32>
      %parallel_loop3A_2031 = arith.maximumf %parallel_loop3A_2028, %parallel_loop3A_2030 : vector<16xf32>
      %parallel_loop3A_2032 = arith.index_cast %parallel_loop3A_1983 : i32 to index
      %parallel_loop3A_2033 = arith.constant 64 : index
      %parallel_loop3A_2034 = tpu.vector_load %arg14[%parallel_loop3A_2032, %parallel_loop3A_2033] {strides = array<i32>} : memref<768x128xf32, #tpu.memory_space<vmem>>, vector<1x16xf32>,
      %parallel_loop3A_2035 = vector.shape_cast %parallel_loop3A_2034 : vector<1x16xf32> to vector<16xf32>
      %parallel_loop3A_2036 = vector.shape_cast %parallel_loop3A_2031 : vector<16xf32> to vector<1x16xf32>
      tpu.vector_store %arg14[%parallel_loop3A_2032, %parallel_loop3A_2033], %parallel_loop3A_2036 {add = true, strides = array<i32>} : memref<768x128xf32, #tpu.memory_space<vmem>>, vector<1x16xf32>,
      %parallel_loop3A_2037 = arith.mulf %parallel_loop3A_1986, %get3A_467 : vector<16xf32>
      %parallel_loop3A_2038 = arith.addf %parallel_loop3A_2037, %get3A_491 : vector<16xf32>
      %parallel_loop3A_2039 = arith.constant 0.000000e+00 : f32
      %parallel_loop3A_2040 = vector.broadcast %parallel_loop3A_2039 : f32 to vector<16xf32>
      %parallel_loop3A_2041 = arith.maximumf %parallel_loop3A_2038, %parallel_loop3A_2040 : vector<16xf32>
      %parallel_loop3A_2042 = arith.index_cast %parallel_loop3A_1983 : i32 to index
      %parallel_loop3A_2043 = arith.constant 80 : index
      %parallel_loop3A_2044 = tpu.vector_load %arg14[%parallel_loop3A_2042, %parallel_loop3A_2043] {strides = array<i32>} : memref<768x128xf32, #tpu.memory_space<vmem>>, vector<1x16xf32>,
      %parallel_loop3A_2045 = vector.shape_cast %parallel_loop3A_2044 : vector<1x16xf32> to vector<16xf32>
      %parallel_loop3A_2046 = vector.shape_cast %parallel_loop3A_2041 : vector<16xf32> to vector<1x16xf32>
      tpu.vector_store %arg14[%parallel_loop3A_2042, %parallel_loop3A_2043], %parallel_loop3A_2046 {add = true, strides = array<i32>} : memref<768x128xf32, #tpu.memory_space<vmem>>, vector<1x16xf32>,
      %parallel_loop3A_2047 = arith.mulf %parallel_loop3A_1986, %get3A_470 : vector<16xf32>
      %parallel_loop3A_2048 = arith.addf %parallel_loop3A_2047, %get3A_494 : vector<16xf32>
      %parallel_loop3A_2049 = arith.constant 0.000000e+00 : f32
      %parallel_loop3A_2050 = vector.broadcast %parallel_loop3A_2049 : f32 to vector<16xf32>
      %parallel_loop3A_2051 = arith.maximumf %parallel_loop3A_2048, %parallel_loop3A_2050 : vector<16xf32>
      %parallel_loop3A_2052 = arith.index_cast %parallel_loop3A_1983 : i32 to index
      %parallel_loop3A_2053 = arith.constant 96 : index
      %parallel_loop3A_2054 = tpu.vector_load %arg14[%parallel_loop3A_2052, %parallel_loop3A_2053] {strides = array<i32>} : memref<768x128xf32, #tpu.memory_space<vmem>>, vector<1x16xf32>,
      %parallel_loop3A_2055 = vector.shape_cast %parallel_loop3A_2054 : vector<1x16xf32> to vector<16xf32>
      %parallel_loop3A_2056 = vector.shape_cast %parallel_loop3A_2051 : vector<16xf32> to vector<1x16xf32>
      tpu.vector_store %arg14[%parallel_loop3A_2052, %parallel_loop3A_2053], %parallel_loop3A_2056 {add = true, strides = array<i32>} : memref<768x128xf32, #tpu.memory_space<vmem>>, vector<1x16xf32>,
      %parallel_loop3A_2057 = arith.mulf %parallel_loop3A_1986, %get3A_473 : vector<16xf32>
      %parallel_loop3A_2058 = arith.addf %parallel_loop3A_2057, %get3A_497 : vector<16xf32>
      %parallel_loop3A_2059 = arith.constant 0.000000e+00 : f32
      %parallel_loop3A_2060 = vector.broadcast %parallel_loop3A_2059 : f32 to vector<16xf32>
      %parallel_loop3A_2061 = arith.maximumf %parallel_loop3A_2058, %parallel_loop3A_2060 : vector<16xf32>
      %parallel_loop3A_2062 = arith.index_cast %parallel_loop3A_1983 : i32 to index
      %parallel_loop3A_2063 = arith.constant 112 : index
      %parallel_loop3A_2064 = tpu.vector_load %arg14[%parallel_loop3A_2062, %parallel_loop3A_2063] {strides = array<i32>} : memref<768x128xf32, #tpu.memory_space<vmem>>, vector<1x16xf32>,
      %parallel_loop3A_2065 = vector.shape_cast %parallel_loop3A_2064 : vector<1x16xf32> to vector<16xf32>
      %parallel_loop3A_2066 = vector.shape_cast %parallel_loop3A_2061 : vector<16xf32> to vector<1x16xf32>
      tpu.vector_store %arg14[%parallel_loop3A_2062, %parallel_loop3A_2063], %parallel_loop3A_2066 {add = true, strides = array<i32>} : memref<768x128xf32, #tpu.memory_space<vmem>>, vector<1x16xf32>,
      %parallel_loop3A_2067 = vector.extract_strided_slice %parallel_loop3A_1981 {offsets = [1], sizes = [1], strides = [1]} : vector<16xi32> to vector<1xi32>
      %parallel_loop3A_2068 = vector.extract %parallel_loop3A_2067[0] : i32 from vector<1xi32>
      %parallel_loop3A_2069 = vector.extract_strided_slice %parallel_loop3A_1939 {offsets = [1], sizes = [1], strides = [1]} : vector<16xf32> to vector<1xf32>
      %parallel_loop3A_2070 = vector.extract %parallel_loop3A_2069[0] : f32 from vector<1xf32>
      %parallel_loop3A_2071 = vector.broadcast %parallel_loop3A_2070 : f32 to vector<16xf32>
      %parallel_loop3A_2072 = arith.mulf %parallel_loop3A_2071, %get3A_452 : vector<16xf32>
      %parallel_loop3A_2073 = arith.addf %parallel_loop3A_2072, %get3A_476 : vector<16xf32>
      %parallel_loop3A_2074 = arith.constant 0.000000e+00 : f32
      %parallel_loop3A_2075 = vector.broadcast %parallel_loop3A_2074 : f32 to vector<16xf32>
      %parallel_loop3A_2076 = arith.maximumf %parallel_loop3A_2073, %parallel_loop3A_2075 : vector<16xf32>
      %parallel_loop3A_2077 = arith.index_cast %parallel_loop3A_2068 : i32 to index
      %parallel_loop3A_2078 = arith.constant 0 : index
      %parallel_loop3A_2079 = tpu.vector_load %arg14[%parallel_loop3A_2077, %parallel_loop3A_2078] {strides = array<i32>} : memref<768x128xf32, #tpu.memory_space<vmem>>, vector<1x16xf32>,
      %parallel_loop3A_2080 = vector.shape_cast %parallel_loop3A_2079 : vector<1x16xf32> to vector<16xf32>
      %parallel_loop3A_2081 = vector.shape_cast %parallel_loop3A_2076 : vector<16xf32> to vector<1x16xf32>
      tpu.vector_store %arg14[%parallel_loop3A_2077, %parallel_loop3A_2078], %parallel_loop3A_2081 {add = true, strides = array<i32>} : memref<768x128xf32, #tpu.memory_space<vmem>>, vector<1x16xf32>,
      %parallel_loop3A_2082 = arith.mulf %parallel_loop3A_2071, %get3A_455 : vector<16xf32>
      %parallel_loop3A_2083 = arith.addf %parallel_loop3A_2082, %get3A_479 : vector<16xf32>
      %parallel_loop3A_2084 = arith.constant 0.000000e+00 : f32
      %parallel_loop3A_2085 = vector.broadcast %parallel_loop3A_2084 : f32 to vector<16xf32>
      %parallel_loop3A_2086 = arith.maximumf %parallel_loop3A_2083, %parallel_loop3A_2085 : vector<16xf32>
      %parallel_loop3A_2087 = arith.index_cast %parallel_loop3A_2068 : i32 to index
      %parallel_loop3A_2088 = arith.constant 16 : index
      %parallel_loop3A_2089 = tpu.vector_load %arg14[%parallel_loop3A_2087, %parallel_loop3A_2088] {strides = array<i32>} : memref<768x128xf32, #tpu.memory_space<vmem>>, vector<1x16xf32>,
      %parallel_loop3A_2090 = vector.shape_cast %parallel_loop3A_2089 : vector<1x16xf32> to vector<16xf32>
      %parallel_loop3A_2091 = vector.shape_cast %parallel_loop3A_2086 : vector<16xf32> to vector<1x16xf32>
      tpu.vector_store %arg14[%parallel_loop3A_2087, %parallel_loop3A_2088], %parallel_loop3A_2091 {add = true, strides = array<i32>} : memref<768x128xf32, #tpu.memory_space<vmem>>, vector<1x16xf32>,
      %parallel_loop3A_2092 = arith.mulf %parallel_loop3A_2071, %get3A_458 : vector<16xf32>
      %parallel_loop3A_2093 = arith.addf %parallel_loop3A_2092, %get3A_482 : vector<16xf32>
      %parallel_loop3A_2094 = arith.constant 0.000000e+00 : f32
      %parallel_loop3A_2095 = vector.broadcast %parallel_loop3A_2094 : f32 to vector<16xf32>
      %parallel_loop3A_2096 = arith.maximumf %parallel_loop3A_2093, %parallel_loop3A_2095 : vector<16xf32>
      %parallel_loop3A_2097 = arith.index_cast %parallel_loop3A_2068 : i32 to index
      %parallel_loop3A_2098 = arith.constant 32 : index
      %parallel_loop3A_2099 = tpu.vector_load %arg14[%parallel_loop3A_2097, %parallel_loop3A_2098] {strides = array<i32>} : memref<768x128xf32, #tpu.memory_space<vmem>>, vector<1x16xf32>,
      %parallel_loop3A_2100 = vector.shape_cast %parallel_loop3A_2099 : vector<1x16xf32> to vector<16xf32>
      %parallel_loop3A_2101 = vector.shape_cast %parallel_loop3A_2096 : vector<16xf32> to vector<1x16xf32>
      tpu.vector_store %arg14[%parallel_loop3A_2097, %parallel_loop3A_2098], %parallel_loop3A_2101 {add = true, strides = array<i32>} : memref<768x128xf32, #tpu.memory_space<vmem>>, vector<1x16xf32>,
      %parallel_loop3A_2102 = arith.mulf %parallel_loop3A_2071, %get3A_461 : vector<16xf32>
      %parallel_loop3A_2103 = arith.addf %parallel_loop3A_2102, %get3A_485 : vector<16xf32>
      %parallel_loop3A_2104 = arith.constant 0.000000e+00 : f32
      %parallel_loop3A_2105 = vector.broadcast %parallel_loop3A_2104 : f32 to vector<16xf32>
      %parallel_loop3A_2106 = arith.maximumf %parallel_loop3A_2103, %parallel_loop3A_2105 : vector<16xf32>
      %parallel_loop3A_2107 = arith.index_cast %parallel_loop3A_2068 : i32 to index
      %parallel_loop3A_2108 = arith.constant 48 : index
      %parallel_loop3A_2109 = tpu.vector_load %arg14[%parallel_loop3A_2107, %parallel_loop3A_2108] {strides = array<i32>} : memref<768x128xf32, #tpu.memory_space<vmem>>, vector<1x16xf32>,
      %parallel_loop3A_2110 = vector.shape_cast %parallel_loop3A_2109 : vector<1x16xf32> to vector<16xf32>
      %parallel_loop3A_2111 = vector.shape_cast %parallel_loop3A_2106 : vector<16xf32> to vector<1x16xf32>
      tpu.vector_store %arg14[%parallel_loop3A_2107, %parallel_loop3A_2108], %parallel_loop3A_2111 {add = true, strides = array<i32>} : memref<768x128xf32, #tpu.memory_space<vmem>>, vector<1x16xf32>,
      %parallel_loop3A_2112 = arith.mulf %parallel_loop3A_2071, %get3A_464 : vector<16xf32>
      %parallel_loop3A_2113 = arith.addf %parallel_loop3A_2112, %get3A_488 : vector<16xf32>
      %parallel_loop3A_2114 = arith.constant 0.000000e+00 : f32
      %parallel_loop3A_2115 = vector.broadcast %parallel_loop3A_2114 : f32 to vector<16xf32>
      %parallel_loop3A_2116 = arith.maximumf %parallel_loop3A_2113, %parallel_loop3A_2115 : vector<16xf32>
      %parallel_loop3A_2117 = arith.index_cast %parallel_loop3A_2068 : i32 to index
      %parallel_loop3A_2118 = arith.constant 64 : index
      %parallel_loop3A_2119 = tpu.vector_load %arg14[%parallel_loop3A_2117, %parallel_loop3A_2118] {strides = array<i32>} : memref<768x128xf32, #tpu.memory_space<vmem>>, vector<1x16xf32>,
      %parallel_loop3A_2120 = vector.shape_cast %parallel_loop3A_2119 : vector<1x16xf32> to vector<16xf32>
      %parallel_loop3A_2121 = vector.shape_cast %parallel_loop3A_2116 : vector<16xf32> to vector<1x16xf32>
      tpu.vector_store %arg14[%parallel_loop3A_2117, %parallel_loop3A_2118], %parallel_loop3A_2121 {add = true, strides = array<i32>} : memref<768x128xf32, #tpu.memory_space<vmem>>, vector<1x16xf32>,
      %parallel_loop3A_2122 = arith.mulf %parallel_loop3A_2071, %get3A_467 : vector<16xf32>
      %parallel_loop3A_2123 = arith.addf %parallel_loop3A_2122, %get3A_491 : vector<16xf32>
      %parallel_loop3A_2124 = arith.constant 0.000000e+00 : f32
      %parallel_loop3A_2125 = vector.broadcast %parallel_loop3A_2124 : f32 to vector<16xf32>
      %parallel_loop3A_2126 = arith.maximumf %parallel_loop3A_2123, %parallel_loop3A_2125 : vector<16xf32>
      %parallel_loop3A_2127 = arith.index_cast %parallel_loop3A_2068 : i32 to index
      %parallel_loop3A_2128 = arith.constant 80 : index
      %parallel_loop3A_2129 = tpu.vector_load %arg14[%parallel_loop3A_2127, %parallel_loop3A_2128] {strides = array<i32>} : memref<768x128xf32, #tpu.memory_space<vmem>>, vector<1x16xf32>,
      %parallel_loop3A_2130 = vector.shape_cast %parallel_loop3A_2129 : vector<1x16xf32> to vector<16xf32>
      %parallel_loop3A_2131 = vector.shape_cast %parallel_loop3A_2126 : vector<16xf32> to vector<1x16xf32>
      tpu.vector_store %arg14[%parallel_loop3A_2127, %parallel_loop3A_2128], %parallel_loop3A_2131 {add = true, strides = array<i32>} : memref<768x128xf32, #tpu.memory_space<vmem>>, vector<1x16xf32>,
      %parallel_loop3A_2132 = arith.mulf %parallel_loop3A_2071, %get3A_470 : vector<16xf32>
      %parallel_loop3A_2133 = arith.addf %parallel_loop3A_2132, %get3A_494 : vector<16xf32>
      %parallel_loop3A_2134 = arith.constant 0.000000e+00 : f32
      %parallel_loop3A_2135 = vector.broadcast %parallel_loop3A_2134 : f32 to vector<16xf32>
      %parallel_loop3A_2136 = arith.maximumf %parallel_loop3A_2133, %parallel_loop3A_2135 : vector<16xf32>
      %parallel_loop3A_2137 = arith.index_cast %parallel_loop3A_2068 : i32 to index
      %parallel_loop3A_2138 = arith.constant 96 : index
      %parallel_loop3A_2139 = tpu.vector_load %arg14[%parallel_loop3A_2137, %parallel_loop3A_2138] {strides = array<i32>} : memref<768x128xf32, #tpu.memory_space<vmem>>, vector<1x16xf32>,
      %parallel_loop3A_2140 = vector.shape_cast %parallel_loop3A_2139 : vector<1x16xf32> to vector<16xf32>
      %parallel_loop3A_2141 = vector.shape_cast %parallel_loop3A_2136 : vector<16xf32> to vector<1x16xf32>
      tpu.vector_store %arg14[%parallel_loop3A_2137, %parallel_loop3A_2138], %parallel_loop3A_2141 {add = true, strides = array<i32>} : memref<768x128xf32, #tpu.memory_space<vmem>>, vector<1x16xf32>,
      %parallel_loop3A_2142 = arith.mulf %parallel_loop3A_2071, %get3A_473 : vector<16xf32>
      %parallel_loop3A_2143 = arith.addf %parallel_loop3A_2142, %get3A_497 : vector<16xf32>
      %parallel_loop3A_2144 = arith.constant 0.000000e+00 : f32
      %parallel_loop3A_2145 = vector.broadcast %parallel_loop3A_2144 : f32 to vector<16xf32>
      %parallel_loop3A_2146 = arith.maximumf %parallel_loop3A_2143, %parallel_loop3A_2145 : vector<16xf32>
      %parallel_loop3A_2147 = arith.index_cast %parallel_loop3A_2068 : i32 to index
      %parallel_loop3A_2148 = arith.constant 112 : index
      %parallel_loop3A_2149 = tpu.vector_load %arg14[%parallel_loop3A_2147, %parallel_loop3A_2148] {strides = array<i32>} : memref<768x128xf32, #tpu.memory_space<vmem>>, vector<1x16xf32>,
      %parallel_loop3A_2150 = vector.shape_cast %parallel_loop3A_2149 : vector<1x16xf32> to vector<16xf32>
      %parallel_loop3A_2151 = vector.shape_cast %parallel_loop3A_2146 : vector<16xf32> to vector<1x16xf32>
      tpu.vector_store %arg14[%parallel_loop3A_2147, %parallel_loop3A_2148], %parallel_loop3A_2151 {add = true, strides = array<i32>} : memref<768x128xf32, #tpu.memory_space<vmem>>, vector<1x16xf32>,
      %parallel_loop3A_2152 = vector.extract_strided_slice %parallel_loop3A_1981 {offsets = [2], sizes = [1], strides = [1]} : vector<16xi32> to vector<1xi32>
      %parallel_loop3A_2153 = vector.extract %parallel_loop3A_2152[0] : i32 from vector<1xi32>
      %parallel_loop3A_2154 = vector.extract_strided_slice %parallel_loop3A_1939 {offsets = [2], sizes = [1], strides = [1]} : vector<16xf32> to vector<1xf32>
      %parallel_loop3A_2155 = vector.extract %parallel_loop3A_2154[0] : f32 from vector<1xf32>
      %parallel_loop3A_2156 = vector.broadcast %parallel_loop3A_2155 : f32 to vector<16xf32>
      %parallel_loop3A_2157 = arith.mulf %parallel_loop3A_2156, %get3A_452 : vector<16xf32>
      %parallel_loop3A_2158 = arith.addf %parallel_loop3A_2157, %get3A_476 : vector<16xf32>
      %parallel_loop3A_2159 = arith.constant 0.000000e+00 : f32
      %parallel_loop3A_2160 = vector.broadcast %parallel_loop3A_2159 : f32 to vector<16xf32>
      %parallel_loop3A_2161 = arith.maximumf %parallel_loop3A_2158, %parallel_loop3A_2160 : vector<16xf32>
      %parallel_loop3A_2162 = arith.index_cast %parallel_loop3A_2153 : i32 to index
      %parallel_loop3A_2163 = arith.constant 0 : index
      %parallel_loop3A_2164 = tpu.vector_load %arg14[%parallel_loop3A_2162, %parallel_loop3A_2163] {strides = array<i32>} : memref<768x128xf32, #tpu.memory_space<vmem>>, vector<1x16xf32>,
      %parallel_loop3A_2165 = vector.shape_cast %parallel_loop3A_2164 : vector<1x16xf32> to vector<16xf32>
      %parallel_loop3A_2166 = vector.shape_cast %parallel_loop3A_2161 : vector<16xf32> to vector<1x16xf32>
      tpu.vector_store %arg14[%parallel_loop3A_2162, %parallel_loop3A_2163], %parallel_loop3A_2166 {add = true, strides = array<i32>} : memref<768x128xf32, #tpu.memory_space<vmem>>, vector<1x16xf32>,
      %parallel_loop3A_2167 = arith.mulf %parallel_loop3A_2156, %get3A_455 : vector<16xf32>
      %parallel_loop3A_2168 = arith.addf %parallel_loop3A_2167, %get3A_479 : vector<16xf32>
      %parallel_loop3A_2169 = arith.constant 0.000000e+00 : f32
      %parallel_loop3A_2170 = vector.broadcast %parallel_loop3A_2169 : f32 to vector<16xf32>
      %parallel_loop3A_2171 = arith.maximumf %parallel_loop3A_2168, %parallel_loop3A_2170 : vector<16xf32>
      %parallel_loop3A_2172 = arith.index_cast %parallel_loop3A_2153 : i32 to index
      %parallel_loop3A_2173 = arith.constant 16 : index
      %parallel_loop3A_2174 = tpu.vector_load %arg14[%parallel_loop3A_2172, %parallel_loop3A_2173] {strides = array<i32>} : memref<768x128xf32, #tpu.memory_space<vmem>>, vector<1x16xf32>,
      %parallel_loop3A_2175 = vector.shape_cast %parallel_loop3A_2174 : vector<1x16xf32> to vector<16xf32>
      %parallel_loop3A_2176 = vector.shape_cast %parallel_loop3A_2171 : vector<16xf32> to vector<1x16xf32>
      tpu.vector_store %arg14[%parallel_loop3A_2172, %parallel_loop3A_2173], %parallel_loop3A_2176 {add = true, strides = array<i32>} : memref<768x128xf32, #tpu.memory_space<vmem>>, vector<1x16xf32>,
      %parallel_loop3A_2177 = arith.mulf %parallel_loop3A_2156, %get3A_458 : vector<16xf32>
      %parallel_loop3A_2178 = arith.addf %parallel_loop3A_2177, %get3A_482 : vector<16xf32>
      %parallel_loop3A_2179 = arith.constant 0.000000e+00 : f32
      %parallel_loop3A_2180 = vector.broadcast %parallel_loop3A_2179 : f32 to vector<16xf32>
      %parallel_loop3A_2181 = arith.maximumf %parallel_loop3A_2178, %parallel_loop3A_2180 : vector<16xf32>
      %parallel_loop3A_2182 = arith.index_cast %parallel_loop3A_2153 : i32 to index
      %parallel_loop3A_2183 = arith.constant 32 : index
      %parallel_loop3A_2184 = tpu.vector_load %arg14[%parallel_loop3A_2182, %parallel_loop3A_2183] {strides = array<i32>} : memref<768x128xf32, #tpu.memory_space<vmem>>, vector<1x16xf32>,
      %parallel_loop3A_2185 = vector.shape_cast %parallel_loop3A_2184 : vector<1x16xf32> to vector<16xf32>
      %parallel_loop3A_2186 = vector.shape_cast %parallel_loop3A_2181 : vector<16xf32> to vector<1x16xf32>
      tpu.vector_store %arg14[%parallel_loop3A_2182, %parallel_loop3A_2183], %parallel_loop3A_2186 {add = true, strides = array<i32>} : memref<768x128xf32, #tpu.memory_space<vmem>>, vector<1x16xf32>,
      %parallel_loop3A_2187 = arith.mulf %parallel_loop3A_2156, %get3A_461 : vector<16xf32>
      %parallel_loop3A_2188 = arith.addf %parallel_loop3A_2187, %get3A_485 : vector<16xf32>
      %parallel_loop3A_2189 = arith.constant 0.000000e+00 : f32
      %parallel_loop3A_2190 = vector.broadcast %parallel_loop3A_2189 : f32 to vector<16xf32>
      %parallel_loop3A_2191 = arith.maximumf %parallel_loop3A_2188, %parallel_loop3A_2190 : vector<16xf32>
      %parallel_loop3A_2192 = arith.index_cast %parallel_loop3A_2153 : i32 to index
      %parallel_loop3A_2193 = arith.constant 48 : index
      %parallel_loop3A_2194 = tpu.vector_load %arg14[%parallel_loop3A_2192, %parallel_loop3A_2193] {strides = array<i32>} : memref<768x128xf32, #tpu.memory_space<vmem>>, vector<1x16xf32>,
      %parallel_loop3A_2195 = vector.shape_cast %parallel_loop3A_2194 : vector<1x16xf32> to vector<16xf32>
      %parallel_loop3A_2196 = vector.shape_cast %parallel_loop3A_2191 : vector<16xf32> to vector<1x16xf32>
      tpu.vector_store %arg14[%parallel_loop3A_2192, %parallel_loop3A_2193], %parallel_loop3A_2196 {add = true, strides = array<i32>} : memref<768x128xf32, #tpu.memory_space<vmem>>, vector<1x16xf32>,
      %parallel_loop3A_2197 = arith.mulf %parallel_loop3A_2156, %get3A_464 : vector<16xf32>
      %parallel_loop3A_2198 = arith.addf %parallel_loop3A_2197, %get3A_488 : vector<16xf32>
      %parallel_loop3A_2199 = arith.constant 0.000000e+00 : f32
      %parallel_loop3A_2200 = vector.broadcast %parallel_loop3A_2199 : f32 to vector<16xf32>
      %parallel_loop3A_2201 = arith.maximumf %parallel_loop3A_2198, %parallel_loop3A_2200 : vector<16xf32>
      %parallel_loop3A_2202 = arith.index_cast %parallel_loop3A_2153 : i32 to index
      %parallel_loop3A_2203 = arith.constant 64 : index
      %parallel_loop3A_2204 = tpu.vector_load %arg14[%parallel_loop3A_2202, %parallel_loop3A_2203] {strides = array<i32>} : memref<768x128xf32, #tpu.memory_space<vmem>>, vector<1x16xf32>,
      %parallel_loop3A_2205 = vector.shape_cast %parallel_loop3A_2204 : vector<1x16xf32> to vector<16xf32>
      %parallel_loop3A_2206 = vector.shape_cast %parallel_loop3A_2201 : vector<16xf32> to vector<1x16xf32>
      tpu.vector_store %arg14[%parallel_loop3A_2202, %parallel_loop3A_2203], %parallel_loop3A_2206 {add = true, strides = array<i32>} : memref<768x128xf32, #tpu.memory_space<vmem>>, vector<1x16xf32>,
      %parallel_loop3A_2207 = arith.mulf %parallel_loop3A_2156, %get3A_467 : vector<16xf32>
      %parallel_loop3A_2208 = arith.addf %parallel_loop3A_2207, %get3A_491 : vector<16xf32>
      %parallel_loop3A_2209 = arith.constant 0.000000e+00 : f32
      %parallel_loop3A_2210 = vector.broadcast %parallel_loop3A_2209 : f32 to vector<16xf32>
      %parallel_loop3A_2211 = arith.maximumf %parallel_loop3A_2208, %parallel_loop3A_2210 : vector<16xf32>
      %parallel_loop3A_2212 = arith.index_cast %parallel_loop3A_2153 : i32 to index
      %parallel_loop3A_2213 = arith.constant 80 : index
      %parallel_loop3A_2214 = tpu.vector_load %arg14[%parallel_loop3A_2212, %parallel_loop3A_2213] {strides = array<i32>} : memref<768x128xf32, #tpu.memory_space<vmem>>, vector<1x16xf32>,
      %parallel_loop3A_2215 = vector.shape_cast %parallel_loop3A_2214 : vector<1x16xf32> to vector<16xf32>
      %parallel_loop3A_2216 = vector.shape_cast %parallel_loop3A_2211 : vector<16xf32> to vector<1x16xf32>
      tpu.vector_store %arg14[%parallel_loop3A_2212, %parallel_loop3A_2213], %parallel_loop3A_2216 {add = true, strides = array<i32>} : memref<768x128xf32, #tpu.memory_space<vmem>>, vector<1x16xf32>,
      %parallel_loop3A_2217 = arith.mulf %parallel_loop3A_2156, %get3A_470 : vector<16xf32>
      %parallel_loop3A_2218 = arith.addf %parallel_loop3A_2217, %get3A_494 : vector<16xf32>
      %parallel_loop3A_2219 = arith.constant 0.000000e+00 : f32
      %parallel_loop3A_2220 = vector.broadcast %parallel_loop3A_2219 : f32 to vector<16xf32>
      %parallel_loop3A_2221 = arith.maximumf %parallel_loop3A_2218, %parallel_loop3A_2220 : vector<16xf32>
      %parallel_loop3A_2222 = arith.index_cast %parallel_loop3A_2153 : i32 to index
      %parallel_loop3A_2223 = arith.constant 96 : index
      %parallel_loop3A_2224 = tpu.vector_load %arg14[%parallel_loop3A_2222, %parallel_loop3A_2223] {strides = array<i32>} : memref<768x128xf32, #tpu.memory_space<vmem>>, vector<1x16xf32>,
      %parallel_loop3A_2225 = vector.shape_cast %parallel_loop3A_2224 : vector<1x16xf32> to vector<16xf32>
      %parallel_loop3A_2226 = vector.shape_cast %parallel_loop3A_2221 : vector<16xf32> to vector<1x16xf32>
      tpu.vector_store %arg14[%parallel_loop3A_2222, %parallel_loop3A_2223], %parallel_loop3A_2226 {add = true, strides = array<i32>} : memref<768x128xf32, #tpu.memory_space<vmem>>, vector<1x16xf32>,
      %parallel_loop3A_2227 = arith.mulf %parallel_loop3A_2156, %get3A_473 : vector<16xf32>
      %parallel_loop3A_2228 = arith.addf %parallel_loop3A_2227, %get3A_497 : vector<16xf32>
      %parallel_loop3A_2229 = arith.constant 0.000000e+00 : f32
      %parallel_loop3A_2230 = vector.broadcast %parallel_loop3A_2229 : f32 to vector<16xf32>
      %parallel_loop3A_2231 = arith.maximumf %parallel_loop3A_2228, %parallel_loop3A_2230 : vector<16xf32>
      %parallel_loop3A_2232 = arith.index_cast %parallel_loop3A_2153 : i32 to index
      %parallel_loop3A_2233 = arith.constant 112 : index
      %parallel_loop3A_2234 = tpu.vector_load %arg14[%parallel_loop3A_2232, %parallel_loop3A_2233] {strides = array<i32>} : memref<768x128xf32, #tpu.memory_space<vmem>>, vector<1x16xf32>,
      %parallel_loop3A_2235 = vector.shape_cast %parallel_loop3A_2234 : vector<1x16xf32> to vector<16xf32>
      %parallel_loop3A_2236 = vector.shape_cast %parallel_loop3A_2231 : vector<16xf32> to vector<1x16xf32>
      tpu.vector_store %arg14[%parallel_loop3A_2232, %parallel_loop3A_2233], %parallel_loop3A_2236 {add = true, strides = array<i32>} : memref<768x128xf32, #tpu.memory_space<vmem>>, vector<1x16xf32>,
      %parallel_loop3A_2237 = vector.extract_strided_slice %parallel_loop3A_1981 {offsets = [3], sizes = [1], strides = [1]} : vector<16xi32> to vector<1xi32>
      %parallel_loop3A_2238 = vector.extract %parallel_loop3A_2237[0] : i32 from vector<1xi32>
      %parallel_loop3A_2239 = vector.extract_strided_slice %parallel_loop3A_1939 {offsets = [3], sizes = [1], strides = [1]} : vector<16xf32> to vector<1xf32>
      %parallel_loop3A_2240 = vector.extract %parallel_loop3A_2239[0] : f32 from vector<1xf32>
      %parallel_loop3A_2241 = vector.broadcast %parallel_loop3A_2240 : f32 to vector<16xf32>
      %parallel_loop3A_2242 = arith.mulf %parallel_loop3A_2241, %get3A_452 : vector<16xf32>
      %parallel_loop3A_2243 = arith.addf %parallel_loop3A_2242, %get3A_476 : vector<16xf32>
      %parallel_loop3A_2244 = arith.constant 0.000000e+00 : f32
      %parallel_loop3A_2245 = vector.broadcast %parallel_loop3A_2244 : f32 to vector<16xf32>
      %parallel_loop3A_2246 = arith.maximumf %parallel_loop3A_2243, %parallel_loop3A_2245 : vector<16xf32>
      %parallel_loop3A_2247 = arith.index_cast %parallel_loop3A_2238 : i32 to index
      %parallel_loop3A_2248 = arith.constant 0 : index
      %parallel_loop3A_2249 = tpu.vector_load %arg14[%parallel_loop3A_2247, %parallel_loop3A_2248] {strides = array<i32>} : memref<768x128xf32, #tpu.memory_space<vmem>>, vector<1x16xf32>,
      %parallel_loop3A_2250 = vector.shape_cast %parallel_loop3A_2249 : vector<1x16xf32> to vector<16xf32>
      %parallel_loop3A_2251 = vector.shape_cast %parallel_loop3A_2246 : vector<16xf32> to vector<1x16xf32>
      tpu.vector_store %arg14[%parallel_loop3A_2247, %parallel_loop3A_2248], %parallel_loop3A_2251 {add = true, strides = array<i32>} : memref<768x128xf32, #tpu.memory_space<vmem>>, vector<1x16xf32>,
      %parallel_loop3A_2252 = arith.mulf %parallel_loop3A_2241, %get3A_455 : vector<16xf32>
      %parallel_loop3A_2253 = arith.addf %parallel_loop3A_2252, %get3A_479 : vector<16xf32>
      %parallel_loop3A_2254 = arith.constant 0.000000e+00 : f32
      %parallel_loop3A_2255 = vector.broadcast %parallel_loop3A_2254 : f32 to vector<16xf32>
      %parallel_loop3A_2256 = arith.maximumf %parallel_loop3A_2253, %parallel_loop3A_2255 : vector<16xf32>
      %parallel_loop3A_2257 = arith.index_cast %parallel_loop3A_2238 : i32 to index
      %parallel_loop3A_2258 = arith.constant 16 : index
      %parallel_loop3A_2259 = tpu.vector_load %arg14[%parallel_loop3A_2257, %parallel_loop3A_2258] {strides = array<i32>} : memref<768x128xf32, #tpu.memory_space<vmem>>, vector<1x16xf32>,
      %parallel_loop3A_2260 = vector.shape_cast %parallel_loop3A_2259 : vector<1x16xf32> to vector<16xf32>
      %parallel_loop3A_2261 = vector.shape_cast %parallel_loop3A_2256 : vector<16xf32> to vector<1x16xf32>
      tpu.vector_store %arg14[%parallel_loop3A_2257, %parallel_loop3A_2258], %parallel_loop3A_2261 {add = true, strides = array<i32>} : memref<768x128xf32, #tpu.memory_space<vmem>>, vector<1x16xf32>,
      %parallel_loop3A_2262 = arith.mulf %parallel_loop3A_2241, %get3A_458 : vector<16xf32>
      %parallel_loop3A_2263 = arith.addf %parallel_loop3A_2262, %get3A_482 : vector<16xf32>
      %parallel_loop3A_2264 = arith.constant 0.000000e+00 : f32
      %parallel_loop3A_2265 = vector.broadcast %parallel_loop3A_2264 : f32 to vector<16xf32>
      %parallel_loop3A_2266 = arith.maximumf %parallel_loop3A_2263, %parallel_loop3A_2265 : vector<16xf32>
      %parallel_loop3A_2267 = arith.index_cast %parallel_loop3A_2238 : i32 to index
      %parallel_loop3A_2268 = arith.constant 32 : index
      %parallel_loop3A_2269 = tpu.vector_load %arg14[%parallel_loop3A_2267, %parallel_loop3A_2268] {strides = array<i32>} : memref<768x128xf32, #tpu.memory_space<vmem>>, vector<1x16xf32>,
      %parallel_loop3A_2270 = vector.shape_cast %parallel_loop3A_2269 : vector<1x16xf32> to vector<16xf32>
      %parallel_loop3A_2271 = vector.shape_cast %parallel_loop3A_2266 : vector<16xf32> to vector<1x16xf32>
      tpu.vector_store %arg14[%parallel_loop3A_2267, %parallel_loop3A_2268], %parallel_loop3A_2271 {add = true, strides = array<i32>} : memref<768x128xf32, #tpu.memory_space<vmem>>, vector<1x16xf32>,
      %parallel_loop3A_2272 = arith.mulf %parallel_loop3A_2241, %get3A_461 : vector<16xf32>
      %parallel_loop3A_2273 = arith.addf %parallel_loop3A_2272, %get3A_485 : vector<16xf32>
      %parallel_loop3A_2274 = arith.constant 0.000000e+00 : f32
      %parallel_loop3A_2275 = vector.broadcast %parallel_loop3A_2274 : f32 to vector<16xf32>
      %parallel_loop3A_2276 = arith.maximumf %parallel_loop3A_2273, %parallel_loop3A_2275 : vector<16xf32>
      %parallel_loop3A_2277 = arith.index_cast %parallel_loop3A_2238 : i32 to index
      %parallel_loop3A_2278 = arith.constant 48 : index
      %parallel_loop3A_2279 = tpu.vector_load %arg14[%parallel_loop3A_2277, %parallel_loop3A_2278] {strides = array<i32>} : memref<768x128xf32, #tpu.memory_space<vmem>>, vector<1x16xf32>,
      %parallel_loop3A_2280 = vector.shape_cast %parallel_loop3A_2279 : vector<1x16xf32> to vector<16xf32>
      %parallel_loop3A_2281 = vector.shape_cast %parallel_loop3A_2276 : vector<16xf32> to vector<1x16xf32>
      tpu.vector_store %arg14[%parallel_loop3A_2277, %parallel_loop3A_2278], %parallel_loop3A_2281 {add = true, strides = array<i32>} : memref<768x128xf32, #tpu.memory_space<vmem>>, vector<1x16xf32>,
      %parallel_loop3A_2282 = arith.mulf %parallel_loop3A_2241, %get3A_464 : vector<16xf32>
      %parallel_loop3A_2283 = arith.addf %parallel_loop3A_2282, %get3A_488 : vector<16xf32>
      %parallel_loop3A_2284 = arith.constant 0.000000e+00 : f32
      %parallel_loop3A_2285 = vector.broadcast %parallel_loop3A_2284 : f32 to vector<16xf32>
      %parallel_loop3A_2286 = arith.maximumf %parallel_loop3A_2283, %parallel_loop3A_2285 : vector<16xf32>
      %parallel_loop3A_2287 = arith.index_cast %parallel_loop3A_2238 : i32 to index
      %parallel_loop3A_2288 = arith.constant 64 : index
      %parallel_loop3A_2289 = tpu.vector_load %arg14[%parallel_loop3A_2287, %parallel_loop3A_2288] {strides = array<i32>} : memref<768x128xf32, #tpu.memory_space<vmem>>, vector<1x16xf32>,
      %parallel_loop3A_2290 = vector.shape_cast %parallel_loop3A_2289 : vector<1x16xf32> to vector<16xf32>
      %parallel_loop3A_2291 = vector.shape_cast %parallel_loop3A_2286 : vector<16xf32> to vector<1x16xf32>
      tpu.vector_store %arg14[%parallel_loop3A_2287, %parallel_loop3A_2288], %parallel_loop3A_2291 {add = true, strides = array<i32>} : memref<768x128xf32, #tpu.memory_space<vmem>>, vector<1x16xf32>,
      %parallel_loop3A_2292 = arith.mulf %parallel_loop3A_2241, %get3A_467 : vector<16xf32>
      %parallel_loop3A_2293 = arith.addf %parallel_loop3A_2292, %get3A_491 : vector<16xf32>
      %parallel_loop3A_2294 = arith.constant 0.000000e+00 : f32
      %parallel_loop3A_2295 = vector.broadcast %parallel_loop3A_2294 : f32 to vector<16xf32>
      %parallel_loop3A_2296 = arith.maximumf %parallel_loop3A_2293, %parallel_loop3A_2295 : vector<16xf32>
      %parallel_loop3A_2297 = arith.index_cast %parallel_loop3A_2238 : i32 to index
      %parallel_loop3A_2298 = arith.constant 80 : index
      %parallel_loop3A_2299 = tpu.vector_load %arg14[%parallel_loop3A_2297, %parallel_loop3A_2298] {strides = array<i32>} : memref<768x128xf32, #tpu.memory_space<vmem>>, vector<1x16xf32>,
      %parallel_loop3A_2300 = vector.shape_cast %parallel_loop3A_2299 : vector<1x16xf32> to vector<16xf32>
      %parallel_loop3A_2301 = vector.shape_cast %parallel_loop3A_2296 : vector<16xf32> to vector<1x16xf32>
      tpu.vector_store %arg14[%parallel_loop3A_2297, %parallel_loop3A_2298], %parallel_loop3A_2301 {add = true, strides = array<i32>} : memref<768x128xf32, #tpu.memory_space<vmem>>, vector<1x16xf32>,
      %parallel_loop3A_2302 = arith.mulf %parallel_loop3A_2241, %get3A_470 : vector<16xf32>
      %parallel_loop3A_2303 = arith.addf %parallel_loop3A_2302, %get3A_494 : vector<16xf32>
      %parallel_loop3A_2304 = arith.constant 0.000000e+00 : f32
      %parallel_loop3A_2305 = vector.broadcast %parallel_loop3A_2304 : f32 to vector<16xf32>
      %parallel_loop3A_2306 = arith.maximumf %parallel_loop3A_2303, %parallel_loop3A_2305 : vector<16xf32>
      %parallel_loop3A_2307 = arith.index_cast %parallel_loop3A_2238 : i32 to index
      %parallel_loop3A_2308 = arith.constant 96 : index
      %parallel_loop3A_2309 = tpu.vector_load %arg14[%parallel_loop3A_2307, %parallel_loop3A_2308] {strides = array<i32>} : memref<768x128xf32, #tpu.memory_space<vmem>>, vector<1x16xf32>,
      %parallel_loop3A_2310 = vector.shape_cast %parallel_loop3A_2309 : vector<1x16xf32> to vector<16xf32>
      %parallel_loop3A_2311 = vector.shape_cast %parallel_loop3A_2306 : vector<16xf32> to vector<1x16xf32>
      tpu.vector_store %arg14[%parallel_loop3A_2307, %parallel_loop3A_2308], %parallel_loop3A_2311 {add = true, strides = array<i32>} : memref<768x128xf32, #tpu.memory_space<vmem>>, vector<1x16xf32>,
      %parallel_loop3A_2312 = arith.mulf %parallel_loop3A_2241, %get3A_473 : vector<16xf32>
      %parallel_loop3A_2313 = arith.addf %parallel_loop3A_2312, %get3A_497 : vector<16xf32>
      %parallel_loop3A_2314 = arith.constant 0.000000e+00 : f32
      %parallel_loop3A_2315 = vector.broadcast %parallel_loop3A_2314 : f32 to vector<16xf32>
      %parallel_loop3A_2316 = arith.maximumf %parallel_loop3A_2313, %parallel_loop3A_2315 : vector<16xf32>
      %parallel_loop3A_2317 = arith.index_cast %parallel_loop3A_2238 : i32 to index
      %parallel_loop3A_2318 = arith.constant 112 : index
      %parallel_loop3A_2319 = tpu.vector_load %arg14[%parallel_loop3A_2317, %parallel_loop3A_2318] {strides = array<i32>} : memref<768x128xf32, #tpu.memory_space<vmem>>, vector<1x16xf32>,
      %parallel_loop3A_2320 = vector.shape_cast %parallel_loop3A_2319 : vector<1x16xf32> to vector<16xf32>
      %parallel_loop3A_2321 = vector.shape_cast %parallel_loop3A_2316 : vector<16xf32> to vector<1x16xf32>
      tpu.vector_store %arg14[%parallel_loop3A_2317, %parallel_loop3A_2318], %parallel_loop3A_2321 {add = true, strides = array<i32>} : memref<768x128xf32, #tpu.memory_space<vmem>>, vector<1x16xf32>,
      %parallel_loop3A_2322 = vector.extract_strided_slice %parallel_loop3A_1981 {offsets = [4], sizes = [1], strides = [1]} : vector<16xi32> to vector<1xi32>
      %parallel_loop3A_2323 = vector.extract %parallel_loop3A_2322[0] : i32 from vector<1xi32>
      %parallel_loop3A_2324 = vector.extract_strided_slice %parallel_loop3A_1939 {offsets = [4], sizes = [1], strides = [1]} : vector<16xf32> to vector<1xf32>
      %parallel_loop3A_2325 = vector.extract %parallel_loop3A_2324[0] : f32 from vector<1xf32>
      %parallel_loop3A_2326 = vector.broadcast %parallel_loop3A_2325 : f32 to vector<16xf32>
      %parallel_loop3A_2327 = arith.mulf %parallel_loop3A_2326, %get3A_452 : vector<16xf32>
      %parallel_loop3A_2328 = arith.addf %parallel_loop3A_2327, %get3A_476 : vector<16xf32>
      %parallel_loop3A_2329 = arith.constant 0.000000e+00 : f32
      %parallel_loop3A_2330 = vector.broadcast %parallel_loop3A_2329 : f32 to vector<16xf32>
      %parallel_loop3A_2331 = arith.maximumf %parallel_loop3A_2328, %parallel_loop3A_2330 : vector<16xf32>
      %parallel_loop3A_2332 = arith.index_cast %parallel_loop3A_2323 : i32 to index
      %parallel_loop3A_2333 = arith.constant 0 : index
      %parallel_loop3A_2334 = tpu.vector_load %arg14[%parallel_loop3A_2332, %parallel_loop3A_2333] {strides = array<i32>} : memref<768x128xf32, #tpu.memory_space<vmem>>, vector<1x16xf32>,
      %parallel_loop3A_2335 = vector.shape_cast %parallel_loop3A_2334 : vector<1x16xf32> to vector<16xf32>
      %parallel_loop3A_2336 = vector.shape_cast %parallel_loop3A_2331 : vector<16xf32> to vector<1x16xf32>
      tpu.vector_store %arg14[%parallel_loop3A_2332, %parallel_loop3A_2333], %parallel_loop3A_2336 {add = true, strides = array<i32>} : memref<768x128xf32, #tpu.memory_space<vmem>>, vector<1x16xf32>,
      %parallel_loop3A_2337 = arith.mulf %parallel_loop3A_2326, %get3A_455 : vector<16xf32>
      %parallel_loop3A_2338 = arith.addf %parallel_loop3A_2337, %get3A_479 : vector<16xf32>
      %parallel_loop3A_2339 = arith.constant 0.000000e+00 : f32
      %parallel_loop3A_2340 = vector.broadcast %parallel_loop3A_2339 : f32 to vector<16xf32>
      %parallel_loop3A_2341 = arith.maximumf %parallel_loop3A_2338, %parallel_loop3A_2340 : vector<16xf32>
      %parallel_loop3A_2342 = arith.index_cast %parallel_loop3A_2323 : i32 to index
      %parallel_loop3A_2343 = arith.constant 16 : index
      %parallel_loop3A_2344 = tpu.vector_load %arg14[%parallel_loop3A_2342, %parallel_loop3A_2343] {strides = array<i32>} : memref<768x128xf32, #tpu.memory_space<vmem>>, vector<1x16xf32>,
      %parallel_loop3A_2345 = vector.shape_cast %parallel_loop3A_2344 : vector<1x16xf32> to vector<16xf32>
      %parallel_loop3A_2346 = vector.shape_cast %parallel_loop3A_2341 : vector<16xf32> to vector<1x16xf32>
      tpu.vector_store %arg14[%parallel_loop3A_2342, %parallel_loop3A_2343], %parallel_loop3A_2346 {add = true, strides = array<i32>} : memref<768x128xf32, #tpu.memory_space<vmem>>, vector<1x16xf32>,
      %parallel_loop3A_2347 = arith.mulf %parallel_loop3A_2326, %get3A_458 : vector<16xf32>
      %parallel_loop3A_2348 = arith.addf %parallel_loop3A_2347, %get3A_482 : vector<16xf32>
      %parallel_loop3A_2349 = arith.constant 0.000000e+00 : f32
      %parallel_loop3A_2350 = vector.broadcast %parallel_loop3A_2349 : f32 to vector<16xf32>
      %parallel_loop3A_2351 = arith.maximumf %parallel_loop3A_2348, %parallel_loop3A_2350 : vector<16xf32>
      %parallel_loop3A_2352 = arith.index_cast %parallel_loop3A_2323 : i32 to index
      %parallel_loop3A_2353 = arith.constant 32 : index
      %parallel_loop3A_2354 = tpu.vector_load %arg14[%parallel_loop3A_2352, %parallel_loop3A_2353] {strides = array<i32>} : memref<768x128xf32, #tpu.memory_space<vmem>>, vector<1x16xf32>,
      %parallel_loop3A_2355 = vector.shape_cast %parallel_loop3A_2354 : vector<1x16xf32> to vector<16xf32>
      %parallel_loop3A_2356 = vector.shape_cast %parallel_loop3A_2351 : vector<16xf32> to vector<1x16xf32>
      tpu.vector_store %arg14[%parallel_loop3A_2352, %parallel_loop3A_2353], %parallel_loop3A_2356 {add = true, strides = array<i32>} : memref<768x128xf32, #tpu.memory_space<vmem>>, vector<1x16xf32>,
      %parallel_loop3A_2357 = arith.mulf %parallel_loop3A_2326, %get3A_461 : vector<16xf32>
      %parallel_loop3A_2358 = arith.addf %parallel_loop3A_2357, %get3A_485 : vector<16xf32>
      %parallel_loop3A_2359 = arith.constant 0.000000e+00 : f32
      %parallel_loop3A_2360 = vector.broadcast %parallel_loop3A_2359 : f32 to vector<16xf32>
      %parallel_loop3A_2361 = arith.maximumf %parallel_loop3A_2358, %parallel_loop3A_2360 : vector<16xf32>
      %parallel_loop3A_2362 = arith.index_cast %parallel_loop3A_2323 : i32 to index
      %parallel_loop3A_2363 = arith.constant 48 : index
      %parallel_loop3A_2364 = tpu.vector_load %arg14[%parallel_loop3A_2362, %parallel_loop3A_2363] {strides = array<i32>} : memref<768x128xf32, #tpu.memory_space<vmem>>, vector<1x16xf32>,
      %parallel_loop3A_2365 = vector.shape_cast %parallel_loop3A_2364 : vector<1x16xf32> to vector<16xf32>
      %parallel_loop3A_2366 = vector.shape_cast %parallel_loop3A_2361 : vector<16xf32> to vector<1x16xf32>
      tpu.vector_store %arg14[%parallel_loop3A_2362, %parallel_loop3A_2363], %parallel_loop3A_2366 {add = true, strides = array<i32>} : memref<768x128xf32, #tpu.memory_space<vmem>>, vector<1x16xf32>,
      %parallel_loop3A_2367 = arith.mulf %parallel_loop3A_2326, %get3A_464 : vector<16xf32>
      %parallel_loop3A_2368 = arith.addf %parallel_loop3A_2367, %get3A_488 : vector<16xf32>
      %parallel_loop3A_2369 = arith.constant 0.000000e+00 : f32
      %parallel_loop3A_2370 = vector.broadcast %parallel_loop3A_2369 : f32 to vector<16xf32>
      %parallel_loop3A_2371 = arith.maximumf %parallel_loop3A_2368, %parallel_loop3A_2370 : vector<16xf32>
      %parallel_loop3A_2372 = arith.index_cast %parallel_loop3A_2323 : i32 to index
      %parallel_loop3A_2373 = arith.constant 64 : index
      %parallel_loop3A_2374 = tpu.vector_load %arg14[%parallel_loop3A_2372, %parallel_loop3A_2373] {strides = array<i32>} : memref<768x128xf32, #tpu.memory_space<vmem>>, vector<1x16xf32>,
      %parallel_loop3A_2375 = vector.shape_cast %parallel_loop3A_2374 : vector<1x16xf32> to vector<16xf32>
      %parallel_loop3A_2376 = vector.shape_cast %parallel_loop3A_2371 : vector<16xf32> to vector<1x16xf32>
      tpu.vector_store %arg14[%parallel_loop3A_2372, %parallel_loop3A_2373], %parallel_loop3A_2376 {add = true, strides = array<i32>} : memref<768x128xf32, #tpu.memory_space<vmem>>, vector<1x16xf32>,
      %parallel_loop3A_2377 = arith.mulf %parallel_loop3A_2326, %get3A_467 : vector<16xf32>
      %parallel_loop3A_2378 = arith.addf %parallel_loop3A_2377, %get3A_491 : vector<16xf32>
      %parallel_loop3A_2379 = arith.constant 0.000000e+00 : f32
      %parallel_loop3A_2380 = vector.broadcast %parallel_loop3A_2379 : f32 to vector<16xf32>
      %parallel_loop3A_2381 = arith.maximumf %parallel_loop3A_2378, %parallel_loop3A_2380 : vector<16xf32>
      %parallel_loop3A_2382 = arith.index_cast %parallel_loop3A_2323 : i32 to index
      %parallel_loop3A_2383 = arith.constant 80 : index
      %parallel_loop3A_2384 = tpu.vector_load %arg14[%parallel_loop3A_2382, %parallel_loop3A_2383] {strides = array<i32>} : memref<768x128xf32, #tpu.memory_space<vmem>>, vector<1x16xf32>,
      %parallel_loop3A_2385 = vector.shape_cast %parallel_loop3A_2384 : vector<1x16xf32> to vector<16xf32>
      %parallel_loop3A_2386 = vector.shape_cast %parallel_loop3A_2381 : vector<16xf32> to vector<1x16xf32>
      tpu.vector_store %arg14[%parallel_loop3A_2382, %parallel_loop3A_2383], %parallel_loop3A_2386 {add = true, strides = array<i32>} : memref<768x128xf32, #tpu.memory_space<vmem>>, vector<1x16xf32>,
      %parallel_loop3A_2387 = arith.mulf %parallel_loop3A_2326, %get3A_470 : vector<16xf32>
      %parallel_loop3A_2388 = arith.addf %parallel_loop3A_2387, %get3A_494 : vector<16xf32>
      %parallel_loop3A_2389 = arith.constant 0.000000e+00 : f32
      %parallel_loop3A_2390 = vector.broadcast %parallel_loop3A_2389 : f32 to vector<16xf32>
      %parallel_loop3A_2391 = arith.maximumf %parallel_loop3A_2388, %parallel_loop3A_2390 : vector<16xf32>
      %parallel_loop3A_2392 = arith.index_cast %parallel_loop3A_2323 : i32 to index
      %parallel_loop3A_2393 = arith.constant 96 : index
      %parallel_loop3A_2394 = tpu.vector_load %arg14[%parallel_loop3A_2392, %parallel_loop3A_2393] {strides = array<i32>} : memref<768x128xf32, #tpu.memory_space<vmem>>, vector<1x16xf32>,
      %parallel_loop3A_2395 = vector.shape_cast %parallel_loop3A_2394 : vector<1x16xf32> to vector<16xf32>
      %parallel_loop3A_2396 = vector.shape_cast %parallel_loop3A_2391 : vector<16xf32> to vector<1x16xf32>
      tpu.vector_store %arg14[%parallel_loop3A_2392, %parallel_loop3A_2393], %parallel_loop3A_2396 {add = true, strides = array<i32>} : memref<768x128xf32, #tpu.memory_space<vmem>>, vector<1x16xf32>,
      %parallel_loop3A_2397 = arith.mulf %parallel_loop3A_2326, %get3A_473 : vector<16xf32>
      %parallel_loop3A_2398 = arith.addf %parallel_loop3A_2397, %get3A_497 : vector<16xf32>
      %parallel_loop3A_2399 = arith.constant 0.000000e+00 : f32
      %parallel_loop3A_2400 = vector.broadcast %parallel_loop3A_2399 : f32 to vector<16xf32>
      %parallel_loop3A_2401 = arith.maximumf %parallel_loop3A_2398, %parallel_loop3A_2400 : vector<16xf32>
      %parallel_loop3A_2402 = arith.index_cast %parallel_loop3A_2323 : i32 to index
      %parallel_loop3A_2403 = arith.constant 112 : index
      %parallel_loop3A_2404 = tpu.vector_load %arg14[%parallel_loop3A_2402, %parallel_loop3A_2403] {strides = array<i32>} : memref<768x128xf32, #tpu.memory_space<vmem>>, vector<1x16xf32>,
      %parallel_loop3A_2405 = vector.shape_cast %parallel_loop3A_2404 : vector<1x16xf32> to vector<16xf32>
      %parallel_loop3A_2406 = vector.shape_cast %parallel_loop3A_2401 : vector<16xf32> to vector<1x16xf32>
      tpu.vector_store %arg14[%parallel_loop3A_2402, %parallel_loop3A_2403], %parallel_loop3A_2406 {add = true, strides = array<i32>} : memref<768x128xf32, #tpu.memory_space<vmem>>, vector<1x16xf32>,
      %parallel_loop3A_2407 = vector.extract_strided_slice %parallel_loop3A_1981 {offsets = [5], sizes = [1], strides = [1]} : vector<16xi32> to vector<1xi32>
      %parallel_loop3A_2408 = vector.extract %parallel_loop3A_2407[0] : i32 from vector<1xi32>
      %parallel_loop3A_2409 = vector.extract_strided_slice %parallel_loop3A_1939 {offsets = [5], sizes = [1], strides = [1]} : vector<16xf32> to vector<1xf32>
      %parallel_loop3A_2410 = vector.extract %parallel_loop3A_2409[0] : f32 from vector<1xf32>
      %parallel_loop3A_2411 = vector.broadcast %parallel_loop3A_2410 : f32 to vector<16xf32>
      %parallel_loop3A_2412 = arith.mulf %parallel_loop3A_2411, %get3A_452 : vector<16xf32>
      %parallel_loop3A_2413 = arith.addf %parallel_loop3A_2412, %get3A_476 : vector<16xf32>
      %parallel_loop3A_2414 = arith.constant 0.000000e+00 : f32
      %parallel_loop3A_2415 = vector.broadcast %parallel_loop3A_2414 : f32 to vector<16xf32>
      %parallel_loop3A_2416 = arith.maximumf %parallel_loop3A_2413, %parallel_loop3A_2415 : vector<16xf32>
      %parallel_loop3A_2417 = arith.index_cast %parallel_loop3A_2408 : i32 to index
      %parallel_loop3A_2418 = arith.constant 0 : index
      %parallel_loop3A_2419 = tpu.vector_load %arg14[%parallel_loop3A_2417, %parallel_loop3A_2418] {strides = array<i32>} : memref<768x128xf32, #tpu.memory_space<vmem>>, vector<1x16xf32>,
      %parallel_loop3A_2420 = vector.shape_cast %parallel_loop3A_2419 : vector<1x16xf32> to vector<16xf32>
      %parallel_loop3A_2421 = vector.shape_cast %parallel_loop3A_2416 : vector<16xf32> to vector<1x16xf32>
      tpu.vector_store %arg14[%parallel_loop3A_2417, %parallel_loop3A_2418], %parallel_loop3A_2421 {add = true, strides = array<i32>} : memref<768x128xf32, #tpu.memory_space<vmem>>, vector<1x16xf32>,
      %parallel_loop3A_2422 = arith.mulf %parallel_loop3A_2411, %get3A_455 : vector<16xf32>
      %parallel_loop3A_2423 = arith.addf %parallel_loop3A_2422, %get3A_479 : vector<16xf32>
      %parallel_loop3A_2424 = arith.constant 0.000000e+00 : f32
      %parallel_loop3A_2425 = vector.broadcast %parallel_loop3A_2424 : f32 to vector<16xf32>
      %parallel_loop3A_2426 = arith.maximumf %parallel_loop3A_2423, %parallel_loop3A_2425 : vector<16xf32>
      %parallel_loop3A_2427 = arith.index_cast %parallel_loop3A_2408 : i32 to index
      %parallel_loop3A_2428 = arith.constant 16 : index
      %parallel_loop3A_2429 = tpu.vector_load %arg14[%parallel_loop3A_2427, %parallel_loop3A_2428] {strides = array<i32>} : memref<768x128xf32, #tpu.memory_space<vmem>>, vector<1x16xf32>,
      %parallel_loop3A_2430 = vector.shape_cast %parallel_loop3A_2429 : vector<1x16xf32> to vector<16xf32>
      %parallel_loop3A_2431 = vector.shape_cast %parallel_loop3A_2426 : vector<16xf32> to vector<1x16xf32>
      tpu.vector_store %arg14[%parallel_loop3A_2427, %parallel_loop3A_2428], %parallel_loop3A_2431 {add = true, strides = array<i32>} : memref<768x128xf32, #tpu.memory_space<vmem>>, vector<1x16xf32>,
      %parallel_loop3A_2432 = arith.mulf %parallel_loop3A_2411, %get3A_458 : vector<16xf32>
      %parallel_loop3A_2433 = arith.addf %parallel_loop3A_2432, %get3A_482 : vector<16xf32>
      %parallel_loop3A_2434 = arith.constant 0.000000e+00 : f32
      %parallel_loop3A_2435 = vector.broadcast %parallel_loop3A_2434 : f32 to vector<16xf32>
      %parallel_loop3A_2436 = arith.maximumf %parallel_loop3A_2433, %parallel_loop3A_2435 : vector<16xf32>
      %parallel_loop3A_2437 = arith.index_cast %parallel_loop3A_2408 : i32 to index
      %parallel_loop3A_2438 = arith.constant 32 : index
      %parallel_loop3A_2439 = tpu.vector_load %arg14[%parallel_loop3A_2437, %parallel_loop3A_2438] {strides = array<i32>} : memref<768x128xf32, #tpu.memory_space<vmem>>, vector<1x16xf32>,
      %parallel_loop3A_2440 = vector.shape_cast %parallel_loop3A_2439 : vector<1x16xf32> to vector<16xf32>
      %parallel_loop3A_2441 = vector.shape_cast %parallel_loop3A_2436 : vector<16xf32> to vector<1x16xf32>
      tpu.vector_store %arg14[%parallel_loop3A_2437, %parallel_loop3A_2438], %parallel_loop3A_2441 {add = true, strides = array<i32>} : memref<768x128xf32, #tpu.memory_space<vmem>>, vector<1x16xf32>,
      %parallel_loop3A_2442 = arith.mulf %parallel_loop3A_2411, %get3A_461 : vector<16xf32>
      %parallel_loop3A_2443 = arith.addf %parallel_loop3A_2442, %get3A_485 : vector<16xf32>
      %parallel_loop3A_2444 = arith.constant 0.000000e+00 : f32
      %parallel_loop3A_2445 = vector.broadcast %parallel_loop3A_2444 : f32 to vector<16xf32>
      %parallel_loop3A_2446 = arith.maximumf %parallel_loop3A_2443, %parallel_loop3A_2445 : vector<16xf32>
      %parallel_loop3A_2447 = arith.index_cast %parallel_loop3A_2408 : i32 to index
      %parallel_loop3A_2448 = arith.constant 48 : index
      %parallel_loop3A_2449 = tpu.vector_load %arg14[%parallel_loop3A_2447, %parallel_loop3A_2448] {strides = array<i32>} : memref<768x128xf32, #tpu.memory_space<vmem>>, vector<1x16xf32>,
      %parallel_loop3A_2450 = vector.shape_cast %parallel_loop3A_2449 : vector<1x16xf32> to vector<16xf32>
      %parallel_loop3A_2451 = vector.shape_cast %parallel_loop3A_2446 : vector<16xf32> to vector<1x16xf32>
      tpu.vector_store %arg14[%parallel_loop3A_2447, %parallel_loop3A_2448], %parallel_loop3A_2451 {add = true, strides = array<i32>} : memref<768x128xf32, #tpu.memory_space<vmem>>, vector<1x16xf32>,
      %parallel_loop3A_2452 = arith.mulf %parallel_loop3A_2411, %get3A_464 : vector<16xf32>
      %parallel_loop3A_2453 = arith.addf %parallel_loop3A_2452, %get3A_488 : vector<16xf32>
      %parallel_loop3A_2454 = arith.constant 0.000000e+00 : f32
      %parallel_loop3A_2455 = vector.broadcast %parallel_loop3A_2454 : f32 to vector<16xf32>
      %parallel_loop3A_2456 = arith.maximumf %parallel_loop3A_2453, %parallel_loop3A_2455 : vector<16xf32>
      %parallel_loop3A_2457 = arith.index_cast %parallel_loop3A_2408 : i32 to index
      %parallel_loop3A_2458 = arith.constant 64 : index
      %parallel_loop3A_2459 = tpu.vector_load %arg14[%parallel_loop3A_2457, %parallel_loop3A_2458] {strides = array<i32>} : memref<768x128xf32, #tpu.memory_space<vmem>>, vector<1x16xf32>,
      %parallel_loop3A_2460 = vector.shape_cast %parallel_loop3A_2459 : vector<1x16xf32> to vector<16xf32>
      %parallel_loop3A_2461 = vector.shape_cast %parallel_loop3A_2456 : vector<16xf32> to vector<1x16xf32>
      tpu.vector_store %arg14[%parallel_loop3A_2457, %parallel_loop3A_2458], %parallel_loop3A_2461 {add = true, strides = array<i32>} : memref<768x128xf32, #tpu.memory_space<vmem>>, vector<1x16xf32>,
      %parallel_loop3A_2462 = arith.mulf %parallel_loop3A_2411, %get3A_467 : vector<16xf32>
      %parallel_loop3A_2463 = arith.addf %parallel_loop3A_2462, %get3A_491 : vector<16xf32>
      %parallel_loop3A_2464 = arith.constant 0.000000e+00 : f32
      %parallel_loop3A_2465 = vector.broadcast %parallel_loop3A_2464 : f32 to vector<16xf32>
      %parallel_loop3A_2466 = arith.maximumf %parallel_loop3A_2463, %parallel_loop3A_2465 : vector<16xf32>
      %parallel_loop3A_2467 = arith.index_cast %parallel_loop3A_2408 : i32 to index
      %parallel_loop3A_2468 = arith.constant 80 : index
      %parallel_loop3A_2469 = tpu.vector_load %arg14[%parallel_loop3A_2467, %parallel_loop3A_2468] {strides = array<i32>} : memref<768x128xf32, #tpu.memory_space<vmem>>, vector<1x16xf32>,
      %parallel_loop3A_2470 = vector.shape_cast %parallel_loop3A_2469 : vector<1x16xf32> to vector<16xf32>
      %parallel_loop3A_2471 = vector.shape_cast %parallel_loop3A_2466 : vector<16xf32> to vector<1x16xf32>
      tpu.vector_store %arg14[%parallel_loop3A_2467, %parallel_loop3A_2468], %parallel_loop3A_2471 {add = true, strides = array<i32>} : memref<768x128xf32, #tpu.memory_space<vmem>>, vector<1x16xf32>,
      %parallel_loop3A_2472 = arith.mulf %parallel_loop3A_2411, %get3A_470 : vector<16xf32>
      %parallel_loop3A_2473 = arith.addf %parallel_loop3A_2472, %get3A_494 : vector<16xf32>
      %parallel_loop3A_2474 = arith.constant 0.000000e+00 : f32
      %parallel_loop3A_2475 = vector.broadcast %parallel_loop3A_2474 : f32 to vector<16xf32>
      %parallel_loop3A_2476 = arith.maximumf %parallel_loop3A_2473, %parallel_loop3A_2475 : vector<16xf32>
      %parallel_loop3A_2477 = arith.index_cast %parallel_loop3A_2408 : i32 to index
      %parallel_loop3A_2478 = arith.constant 96 : index
      %parallel_loop3A_2479 = tpu.vector_load %arg14[%parallel_loop3A_2477, %parallel_loop3A_2478] {strides = array<i32>} : memref<768x128xf32, #tpu.memory_space<vmem>>, vector<1x16xf32>,
      %parallel_loop3A_2480 = vector.shape_cast %parallel_loop3A_2479 : vector<1x16xf32> to vector<16xf32>
      %parallel_loop3A_2481 = vector.shape_cast %parallel_loop3A_2476 : vector<16xf32> to vector<1x16xf32>
      tpu.vector_store %arg14[%parallel_loop3A_2477, %parallel_loop3A_2478], %parallel_loop3A_2481 {add = true, strides = array<i32>} : memref<768x128xf32, #tpu.memory_space<vmem>>, vector<1x16xf32>,
      %parallel_loop3A_2482 = arith.mulf %parallel_loop3A_2411, %get3A_473 : vector<16xf32>
      %parallel_loop3A_2483 = arith.addf %parallel_loop3A_2482, %get3A_497 : vector<16xf32>
      %parallel_loop3A_2484 = arith.constant 0.000000e+00 : f32
      %parallel_loop3A_2485 = vector.broadcast %parallel_loop3A_2484 : f32 to vector<16xf32>
      %parallel_loop3A_2486 = arith.maximumf %parallel_loop3A_2483, %parallel_loop3A_2485 : vector<16xf32>
      %parallel_loop3A_2487 = arith.index_cast %parallel_loop3A_2408 : i32 to index
      %parallel_loop3A_2488 = arith.constant 112 : index
      %parallel_loop3A_2489 = tpu.vector_load %arg14[%parallel_loop3A_2487, %parallel_loop3A_2488] {strides = array<i32>} : memref<768x128xf32, #tpu.memory_space<vmem>>, vector<1x16xf32>,
      %parallel_loop3A_2490 = vector.shape_cast %parallel_loop3A_2489 : vector<1x16xf32> to vector<16xf32>
      %parallel_loop3A_2491 = vector.shape_cast %parallel_loop3A_2486 : vector<16xf32> to vector<1x16xf32>
      tpu.vector_store %arg14[%parallel_loop3A_2487, %parallel_loop3A_2488], %parallel_loop3A_2491 {add = true, strides = array<i32>} : memref<768x128xf32, #tpu.memory_space<vmem>>, vector<1x16xf32>,
      %parallel_loop3A_2492 = vector.extract_strided_slice %parallel_loop3A_1981 {offsets = [6], sizes = [1], strides = [1]} : vector<16xi32> to vector<1xi32>
      %parallel_loop3A_2493 = vector.extract %parallel_loop3A_2492[0] : i32 from vector<1xi32>
      %parallel_loop3A_2494 = vector.extract_strided_slice %parallel_loop3A_1939 {offsets = [6], sizes = [1], strides = [1]} : vector<16xf32> to vector<1xf32>
      %parallel_loop3A_2495 = vector.extract %parallel_loop3A_2494[0] : f32 from vector<1xf32>
      %parallel_loop3A_2496 = vector.broadcast %parallel_loop3A_2495 : f32 to vector<16xf32>
      %parallel_loop3A_2497 = arith.mulf %parallel_loop3A_2496, %get3A_452 : vector<16xf32>
      %parallel_loop3A_2498 = arith.addf %parallel_loop3A_2497, %get3A_476 : vector<16xf32>
      %parallel_loop3A_2499 = arith.constant 0.000000e+00 : f32
      %parallel_loop3A_2500 = vector.broadcast %parallel_loop3A_2499 : f32 to vector<16xf32>
      %parallel_loop3A_2501 = arith.maximumf %parallel_loop3A_2498, %parallel_loop3A_2500 : vector<16xf32>
      %parallel_loop3A_2502 = arith.index_cast %parallel_loop3A_2493 : i32 to index
      %parallel_loop3A_2503 = arith.constant 0 : index
      %parallel_loop3A_2504 = tpu.vector_load %arg14[%parallel_loop3A_2502, %parallel_loop3A_2503] {strides = array<i32>} : memref<768x128xf32, #tpu.memory_space<vmem>>, vector<1x16xf32>,
      %parallel_loop3A_2505 = vector.shape_cast %parallel_loop3A_2504 : vector<1x16xf32> to vector<16xf32>
      %parallel_loop3A_2506 = vector.shape_cast %parallel_loop3A_2501 : vector<16xf32> to vector<1x16xf32>
      tpu.vector_store %arg14[%parallel_loop3A_2502, %parallel_loop3A_2503], %parallel_loop3A_2506 {add = true, strides = array<i32>} : memref<768x128xf32, #tpu.memory_space<vmem>>, vector<1x16xf32>,
      %parallel_loop3A_2507 = arith.mulf %parallel_loop3A_2496, %get3A_455 : vector<16xf32>
      %parallel_loop3A_2508 = arith.addf %parallel_loop3A_2507, %get3A_479 : vector<16xf32>
      %parallel_loop3A_2509 = arith.constant 0.000000e+00 : f32
      %parallel_loop3A_2510 = vector.broadcast %parallel_loop3A_2509 : f32 to vector<16xf32>
      %parallel_loop3A_2511 = arith.maximumf %parallel_loop3A_2508, %parallel_loop3A_2510 : vector<16xf32>
      %parallel_loop3A_2512 = arith.index_cast %parallel_loop3A_2493 : i32 to index
      %parallel_loop3A_2513 = arith.constant 16 : index
      %parallel_loop3A_2514 = tpu.vector_load %arg14[%parallel_loop3A_2512, %parallel_loop3A_2513] {strides = array<i32>} : memref<768x128xf32, #tpu.memory_space<vmem>>, vector<1x16xf32>,
      %parallel_loop3A_2515 = vector.shape_cast %parallel_loop3A_2514 : vector<1x16xf32> to vector<16xf32>
      %parallel_loop3A_2516 = vector.shape_cast %parallel_loop3A_2511 : vector<16xf32> to vector<1x16xf32>
      tpu.vector_store %arg14[%parallel_loop3A_2512, %parallel_loop3A_2513], %parallel_loop3A_2516 {add = true, strides = array<i32>} : memref<768x128xf32, #tpu.memory_space<vmem>>, vector<1x16xf32>,
      %parallel_loop3A_2517 = arith.mulf %parallel_loop3A_2496, %get3A_458 : vector<16xf32>
      %parallel_loop3A_2518 = arith.addf %parallel_loop3A_2517, %get3A_482 : vector<16xf32>
      %parallel_loop3A_2519 = arith.constant 0.000000e+00 : f32
      %parallel_loop3A_2520 = vector.broadcast %parallel_loop3A_2519 : f32 to vector<16xf32>
      %parallel_loop3A_2521 = arith.maximumf %parallel_loop3A_2518, %parallel_loop3A_2520 : vector<16xf32>
      %parallel_loop3A_2522 = arith.index_cast %parallel_loop3A_2493 : i32 to index
      %parallel_loop3A_2523 = arith.constant 32 : index
      %parallel_loop3A_2524 = tpu.vector_load %arg14[%parallel_loop3A_2522, %parallel_loop3A_2523] {strides = array<i32>} : memref<768x128xf32, #tpu.memory_space<vmem>>, vector<1x16xf32>,
      %parallel_loop3A_2525 = vector.shape_cast %parallel_loop3A_2524 : vector<1x16xf32> to vector<16xf32>
      %parallel_loop3A_2526 = vector.shape_cast %parallel_loop3A_2521 : vector<16xf32> to vector<1x16xf32>
      tpu.vector_store %arg14[%parallel_loop3A_2522, %parallel_loop3A_2523], %parallel_loop3A_2526 {add = true, strides = array<i32>} : memref<768x128xf32, #tpu.memory_space<vmem>>, vector<1x16xf32>,
      %parallel_loop3A_2527 = arith.mulf %parallel_loop3A_2496, %get3A_461 : vector<16xf32>
      %parallel_loop3A_2528 = arith.addf %parallel_loop3A_2527, %get3A_485 : vector<16xf32>
      %parallel_loop3A_2529 = arith.constant 0.000000e+00 : f32
      %parallel_loop3A_2530 = vector.broadcast %parallel_loop3A_2529 : f32 to vector<16xf32>
      %parallel_loop3A_2531 = arith.maximumf %parallel_loop3A_2528, %parallel_loop3A_2530 : vector<16xf32>
      %parallel_loop3A_2532 = arith.index_cast %parallel_loop3A_2493 : i32 to index
      %parallel_loop3A_2533 = arith.constant 48 : index
      %parallel_loop3A_2534 = tpu.vector_load %arg14[%parallel_loop3A_2532, %parallel_loop3A_2533] {strides = array<i32>} : memref<768x128xf32, #tpu.memory_space<vmem>>, vector<1x16xf32>,
      %parallel_loop3A_2535 = vector.shape_cast %parallel_loop3A_2534 : vector<1x16xf32> to vector<16xf32>
      %parallel_loop3A_2536 = vector.shape_cast %parallel_loop3A_2531 : vector<16xf32> to vector<1x16xf32>
      tpu.vector_store %arg14[%parallel_loop3A_2532, %parallel_loop3A_2533], %parallel_loop3A_2536 {add = true, strides = array<i32>} : memref<768x128xf32, #tpu.memory_space<vmem>>, vector<1x16xf32>,
      %parallel_loop3A_2537 = arith.mulf %parallel_loop3A_2496, %get3A_464 : vector<16xf32>
      %parallel_loop3A_2538 = arith.addf %parallel_loop3A_2537, %get3A_488 : vector<16xf32>
      %parallel_loop3A_2539 = arith.constant 0.000000e+00 : f32
      %parallel_loop3A_2540 = vector.broadcast %parallel_loop3A_2539 : f32 to vector<16xf32>
      %parallel_loop3A_2541 = arith.maximumf %parallel_loop3A_2538, %parallel_loop3A_2540 : vector<16xf32>
      %parallel_loop3A_2542 = arith.index_cast %parallel_loop3A_2493 : i32 to index
      %parallel_loop3A_2543 = arith.constant 64 : index
      %parallel_loop3A_2544 = tpu.vector_load %arg14[%parallel_loop3A_2542, %parallel_loop3A_2543] {strides = array<i32>} : memref<768x128xf32, #tpu.memory_space<vmem>>, vector<1x16xf32>,
      %parallel_loop3A_2545 = vector.shape_cast %parallel_loop3A_2544 : vector<1x16xf32> to vector<16xf32>
      %parallel_loop3A_2546 = vector.shape_cast %parallel_loop3A_2541 : vector<16xf32> to vector<1x16xf32>
      tpu.vector_store %arg14[%parallel_loop3A_2542, %parallel_loop3A_2543], %parallel_loop3A_2546 {add = true, strides = array<i32>} : memref<768x128xf32, #tpu.memory_space<vmem>>, vector<1x16xf32>,
      %parallel_loop3A_2547 = arith.mulf %parallel_loop3A_2496, %get3A_467 : vector<16xf32>
      %parallel_loop3A_2548 = arith.addf %parallel_loop3A_2547, %get3A_491 : vector<16xf32>
      %parallel_loop3A_2549 = arith.constant 0.000000e+00 : f32
      %parallel_loop3A_2550 = vector.broadcast %parallel_loop3A_2549 : f32 to vector<16xf32>
      %parallel_loop3A_2551 = arith.maximumf %parallel_loop3A_2548, %parallel_loop3A_2550 : vector<16xf32>
      %parallel_loop3A_2552 = arith.index_cast %parallel_loop3A_2493 : i32 to index
      %parallel_loop3A_2553 = arith.constant 80 : index
      %parallel_loop3A_2554 = tpu.vector_load %arg14[%parallel_loop3A_2552, %parallel_loop3A_2553] {strides = array<i32>} : memref<768x128xf32, #tpu.memory_space<vmem>>, vector<1x16xf32>,
      %parallel_loop3A_2555 = vector.shape_cast %parallel_loop3A_2554 : vector<1x16xf32> to vector<16xf32>
      %parallel_loop3A_2556 = vector.shape_cast %parallel_loop3A_2551 : vector<16xf32> to vector<1x16xf32>
      tpu.vector_store %arg14[%parallel_loop3A_2552, %parallel_loop3A_2553], %parallel_loop3A_2556 {add = true, strides = array<i32>} : memref<768x128xf32, #tpu.memory_space<vmem>>, vector<1x16xf32>,
      %parallel_loop3A_2557 = arith.mulf %parallel_loop3A_2496, %get3A_470 : vector<16xf32>
      %parallel_loop3A_2558 = arith.addf %parallel_loop3A_2557, %get3A_494 : vector<16xf32>
      %parallel_loop3A_2559 = arith.constant 0.000000e+00 : f32
      %parallel_loop3A_2560 = vector.broadcast %parallel_loop3A_2559 : f32 to vector<16xf32>
      %parallel_loop3A_2561 = arith.maximumf %parallel_loop3A_2558, %parallel_loop3A_2560 : vector<16xf32>
      %parallel_loop3A_2562 = arith.index_cast %parallel_loop3A_2493 : i32 to index
      %parallel_loop3A_2563 = arith.constant 96 : index
      %parallel_loop3A_2564 = tpu.vector_load %arg14[%parallel_loop3A_2562, %parallel_loop3A_2563] {strides = array<i32>} : memref<768x128xf32, #tpu.memory_space<vmem>>, vector<1x16xf32>,
      %parallel_loop3A_2565 = vector.shape_cast %parallel_loop3A_2564 : vector<1x16xf32> to vector<16xf32>
      %parallel_loop3A_2566 = vector.shape_cast %parallel_loop3A_2561 : vector<16xf32> to vector<1x16xf32>
      tpu.vector_store %arg14[%parallel_loop3A_2562, %parallel_loop3A_2563], %parallel_loop3A_2566 {add = true, strides = array<i32>} : memref<768x128xf32, #tpu.memory_space<vmem>>, vector<1x16xf32>,
      %parallel_loop3A_2567 = arith.mulf %parallel_loop3A_2496, %get3A_473 : vector<16xf32>
      %parallel_loop3A_2568 = arith.addf %parallel_loop3A_2567, %get3A_497 : vector<16xf32>
      %parallel_loop3A_2569 = arith.constant 0.000000e+00 : f32
      %parallel_loop3A_2570 = vector.broadcast %parallel_loop3A_2569 : f32 to vector<16xf32>
      %parallel_loop3A_2571 = arith.maximumf %parallel_loop3A_2568, %parallel_loop3A_2570 : vector<16xf32>
      %parallel_loop3A_2572 = arith.index_cast %parallel_loop3A_2493 : i32 to index
      %parallel_loop3A_2573 = arith.constant 112 : index
      %parallel_loop3A_2574 = tpu.vector_load %arg14[%parallel_loop3A_2572, %parallel_loop3A_2573] {strides = array<i32>} : memref<768x128xf32, #tpu.memory_space<vmem>>, vector<1x16xf32>,
      %parallel_loop3A_2575 = vector.shape_cast %parallel_loop3A_2574 : vector<1x16xf32> to vector<16xf32>
      %parallel_loop3A_2576 = vector.shape_cast %parallel_loop3A_2571 : vector<16xf32> to vector<1x16xf32>
      tpu.vector_store %arg14[%parallel_loop3A_2572, %parallel_loop3A_2573], %parallel_loop3A_2576 {add = true, strides = array<i32>} : memref<768x128xf32, #tpu.memory_space<vmem>>, vector<1x16xf32>,
      %parallel_loop3A_2577 = vector.extract_strided_slice %parallel_loop3A_1981 {offsets = [7], sizes = [1], strides = [1]} : vector<16xi32> to vector<1xi32>
      %parallel_loop3A_2578 = vector.extract %parallel_loop3A_2577[0] : i32 from vector<1xi32>
      %parallel_loop3A_2579 = vector.extract_strided_slice %parallel_loop3A_1939 {offsets = [7], sizes = [1], strides = [1]} : vector<16xf32> to vector<1xf32>
      %parallel_loop3A_2580 = vector.extract %parallel_loop3A_2579[0] : f32 from vector<1xf32>
      %parallel_loop3A_2581 = vector.broadcast %parallel_loop3A_2580 : f32 to vector<16xf32>
      %parallel_loop3A_2582 = arith.mulf %parallel_loop3A_2581, %get3A_452 : vector<16xf32>
      %parallel_loop3A_2583 = arith.addf %parallel_loop3A_2582, %get3A_476 : vector<16xf32>
      %parallel_loop3A_2584 = arith.constant 0.000000e+00 : f32
      %parallel_loop3A_2585 = vector.broadcast %parallel_loop3A_2584 : f32 to vector<16xf32>
      %parallel_loop3A_2586 = arith.maximumf %parallel_loop3A_2583, %parallel_loop3A_2585 : vector<16xf32>
      %parallel_loop3A_2587 = arith.index_cast %parallel_loop3A_2578 : i32 to index
      %parallel_loop3A_2588 = arith.constant 0 : index
      %parallel_loop3A_2589 = tpu.vector_load %arg14[%parallel_loop3A_2587, %parallel_loop3A_2588] {strides = array<i32>} : memref<768x128xf32, #tpu.memory_space<vmem>>, vector<1x16xf32>,
      %parallel_loop3A_2590 = vector.shape_cast %parallel_loop3A_2589 : vector<1x16xf32> to vector<16xf32>
      %parallel_loop3A_2591 = vector.shape_cast %parallel_loop3A_2586 : vector<16xf32> to vector<1x16xf32>
      tpu.vector_store %arg14[%parallel_loop3A_2587, %parallel_loop3A_2588], %parallel_loop3A_2591 {add = true, strides = array<i32>} : memref<768x128xf32, #tpu.memory_space<vmem>>, vector<1x16xf32>,
      %parallel_loop3A_2592 = arith.mulf %parallel_loop3A_2581, %get3A_455 : vector<16xf32>
      %parallel_loop3A_2593 = arith.addf %parallel_loop3A_2592, %get3A_479 : vector<16xf32>
      %parallel_loop3A_2594 = arith.constant 0.000000e+00 : f32
      %parallel_loop3A_2595 = vector.broadcast %parallel_loop3A_2594 : f32 to vector<16xf32>
      %parallel_loop3A_2596 = arith.maximumf %parallel_loop3A_2593, %parallel_loop3A_2595 : vector<16xf32>
      %parallel_loop3A_2597 = arith.index_cast %parallel_loop3A_2578 : i32 to index
      %parallel_loop3A_2598 = arith.constant 16 : index
      %parallel_loop3A_2599 = tpu.vector_load %arg14[%parallel_loop3A_2597, %parallel_loop3A_2598] {strides = array<i32>} : memref<768x128xf32, #tpu.memory_space<vmem>>, vector<1x16xf32>,
      %parallel_loop3A_2600 = vector.shape_cast %parallel_loop3A_2599 : vector<1x16xf32> to vector<16xf32>
      %parallel_loop3A_2601 = vector.shape_cast %parallel_loop3A_2596 : vector<16xf32> to vector<1x16xf32>
      tpu.vector_store %arg14[%parallel_loop3A_2597, %parallel_loop3A_2598], %parallel_loop3A_2601 {add = true, strides = array<i32>} : memref<768x128xf32, #tpu.memory_space<vmem>>, vector<1x16xf32>,
      %parallel_loop3A_2602 = arith.mulf %parallel_loop3A_2581, %get3A_458 : vector<16xf32>
      %parallel_loop3A_2603 = arith.addf %parallel_loop3A_2602, %get3A_482 : vector<16xf32>
      %parallel_loop3A_2604 = arith.constant 0.000000e+00 : f32
      %parallel_loop3A_2605 = vector.broadcast %parallel_loop3A_2604 : f32 to vector<16xf32>
      %parallel_loop3A_2606 = arith.maximumf %parallel_loop3A_2603, %parallel_loop3A_2605 : vector<16xf32>
      %parallel_loop3A_2607 = arith.index_cast %parallel_loop3A_2578 : i32 to index
      %parallel_loop3A_2608 = arith.constant 32 : index
      %parallel_loop3A_2609 = tpu.vector_load %arg14[%parallel_loop3A_2607, %parallel_loop3A_2608] {strides = array<i32>} : memref<768x128xf32, #tpu.memory_space<vmem>>, vector<1x16xf32>,
      %parallel_loop3A_2610 = vector.shape_cast %parallel_loop3A_2609 : vector<1x16xf32> to vector<16xf32>
      %parallel_loop3A_2611 = vector.shape_cast %parallel_loop3A_2606 : vector<16xf32> to vector<1x16xf32>
      tpu.vector_store %arg14[%parallel_loop3A_2607, %parallel_loop3A_2608], %parallel_loop3A_2611 {add = true, strides = array<i32>} : memref<768x128xf32, #tpu.memory_space<vmem>>, vector<1x16xf32>,
      %parallel_loop3A_2612 = arith.mulf %parallel_loop3A_2581, %get3A_461 : vector<16xf32>
      %parallel_loop3A_2613 = arith.addf %parallel_loop3A_2612, %get3A_485 : vector<16xf32>
      %parallel_loop3A_2614 = arith.constant 0.000000e+00 : f32
      %parallel_loop3A_2615 = vector.broadcast %parallel_loop3A_2614 : f32 to vector<16xf32>
      %parallel_loop3A_2616 = arith.maximumf %parallel_loop3A_2613, %parallel_loop3A_2615 : vector<16xf32>
      %parallel_loop3A_2617 = arith.index_cast %parallel_loop3A_2578 : i32 to index
      %parallel_loop3A_2618 = arith.constant 48 : index
      %parallel_loop3A_2619 = tpu.vector_load %arg14[%parallel_loop3A_2617, %parallel_loop3A_2618] {strides = array<i32>} : memref<768x128xf32, #tpu.memory_space<vmem>>, vector<1x16xf32>,
      %parallel_loop3A_2620 = vector.shape_cast %parallel_loop3A_2619 : vector<1x16xf32> to vector<16xf32>
      %parallel_loop3A_2621 = vector.shape_cast %parallel_loop3A_2616 : vector<16xf32> to vector<1x16xf32>
      tpu.vector_store %arg14[%parallel_loop3A_2617, %parallel_loop3A_2618], %parallel_loop3A_2621 {add = true, strides = array<i32>} : memref<768x128xf32, #tpu.memory_space<vmem>>, vector<1x16xf32>,
      %parallel_loop3A_2622 = arith.mulf %parallel_loop3A_2581, %get3A_464 : vector<16xf32>
      %parallel_loop3A_2623 = arith.addf %parallel_loop3A_2622, %get3A_488 : vector<16xf32>
      %parallel_loop3A_2624 = arith.constant 0.000000e+00 : f32
      %parallel_loop3A_2625 = vector.broadcast %parallel_loop3A_2624 : f32 to vector<16xf32>
      %parallel_loop3A_2626 = arith.maximumf %parallel_loop3A_2623, %parallel_loop3A_2625 : vector<16xf32>
      %parallel_loop3A_2627 = arith.index_cast %parallel_loop3A_2578 : i32 to index
      %parallel_loop3A_2628 = arith.constant 64 : index
      %parallel_loop3A_2629 = tpu.vector_load %arg14[%parallel_loop3A_2627, %parallel_loop3A_2628] {strides = array<i32>} : memref<768x128xf32, #tpu.memory_space<vmem>>, vector<1x16xf32>,
      %parallel_loop3A_2630 = vector.shape_cast %parallel_loop3A_2629 : vector<1x16xf32> to vector<16xf32>
      %parallel_loop3A_2631 = vector.shape_cast %parallel_loop3A_2626 : vector<16xf32> to vector<1x16xf32>
      tpu.vector_store %arg14[%parallel_loop3A_2627, %parallel_loop3A_2628], %parallel_loop3A_2631 {add = true, strides = array<i32>} : memref<768x128xf32, #tpu.memory_space<vmem>>, vector<1x16xf32>,
      %parallel_loop3A_2632 = arith.mulf %parallel_loop3A_2581, %get3A_467 : vector<16xf32>
      %parallel_loop3A_2633 = arith.addf %parallel_loop3A_2632, %get3A_491 : vector<16xf32>
      %parallel_loop3A_2634 = arith.constant 0.000000e+00 : f32
      %parallel_loop3A_2635 = vector.broadcast %parallel_loop3A_2634 : f32 to vector<16xf32>
      %parallel_loop3A_2636 = arith.maximumf %parallel_loop3A_2633, %parallel_loop3A_2635 : vector<16xf32>
      %parallel_loop3A_2637 = arith.index_cast %parallel_loop3A_2578 : i32 to index
      %parallel_loop3A_2638 = arith.constant 80 : index
      %parallel_loop3A_2639 = tpu.vector_load %arg14[%parallel_loop3A_2637, %parallel_loop3A_2638] {strides = array<i32>} : memref<768x128xf32, #tpu.memory_space<vmem>>, vector<1x16xf32>,
      %parallel_loop3A_2640 = vector.shape_cast %parallel_loop3A_2639 : vector<1x16xf32> to vector<16xf32>
      %parallel_loop3A_2641 = vector.shape_cast %parallel_loop3A_2636 : vector<16xf32> to vector<1x16xf32>
      tpu.vector_store %arg14[%parallel_loop3A_2637, %parallel_loop3A_2638], %parallel_loop3A_2641 {add = true, strides = array<i32>} : memref<768x128xf32, #tpu.memory_space<vmem>>, vector<1x16xf32>,
      %parallel_loop3A_2642 = arith.mulf %parallel_loop3A_2581, %get3A_470 : vector<16xf32>
      %parallel_loop3A_2643 = arith.addf %parallel_loop3A_2642, %get3A_494 : vector<16xf32>
      %parallel_loop3A_2644 = arith.constant 0.000000e+00 : f32
      %parallel_loop3A_2645 = vector.broadcast %parallel_loop3A_2644 : f32 to vector<16xf32>
      %parallel_loop3A_2646 = arith.maximumf %parallel_loop3A_2643, %parallel_loop3A_2645 : vector<16xf32>
      %parallel_loop3A_2647 = arith.index_cast %parallel_loop3A_2578 : i32 to index
      %parallel_loop3A_2648 = arith.constant 96 : index
      %parallel_loop3A_2649 = tpu.vector_load %arg14[%parallel_loop3A_2647, %parallel_loop3A_2648] {strides = array<i32>} : memref<768x128xf32, #tpu.memory_space<vmem>>, vector<1x16xf32>,
      %parallel_loop3A_2650 = vector.shape_cast %parallel_loop3A_2649 : vector<1x16xf32> to vector<16xf32>
      %parallel_loop3A_2651 = vector.shape_cast %parallel_loop3A_2646 : vector<16xf32> to vector<1x16xf32>
      tpu.vector_store %arg14[%parallel_loop3A_2647, %parallel_loop3A_2648], %parallel_loop3A_2651 {add = true, strides = array<i32>} : memref<768x128xf32, #tpu.memory_space<vmem>>, vector<1x16xf32>,
      %parallel_loop3A_2652 = arith.mulf %parallel_loop3A_2581, %get3A_473 : vector<16xf32>
      %parallel_loop3A_2653 = arith.addf %parallel_loop3A_2652, %get3A_497 : vector<16xf32>
      %parallel_loop3A_2654 = arith.constant 0.000000e+00 : f32
      %parallel_loop3A_2655 = vector.broadcast %parallel_loop3A_2654 : f32 to vector<16xf32>
      %parallel_loop3A_2656 = arith.maximumf %parallel_loop3A_2653, %parallel_loop3A_2655 : vector<16xf32>
      %parallel_loop3A_2657 = arith.index_cast %parallel_loop3A_2578 : i32 to index
      %parallel_loop3A_2658 = arith.constant 112 : index
      %parallel_loop3A_2659 = tpu.vector_load %arg14[%parallel_loop3A_2657, %parallel_loop3A_2658] {strides = array<i32>} : memref<768x128xf32, #tpu.memory_space<vmem>>, vector<1x16xf32>,
      %parallel_loop3A_2660 = vector.shape_cast %parallel_loop3A_2659 : vector<1x16xf32> to vector<16xf32>
      %parallel_loop3A_2661 = vector.shape_cast %parallel_loop3A_2656 : vector<16xf32> to vector<1x16xf32>
      tpu.vector_store %arg14[%parallel_loop3A_2657, %parallel_loop3A_2658], %parallel_loop3A_2661 {add = true, strides = array<i32>} : memref<768x128xf32, #tpu.memory_space<vmem>>, vector<1x16xf32>,
      %parallel_loop3A_2662 = vector.extract_strided_slice %parallel_loop3A_1981 {offsets = [8], sizes = [1], strides = [1]} : vector<16xi32> to vector<1xi32>
      %parallel_loop3A_2663 = vector.extract %parallel_loop3A_2662[0] : i32 from vector<1xi32>
      %parallel_loop3A_2664 = vector.extract_strided_slice %parallel_loop3A_1939 {offsets = [8], sizes = [1], strides = [1]} : vector<16xf32> to vector<1xf32>
      %parallel_loop3A_2665 = vector.extract %parallel_loop3A_2664[0] : f32 from vector<1xf32>
      %parallel_loop3A_2666 = vector.broadcast %parallel_loop3A_2665 : f32 to vector<16xf32>
      %parallel_loop3A_2667 = arith.mulf %parallel_loop3A_2666, %get3A_452 : vector<16xf32>
      %parallel_loop3A_2668 = arith.addf %parallel_loop3A_2667, %get3A_476 : vector<16xf32>
      %parallel_loop3A_2669 = arith.constant 0.000000e+00 : f32
      %parallel_loop3A_2670 = vector.broadcast %parallel_loop3A_2669 : f32 to vector<16xf32>
      %parallel_loop3A_2671 = arith.maximumf %parallel_loop3A_2668, %parallel_loop3A_2670 : vector<16xf32>
      %parallel_loop3A_2672 = arith.index_cast %parallel_loop3A_2663 : i32 to index
      %parallel_loop3A_2673 = arith.constant 0 : index
      %parallel_loop3A_2674 = tpu.vector_load %arg14[%parallel_loop3A_2672, %parallel_loop3A_2673] {strides = array<i32>} : memref<768x128xf32, #tpu.memory_space<vmem>>, vector<1x16xf32>,
      %parallel_loop3A_2675 = vector.shape_cast %parallel_loop3A_2674 : vector<1x16xf32> to vector<16xf32>
      %parallel_loop3A_2676 = vector.shape_cast %parallel_loop3A_2671 : vector<16xf32> to vector<1x16xf32>
      tpu.vector_store %arg14[%parallel_loop3A_2672, %parallel_loop3A_2673], %parallel_loop3A_2676 {add = true, strides = array<i32>} : memref<768x128xf32, #tpu.memory_space<vmem>>, vector<1x16xf32>,
      %parallel_loop3A_2677 = arith.mulf %parallel_loop3A_2666, %get3A_455 : vector<16xf32>
      %parallel_loop3A_2678 = arith.addf %parallel_loop3A_2677, %get3A_479 : vector<16xf32>
      %parallel_loop3A_2679 = arith.constant 0.000000e+00 : f32
      %parallel_loop3A_2680 = vector.broadcast %parallel_loop3A_2679 : f32 to vector<16xf32>
      %parallel_loop3A_2681 = arith.maximumf %parallel_loop3A_2678, %parallel_loop3A_2680 : vector<16xf32>
      %parallel_loop3A_2682 = arith.index_cast %parallel_loop3A_2663 : i32 to index
      %parallel_loop3A_2683 = arith.constant 16 : index
      %parallel_loop3A_2684 = tpu.vector_load %arg14[%parallel_loop3A_2682, %parallel_loop3A_2683] {strides = array<i32>} : memref<768x128xf32, #tpu.memory_space<vmem>>, vector<1x16xf32>,
      %parallel_loop3A_2685 = vector.shape_cast %parallel_loop3A_2684 : vector<1x16xf32> to vector<16xf32>
      %parallel_loop3A_2686 = vector.shape_cast %parallel_loop3A_2681 : vector<16xf32> to vector<1x16xf32>
      tpu.vector_store %arg14[%parallel_loop3A_2682, %parallel_loop3A_2683], %parallel_loop3A_2686 {add = true, strides = array<i32>} : memref<768x128xf32, #tpu.memory_space<vmem>>, vector<1x16xf32>,
      %parallel_loop3A_2687 = arith.mulf %parallel_loop3A_2666, %get3A_458 : vector<16xf32>
      %parallel_loop3A_2688 = arith.addf %parallel_loop3A_2687, %get3A_482 : vector<16xf32>
      %parallel_loop3A_2689 = arith.constant 0.000000e+00 : f32
      %parallel_loop3A_2690 = vector.broadcast %parallel_loop3A_2689 : f32 to vector<16xf32>
      %parallel_loop3A_2691 = arith.maximumf %parallel_loop3A_2688, %parallel_loop3A_2690 : vector<16xf32>
      %parallel_loop3A_2692 = arith.index_cast %parallel_loop3A_2663 : i32 to index
      %parallel_loop3A_2693 = arith.constant 32 : index
      %parallel_loop3A_2694 = tpu.vector_load %arg14[%parallel_loop3A_2692, %parallel_loop3A_2693] {strides = array<i32>} : memref<768x128xf32, #tpu.memory_space<vmem>>, vector<1x16xf32>,
      %parallel_loop3A_2695 = vector.shape_cast %parallel_loop3A_2694 : vector<1x16xf32> to vector<16xf32>
      %parallel_loop3A_2696 = vector.shape_cast %parallel_loop3A_2691 : vector<16xf32> to vector<1x16xf32>
      tpu.vector_store %arg14[%parallel_loop3A_2692, %parallel_loop3A_2693], %parallel_loop3A_2696 {add = true, strides = array<i32>} : memref<768x128xf32, #tpu.memory_space<vmem>>, vector<1x16xf32>,
      %parallel_loop3A_2697 = arith.mulf %parallel_loop3A_2666, %get3A_461 : vector<16xf32>
      %parallel_loop3A_2698 = arith.addf %parallel_loop3A_2697, %get3A_485 : vector<16xf32>
      %parallel_loop3A_2699 = arith.constant 0.000000e+00 : f32
      %parallel_loop3A_2700 = vector.broadcast %parallel_loop3A_2699 : f32 to vector<16xf32>
      %parallel_loop3A_2701 = arith.maximumf %parallel_loop3A_2698, %parallel_loop3A_2700 : vector<16xf32>
      %parallel_loop3A_2702 = arith.index_cast %parallel_loop3A_2663 : i32 to index
      %parallel_loop3A_2703 = arith.constant 48 : index
      %parallel_loop3A_2704 = tpu.vector_load %arg14[%parallel_loop3A_2702, %parallel_loop3A_2703] {strides = array<i32>} : memref<768x128xf32, #tpu.memory_space<vmem>>, vector<1x16xf32>,
      %parallel_loop3A_2705 = vector.shape_cast %parallel_loop3A_2704 : vector<1x16xf32> to vector<16xf32>
      %parallel_loop3A_2706 = vector.shape_cast %parallel_loop3A_2701 : vector<16xf32> to vector<1x16xf32>
      tpu.vector_store %arg14[%parallel_loop3A_2702, %parallel_loop3A_2703], %parallel_loop3A_2706 {add = true, strides = array<i32>} : memref<768x128xf32, #tpu.memory_space<vmem>>, vector<1x16xf32>,
      %parallel_loop3A_2707 = arith.mulf %parallel_loop3A_2666, %get3A_464 : vector<16xf32>
      %parallel_loop3A_2708 = arith.addf %parallel_loop3A_2707, %get3A_488 : vector<16xf32>
      %parallel_loop3A_2709 = arith.constant 0.000000e+00 : f32
      %parallel_loop3A_2710 = vector.broadcast %parallel_loop3A_2709 : f32 to vector<16xf32>
      %parallel_loop3A_2711 = arith.maximumf %parallel_loop3A_2708, %parallel_loop3A_2710 : vector<16xf32>
      %parallel_loop3A_2712 = arith.index_cast %parallel_loop3A_2663 : i32 to index
      %parallel_loop3A_2713 = arith.constant 64 : index
      %parallel_loop3A_2714 = tpu.vector_load %arg14[%parallel_loop3A_2712, %parallel_loop3A_2713] {strides = array<i32>} : memref<768x128xf32, #tpu.memory_space<vmem>>, vector<1x16xf32>,
      %parallel_loop3A_2715 = vector.shape_cast %parallel_loop3A_2714 : vector<1x16xf32> to vector<16xf32>
      %parallel_loop3A_2716 = vector.shape_cast %parallel_loop3A_2711 : vector<16xf32> to vector<1x16xf32>
      tpu.vector_store %arg14[%parallel_loop3A_2712, %parallel_loop3A_2713], %parallel_loop3A_2716 {add = true, strides = array<i32>} : memref<768x128xf32, #tpu.memory_space<vmem>>, vector<1x16xf32>,
      %parallel_loop3A_2717 = arith.mulf %parallel_loop3A_2666, %get3A_467 : vector<16xf32>
      %parallel_loop3A_2718 = arith.addf %parallel_loop3A_2717, %get3A_491 : vector<16xf32>
      %parallel_loop3A_2719 = arith.constant 0.000000e+00 : f32
      %parallel_loop3A_2720 = vector.broadcast %parallel_loop3A_2719 : f32 to vector<16xf32>
      %parallel_loop3A_2721 = arith.maximumf %parallel_loop3A_2718, %parallel_loop3A_2720 : vector<16xf32>
      %parallel_loop3A_2722 = arith.index_cast %parallel_loop3A_2663 : i32 to index
      %parallel_loop3A_2723 = arith.constant 80 : index
      %parallel_loop3A_2724 = tpu.vector_load %arg14[%parallel_loop3A_2722, %parallel_loop3A_2723] {strides = array<i32>} : memref<768x128xf32, #tpu.memory_space<vmem>>, vector<1x16xf32>,
      %parallel_loop3A_2725 = vector.shape_cast %parallel_loop3A_2724 : vector<1x16xf32> to vector<16xf32>
      %parallel_loop3A_2726 = vector.shape_cast %parallel_loop3A_2721 : vector<16xf32> to vector<1x16xf32>
      tpu.vector_store %arg14[%parallel_loop3A_2722, %parallel_loop3A_2723], %parallel_loop3A_2726 {add = true, strides = array<i32>} : memref<768x128xf32, #tpu.memory_space<vmem>>, vector<1x16xf32>,
      %parallel_loop3A_2727 = arith.mulf %parallel_loop3A_2666, %get3A_470 : vector<16xf32>
      %parallel_loop3A_2728 = arith.addf %parallel_loop3A_2727, %get3A_494 : vector<16xf32>
      %parallel_loop3A_2729 = arith.constant 0.000000e+00 : f32
      %parallel_loop3A_2730 = vector.broadcast %parallel_loop3A_2729 : f32 to vector<16xf32>
      %parallel_loop3A_2731 = arith.maximumf %parallel_loop3A_2728, %parallel_loop3A_2730 : vector<16xf32>
      %parallel_loop3A_2732 = arith.index_cast %parallel_loop3A_2663 : i32 to index
      %parallel_loop3A_2733 = arith.constant 96 : index
      %parallel_loop3A_2734 = tpu.vector_load %arg14[%parallel_loop3A_2732, %parallel_loop3A_2733] {strides = array<i32>} : memref<768x128xf32, #tpu.memory_space<vmem>>, vector<1x16xf32>,
      %parallel_loop3A_2735 = vector.shape_cast %parallel_loop3A_2734 : vector<1x16xf32> to vector<16xf32>
      %parallel_loop3A_2736 = vector.shape_cast %parallel_loop3A_2731 : vector<16xf32> to vector<1x16xf32>
      tpu.vector_store %arg14[%parallel_loop3A_2732, %parallel_loop3A_2733], %parallel_loop3A_2736 {add = true, strides = array<i32>} : memref<768x128xf32, #tpu.memory_space<vmem>>, vector<1x16xf32>,
      %parallel_loop3A_2737 = arith.mulf %parallel_loop3A_2666, %get3A_473 : vector<16xf32>
      %parallel_loop3A_2738 = arith.addf %parallel_loop3A_2737, %get3A_497 : vector<16xf32>
      %parallel_loop3A_2739 = arith.constant 0.000000e+00 : f32
      %parallel_loop3A_2740 = vector.broadcast %parallel_loop3A_2739 : f32 to vector<16xf32>
      %parallel_loop3A_2741 = arith.maximumf %parallel_loop3A_2738, %parallel_loop3A_2740 : vector<16xf32>
      %parallel_loop3A_2742 = arith.index_cast %parallel_loop3A_2663 : i32 to index
      %parallel_loop3A_2743 = arith.constant 112 : index
      %parallel_loop3A_2744 = tpu.vector_load %arg14[%parallel_loop3A_2742, %parallel_loop3A_2743] {strides = array<i32>} : memref<768x128xf32, #tpu.memory_space<vmem>>, vector<1x16xf32>,
      %parallel_loop3A_2745 = vector.shape_cast %parallel_loop3A_2744 : vector<1x16xf32> to vector<16xf32>
      %parallel_loop3A_2746 = vector.shape_cast %parallel_loop3A_2741 : vector<16xf32> to vector<1x16xf32>
      tpu.vector_store %arg14[%parallel_loop3A_2742, %parallel_loop3A_2743], %parallel_loop3A_2746 {add = true, strides = array<i32>} : memref<768x128xf32, #tpu.memory_space<vmem>>, vector<1x16xf32>,
      %parallel_loop3A_2747 = vector.extract_strided_slice %parallel_loop3A_1981 {offsets = [9], sizes = [1], strides = [1]} : vector<16xi32> to vector<1xi32>
      %parallel_loop3A_2748 = vector.extract %parallel_loop3A_2747[0] : i32 from vector<1xi32>
      %parallel_loop3A_2749 = vector.extract_strided_slice %parallel_loop3A_1939 {offsets = [9], sizes = [1], strides = [1]} : vector<16xf32> to vector<1xf32>
      %parallel_loop3A_2750 = vector.extract %parallel_loop3A_2749[0] : f32 from vector<1xf32>
      %parallel_loop3A_2751 = vector.broadcast %parallel_loop3A_2750 : f32 to vector<16xf32>
      %parallel_loop3A_2752 = arith.mulf %parallel_loop3A_2751, %get3A_452 : vector<16xf32>
      %parallel_loop3A_2753 = arith.addf %parallel_loop3A_2752, %get3A_476 : vector<16xf32>
      %parallel_loop3A_2754 = arith.constant 0.000000e+00 : f32
      %parallel_loop3A_2755 = vector.broadcast %parallel_loop3A_2754 : f32 to vector<16xf32>
      %parallel_loop3A_2756 = arith.maximumf %parallel_loop3A_2753, %parallel_loop3A_2755 : vector<16xf32>
      %parallel_loop3A_2757 = arith.index_cast %parallel_loop3A_2748 : i32 to index
      %parallel_loop3A_2758 = arith.constant 0 : index
      %parallel_loop3A_2759 = tpu.vector_load %arg14[%parallel_loop3A_2757, %parallel_loop3A_2758] {strides = array<i32>} : memref<768x128xf32, #tpu.memory_space<vmem>>, vector<1x16xf32>,
      %parallel_loop3A_2760 = vector.shape_cast %parallel_loop3A_2759 : vector<1x16xf32> to vector<16xf32>
      %parallel_loop3A_2761 = vector.shape_cast %parallel_loop3A_2756 : vector<16xf32> to vector<1x16xf32>
      tpu.vector_store %arg14[%parallel_loop3A_2757, %parallel_loop3A_2758], %parallel_loop3A_2761 {add = true, strides = array<i32>} : memref<768x128xf32, #tpu.memory_space<vmem>>, vector<1x16xf32>,
      %parallel_loop3A_2762 = arith.mulf %parallel_loop3A_2751, %get3A_455 : vector<16xf32>
      %parallel_loop3A_2763 = arith.addf %parallel_loop3A_2762, %get3A_479 : vector<16xf32>
      %parallel_loop3A_2764 = arith.constant 0.000000e+00 : f32
      %parallel_loop3A_2765 = vector.broadcast %parallel_loop3A_2764 : f32 to vector<16xf32>
      %parallel_loop3A_2766 = arith.maximumf %parallel_loop3A_2763, %parallel_loop3A_2765 : vector<16xf32>
      %parallel_loop3A_2767 = arith.index_cast %parallel_loop3A_2748 : i32 to index
      %parallel_loop3A_2768 = arith.constant 16 : index
      %parallel_loop3A_2769 = tpu.vector_load %arg14[%parallel_loop3A_2767, %parallel_loop3A_2768] {strides = array<i32>} : memref<768x128xf32, #tpu.memory_space<vmem>>, vector<1x16xf32>,
      %parallel_loop3A_2770 = vector.shape_cast %parallel_loop3A_2769 : vector<1x16xf32> to vector<16xf32>
      %parallel_loop3A_2771 = vector.shape_cast %parallel_loop3A_2766 : vector<16xf32> to vector<1x16xf32>
      tpu.vector_store %arg14[%parallel_loop3A_2767, %parallel_loop3A_2768], %parallel_loop3A_2771 {add = true, strides = array<i32>} : memref<768x128xf32, #tpu.memory_space<vmem>>, vector<1x16xf32>,
      %parallel_loop3A_2772 = arith.mulf %parallel_loop3A_2751, %get3A_458 : vector<16xf32>
      %parallel_loop3A_2773 = arith.addf %parallel_loop3A_2772, %get3A_482 : vector<16xf32>
      %parallel_loop3A_2774 = arith.constant 0.000000e+00 : f32
      %parallel_loop3A_2775 = vector.broadcast %parallel_loop3A_2774 : f32 to vector<16xf32>
      %parallel_loop3A_2776 = arith.maximumf %parallel_loop3A_2773, %parallel_loop3A_2775 : vector<16xf32>
      %parallel_loop3A_2777 = arith.index_cast %parallel_loop3A_2748 : i32 to index
      %parallel_loop3A_2778 = arith.constant 32 : index
      %parallel_loop3A_2779 = tpu.vector_load %arg14[%parallel_loop3A_2777, %parallel_loop3A_2778] {strides = array<i32>} : memref<768x128xf32, #tpu.memory_space<vmem>>, vector<1x16xf32>,
      %parallel_loop3A_2780 = vector.shape_cast %parallel_loop3A_2779 : vector<1x16xf32> to vector<16xf32>
      %parallel_loop3A_2781 = vector.shape_cast %parallel_loop3A_2776 : vector<16xf32> to vector<1x16xf32>
      tpu.vector_store %arg14[%parallel_loop3A_2777, %parallel_loop3A_2778], %parallel_loop3A_2781 {add = true, strides = array<i32>} : memref<768x128xf32, #tpu.memory_space<vmem>>, vector<1x16xf32>,
      %parallel_loop3A_2782 = arith.mulf %parallel_loop3A_2751, %get3A_461 : vector<16xf32>
      %parallel_loop3A_2783 = arith.addf %parallel_loop3A_2782, %get3A_485 : vector<16xf32>
      %parallel_loop3A_2784 = arith.constant 0.000000e+00 : f32
      %parallel_loop3A_2785 = vector.broadcast %parallel_loop3A_2784 : f32 to vector<16xf32>
      %parallel_loop3A_2786 = arith.maximumf %parallel_loop3A_2783, %parallel_loop3A_2785 : vector<16xf32>
      %parallel_loop3A_2787 = arith.index_cast %parallel_loop3A_2748 : i32 to index
      %parallel_loop3A_2788 = arith.constant 48 : index
      %parallel_loop3A_2789 = tpu.vector_load %arg14[%parallel_loop3A_2787, %parallel_loop3A_2788] {strides = array<i32>} : memref<768x128xf32, #tpu.memory_space<vmem>>, vector<1x16xf32>,
      %parallel_loop3A_2790 = vector.shape_cast %parallel_loop3A_2789 : vector<1x16xf32> to vector<16xf32>
      %parallel_loop3A_2791 = vector.shape_cast %parallel_loop3A_2786 : vector<16xf32> to vector<1x16xf32>
      tpu.vector_store %arg14[%parallel_loop3A_2787, %parallel_loop3A_2788], %parallel_loop3A_2791 {add = true, strides = array<i32>} : memref<768x128xf32, #tpu.memory_space<vmem>>, vector<1x16xf32>,
      %parallel_loop3A_2792 = arith.mulf %parallel_loop3A_2751, %get3A_464 : vector<16xf32>
      %parallel_loop3A_2793 = arith.addf %parallel_loop3A_2792, %get3A_488 : vector<16xf32>
      %parallel_loop3A_2794 = arith.constant 0.000000e+00 : f32
      %parallel_loop3A_2795 = vector.broadcast %parallel_loop3A_2794 : f32 to vector<16xf32>
      %parallel_loop3A_2796 = arith.maximumf %parallel_loop3A_2793, %parallel_loop3A_2795 : vector<16xf32>
      %parallel_loop3A_2797 = arith.index_cast %parallel_loop3A_2748 : i32 to index
      %parallel_loop3A_2798 = arith.constant 64 : index
      %parallel_loop3A_2799 = tpu.vector_load %arg14[%parallel_loop3A_2797, %parallel_loop3A_2798] {strides = array<i32>} : memref<768x128xf32, #tpu.memory_space<vmem>>, vector<1x16xf32>,
      %parallel_loop3A_2800 = vector.shape_cast %parallel_loop3A_2799 : vector<1x16xf32> to vector<16xf32>
      %parallel_loop3A_2801 = vector.shape_cast %parallel_loop3A_2796 : vector<16xf32> to vector<1x16xf32>
      tpu.vector_store %arg14[%parallel_loop3A_2797, %parallel_loop3A_2798], %parallel_loop3A_2801 {add = true, strides = array<i32>} : memref<768x128xf32, #tpu.memory_space<vmem>>, vector<1x16xf32>,
      %parallel_loop3A_2802 = arith.mulf %parallel_loop3A_2751, %get3A_467 : vector<16xf32>
      %parallel_loop3A_2803 = arith.addf %parallel_loop3A_2802, %get3A_491 : vector<16xf32>
      %parallel_loop3A_2804 = arith.constant 0.000000e+00 : f32
      %parallel_loop3A_2805 = vector.broadcast %parallel_loop3A_2804 : f32 to vector<16xf32>
      %parallel_loop3A_2806 = arith.maximumf %parallel_loop3A_2803, %parallel_loop3A_2805 : vector<16xf32>
      %parallel_loop3A_2807 = arith.index_cast %parallel_loop3A_2748 : i32 to index
      %parallel_loop3A_2808 = arith.constant 80 : index
      %parallel_loop3A_2809 = tpu.vector_load %arg14[%parallel_loop3A_2807, %parallel_loop3A_2808] {strides = array<i32>} : memref<768x128xf32, #tpu.memory_space<vmem>>, vector<1x16xf32>,
      %parallel_loop3A_2810 = vector.shape_cast %parallel_loop3A_2809 : vector<1x16xf32> to vector<16xf32>
      %parallel_loop3A_2811 = vector.shape_cast %parallel_loop3A_2806 : vector<16xf32> to vector<1x16xf32>
      tpu.vector_store %arg14[%parallel_loop3A_2807, %parallel_loop3A_2808], %parallel_loop3A_2811 {add = true, strides = array<i32>} : memref<768x128xf32, #tpu.memory_space<vmem>>, vector<1x16xf32>,
      %parallel_loop3A_2812 = arith.mulf %parallel_loop3A_2751, %get3A_470 : vector<16xf32>
      %parallel_loop3A_2813 = arith.addf %parallel_loop3A_2812, %get3A_494 : vector<16xf32>
      %parallel_loop3A_2814 = arith.constant 0.000000e+00 : f32
      %parallel_loop3A_2815 = vector.broadcast %parallel_loop3A_2814 : f32 to vector<16xf32>
      %parallel_loop3A_2816 = arith.maximumf %parallel_loop3A_2813, %parallel_loop3A_2815 : vector<16xf32>
      %parallel_loop3A_2817 = arith.index_cast %parallel_loop3A_2748 : i32 to index
      %parallel_loop3A_2818 = arith.constant 96 : index
      %parallel_loop3A_2819 = tpu.vector_load %arg14[%parallel_loop3A_2817, %parallel_loop3A_2818] {strides = array<i32>} : memref<768x128xf32, #tpu.memory_space<vmem>>, vector<1x16xf32>,
      %parallel_loop3A_2820 = vector.shape_cast %parallel_loop3A_2819 : vector<1x16xf32> to vector<16xf32>
      %parallel_loop3A_2821 = vector.shape_cast %parallel_loop3A_2816 : vector<16xf32> to vector<1x16xf32>
      tpu.vector_store %arg14[%parallel_loop3A_2817, %parallel_loop3A_2818], %parallel_loop3A_2821 {add = true, strides = array<i32>} : memref<768x128xf32, #tpu.memory_space<vmem>>, vector<1x16xf32>,
      %parallel_loop3A_2822 = arith.mulf %parallel_loop3A_2751, %get3A_473 : vector<16xf32>
      %parallel_loop3A_2823 = arith.addf %parallel_loop3A_2822, %get3A_497 : vector<16xf32>
      %parallel_loop3A_2824 = arith.constant 0.000000e+00 : f32
      %parallel_loop3A_2825 = vector.broadcast %parallel_loop3A_2824 : f32 to vector<16xf32>
      %parallel_loop3A_2826 = arith.maximumf %parallel_loop3A_2823, %parallel_loop3A_2825 : vector<16xf32>
      %parallel_loop3A_2827 = arith.index_cast %parallel_loop3A_2748 : i32 to index
      %parallel_loop3A_2828 = arith.constant 112 : index
      %parallel_loop3A_2829 = tpu.vector_load %arg14[%parallel_loop3A_2827, %parallel_loop3A_2828] {strides = array<i32>} : memref<768x128xf32, #tpu.memory_space<vmem>>, vector<1x16xf32>,
      %parallel_loop3A_2830 = vector.shape_cast %parallel_loop3A_2829 : vector<1x16xf32> to vector<16xf32>
      %parallel_loop3A_2831 = vector.shape_cast %parallel_loop3A_2826 : vector<16xf32> to vector<1x16xf32>
      tpu.vector_store %arg14[%parallel_loop3A_2827, %parallel_loop3A_2828], %parallel_loop3A_2831 {add = true, strides = array<i32>} : memref<768x128xf32, #tpu.memory_space<vmem>>, vector<1x16xf32>,
      %parallel_loop3A_2832 = vector.extract_strided_slice %parallel_loop3A_1981 {offsets = [10], sizes = [1], strides = [1]} : vector<16xi32> to vector<1xi32>
      %parallel_loop3A_2833 = vector.extract %parallel_loop3A_2832[0] : i32 from vector<1xi32>
      %parallel_loop3A_2834 = vector.extract_strided_slice %parallel_loop3A_1939 {offsets = [10], sizes = [1], strides = [1]} : vector<16xf32> to vector<1xf32>
      %parallel_loop3A_2835 = vector.extract %parallel_loop3A_2834[0] : f32 from vector<1xf32>
      %parallel_loop3A_2836 = vector.broadcast %parallel_loop3A_2835 : f32 to vector<16xf32>
      %parallel_loop3A_2837 = arith.mulf %parallel_loop3A_2836, %get3A_452 : vector<16xf32>
      %parallel_loop3A_2838 = arith.addf %parallel_loop3A_2837, %get3A_476 : vector<16xf32>
      %parallel_loop3A_2839 = arith.constant 0.000000e+00 : f32
      %parallel_loop3A_2840 = vector.broadcast %parallel_loop3A_2839 : f32 to vector<16xf32>
      %parallel_loop3A_2841 = arith.maximumf %parallel_loop3A_2838, %parallel_loop3A_2840 : vector<16xf32>
      %parallel_loop3A_2842 = arith.index_cast %parallel_loop3A_2833 : i32 to index
      %parallel_loop3A_2843 = arith.constant 0 : index
      %parallel_loop3A_2844 = tpu.vector_load %arg14[%parallel_loop3A_2842, %parallel_loop3A_2843] {strides = array<i32>} : memref<768x128xf32, #tpu.memory_space<vmem>>, vector<1x16xf32>,
      %parallel_loop3A_2845 = vector.shape_cast %parallel_loop3A_2844 : vector<1x16xf32> to vector<16xf32>
      %parallel_loop3A_2846 = vector.shape_cast %parallel_loop3A_2841 : vector<16xf32> to vector<1x16xf32>
      tpu.vector_store %arg14[%parallel_loop3A_2842, %parallel_loop3A_2843], %parallel_loop3A_2846 {add = true, strides = array<i32>} : memref<768x128xf32, #tpu.memory_space<vmem>>, vector<1x16xf32>,
      %parallel_loop3A_2847 = arith.mulf %parallel_loop3A_2836, %get3A_455 : vector<16xf32>
      %parallel_loop3A_2848 = arith.addf %parallel_loop3A_2847, %get3A_479 : vector<16xf32>
      %parallel_loop3A_2849 = arith.constant 0.000000e+00 : f32
      %parallel_loop3A_2850 = vector.broadcast %parallel_loop3A_2849 : f32 to vector<16xf32>
      %parallel_loop3A_2851 = arith.maximumf %parallel_loop3A_2848, %parallel_loop3A_2850 : vector<16xf32>
      %parallel_loop3A_2852 = arith.index_cast %parallel_loop3A_2833 : i32 to index
      %parallel_loop3A_2853 = arith.constant 16 : index
      %parallel_loop3A_2854 = tpu.vector_load %arg14[%parallel_loop3A_2852, %parallel_loop3A_2853] {strides = array<i32>} : memref<768x128xf32, #tpu.memory_space<vmem>>, vector<1x16xf32>,
      %parallel_loop3A_2855 = vector.shape_cast %parallel_loop3A_2854 : vector<1x16xf32> to vector<16xf32>
      %parallel_loop3A_2856 = vector.shape_cast %parallel_loop3A_2851 : vector<16xf32> to vector<1x16xf32>
      tpu.vector_store %arg14[%parallel_loop3A_2852, %parallel_loop3A_2853], %parallel_loop3A_2856 {add = true, strides = array<i32>} : memref<768x128xf32, #tpu.memory_space<vmem>>, vector<1x16xf32>,
      %parallel_loop3A_2857 = arith.mulf %parallel_loop3A_2836, %get3A_458 : vector<16xf32>
      %parallel_loop3A_2858 = arith.addf %parallel_loop3A_2857, %get3A_482 : vector<16xf32>
      %parallel_loop3A_2859 = arith.constant 0.000000e+00 : f32
      %parallel_loop3A_2860 = vector.broadcast %parallel_loop3A_2859 : f32 to vector<16xf32>
      %parallel_loop3A_2861 = arith.maximumf %parallel_loop3A_2858, %parallel_loop3A_2860 : vector<16xf32>
      %parallel_loop3A_2862 = arith.index_cast %parallel_loop3A_2833 : i32 to index
      %parallel_loop3A_2863 = arith.constant 32 : index
      %parallel_loop3A_2864 = tpu.vector_load %arg14[%parallel_loop3A_2862, %parallel_loop3A_2863] {strides = array<i32>} : memref<768x128xf32, #tpu.memory_space<vmem>>, vector<1x16xf32>,
      %parallel_loop3A_2865 = vector.shape_cast %parallel_loop3A_2864 : vector<1x16xf32> to vector<16xf32>
      %parallel_loop3A_2866 = vector.shape_cast %parallel_loop3A_2861 : vector<16xf32> to vector<1x16xf32>
      tpu.vector_store %arg14[%parallel_loop3A_2862, %parallel_loop3A_2863], %parallel_loop3A_2866 {add = true, strides = array<i32>} : memref<768x128xf32, #tpu.memory_space<vmem>>, vector<1x16xf32>,
      %parallel_loop3A_2867 = arith.mulf %parallel_loop3A_2836, %get3A_461 : vector<16xf32>
      %parallel_loop3A_2868 = arith.addf %parallel_loop3A_2867, %get3A_485 : vector<16xf32>
      %parallel_loop3A_2869 = arith.constant 0.000000e+00 : f32
      %parallel_loop3A_2870 = vector.broadcast %parallel_loop3A_2869 : f32 to vector<16xf32>
      %parallel_loop3A_2871 = arith.maximumf %parallel_loop3A_2868, %parallel_loop3A_2870 : vector<16xf32>
      %parallel_loop3A_2872 = arith.index_cast %parallel_loop3A_2833 : i32 to index
      %parallel_loop3A_2873 = arith.constant 48 : index
      %parallel_loop3A_2874 = tpu.vector_load %arg14[%parallel_loop3A_2872, %parallel_loop3A_2873] {strides = array<i32>} : memref<768x128xf32, #tpu.memory_space<vmem>>, vector<1x16xf32>,
      %parallel_loop3A_2875 = vector.shape_cast %parallel_loop3A_2874 : vector<1x16xf32> to vector<16xf32>
      %parallel_loop3A_2876 = vector.shape_cast %parallel_loop3A_2871 : vector<16xf32> to vector<1x16xf32>
      tpu.vector_store %arg14[%parallel_loop3A_2872, %parallel_loop3A_2873], %parallel_loop3A_2876 {add = true, strides = array<i32>} : memref<768x128xf32, #tpu.memory_space<vmem>>, vector<1x16xf32>,
      %parallel_loop3A_2877 = arith.mulf %parallel_loop3A_2836, %get3A_464 : vector<16xf32>
      %parallel_loop3A_2878 = arith.addf %parallel_loop3A_2877, %get3A_488 : vector<16xf32>
      %parallel_loop3A_2879 = arith.constant 0.000000e+00 : f32
      %parallel_loop3A_2880 = vector.broadcast %parallel_loop3A_2879 : f32 to vector<16xf32>
      %parallel_loop3A_2881 = arith.maximumf %parallel_loop3A_2878, %parallel_loop3A_2880 : vector<16xf32>
      %parallel_loop3A_2882 = arith.index_cast %parallel_loop3A_2833 : i32 to index
      %parallel_loop3A_2883 = arith.constant 64 : index
      %parallel_loop3A_2884 = tpu.vector_load %arg14[%parallel_loop3A_2882, %parallel_loop3A_2883] {strides = array<i32>} : memref<768x128xf32, #tpu.memory_space<vmem>>, vector<1x16xf32>,
      %parallel_loop3A_2885 = vector.shape_cast %parallel_loop3A_2884 : vector<1x16xf32> to vector<16xf32>
      %parallel_loop3A_2886 = vector.shape_cast %parallel_loop3A_2881 : vector<16xf32> to vector<1x16xf32>
      tpu.vector_store %arg14[%parallel_loop3A_2882, %parallel_loop3A_2883], %parallel_loop3A_2886 {add = true, strides = array<i32>} : memref<768x128xf32, #tpu.memory_space<vmem>>, vector<1x16xf32>,
      %parallel_loop3A_2887 = arith.mulf %parallel_loop3A_2836, %get3A_467 : vector<16xf32>
      %parallel_loop3A_2888 = arith.addf %parallel_loop3A_2887, %get3A_491 : vector<16xf32>
      %parallel_loop3A_2889 = arith.constant 0.000000e+00 : f32
      %parallel_loop3A_2890 = vector.broadcast %parallel_loop3A_2889 : f32 to vector<16xf32>
      %parallel_loop3A_2891 = arith.maximumf %parallel_loop3A_2888, %parallel_loop3A_2890 : vector<16xf32>
      %parallel_loop3A_2892 = arith.index_cast %parallel_loop3A_2833 : i32 to index
      %parallel_loop3A_2893 = arith.constant 80 : index
      %parallel_loop3A_2894 = tpu.vector_load %arg14[%parallel_loop3A_2892, %parallel_loop3A_2893] {strides = array<i32>} : memref<768x128xf32, #tpu.memory_space<vmem>>, vector<1x16xf32>,
      %parallel_loop3A_2895 = vector.shape_cast %parallel_loop3A_2894 : vector<1x16xf32> to vector<16xf32>
      %parallel_loop3A_2896 = vector.shape_cast %parallel_loop3A_2891 : vector<16xf32> to vector<1x16xf32>
      tpu.vector_store %arg14[%parallel_loop3A_2892, %parallel_loop3A_2893], %parallel_loop3A_2896 {add = true, strides = array<i32>} : memref<768x128xf32, #tpu.memory_space<vmem>>, vector<1x16xf32>,
      %parallel_loop3A_2897 = arith.mulf %parallel_loop3A_2836, %get3A_470 : vector<16xf32>
      %parallel_loop3A_2898 = arith.addf %parallel_loop3A_2897, %get3A_494 : vector<16xf32>
      %parallel_loop3A_2899 = arith.constant 0.000000e+00 : f32
      %parallel_loop3A_2900 = vector.broadcast %parallel_loop3A_2899 : f32 to vector<16xf32>
      %parallel_loop3A_2901 = arith.maximumf %parallel_loop3A_2898, %parallel_loop3A_2900 : vector<16xf32>
      %parallel_loop3A_2902 = arith.index_cast %parallel_loop3A_2833 : i32 to index
      %parallel_loop3A_2903 = arith.constant 96 : index
      %parallel_loop3A_2904 = tpu.vector_load %arg14[%parallel_loop3A_2902, %parallel_loop3A_2903] {strides = array<i32>} : memref<768x128xf32, #tpu.memory_space<vmem>>, vector<1x16xf32>,
      %parallel_loop3A_2905 = vector.shape_cast %parallel_loop3A_2904 : vector<1x16xf32> to vector<16xf32>
      %parallel_loop3A_2906 = vector.shape_cast %parallel_loop3A_2901 : vector<16xf32> to vector<1x16xf32>
      tpu.vector_store %arg14[%parallel_loop3A_2902, %parallel_loop3A_2903], %parallel_loop3A_2906 {add = true, strides = array<i32>} : memref<768x128xf32, #tpu.memory_space<vmem>>, vector<1x16xf32>,
      %parallel_loop3A_2907 = arith.mulf %parallel_loop3A_2836, %get3A_473 : vector<16xf32>
      %parallel_loop3A_2908 = arith.addf %parallel_loop3A_2907, %get3A_497 : vector<16xf32>
      %parallel_loop3A_2909 = arith.constant 0.000000e+00 : f32
      %parallel_loop3A_2910 = vector.broadcast %parallel_loop3A_2909 : f32 to vector<16xf32>
      %parallel_loop3A_2911 = arith.maximumf %parallel_loop3A_2908, %parallel_loop3A_2910 : vector<16xf32>
      %parallel_loop3A_2912 = arith.index_cast %parallel_loop3A_2833 : i32 to index
      %parallel_loop3A_2913 = arith.constant 112 : index
      %parallel_loop3A_2914 = tpu.vector_load %arg14[%parallel_loop3A_2912, %parallel_loop3A_2913] {strides = array<i32>} : memref<768x128xf32, #tpu.memory_space<vmem>>, vector<1x16xf32>,
      %parallel_loop3A_2915 = vector.shape_cast %parallel_loop3A_2914 : vector<1x16xf32> to vector<16xf32>
      %parallel_loop3A_2916 = vector.shape_cast %parallel_loop3A_2911 : vector<16xf32> to vector<1x16xf32>
      tpu.vector_store %arg14[%parallel_loop3A_2912, %parallel_loop3A_2913], %parallel_loop3A_2916 {add = true, strides = array<i32>} : memref<768x128xf32, #tpu.memory_space<vmem>>, vector<1x16xf32>,
      %parallel_loop3A_2917 = vector.extract_strided_slice %parallel_loop3A_1981 {offsets = [11], sizes = [1], strides = [1]} : vector<16xi32> to vector<1xi32>
      %parallel_loop3A_2918 = vector.extract %parallel_loop3A_2917[0] : i32 from vector<1xi32>
      %parallel_loop3A_2919 = vector.extract_strided_slice %parallel_loop3A_1939 {offsets = [11], sizes = [1], strides = [1]} : vector<16xf32> to vector<1xf32>
      %parallel_loop3A_2920 = vector.extract %parallel_loop3A_2919[0] : f32 from vector<1xf32>
      %parallel_loop3A_2921 = vector.broadcast %parallel_loop3A_2920 : f32 to vector<16xf32>
      %parallel_loop3A_2922 = arith.mulf %parallel_loop3A_2921, %get3A_452 : vector<16xf32>
      %parallel_loop3A_2923 = arith.addf %parallel_loop3A_2922, %get3A_476 : vector<16xf32>
      %parallel_loop3A_2924 = arith.constant 0.000000e+00 : f32
      %parallel_loop3A_2925 = vector.broadcast %parallel_loop3A_2924 : f32 to vector<16xf32>
      %parallel_loop3A_2926 = arith.maximumf %parallel_loop3A_2923, %parallel_loop3A_2925 : vector<16xf32>
      %parallel_loop3A_2927 = arith.index_cast %parallel_loop3A_2918 : i32 to index
      %parallel_loop3A_2928 = arith.constant 0 : index
      %parallel_loop3A_2929 = tpu.vector_load %arg14[%parallel_loop3A_2927, %parallel_loop3A_2928] {strides = array<i32>} : memref<768x128xf32, #tpu.memory_space<vmem>>, vector<1x16xf32>,
      %parallel_loop3A_2930 = vector.shape_cast %parallel_loop3A_2929 : vector<1x16xf32> to vector<16xf32>
      %parallel_loop3A_2931 = vector.shape_cast %parallel_loop3A_2926 : vector<16xf32> to vector<1x16xf32>
      tpu.vector_store %arg14[%parallel_loop3A_2927, %parallel_loop3A_2928], %parallel_loop3A_2931 {add = true, strides = array<i32>} : memref<768x128xf32, #tpu.memory_space<vmem>>, vector<1x16xf32>,
      %parallel_loop3A_2932 = arith.mulf %parallel_loop3A_2921, %get3A_455 : vector<16xf32>
      %parallel_loop3A_2933 = arith.addf %parallel_loop3A_2932, %get3A_479 : vector<16xf32>
      %parallel_loop3A_2934 = arith.constant 0.000000e+00 : f32
      %parallel_loop3A_2935 = vector.broadcast %parallel_loop3A_2934 : f32 to vector<16xf32>
      %parallel_loop3A_2936 = arith.maximumf %parallel_loop3A_2933, %parallel_loop3A_2935 : vector<16xf32>
      %parallel_loop3A_2937 = arith.index_cast %parallel_loop3A_2918 : i32 to index
      %parallel_loop3A_2938 = arith.constant 16 : index
      %parallel_loop3A_2939 = tpu.vector_load %arg14[%parallel_loop3A_2937, %parallel_loop3A_2938] {strides = array<i32>} : memref<768x128xf32, #tpu.memory_space<vmem>>, vector<1x16xf32>,
      %parallel_loop3A_2940 = vector.shape_cast %parallel_loop3A_2939 : vector<1x16xf32> to vector<16xf32>
      %parallel_loop3A_2941 = vector.shape_cast %parallel_loop3A_2936 : vector<16xf32> to vector<1x16xf32>
      tpu.vector_store %arg14[%parallel_loop3A_2937, %parallel_loop3A_2938], %parallel_loop3A_2941 {add = true, strides = array<i32>} : memref<768x128xf32, #tpu.memory_space<vmem>>, vector<1x16xf32>,
      %parallel_loop3A_2942 = arith.mulf %parallel_loop3A_2921, %get3A_458 : vector<16xf32>
      %parallel_loop3A_2943 = arith.addf %parallel_loop3A_2942, %get3A_482 : vector<16xf32>
      %parallel_loop3A_2944 = arith.constant 0.000000e+00 : f32
      %parallel_loop3A_2945 = vector.broadcast %parallel_loop3A_2944 : f32 to vector<16xf32>
      %parallel_loop3A_2946 = arith.maximumf %parallel_loop3A_2943, %parallel_loop3A_2945 : vector<16xf32>
      %parallel_loop3A_2947 = arith.index_cast %parallel_loop3A_2918 : i32 to index
      %parallel_loop3A_2948 = arith.constant 32 : index
      %parallel_loop3A_2949 = tpu.vector_load %arg14[%parallel_loop3A_2947, %parallel_loop3A_2948] {strides = array<i32>} : memref<768x128xf32, #tpu.memory_space<vmem>>, vector<1x16xf32>,
      %parallel_loop3A_2950 = vector.shape_cast %parallel_loop3A_2949 : vector<1x16xf32> to vector<16xf32>
      %parallel_loop3A_2951 = vector.shape_cast %parallel_loop3A_2946 : vector<16xf32> to vector<1x16xf32>
      tpu.vector_store %arg14[%parallel_loop3A_2947, %parallel_loop3A_2948], %parallel_loop3A_2951 {add = true, strides = array<i32>} : memref<768x128xf32, #tpu.memory_space<vmem>>, vector<1x16xf32>,
      %parallel_loop3A_2952 = arith.mulf %parallel_loop3A_2921, %get3A_461 : vector<16xf32>
      %parallel_loop3A_2953 = arith.addf %parallel_loop3A_2952, %get3A_485 : vector<16xf32>
      %parallel_loop3A_2954 = arith.constant 0.000000e+00 : f32
      %parallel_loop3A_2955 = vector.broadcast %parallel_loop3A_2954 : f32 to vector<16xf32>
      %parallel_loop3A_2956 = arith.maximumf %parallel_loop3A_2953, %parallel_loop3A_2955 : vector<16xf32>
      %parallel_loop3A_2957 = arith.index_cast %parallel_loop3A_2918 : i32 to index
      %parallel_loop3A_2958 = arith.constant 48 : index
      %parallel_loop3A_2959 = tpu.vector_load %arg14[%parallel_loop3A_2957, %parallel_loop3A_2958] {strides = array<i32>} : memref<768x128xf32, #tpu.memory_space<vmem>>, vector<1x16xf32>,
      %parallel_loop3A_2960 = vector.shape_cast %parallel_loop3A_2959 : vector<1x16xf32> to vector<16xf32>
      %parallel_loop3A_2961 = vector.shape_cast %parallel_loop3A_2956 : vector<16xf32> to vector<1x16xf32>
      tpu.vector_store %arg14[%parallel_loop3A_2957, %parallel_loop3A_2958], %parallel_loop3A_2961 {add = true, strides = array<i32>} : memref<768x128xf32, #tpu.memory_space<vmem>>, vector<1x16xf32>,
      %parallel_loop3A_2962 = arith.mulf %parallel_loop3A_2921, %get3A_464 : vector<16xf32>
      %parallel_loop3A_2963 = arith.addf %parallel_loop3A_2962, %get3A_488 : vector<16xf32>
      %parallel_loop3A_2964 = arith.constant 0.000000e+00 : f32
      %parallel_loop3A_2965 = vector.broadcast %parallel_loop3A_2964 : f32 to vector<16xf32>
      %parallel_loop3A_2966 = arith.maximumf %parallel_loop3A_2963, %parallel_loop3A_2965 : vector<16xf32>
      %parallel_loop3A_2967 = arith.index_cast %parallel_loop3A_2918 : i32 to index
      %parallel_loop3A_2968 = arith.constant 64 : index
      %parallel_loop3A_2969 = tpu.vector_load %arg14[%parallel_loop3A_2967, %parallel_loop3A_2968] {strides = array<i32>} : memref<768x128xf32, #tpu.memory_space<vmem>>, vector<1x16xf32>,
      %parallel_loop3A_2970 = vector.shape_cast %parallel_loop3A_2969 : vector<1x16xf32> to vector<16xf32>
      %parallel_loop3A_2971 = vector.shape_cast %parallel_loop3A_2966 : vector<16xf32> to vector<1x16xf32>
      tpu.vector_store %arg14[%parallel_loop3A_2967, %parallel_loop3A_2968], %parallel_loop3A_2971 {add = true, strides = array<i32>} : memref<768x128xf32, #tpu.memory_space<vmem>>, vector<1x16xf32>,
      %parallel_loop3A_2972 = arith.mulf %parallel_loop3A_2921, %get3A_467 : vector<16xf32>
      %parallel_loop3A_2973 = arith.addf %parallel_loop3A_2972, %get3A_491 : vector<16xf32>
      %parallel_loop3A_2974 = arith.constant 0.000000e+00 : f32
      %parallel_loop3A_2975 = vector.broadcast %parallel_loop3A_2974 : f32 to vector<16xf32>
      %parallel_loop3A_2976 = arith.maximumf %parallel_loop3A_2973, %parallel_loop3A_2975 : vector<16xf32>
      %parallel_loop3A_2977 = arith.index_cast %parallel_loop3A_2918 : i32 to index
      %parallel_loop3A_2978 = arith.constant 80 : index
      %parallel_loop3A_2979 = tpu.vector_load %arg14[%parallel_loop3A_2977, %parallel_loop3A_2978] {strides = array<i32>} : memref<768x128xf32, #tpu.memory_space<vmem>>, vector<1x16xf32>,
      %parallel_loop3A_2980 = vector.shape_cast %parallel_loop3A_2979 : vector<1x16xf32> to vector<16xf32>
      %parallel_loop3A_2981 = vector.shape_cast %parallel_loop3A_2976 : vector<16xf32> to vector<1x16xf32>
      tpu.vector_store %arg14[%parallel_loop3A_2977, %parallel_loop3A_2978], %parallel_loop3A_2981 {add = true, strides = array<i32>} : memref<768x128xf32, #tpu.memory_space<vmem>>, vector<1x16xf32>,
      %parallel_loop3A_2982 = arith.mulf %parallel_loop3A_2921, %get3A_470 : vector<16xf32>
      %parallel_loop3A_2983 = arith.addf %parallel_loop3A_2982, %get3A_494 : vector<16xf32>
      %parallel_loop3A_2984 = arith.constant 0.000000e+00 : f32
      %parallel_loop3A_2985 = vector.broadcast %parallel_loop3A_2984 : f32 to vector<16xf32>
      %parallel_loop3A_2986 = arith.maximumf %parallel_loop3A_2983, %parallel_loop3A_2985 : vector<16xf32>
      %parallel_loop3A_2987 = arith.index_cast %parallel_loop3A_2918 : i32 to index
      %parallel_loop3A_2988 = arith.constant 96 : index
      %parallel_loop3A_2989 = tpu.vector_load %arg14[%parallel_loop3A_2987, %parallel_loop3A_2988] {strides = array<i32>} : memref<768x128xf32, #tpu.memory_space<vmem>>, vector<1x16xf32>,
      %parallel_loop3A_2990 = vector.shape_cast %parallel_loop3A_2989 : vector<1x16xf32> to vector<16xf32>
      %parallel_loop3A_2991 = vector.shape_cast %parallel_loop3A_2986 : vector<16xf32> to vector<1x16xf32>
      tpu.vector_store %arg14[%parallel_loop3A_2987, %parallel_loop3A_2988], %parallel_loop3A_2991 {add = true, strides = array<i32>} : memref<768x128xf32, #tpu.memory_space<vmem>>, vector<1x16xf32>,
      %parallel_loop3A_2992 = arith.mulf %parallel_loop3A_2921, %get3A_473 : vector<16xf32>
      %parallel_loop3A_2993 = arith.addf %parallel_loop3A_2992, %get3A_497 : vector<16xf32>
      %parallel_loop3A_2994 = arith.constant 0.000000e+00 : f32
      %parallel_loop3A_2995 = vector.broadcast %parallel_loop3A_2994 : f32 to vector<16xf32>
      %parallel_loop3A_2996 = arith.maximumf %parallel_loop3A_2993, %parallel_loop3A_2995 : vector<16xf32>
      %parallel_loop3A_2997 = arith.index_cast %parallel_loop3A_2918 : i32 to index
      %parallel_loop3A_2998 = arith.constant 112 : index
      %parallel_loop3A_2999 = tpu.vector_load %arg14[%parallel_loop3A_2997, %parallel_loop3A_2998] {strides = array<i32>} : memref<768x128xf32, #tpu.memory_space<vmem>>, vector<1x16xf32>,
      %parallel_loop3A_3000 = vector.shape_cast %parallel_loop3A_2999 : vector<1x16xf32> to vector<16xf32>
      %parallel_loop3A_3001 = vector.shape_cast %parallel_loop3A_2996 : vector<16xf32> to vector<1x16xf32>
      tpu.vector_store %arg14[%parallel_loop3A_2997, %parallel_loop3A_2998], %parallel_loop3A_3001 {add = true, strides = array<i32>} : memref<768x128xf32, #tpu.memory_space<vmem>>, vector<1x16xf32>,
      %parallel_loop3A_3002 = vector.extract_strided_slice %parallel_loop3A_1981 {offsets = [12], sizes = [1], strides = [1]} : vector<16xi32> to vector<1xi32>
      %parallel_loop3A_3003 = vector.extract %parallel_loop3A_3002[0] : i32 from vector<1xi32>
      %parallel_loop3A_3004 = vector.extract_strided_slice %parallel_loop3A_1939 {offsets = [12], sizes = [1], strides = [1]} : vector<16xf32> to vector<1xf32>
      %parallel_loop3A_3005 = vector.extract %parallel_loop3A_3004[0] : f32 from vector<1xf32>
      %parallel_loop3A_3006 = vector.broadcast %parallel_loop3A_3005 : f32 to vector<16xf32>
      %parallel_loop3A_3007 = arith.mulf %parallel_loop3A_3006, %get3A_452 : vector<16xf32>
      %parallel_loop3A_3008 = arith.addf %parallel_loop3A_3007, %get3A_476 : vector<16xf32>
      %parallel_loop3A_3009 = arith.constant 0.000000e+00 : f32
      %parallel_loop3A_3010 = vector.broadcast %parallel_loop3A_3009 : f32 to vector<16xf32>
      %parallel_loop3A_3011 = arith.maximumf %parallel_loop3A_3008, %parallel_loop3A_3010 : vector<16xf32>
      %parallel_loop3A_3012 = arith.index_cast %parallel_loop3A_3003 : i32 to index
      %parallel_loop3A_3013 = arith.constant 0 : index
      %parallel_loop3A_3014 = tpu.vector_load %arg14[%parallel_loop3A_3012, %parallel_loop3A_3013] {strides = array<i32>} : memref<768x128xf32, #tpu.memory_space<vmem>>, vector<1x16xf32>,
      %parallel_loop3A_3015 = vector.shape_cast %parallel_loop3A_3014 : vector<1x16xf32> to vector<16xf32>
      %parallel_loop3A_3016 = vector.shape_cast %parallel_loop3A_3011 : vector<16xf32> to vector<1x16xf32>
      tpu.vector_store %arg14[%parallel_loop3A_3012, %parallel_loop3A_3013], %parallel_loop3A_3016 {add = true, strides = array<i32>} : memref<768x128xf32, #tpu.memory_space<vmem>>, vector<1x16xf32>,
      %parallel_loop3A_3017 = arith.mulf %parallel_loop3A_3006, %get3A_455 : vector<16xf32>
      %parallel_loop3A_3018 = arith.addf %parallel_loop3A_3017, %get3A_479 : vector<16xf32>
      %parallel_loop3A_3019 = arith.constant 0.000000e+00 : f32
      %parallel_loop3A_3020 = vector.broadcast %parallel_loop3A_3019 : f32 to vector<16xf32>
      %parallel_loop3A_3021 = arith.maximumf %parallel_loop3A_3018, %parallel_loop3A_3020 : vector<16xf32>
      %parallel_loop3A_3022 = arith.index_cast %parallel_loop3A_3003 : i32 to index
      %parallel_loop3A_3023 = arith.constant 16 : index
      %parallel_loop3A_3024 = tpu.vector_load %arg14[%parallel_loop3A_3022, %parallel_loop3A_3023] {strides = array<i32>} : memref<768x128xf32, #tpu.memory_space<vmem>>, vector<1x16xf32>,
      %parallel_loop3A_3025 = vector.shape_cast %parallel_loop3A_3024 : vector<1x16xf32> to vector<16xf32>
      %parallel_loop3A_3026 = vector.shape_cast %parallel_loop3A_3021 : vector<16xf32> to vector<1x16xf32>
      tpu.vector_store %arg14[%parallel_loop3A_3022, %parallel_loop3A_3023], %parallel_loop3A_3026 {add = true, strides = array<i32>} : memref<768x128xf32, #tpu.memory_space<vmem>>, vector<1x16xf32>,
      %parallel_loop3A_3027 = arith.mulf %parallel_loop3A_3006, %get3A_458 : vector<16xf32>
      %parallel_loop3A_3028 = arith.addf %parallel_loop3A_3027, %get3A_482 : vector<16xf32>
      %parallel_loop3A_3029 = arith.constant 0.000000e+00 : f32
      %parallel_loop3A_3030 = vector.broadcast %parallel_loop3A_3029 : f32 to vector<16xf32>
      %parallel_loop3A_3031 = arith.maximumf %parallel_loop3A_3028, %parallel_loop3A_3030 : vector<16xf32>
      %parallel_loop3A_3032 = arith.index_cast %parallel_loop3A_3003 : i32 to index
      %parallel_loop3A_3033 = arith.constant 32 : index
      %parallel_loop3A_3034 = tpu.vector_load %arg14[%parallel_loop3A_3032, %parallel_loop3A_3033] {strides = array<i32>} : memref<768x128xf32, #tpu.memory_space<vmem>>, vector<1x16xf32>,
      %parallel_loop3A_3035 = vector.shape_cast %parallel_loop3A_3034 : vector<1x16xf32> to vector<16xf32>
      %parallel_loop3A_3036 = vector.shape_cast %parallel_loop3A_3031 : vector<16xf32> to vector<1x16xf32>
      tpu.vector_store %arg14[%parallel_loop3A_3032, %parallel_loop3A_3033], %parallel_loop3A_3036 {add = true, strides = array<i32>} : memref<768x128xf32, #tpu.memory_space<vmem>>, vector<1x16xf32>,
      %parallel_loop3A_3037 = arith.mulf %parallel_loop3A_3006, %get3A_461 : vector<16xf32>
      %parallel_loop3A_3038 = arith.addf %parallel_loop3A_3037, %get3A_485 : vector<16xf32>
      %parallel_loop3A_3039 = arith.constant 0.000000e+00 : f32
      %parallel_loop3A_3040 = vector.broadcast %parallel_loop3A_3039 : f32 to vector<16xf32>
      %parallel_loop3A_3041 = arith.maximumf %parallel_loop3A_3038, %parallel_loop3A_3040 : vector<16xf32>
      %parallel_loop3A_3042 = arith.index_cast %parallel_loop3A_3003 : i32 to index
      %parallel_loop3A_3043 = arith.constant 48 : index
      %parallel_loop3A_3044 = tpu.vector_load %arg14[%parallel_loop3A_3042, %parallel_loop3A_3043] {strides = array<i32>} : memref<768x128xf32, #tpu.memory_space<vmem>>, vector<1x16xf32>,
      %parallel_loop3A_3045 = vector.shape_cast %parallel_loop3A_3044 : vector<1x16xf32> to vector<16xf32>
      %parallel_loop3A_3046 = vector.shape_cast %parallel_loop3A_3041 : vector<16xf32> to vector<1x16xf32>
      tpu.vector_store %arg14[%parallel_loop3A_3042, %parallel_loop3A_3043], %parallel_loop3A_3046 {add = true, strides = array<i32>} : memref<768x128xf32, #tpu.memory_space<vmem>>, vector<1x16xf32>,
      %parallel_loop3A_3047 = arith.mulf %parallel_loop3A_3006, %get3A_464 : vector<16xf32>
      %parallel_loop3A_3048 = arith.addf %parallel_loop3A_3047, %get3A_488 : vector<16xf32>
      %parallel_loop3A_3049 = arith.constant 0.000000e+00 : f32
      %parallel_loop3A_3050 = vector.broadcast %parallel_loop3A_3049 : f32 to vector<16xf32>
      %parallel_loop3A_3051 = arith.maximumf %parallel_loop3A_3048, %parallel_loop3A_3050 : vector<16xf32>
      %parallel_loop3A_3052 = arith.index_cast %parallel_loop3A_3003 : i32 to index
      %parallel_loop3A_3053 = arith.constant 64 : index
      %parallel_loop3A_3054 = tpu.vector_load %arg14[%parallel_loop3A_3052, %parallel_loop3A_3053] {strides = array<i32>} : memref<768x128xf32, #tpu.memory_space<vmem>>, vector<1x16xf32>,
      %parallel_loop3A_3055 = vector.shape_cast %parallel_loop3A_3054 : vector<1x16xf32> to vector<16xf32>
      %parallel_loop3A_3056 = vector.shape_cast %parallel_loop3A_3051 : vector<16xf32> to vector<1x16xf32>
      tpu.vector_store %arg14[%parallel_loop3A_3052, %parallel_loop3A_3053], %parallel_loop3A_3056 {add = true, strides = array<i32>} : memref<768x128xf32, #tpu.memory_space<vmem>>, vector<1x16xf32>,
      %parallel_loop3A_3057 = arith.mulf %parallel_loop3A_3006, %get3A_467 : vector<16xf32>
      %parallel_loop3A_3058 = arith.addf %parallel_loop3A_3057, %get3A_491 : vector<16xf32>
      %parallel_loop3A_3059 = arith.constant 0.000000e+00 : f32
      %parallel_loop3A_3060 = vector.broadcast %parallel_loop3A_3059 : f32 to vector<16xf32>
      %parallel_loop3A_3061 = arith.maximumf %parallel_loop3A_3058, %parallel_loop3A_3060 : vector<16xf32>
      %parallel_loop3A_3062 = arith.index_cast %parallel_loop3A_3003 : i32 to index
      %parallel_loop3A_3063 = arith.constant 80 : index
      %parallel_loop3A_3064 = tpu.vector_load %arg14[%parallel_loop3A_3062, %parallel_loop3A_3063] {strides = array<i32>} : memref<768x128xf32, #tpu.memory_space<vmem>>, vector<1x16xf32>,
      %parallel_loop3A_3065 = vector.shape_cast %parallel_loop3A_3064 : vector<1x16xf32> to vector<16xf32>
      %parallel_loop3A_3066 = vector.shape_cast %parallel_loop3A_3061 : vector<16xf32> to vector<1x16xf32>
      tpu.vector_store %arg14[%parallel_loop3A_3062, %parallel_loop3A_3063], %parallel_loop3A_3066 {add = true, strides = array<i32>} : memref<768x128xf32, #tpu.memory_space<vmem>>, vector<1x16xf32>,
      %parallel_loop3A_3067 = arith.mulf %parallel_loop3A_3006, %get3A_470 : vector<16xf32>
      %parallel_loop3A_3068 = arith.addf %parallel_loop3A_3067, %get3A_494 : vector<16xf32>
      %parallel_loop3A_3069 = arith.constant 0.000000e+00 : f32
      %parallel_loop3A_3070 = vector.broadcast %parallel_loop3A_3069 : f32 to vector<16xf32>
      %parallel_loop3A_3071 = arith.maximumf %parallel_loop3A_3068, %parallel_loop3A_3070 : vector<16xf32>
      %parallel_loop3A_3072 = arith.index_cast %parallel_loop3A_3003 : i32 to index
      %parallel_loop3A_3073 = arith.constant 96 : index
      %parallel_loop3A_3074 = tpu.vector_load %arg14[%parallel_loop3A_3072, %parallel_loop3A_3073] {strides = array<i32>} : memref<768x128xf32, #tpu.memory_space<vmem>>, vector<1x16xf32>,
      %parallel_loop3A_3075 = vector.shape_cast %parallel_loop3A_3074 : vector<1x16xf32> to vector<16xf32>
      %parallel_loop3A_3076 = vector.shape_cast %parallel_loop3A_3071 : vector<16xf32> to vector<1x16xf32>
      tpu.vector_store %arg14[%parallel_loop3A_3072, %parallel_loop3A_3073], %parallel_loop3A_3076 {add = true, strides = array<i32>} : memref<768x128xf32, #tpu.memory_space<vmem>>, vector<1x16xf32>,
      %parallel_loop3A_3077 = arith.mulf %parallel_loop3A_3006, %get3A_473 : vector<16xf32>
      %parallel_loop3A_3078 = arith.addf %parallel_loop3A_3077, %get3A_497 : vector<16xf32>
      %parallel_loop3A_3079 = arith.constant 0.000000e+00 : f32
      %parallel_loop3A_3080 = vector.broadcast %parallel_loop3A_3079 : f32 to vector<16xf32>
      %parallel_loop3A_3081 = arith.maximumf %parallel_loop3A_3078, %parallel_loop3A_3080 : vector<16xf32>
      %parallel_loop3A_3082 = arith.index_cast %parallel_loop3A_3003 : i32 to index
      %parallel_loop3A_3083 = arith.constant 112 : index
      %parallel_loop3A_3084 = tpu.vector_load %arg14[%parallel_loop3A_3082, %parallel_loop3A_3083] {strides = array<i32>} : memref<768x128xf32, #tpu.memory_space<vmem>>, vector<1x16xf32>,
      %parallel_loop3A_3085 = vector.shape_cast %parallel_loop3A_3084 : vector<1x16xf32> to vector<16xf32>
      %parallel_loop3A_3086 = vector.shape_cast %parallel_loop3A_3081 : vector<16xf32> to vector<1x16xf32>
      tpu.vector_store %arg14[%parallel_loop3A_3082, %parallel_loop3A_3083], %parallel_loop3A_3086 {add = true, strides = array<i32>} : memref<768x128xf32, #tpu.memory_space<vmem>>, vector<1x16xf32>,
      %parallel_loop3A_3087 = vector.extract_strided_slice %parallel_loop3A_1981 {offsets = [13], sizes = [1], strides = [1]} : vector<16xi32> to vector<1xi32>
      %parallel_loop3A_3088 = vector.extract %parallel_loop3A_3087[0] : i32 from vector<1xi32>
      %parallel_loop3A_3089 = vector.extract_strided_slice %parallel_loop3A_1939 {offsets = [13], sizes = [1], strides = [1]} : vector<16xf32> to vector<1xf32>
      %parallel_loop3A_3090 = vector.extract %parallel_loop3A_3089[0] : f32 from vector<1xf32>
      %parallel_loop3A_3091 = vector.broadcast %parallel_loop3A_3090 : f32 to vector<16xf32>
      %parallel_loop3A_3092 = arith.mulf %parallel_loop3A_3091, %get3A_452 : vector<16xf32>
      %parallel_loop3A_3093 = arith.addf %parallel_loop3A_3092, %get3A_476 : vector<16xf32>
      %parallel_loop3A_3094 = arith.constant 0.000000e+00 : f32
      %parallel_loop3A_3095 = vector.broadcast %parallel_loop3A_3094 : f32 to vector<16xf32>
      %parallel_loop3A_3096 = arith.maximumf %parallel_loop3A_3093, %parallel_loop3A_3095 : vector<16xf32>
      %parallel_loop3A_3097 = arith.index_cast %parallel_loop3A_3088 : i32 to index
      %parallel_loop3A_3098 = arith.constant 0 : index
      %parallel_loop3A_3099 = tpu.vector_load %arg14[%parallel_loop3A_3097, %parallel_loop3A_3098] {strides = array<i32>} : memref<768x128xf32, #tpu.memory_space<vmem>>, vector<1x16xf32>,
      %parallel_loop3A_3100 = vector.shape_cast %parallel_loop3A_3099 : vector<1x16xf32> to vector<16xf32>
      %parallel_loop3A_3101 = vector.shape_cast %parallel_loop3A_3096 : vector<16xf32> to vector<1x16xf32>
      tpu.vector_store %arg14[%parallel_loop3A_3097, %parallel_loop3A_3098], %parallel_loop3A_3101 {add = true, strides = array<i32>} : memref<768x128xf32, #tpu.memory_space<vmem>>, vector<1x16xf32>,
      %parallel_loop3A_3102 = arith.mulf %parallel_loop3A_3091, %get3A_455 : vector<16xf32>
      %parallel_loop3A_3103 = arith.addf %parallel_loop3A_3102, %get3A_479 : vector<16xf32>
      %parallel_loop3A_3104 = arith.constant 0.000000e+00 : f32
      %parallel_loop3A_3105 = vector.broadcast %parallel_loop3A_3104 : f32 to vector<16xf32>
      %parallel_loop3A_3106 = arith.maximumf %parallel_loop3A_3103, %parallel_loop3A_3105 : vector<16xf32>
      %parallel_loop3A_3107 = arith.index_cast %parallel_loop3A_3088 : i32 to index
      %parallel_loop3A_3108 = arith.constant 16 : index
      %parallel_loop3A_3109 = tpu.vector_load %arg14[%parallel_loop3A_3107, %parallel_loop3A_3108] {strides = array<i32>} : memref<768x128xf32, #tpu.memory_space<vmem>>, vector<1x16xf32>,
      %parallel_loop3A_3110 = vector.shape_cast %parallel_loop3A_3109 : vector<1x16xf32> to vector<16xf32>
      %parallel_loop3A_3111 = vector.shape_cast %parallel_loop3A_3106 : vector<16xf32> to vector<1x16xf32>
      tpu.vector_store %arg14[%parallel_loop3A_3107, %parallel_loop3A_3108], %parallel_loop3A_3111 {add = true, strides = array<i32>} : memref<768x128xf32, #tpu.memory_space<vmem>>, vector<1x16xf32>,
      %parallel_loop3A_3112 = arith.mulf %parallel_loop3A_3091, %get3A_458 : vector<16xf32>
      %parallel_loop3A_3113 = arith.addf %parallel_loop3A_3112, %get3A_482 : vector<16xf32>
      %parallel_loop3A_3114 = arith.constant 0.000000e+00 : f32
      %parallel_loop3A_3115 = vector.broadcast %parallel_loop3A_3114 : f32 to vector<16xf32>
      %parallel_loop3A_3116 = arith.maximumf %parallel_loop3A_3113, %parallel_loop3A_3115 : vector<16xf32>
      %parallel_loop3A_3117 = arith.index_cast %parallel_loop3A_3088 : i32 to index
      %parallel_loop3A_3118 = arith.constant 32 : index
      %parallel_loop3A_3119 = tpu.vector_load %arg14[%parallel_loop3A_3117, %parallel_loop3A_3118] {strides = array<i32>} : memref<768x128xf32, #tpu.memory_space<vmem>>, vector<1x16xf32>,
      %parallel_loop3A_3120 = vector.shape_cast %parallel_loop3A_3119 : vector<1x16xf32> to vector<16xf32>
      %parallel_loop3A_3121 = vector.shape_cast %parallel_loop3A_3116 : vector<16xf32> to vector<1x16xf32>
      tpu.vector_store %arg14[%parallel_loop3A_3117, %parallel_loop3A_3118], %parallel_loop3A_3121 {add = true, strides = array<i32>} : memref<768x128xf32, #tpu.memory_space<vmem>>, vector<1x16xf32>,
      %parallel_loop3A_3122 = arith.mulf %parallel_loop3A_3091, %get3A_461 : vector<16xf32>
      %parallel_loop3A_3123 = arith.addf %parallel_loop3A_3122, %get3A_485 : vector<16xf32>
      %parallel_loop3A_3124 = arith.constant 0.000000e+00 : f32
      %parallel_loop3A_3125 = vector.broadcast %parallel_loop3A_3124 : f32 to vector<16xf32>
      %parallel_loop3A_3126 = arith.maximumf %parallel_loop3A_3123, %parallel_loop3A_3125 : vector<16xf32>
      %parallel_loop3A_3127 = arith.index_cast %parallel_loop3A_3088 : i32 to index
      %parallel_loop3A_3128 = arith.constant 48 : index
      %parallel_loop3A_3129 = tpu.vector_load %arg14[%parallel_loop3A_3127, %parallel_loop3A_3128] {strides = array<i32>} : memref<768x128xf32, #tpu.memory_space<vmem>>, vector<1x16xf32>,
      %parallel_loop3A_3130 = vector.shape_cast %parallel_loop3A_3129 : vector<1x16xf32> to vector<16xf32>
      %parallel_loop3A_3131 = vector.shape_cast %parallel_loop3A_3126 : vector<16xf32> to vector<1x16xf32>
      tpu.vector_store %arg14[%parallel_loop3A_3127, %parallel_loop3A_3128], %parallel_loop3A_3131 {add = true, strides = array<i32>} : memref<768x128xf32, #tpu.memory_space<vmem>>, vector<1x16xf32>,
      %parallel_loop3A_3132 = arith.mulf %parallel_loop3A_3091, %get3A_464 : vector<16xf32>
      %parallel_loop3A_3133 = arith.addf %parallel_loop3A_3132, %get3A_488 : vector<16xf32>
      %parallel_loop3A_3134 = arith.constant 0.000000e+00 : f32
      %parallel_loop3A_3135 = vector.broadcast %parallel_loop3A_3134 : f32 to vector<16xf32>
      %parallel_loop3A_3136 = arith.maximumf %parallel_loop3A_3133, %parallel_loop3A_3135 : vector<16xf32>
      %parallel_loop3A_3137 = arith.index_cast %parallel_loop3A_3088 : i32 to index
      %parallel_loop3A_3138 = arith.constant 64 : index
      %parallel_loop3A_3139 = tpu.vector_load %arg14[%parallel_loop3A_3137, %parallel_loop3A_3138] {strides = array<i32>} : memref<768x128xf32, #tpu.memory_space<vmem>>, vector<1x16xf32>,
      %parallel_loop3A_3140 = vector.shape_cast %parallel_loop3A_3139 : vector<1x16xf32> to vector<16xf32>
      %parallel_loop3A_3141 = vector.shape_cast %parallel_loop3A_3136 : vector<16xf32> to vector<1x16xf32>
      tpu.vector_store %arg14[%parallel_loop3A_3137, %parallel_loop3A_3138], %parallel_loop3A_3141 {add = true, strides = array<i32>} : memref<768x128xf32, #tpu.memory_space<vmem>>, vector<1x16xf32>,
      %parallel_loop3A_3142 = arith.mulf %parallel_loop3A_3091, %get3A_467 : vector<16xf32>
      %parallel_loop3A_3143 = arith.addf %parallel_loop3A_3142, %get3A_491 : vector<16xf32>
      %parallel_loop3A_3144 = arith.constant 0.000000e+00 : f32
      %parallel_loop3A_3145 = vector.broadcast %parallel_loop3A_3144 : f32 to vector<16xf32>
      %parallel_loop3A_3146 = arith.maximumf %parallel_loop3A_3143, %parallel_loop3A_3145 : vector<16xf32>
      %parallel_loop3A_3147 = arith.index_cast %parallel_loop3A_3088 : i32 to index
      %parallel_loop3A_3148 = arith.constant 80 : index
      %parallel_loop3A_3149 = tpu.vector_load %arg14[%parallel_loop3A_3147, %parallel_loop3A_3148] {strides = array<i32>} : memref<768x128xf32, #tpu.memory_space<vmem>>, vector<1x16xf32>,
      %parallel_loop3A_3150 = vector.shape_cast %parallel_loop3A_3149 : vector<1x16xf32> to vector<16xf32>
      %parallel_loop3A_3151 = vector.shape_cast %parallel_loop3A_3146 : vector<16xf32> to vector<1x16xf32>
      tpu.vector_store %arg14[%parallel_loop3A_3147, %parallel_loop3A_3148], %parallel_loop3A_3151 {add = true, strides = array<i32>} : memref<768x128xf32, #tpu.memory_space<vmem>>, vector<1x16xf32>,
      %parallel_loop3A_3152 = arith.mulf %parallel_loop3A_3091, %get3A_470 : vector<16xf32>
      %parallel_loop3A_3153 = arith.addf %parallel_loop3A_3152, %get3A_494 : vector<16xf32>
      %parallel_loop3A_3154 = arith.constant 0.000000e+00 : f32
      %parallel_loop3A_3155 = vector.broadcast %parallel_loop3A_3154 : f32 to vector<16xf32>
      %parallel_loop3A_3156 = arith.maximumf %parallel_loop3A_3153, %parallel_loop3A_3155 : vector<16xf32>
      %parallel_loop3A_3157 = arith.index_cast %parallel_loop3A_3088 : i32 to index
      %parallel_loop3A_3158 = arith.constant 96 : index
      %parallel_loop3A_3159 = tpu.vector_load %arg14[%parallel_loop3A_3157, %parallel_loop3A_3158] {strides = array<i32>} : memref<768x128xf32, #tpu.memory_space<vmem>>, vector<1x16xf32>,
      %parallel_loop3A_3160 = vector.shape_cast %parallel_loop3A_3159 : vector<1x16xf32> to vector<16xf32>
      %parallel_loop3A_3161 = vector.shape_cast %parallel_loop3A_3156 : vector<16xf32> to vector<1x16xf32>
      tpu.vector_store %arg14[%parallel_loop3A_3157, %parallel_loop3A_3158], %parallel_loop3A_3161 {add = true, strides = array<i32>} : memref<768x128xf32, #tpu.memory_space<vmem>>, vector<1x16xf32>,
      %parallel_loop3A_3162 = arith.mulf %parallel_loop3A_3091, %get3A_473 : vector<16xf32>
      %parallel_loop3A_3163 = arith.addf %parallel_loop3A_3162, %get3A_497 : vector<16xf32>
      %parallel_loop3A_3164 = arith.constant 0.000000e+00 : f32
      %parallel_loop3A_3165 = vector.broadcast %parallel_loop3A_3164 : f32 to vector<16xf32>
      %parallel_loop3A_3166 = arith.maximumf %parallel_loop3A_3163, %parallel_loop3A_3165 : vector<16xf32>
      %parallel_loop3A_3167 = arith.index_cast %parallel_loop3A_3088 : i32 to index
      %parallel_loop3A_3168 = arith.constant 112 : index
      %parallel_loop3A_3169 = tpu.vector_load %arg14[%parallel_loop3A_3167, %parallel_loop3A_3168] {strides = array<i32>} : memref<768x128xf32, #tpu.memory_space<vmem>>, vector<1x16xf32>,
      %parallel_loop3A_3170 = vector.shape_cast %parallel_loop3A_3169 : vector<1x16xf32> to vector<16xf32>
      %parallel_loop3A_3171 = vector.shape_cast %parallel_loop3A_3166 : vector<16xf32> to vector<1x16xf32>
      tpu.vector_store %arg14[%parallel_loop3A_3167, %parallel_loop3A_3168], %parallel_loop3A_3171 {add = true, strides = array<i32>} : memref<768x128xf32, #tpu.memory_space<vmem>>, vector<1x16xf32>,
      %parallel_loop3A_3172 = vector.extract_strided_slice %parallel_loop3A_1981 {offsets = [14], sizes = [1], strides = [1]} : vector<16xi32> to vector<1xi32>
      %parallel_loop3A_3173 = vector.extract %parallel_loop3A_3172[0] : i32 from vector<1xi32>
      %parallel_loop3A_3174 = vector.extract_strided_slice %parallel_loop3A_1939 {offsets = [14], sizes = [1], strides = [1]} : vector<16xf32> to vector<1xf32>
      %parallel_loop3A_3175 = vector.extract %parallel_loop3A_3174[0] : f32 from vector<1xf32>
      %parallel_loop3A_3176 = vector.broadcast %parallel_loop3A_3175 : f32 to vector<16xf32>
      %parallel_loop3A_3177 = arith.mulf %parallel_loop3A_3176, %get3A_452 : vector<16xf32>
      %parallel_loop3A_3178 = arith.addf %parallel_loop3A_3177, %get3A_476 : vector<16xf32>
      %parallel_loop3A_3179 = arith.constant 0.000000e+00 : f32
      %parallel_loop3A_3180 = vector.broadcast %parallel_loop3A_3179 : f32 to vector<16xf32>
      %parallel_loop3A_3181 = arith.maximumf %parallel_loop3A_3178, %parallel_loop3A_3180 : vector<16xf32>
      %parallel_loop3A_3182 = arith.index_cast %parallel_loop3A_3173 : i32 to index
      %parallel_loop3A_3183 = arith.constant 0 : index
      %parallel_loop3A_3184 = tpu.vector_load %arg14[%parallel_loop3A_3182, %parallel_loop3A_3183] {strides = array<i32>} : memref<768x128xf32, #tpu.memory_space<vmem>>, vector<1x16xf32>,
      %parallel_loop3A_3185 = vector.shape_cast %parallel_loop3A_3184 : vector<1x16xf32> to vector<16xf32>
      %parallel_loop3A_3186 = vector.shape_cast %parallel_loop3A_3181 : vector<16xf32> to vector<1x16xf32>
      tpu.vector_store %arg14[%parallel_loop3A_3182, %parallel_loop3A_3183], %parallel_loop3A_3186 {add = true, strides = array<i32>} : memref<768x128xf32, #tpu.memory_space<vmem>>, vector<1x16xf32>,
      %parallel_loop3A_3187 = arith.mulf %parallel_loop3A_3176, %get3A_455 : vector<16xf32>
      %parallel_loop3A_3188 = arith.addf %parallel_loop3A_3187, %get3A_479 : vector<16xf32>
      %parallel_loop3A_3189 = arith.constant 0.000000e+00 : f32
      %parallel_loop3A_3190 = vector.broadcast %parallel_loop3A_3189 : f32 to vector<16xf32>
      %parallel_loop3A_3191 = arith.maximumf %parallel_loop3A_3188, %parallel_loop3A_3190 : vector<16xf32>
      %parallel_loop3A_3192 = arith.index_cast %parallel_loop3A_3173 : i32 to index
      %parallel_loop3A_3193 = arith.constant 16 : index
      %parallel_loop3A_3194 = tpu.vector_load %arg14[%parallel_loop3A_3192, %parallel_loop3A_3193] {strides = array<i32>} : memref<768x128xf32, #tpu.memory_space<vmem>>, vector<1x16xf32>,
      %parallel_loop3A_3195 = vector.shape_cast %parallel_loop3A_3194 : vector<1x16xf32> to vector<16xf32>
      %parallel_loop3A_3196 = vector.shape_cast %parallel_loop3A_3191 : vector<16xf32> to vector<1x16xf32>
      tpu.vector_store %arg14[%parallel_loop3A_3192, %parallel_loop3A_3193], %parallel_loop3A_3196 {add = true, strides = array<i32>} : memref<768x128xf32, #tpu.memory_space<vmem>>, vector<1x16xf32>,
      %parallel_loop3A_3197 = arith.mulf %parallel_loop3A_3176, %get3A_458 : vector<16xf32>
      %parallel_loop3A_3198 = arith.addf %parallel_loop3A_3197, %get3A_482 : vector<16xf32>
      %parallel_loop3A_3199 = arith.constant 0.000000e+00 : f32
      %parallel_loop3A_3200 = vector.broadcast %parallel_loop3A_3199 : f32 to vector<16xf32>
      %parallel_loop3A_3201 = arith.maximumf %parallel_loop3A_3198, %parallel_loop3A_3200 : vector<16xf32>
      %parallel_loop3A_3202 = arith.index_cast %parallel_loop3A_3173 : i32 to index
      %parallel_loop3A_3203 = arith.constant 32 : index
      %parallel_loop3A_3204 = tpu.vector_load %arg14[%parallel_loop3A_3202, %parallel_loop3A_3203] {strides = array<i32>} : memref<768x128xf32, #tpu.memory_space<vmem>>, vector<1x16xf32>,
      %parallel_loop3A_3205 = vector.shape_cast %parallel_loop3A_3204 : vector<1x16xf32> to vector<16xf32>
      %parallel_loop3A_3206 = vector.shape_cast %parallel_loop3A_3201 : vector<16xf32> to vector<1x16xf32>
      tpu.vector_store %arg14[%parallel_loop3A_3202, %parallel_loop3A_3203], %parallel_loop3A_3206 {add = true, strides = array<i32>} : memref<768x128xf32, #tpu.memory_space<vmem>>, vector<1x16xf32>,
      %parallel_loop3A_3207 = arith.mulf %parallel_loop3A_3176, %get3A_461 : vector<16xf32>
      %parallel_loop3A_3208 = arith.addf %parallel_loop3A_3207, %get3A_485 : vector<16xf32>
      %parallel_loop3A_3209 = arith.constant 0.000000e+00 : f32
      %parallel_loop3A_3210 = vector.broadcast %parallel_loop3A_3209 : f32 to vector<16xf32>
      %parallel_loop3A_3211 = arith.maximumf %parallel_loop3A_3208, %parallel_loop3A_3210 : vector<16xf32>
      %parallel_loop3A_3212 = arith.index_cast %parallel_loop3A_3173 : i32 to index
      %parallel_loop3A_3213 = arith.constant 48 : index
      %parallel_loop3A_3214 = tpu.vector_load %arg14[%parallel_loop3A_3212, %parallel_loop3A_3213] {strides = array<i32>} : memref<768x128xf32, #tpu.memory_space<vmem>>, vector<1x16xf32>,
      %parallel_loop3A_3215 = vector.shape_cast %parallel_loop3A_3214 : vector<1x16xf32> to vector<16xf32>
      %parallel_loop3A_3216 = vector.shape_cast %parallel_loop3A_3211 : vector<16xf32> to vector<1x16xf32>
      tpu.vector_store %arg14[%parallel_loop3A_3212, %parallel_loop3A_3213], %parallel_loop3A_3216 {add = true, strides = array<i32>} : memref<768x128xf32, #tpu.memory_space<vmem>>, vector<1x16xf32>,
      %parallel_loop3A_3217 = arith.mulf %parallel_loop3A_3176, %get3A_464 : vector<16xf32>
      %parallel_loop3A_3218 = arith.addf %parallel_loop3A_3217, %get3A_488 : vector<16xf32>
      %parallel_loop3A_3219 = arith.constant 0.000000e+00 : f32
      %parallel_loop3A_3220 = vector.broadcast %parallel_loop3A_3219 : f32 to vector<16xf32>
      %parallel_loop3A_3221 = arith.maximumf %parallel_loop3A_3218, %parallel_loop3A_3220 : vector<16xf32>
      %parallel_loop3A_3222 = arith.index_cast %parallel_loop3A_3173 : i32 to index
      %parallel_loop3A_3223 = arith.constant 64 : index
      %parallel_loop3A_3224 = tpu.vector_load %arg14[%parallel_loop3A_3222, %parallel_loop3A_3223] {strides = array<i32>} : memref<768x128xf32, #tpu.memory_space<vmem>>, vector<1x16xf32>,
      %parallel_loop3A_3225 = vector.shape_cast %parallel_loop3A_3224 : vector<1x16xf32> to vector<16xf32>
      %parallel_loop3A_3226 = vector.shape_cast %parallel_loop3A_3221 : vector<16xf32> to vector<1x16xf32>
      tpu.vector_store %arg14[%parallel_loop3A_3222, %parallel_loop3A_3223], %parallel_loop3A_3226 {add = true, strides = array<i32>} : memref<768x128xf32, #tpu.memory_space<vmem>>, vector<1x16xf32>,
      %parallel_loop3A_3227 = arith.mulf %parallel_loop3A_3176, %get3A_467 : vector<16xf32>
      %parallel_loop3A_3228 = arith.addf %parallel_loop3A_3227, %get3A_491 : vector<16xf32>
      %parallel_loop3A_3229 = arith.constant 0.000000e+00 : f32
      %parallel_loop3A_3230 = vector.broadcast %parallel_loop3A_3229 : f32 to vector<16xf32>
      %parallel_loop3A_3231 = arith.maximumf %parallel_loop3A_3228, %parallel_loop3A_3230 : vector<16xf32>
      %parallel_loop3A_3232 = arith.index_cast %parallel_loop3A_3173 : i32 to index
      %parallel_loop3A_3233 = arith.constant 80 : index
      %parallel_loop3A_3234 = tpu.vector_load %arg14[%parallel_loop3A_3232, %parallel_loop3A_3233] {strides = array<i32>} : memref<768x128xf32, #tpu.memory_space<vmem>>, vector<1x16xf32>,
      %parallel_loop3A_3235 = vector.shape_cast %parallel_loop3A_3234 : vector<1x16xf32> to vector<16xf32>
      %parallel_loop3A_3236 = vector.shape_cast %parallel_loop3A_3231 : vector<16xf32> to vector<1x16xf32>
      tpu.vector_store %arg14[%parallel_loop3A_3232, %parallel_loop3A_3233], %parallel_loop3A_3236 {add = true, strides = array<i32>} : memref<768x128xf32, #tpu.memory_space<vmem>>, vector<1x16xf32>,
      %parallel_loop3A_3237 = arith.mulf %parallel_loop3A_3176, %get3A_470 : vector<16xf32>
      %parallel_loop3A_3238 = arith.addf %parallel_loop3A_3237, %get3A_494 : vector<16xf32>
      %parallel_loop3A_3239 = arith.constant 0.000000e+00 : f32
      %parallel_loop3A_3240 = vector.broadcast %parallel_loop3A_3239 : f32 to vector<16xf32>
      %parallel_loop3A_3241 = arith.maximumf %parallel_loop3A_3238, %parallel_loop3A_3240 : vector<16xf32>
      %parallel_loop3A_3242 = arith.index_cast %parallel_loop3A_3173 : i32 to index
      %parallel_loop3A_3243 = arith.constant 96 : index
      %parallel_loop3A_3244 = tpu.vector_load %arg14[%parallel_loop3A_3242, %parallel_loop3A_3243] {strides = array<i32>} : memref<768x128xf32, #tpu.memory_space<vmem>>, vector<1x16xf32>,
      %parallel_loop3A_3245 = vector.shape_cast %parallel_loop3A_3244 : vector<1x16xf32> to vector<16xf32>
      %parallel_loop3A_3246 = vector.shape_cast %parallel_loop3A_3241 : vector<16xf32> to vector<1x16xf32>
      tpu.vector_store %arg14[%parallel_loop3A_3242, %parallel_loop3A_3243], %parallel_loop3A_3246 {add = true, strides = array<i32>} : memref<768x128xf32, #tpu.memory_space<vmem>>, vector<1x16xf32>,
      %parallel_loop3A_3247 = arith.mulf %parallel_loop3A_3176, %get3A_473 : vector<16xf32>
      %parallel_loop3A_3248 = arith.addf %parallel_loop3A_3247, %get3A_497 : vector<16xf32>
      %parallel_loop3A_3249 = arith.constant 0.000000e+00 : f32
      %parallel_loop3A_3250 = vector.broadcast %parallel_loop3A_3249 : f32 to vector<16xf32>
      %parallel_loop3A_3251 = arith.maximumf %parallel_loop3A_3248, %parallel_loop3A_3250 : vector<16xf32>
      %parallel_loop3A_3252 = arith.index_cast %parallel_loop3A_3173 : i32 to index
      %parallel_loop3A_3253 = arith.constant 112 : index
      %parallel_loop3A_3254 = tpu.vector_load %arg14[%parallel_loop3A_3252, %parallel_loop3A_3253] {strides = array<i32>} : memref<768x128xf32, #tpu.memory_space<vmem>>, vector<1x16xf32>,
      %parallel_loop3A_3255 = vector.shape_cast %parallel_loop3A_3254 : vector<1x16xf32> to vector<16xf32>
      %parallel_loop3A_3256 = vector.shape_cast %parallel_loop3A_3251 : vector<16xf32> to vector<1x16xf32>
      tpu.vector_store %arg14[%parallel_loop3A_3252, %parallel_loop3A_3253], %parallel_loop3A_3256 {add = true, strides = array<i32>} : memref<768x128xf32, #tpu.memory_space<vmem>>, vector<1x16xf32>,
      %parallel_loop3A_3257 = vector.extract_strided_slice %parallel_loop3A_1981 {offsets = [15], sizes = [1], strides = [1]} : vector<16xi32> to vector<1xi32>
      %parallel_loop3A_3258 = vector.extract %parallel_loop3A_3257[0] : i32 from vector<1xi32>
      %parallel_loop3A_3259 = vector.extract_strided_slice %parallel_loop3A_1939 {offsets = [15], sizes = [1], strides = [1]} : vector<16xf32> to vector<1xf32>
      %parallel_loop3A_3260 = vector.extract %parallel_loop3A_3259[0] : f32 from vector<1xf32>
      %parallel_loop3A_3261 = vector.broadcast %parallel_loop3A_3260 : f32 to vector<16xf32>
      %parallel_loop3A_3262 = arith.mulf %parallel_loop3A_3261, %get3A_452 : vector<16xf32>
      %parallel_loop3A_3263 = arith.addf %parallel_loop3A_3262, %get3A_476 : vector<16xf32>
      %parallel_loop3A_3264 = arith.constant 0.000000e+00 : f32
      %parallel_loop3A_3265 = vector.broadcast %parallel_loop3A_3264 : f32 to vector<16xf32>
      %parallel_loop3A_3266 = arith.maximumf %parallel_loop3A_3263, %parallel_loop3A_3265 : vector<16xf32>
      %parallel_loop3A_3267 = arith.index_cast %parallel_loop3A_3258 : i32 to index
      %parallel_loop3A_3268 = arith.constant 0 : index
      %parallel_loop3A_3269 = tpu.vector_load %arg14[%parallel_loop3A_3267, %parallel_loop3A_3268] {strides = array<i32>} : memref<768x128xf32, #tpu.memory_space<vmem>>, vector<1x16xf32>,
      %parallel_loop3A_3270 = vector.shape_cast %parallel_loop3A_3269 : vector<1x16xf32> to vector<16xf32>
      %parallel_loop3A_3271 = vector.shape_cast %parallel_loop3A_3266 : vector<16xf32> to vector<1x16xf32>
      tpu.vector_store %arg14[%parallel_loop3A_3267, %parallel_loop3A_3268], %parallel_loop3A_3271 {add = true, strides = array<i32>} : memref<768x128xf32, #tpu.memory_space<vmem>>, vector<1x16xf32>,
      %parallel_loop3A_3272 = arith.mulf %parallel_loop3A_3261, %get3A_455 : vector<16xf32>
      %parallel_loop3A_3273 = arith.addf %parallel_loop3A_3272, %get3A_479 : vector<16xf32>
      %parallel_loop3A_3274 = arith.constant 0.000000e+00 : f32
      %parallel_loop3A_3275 = vector.broadcast %parallel_loop3A_3274 : f32 to vector<16xf32>
      %parallel_loop3A_3276 = arith.maximumf %parallel_loop3A_3273, %parallel_loop3A_3275 : vector<16xf32>
      %parallel_loop3A_3277 = arith.index_cast %parallel_loop3A_3258 : i32 to index
      %parallel_loop3A_3278 = arith.constant 16 : index
      %parallel_loop3A_3279 = tpu.vector_load %arg14[%parallel_loop3A_3277, %parallel_loop3A_3278] {strides = array<i32>} : memref<768x128xf32, #tpu.memory_space<vmem>>, vector<1x16xf32>,
      %parallel_loop3A_3280 = vector.shape_cast %parallel_loop3A_3279 : vector<1x16xf32> to vector<16xf32>
      %parallel_loop3A_3281 = vector.shape_cast %parallel_loop3A_3276 : vector<16xf32> to vector<1x16xf32>
      tpu.vector_store %arg14[%parallel_loop3A_3277, %parallel_loop3A_3278], %parallel_loop3A_3281 {add = true, strides = array<i32>} : memref<768x128xf32, #tpu.memory_space<vmem>>, vector<1x16xf32>,
      %parallel_loop3A_3282 = arith.mulf %parallel_loop3A_3261, %get3A_458 : vector<16xf32>
      %parallel_loop3A_3283 = arith.addf %parallel_loop3A_3282, %get3A_482 : vector<16xf32>
      %parallel_loop3A_3284 = arith.constant 0.000000e+00 : f32
      %parallel_loop3A_3285 = vector.broadcast %parallel_loop3A_3284 : f32 to vector<16xf32>
      %parallel_loop3A_3286 = arith.maximumf %parallel_loop3A_3283, %parallel_loop3A_3285 : vector<16xf32>
      %parallel_loop3A_3287 = arith.index_cast %parallel_loop3A_3258 : i32 to index
      %parallel_loop3A_3288 = arith.constant 32 : index
      %parallel_loop3A_3289 = tpu.vector_load %arg14[%parallel_loop3A_3287, %parallel_loop3A_3288] {strides = array<i32>} : memref<768x128xf32, #tpu.memory_space<vmem>>, vector<1x16xf32>,
      %parallel_loop3A_3290 = vector.shape_cast %parallel_loop3A_3289 : vector<1x16xf32> to vector<16xf32>
      %parallel_loop3A_3291 = vector.shape_cast %parallel_loop3A_3286 : vector<16xf32> to vector<1x16xf32>
      tpu.vector_store %arg14[%parallel_loop3A_3287, %parallel_loop3A_3288], %parallel_loop3A_3291 {add = true, strides = array<i32>} : memref<768x128xf32, #tpu.memory_space<vmem>>, vector<1x16xf32>,
      %parallel_loop3A_3292 = arith.mulf %parallel_loop3A_3261, %get3A_461 : vector<16xf32>
      %parallel_loop3A_3293 = arith.addf %parallel_loop3A_3292, %get3A_485 : vector<16xf32>
      %parallel_loop3A_3294 = arith.constant 0.000000e+00 : f32
      %parallel_loop3A_3295 = vector.broadcast %parallel_loop3A_3294 : f32 to vector<16xf32>
      %parallel_loop3A_3296 = arith.maximumf %parallel_loop3A_3293, %parallel_loop3A_3295 : vector<16xf32>
      %parallel_loop3A_3297 = arith.index_cast %parallel_loop3A_3258 : i32 to index
      %parallel_loop3A_3298 = arith.constant 48 : index
      %parallel_loop3A_3299 = tpu.vector_load %arg14[%parallel_loop3A_3297, %parallel_loop3A_3298] {strides = array<i32>} : memref<768x128xf32, #tpu.memory_space<vmem>>, vector<1x16xf32>,
      %parallel_loop3A_3300 = vector.shape_cast %parallel_loop3A_3299 : vector<1x16xf32> to vector<16xf32>
      %parallel_loop3A_3301 = vector.shape_cast %parallel_loop3A_3296 : vector<16xf32> to vector<1x16xf32>
      tpu.vector_store %arg14[%parallel_loop3A_3297, %parallel_loop3A_3298], %parallel_loop3A_3301 {add = true, strides = array<i32>} : memref<768x128xf32, #tpu.memory_space<vmem>>, vector<1x16xf32>,
      %parallel_loop3A_3302 = arith.mulf %parallel_loop3A_3261, %get3A_464 : vector<16xf32>
      %parallel_loop3A_3303 = arith.addf %parallel_loop3A_3302, %get3A_488 : vector<16xf32>
      %parallel_loop3A_3304 = arith.constant 0.000000e+00 : f32
      %parallel_loop3A_3305 = vector.broadcast %parallel_loop3A_3304 : f32 to vector<16xf32>
      %parallel_loop3A_3306 = arith.maximumf %parallel_loop3A_3303, %parallel_loop3A_3305 : vector<16xf32>
      %parallel_loop3A_3307 = arith.index_cast %parallel_loop3A_3258 : i32 to index
      %parallel_loop3A_3308 = arith.constant 64 : index
      %parallel_loop3A_3309 = tpu.vector_load %arg14[%parallel_loop3A_3307, %parallel_loop3A_3308] {strides = array<i32>} : memref<768x128xf32, #tpu.memory_space<vmem>>, vector<1x16xf32>,
      %parallel_loop3A_3310 = vector.shape_cast %parallel_loop3A_3309 : vector<1x16xf32> to vector<16xf32>
      %parallel_loop3A_3311 = vector.shape_cast %parallel_loop3A_3306 : vector<16xf32> to vector<1x16xf32>
      tpu.vector_store %arg14[%parallel_loop3A_3307, %parallel_loop3A_3308], %parallel_loop3A_3311 {add = true, strides = array<i32>} : memref<768x128xf32, #tpu.memory_space<vmem>>, vector<1x16xf32>,
      %parallel_loop3A_3312 = arith.mulf %parallel_loop3A_3261, %get3A_467 : vector<16xf32>
      %parallel_loop3A_3313 = arith.addf %parallel_loop3A_3312, %get3A_491 : vector<16xf32>
      %parallel_loop3A_3314 = arith.constant 0.000000e+00 : f32
      %parallel_loop3A_3315 = vector.broadcast %parallel_loop3A_3314 : f32 to vector<16xf32>
      %parallel_loop3A_3316 = arith.maximumf %parallel_loop3A_3313, %parallel_loop3A_3315 : vector<16xf32>
      %parallel_loop3A_3317 = arith.index_cast %parallel_loop3A_3258 : i32 to index
      %parallel_loop3A_3318 = arith.constant 80 : index
      %parallel_loop3A_3319 = tpu.vector_load %arg14[%parallel_loop3A_3317, %parallel_loop3A_3318] {strides = array<i32>} : memref<768x128xf32, #tpu.memory_space<vmem>>, vector<1x16xf32>,
      %parallel_loop3A_3320 = vector.shape_cast %parallel_loop3A_3319 : vector<1x16xf32> to vector<16xf32>
      %parallel_loop3A_3321 = vector.shape_cast %parallel_loop3A_3316 : vector<16xf32> to vector<1x16xf32>
      tpu.vector_store %arg14[%parallel_loop3A_3317, %parallel_loop3A_3318], %parallel_loop3A_3321 {add = true, strides = array<i32>} : memref<768x128xf32, #tpu.memory_space<vmem>>, vector<1x16xf32>,
      %parallel_loop3A_3322 = arith.mulf %parallel_loop3A_3261, %get3A_470 : vector<16xf32>
      %parallel_loop3A_3323 = arith.addf %parallel_loop3A_3322, %get3A_494 : vector<16xf32>
      %parallel_loop3A_3324 = arith.constant 0.000000e+00 : f32
      %parallel_loop3A_3325 = vector.broadcast %parallel_loop3A_3324 : f32 to vector<16xf32>
      %parallel_loop3A_3326 = arith.maximumf %parallel_loop3A_3323, %parallel_loop3A_3325 : vector<16xf32>
      %parallel_loop3A_3327 = arith.index_cast %parallel_loop3A_3258 : i32 to index
      %parallel_loop3A_3328 = arith.constant 96 : index
      %parallel_loop3A_3329 = tpu.vector_load %arg14[%parallel_loop3A_3327, %parallel_loop3A_3328] {strides = array<i32>} : memref<768x128xf32, #tpu.memory_space<vmem>>, vector<1x16xf32>,
      %parallel_loop3A_3330 = vector.shape_cast %parallel_loop3A_3329 : vector<1x16xf32> to vector<16xf32>
      %parallel_loop3A_3331 = vector.shape_cast %parallel_loop3A_3326 : vector<16xf32> to vector<1x16xf32>
      tpu.vector_store %arg14[%parallel_loop3A_3327, %parallel_loop3A_3328], %parallel_loop3A_3331 {add = true, strides = array<i32>} : memref<768x128xf32, #tpu.memory_space<vmem>>, vector<1x16xf32>,
      %parallel_loop3A_3332 = arith.mulf %parallel_loop3A_3261, %get3A_473 : vector<16xf32>
      %parallel_loop3A_3333 = arith.addf %parallel_loop3A_3332, %get3A_497 : vector<16xf32>
      %parallel_loop3A_3334 = arith.constant 0.000000e+00 : f32
      %parallel_loop3A_3335 = vector.broadcast %parallel_loop3A_3334 : f32 to vector<16xf32>
      %parallel_loop3A_3336 = arith.maximumf %parallel_loop3A_3333, %parallel_loop3A_3335 : vector<16xf32>
      %parallel_loop3A_3337 = arith.index_cast %parallel_loop3A_3258 : i32 to index
      %parallel_loop3A_3338 = arith.constant 112 : index
      %parallel_loop3A_3339 = tpu.vector_load %arg14[%parallel_loop3A_3337, %parallel_loop3A_3338] {strides = array<i32>} : memref<768x128xf32, #tpu.memory_space<vmem>>, vector<1x16xf32>,
      %parallel_loop3A_3340 = vector.shape_cast %parallel_loop3A_3339 : vector<1x16xf32> to vector<16xf32>
      %parallel_loop3A_3341 = vector.shape_cast %parallel_loop3A_3336 : vector<16xf32> to vector<1x16xf32>
      tpu.vector_store %arg14[%parallel_loop3A_3337, %parallel_loop3A_3338], %parallel_loop3A_3341 {add = true, strides = array<i32>} : memref<768x128xf32, #tpu.memory_space<vmem>>, vector<1x16xf32>,
    } {sc.loop_unroll_factor = 1 : i64, sc.parallel_access}
    %run_scoped3A = arith.constant 0 : i32
    "tpu.region"() ({
      %run_scoped3A_511 = tpu.sem_alloc : memref<!tpu.dma_semaphore, #tpu.memory_space<semaphore_mem>>
      %dma_start3A_512 = arith.constant 0 : i32
      %dma_start3A_513 = arith.constant 0 : i32
      %dma_start3A_514 = tpu.memref_slice %arg14[%dma_start3A_512, %dma_start3A_513] : memref<768x128xf32, #tpu.memory_space<vmem>> -> memref<128x128xf32, #tpu.memory_space<vmem>>
      %dma_start3A_515 = arith.constant 0 : i32
      %dma_start3A_516 = tpu.memref_slice %arg13[%run_scoped3A, %dma_start3A_515] : memref<6x128xi32, #tpu.memory_space<vmem>> -> memref<1x128xi32, #tpu.memory_space<vmem>>
      %dma_start3A_517 = tpu.memref_squeeze %dma_start3A_516 : memref<1x128xi32, #tpu.memory_space<vmem>> -> memref<128xi32, #tpu.memory_space<vmem>>
      %dma_start3A_518 = arith.constant 0 : i32
      %dma_start3A_519 = arith.constant 0 : i32
      %dma_start3A_520 = tpu.memref_slice %arg15[%dma_start3A_518, %dma_start3A_519] : memref<768x128xf32, #tpu.memory_space<vmem_shared>> -> memref<768x128xf32, #tpu.memory_space<vmem_shared>>
      tpu.enqueue_indirect_dma source(%dma_start3A_514 : memref<128x128xf32, #tpu.memory_space<vmem>>) target(%dma_start3A_520 : memref<768x128xf32, #tpu.memory_space<vmem_shared>>) offsets(%dma_start3A_517 : memref<128xi32, #tpu.memory_space<vmem>>) semaphore(%run_scoped3A_511 : memref<!tpu.dma_semaphore, #tpu.memory_space<semaphore_mem>>) {add = true}
      %dma_wait3A_521 = arith.constant 0 : i32
      %dma_wait3A_522 = arith.constant 0 : i32
      %dma_wait3A_523 = tpu.memref_slice %arg14[%dma_wait3A_521, %dma_wait3A_522] : memref<768x128xf32, #tpu.memory_space<vmem>> -> memref<128x128xf32, #tpu.memory_space<vmem>>
      %dma_wait3A_524 = arith.constant 0 : i32
      %dma_wait3A_525 = tpu.memref_slice %arg13[%run_scoped3A, %dma_wait3A_524] : memref<6x128xi32, #tpu.memory_space<vmem>> -> memref<1x128xi32, #tpu.memory_space<vmem>>
      %dma_wait3A_526 = tpu.memref_squeeze %dma_wait3A_525 : memref<1x128xi32, #tpu.memory_space<vmem>> -> memref<128xi32, #tpu.memory_space<vmem>>
      %dma_wait3A_527 = arith.constant 0 : i32
      %dma_wait3A_528 = arith.constant 0 : i32
      %dma_wait3A_529 = tpu.memref_slice %arg15[%dma_wait3A_527, %dma_wait3A_528] : memref<768x128xf32, #tpu.memory_space<vmem_shared>> -> memref<768x128xf32, #tpu.memory_space<vmem_shared>>
      tpu.wait_indirect_dma semaphore(%run_scoped3A_511 : memref<!tpu.dma_semaphore, #tpu.memory_space<semaphore_mem>>) src(%dma_wait3A_523 : memref<128x128xf32, #tpu.memory_space<vmem>>) dst(%dma_wait3A_529 : memref<768x128xf32, #tpu.memory_space<vmem_shared>>)
      tpu.yield
    }) : () -> ()
    %run_scoped3A_501 = arith.constant 1 : i32
    "tpu.region"() ({
      %run_scoped3A_511 = tpu.sem_alloc : memref<!tpu.dma_semaphore, #tpu.memory_space<semaphore_mem>>
      %dma_start3A_512 = arith.constant 128 : i32
      %dma_start3A_513 = arith.constant 0 : i32
      %dma_start3A_514 = tpu.memref_slice %arg14[%dma_start3A_512, %dma_start3A_513] : memref<768x128xf32, #tpu.memory_space<vmem>> -> memref<128x128xf32, #tpu.memory_space<vmem>>
      %dma_start3A_515 = arith.constant 0 : i32
      %dma_start3A_516 = tpu.memref_slice %arg13[%run_scoped3A_501, %dma_start3A_515] : memref<6x128xi32, #tpu.memory_space<vmem>> -> memref<1x128xi32, #tpu.memory_space<vmem>>
      %dma_start3A_517 = tpu.memref_squeeze %dma_start3A_516 : memref<1x128xi32, #tpu.memory_space<vmem>> -> memref<128xi32, #tpu.memory_space<vmem>>
      %dma_start3A_518 = arith.constant 0 : i32
      %dma_start3A_519 = arith.constant 0 : i32
      %dma_start3A_520 = tpu.memref_slice %arg15[%dma_start3A_518, %dma_start3A_519] : memref<768x128xf32, #tpu.memory_space<vmem_shared>> -> memref<768x128xf32, #tpu.memory_space<vmem_shared>>
      tpu.enqueue_indirect_dma source(%dma_start3A_514 : memref<128x128xf32, #tpu.memory_space<vmem>>) target(%dma_start3A_520 : memref<768x128xf32, #tpu.memory_space<vmem_shared>>) offsets(%dma_start3A_517 : memref<128xi32, #tpu.memory_space<vmem>>) semaphore(%run_scoped3A_511 : memref<!tpu.dma_semaphore, #tpu.memory_space<semaphore_mem>>) {add = true}
      %dma_wait3A_521 = arith.constant 128 : i32
      %dma_wait3A_522 = arith.constant 0 : i32
      %dma_wait3A_523 = tpu.memref_slice %arg14[%dma_wait3A_521, %dma_wait3A_522] : memref<768x128xf32, #tpu.memory_space<vmem>> -> memref<128x128xf32, #tpu.memory_space<vmem>>
      %dma_wait3A_524 = arith.constant 0 : i32
      %dma_wait3A_525 = tpu.memref_slice %arg13[%run_scoped3A_501, %dma_wait3A_524] : memref<6x128xi32, #tpu.memory_space<vmem>> -> memref<1x128xi32, #tpu.memory_space<vmem>>
      %dma_wait3A_526 = tpu.memref_squeeze %dma_wait3A_525 : memref<1x128xi32, #tpu.memory_space<vmem>> -> memref<128xi32, #tpu.memory_space<vmem>>
      %dma_wait3A_527 = arith.constant 0 : i32
      %dma_wait3A_528 = arith.constant 0 : i32
      %dma_wait3A_529 = tpu.memref_slice %arg15[%dma_wait3A_527, %dma_wait3A_528] : memref<768x128xf32, #tpu.memory_space<vmem_shared>> -> memref<768x128xf32, #tpu.memory_space<vmem_shared>>
      tpu.wait_indirect_dma semaphore(%run_scoped3A_511 : memref<!tpu.dma_semaphore, #tpu.memory_space<semaphore_mem>>) src(%dma_wait3A_523 : memref<128x128xf32, #tpu.memory_space<vmem>>) dst(%dma_wait3A_529 : memref<768x128xf32, #tpu.memory_space<vmem_shared>>)
      tpu.yield
    }) : () -> ()
    %run_scoped3A_502 = arith.constant 2 : i32
    "tpu.region"() ({
      %run_scoped3A_511 = tpu.sem_alloc : memref<!tpu.dma_semaphore, #tpu.memory_space<semaphore_mem>>
      %dma_start3A_512 = arith.constant 256 : i32
      %dma_start3A_513 = arith.constant 0 : i32
      %dma_start3A_514 = tpu.memref_slice %arg14[%dma_start3A_512, %dma_start3A_513] : memref<768x128xf32, #tpu.memory_space<vmem>> -> memref<128x128xf32, #tpu.memory_space<vmem>>
      %dma_start3A_515 = arith.constant 0 : i32
      %dma_start3A_516 = tpu.memref_slice %arg13[%run_scoped3A_502, %dma_start3A_515] : memref<6x128xi32, #tpu.memory_space<vmem>> -> memref<1x128xi32, #tpu.memory_space<vmem>>
      %dma_start3A_517 = tpu.memref_squeeze %dma_start3A_516 : memref<1x128xi32, #tpu.memory_space<vmem>> -> memref<128xi32, #tpu.memory_space<vmem>>
      %dma_start3A_518 = arith.constant 0 : i32
      %dma_start3A_519 = arith.constant 0 : i32
      %dma_start3A_520 = tpu.memref_slice %arg15[%dma_start3A_518, %dma_start3A_519] : memref<768x128xf32, #tpu.memory_space<vmem_shared>> -> memref<768x128xf32, #tpu.memory_space<vmem_shared>>
      tpu.enqueue_indirect_dma source(%dma_start3A_514 : memref<128x128xf32, #tpu.memory_space<vmem>>) target(%dma_start3A_520 : memref<768x128xf32, #tpu.memory_space<vmem_shared>>) offsets(%dma_start3A_517 : memref<128xi32, #tpu.memory_space<vmem>>) semaphore(%run_scoped3A_511 : memref<!tpu.dma_semaphore, #tpu.memory_space<semaphore_mem>>) {add = true}
      %dma_wait3A_521 = arith.constant 256 : i32
      %dma_wait3A_522 = arith.constant 0 : i32
      %dma_wait3A_523 = tpu.memref_slice %arg14[%dma_wait3A_521, %dma_wait3A_522] : memref<768x128xf32, #tpu.memory_space<vmem>> -> memref<128x128xf32, #tpu.memory_space<vmem>>
      %dma_wait3A_524 = arith.constant 0 : i32
      %dma_wait3A_525 = tpu.memref_slice %arg13[%run_scoped3A_502, %dma_wait3A_524] : memref<6x128xi32, #tpu.memory_space<vmem>> -> memref<1x128xi32, #tpu.memory_space<vmem>>
      %dma_wait3A_526 = tpu.memref_squeeze %dma_wait3A_525 : memref<1x128xi32, #tpu.memory_space<vmem>> -> memref<128xi32, #tpu.memory_space<vmem>>
      %dma_wait3A_527 = arith.constant 0 : i32
      %dma_wait3A_528 = arith.constant 0 : i32
      %dma_wait3A_529 = tpu.memref_slice %arg15[%dma_wait3A_527, %dma_wait3A_528] : memref<768x128xf32, #tpu.memory_space<vmem_shared>> -> memref<768x128xf32, #tpu.memory_space<vmem_shared>>
      tpu.wait_indirect_dma semaphore(%run_scoped3A_511 : memref<!tpu.dma_semaphore, #tpu.memory_space<semaphore_mem>>) src(%dma_wait3A_523 : memref<128x128xf32, #tpu.memory_space<vmem>>) dst(%dma_wait3A_529 : memref<768x128xf32, #tpu.memory_space<vmem_shared>>)
      tpu.yield
    }) : () -> ()
    %run_scoped3A_503 = arith.constant 3 : i32
    "tpu.region"() ({
      %run_scoped3A_511 = tpu.sem_alloc : memref<!tpu.dma_semaphore, #tpu.memory_space<semaphore_mem>>
      %dma_start3A_512 = arith.constant 384 : i32
      %dma_start3A_513 = arith.constant 0 : i32
      %dma_start3A_514 = tpu.memref_slice %arg14[%dma_start3A_512, %dma_start3A_513] : memref<768x128xf32, #tpu.memory_space<vmem>> -> memref<128x128xf32, #tpu.memory_space<vmem>>
      %dma_start3A_515 = arith.constant 0 : i32
      %dma_start3A_516 = tpu.memref_slice %arg13[%run_scoped3A_503, %dma_start3A_515] : memref<6x128xi32, #tpu.memory_space<vmem>> -> memref<1x128xi32, #tpu.memory_space<vmem>>
      %dma_start3A_517 = tpu.memref_squeeze %dma_start3A_516 : memref<1x128xi32, #tpu.memory_space<vmem>> -> memref<128xi32, #tpu.memory_space<vmem>>
      %dma_start3A_518 = arith.constant 0 : i32
      %dma_start3A_519 = arith.constant 0 : i32
      %dma_start3A_520 = tpu.memref_slice %arg15[%dma_start3A_518, %dma_start3A_519] : memref<768x128xf32, #tpu.memory_space<vmem_shared>> -> memref<768x128xf32, #tpu.memory_space<vmem_shared>>
      tpu.enqueue_indirect_dma source(%dma_start3A_514 : memref<128x128xf32, #tpu.memory_space<vmem>>) target(%dma_start3A_520 : memref<768x128xf32, #tpu.memory_space<vmem_shared>>) offsets(%dma_start3A_517 : memref<128xi32, #tpu.memory_space<vmem>>) semaphore(%run_scoped3A_511 : memref<!tpu.dma_semaphore, #tpu.memory_space<semaphore_mem>>) {add = true}
      %dma_wait3A_521 = arith.constant 384 : i32
      %dma_wait3A_522 = arith.constant 0 : i32
      %dma_wait3A_523 = tpu.memref_slice %arg14[%dma_wait3A_521, %dma_wait3A_522] : memref<768x128xf32, #tpu.memory_space<vmem>> -> memref<128x128xf32, #tpu.memory_space<vmem>>
      %dma_wait3A_524 = arith.constant 0 : i32
      %dma_wait3A_525 = tpu.memref_slice %arg13[%run_scoped3A_503, %dma_wait3A_524] : memref<6x128xi32, #tpu.memory_space<vmem>> -> memref<1x128xi32, #tpu.memory_space<vmem>>
      %dma_wait3A_526 = tpu.memref_squeeze %dma_wait3A_525 : memref<1x128xi32, #tpu.memory_space<vmem>> -> memref<128xi32, #tpu.memory_space<vmem>>
      %dma_wait3A_527 = arith.constant 0 : i32
      %dma_wait3A_528 = arith.constant 0 : i32
      %dma_wait3A_529 = tpu.memref_slice %arg15[%dma_wait3A_527, %dma_wait3A_528] : memref<768x128xf32, #tpu.memory_space<vmem_shared>> -> memref<768x128xf32, #tpu.memory_space<vmem_shared>>
      tpu.wait_indirect_dma semaphore(%run_scoped3A_511 : memref<!tpu.dma_semaphore, #tpu.memory_space<semaphore_mem>>) src(%dma_wait3A_523 : memref<128x128xf32, #tpu.memory_space<vmem>>) dst(%dma_wait3A_529 : memref<768x128xf32, #tpu.memory_space<vmem_shared>>)
      tpu.yield
    }) : () -> ()
    %run_scoped3A_504 = arith.constant 4 : i32
    "tpu.region"() ({
      %run_scoped3A_511 = tpu.sem_alloc : memref<!tpu.dma_semaphore, #tpu.memory_space<semaphore_mem>>
      %dma_start3A_512 = arith.constant 512 : i32
      %dma_start3A_513 = arith.constant 0 : i32
      %dma_start3A_514 = tpu.memref_slice %arg14[%dma_start3A_512, %dma_start3A_513] : memref<768x128xf32, #tpu.memory_space<vmem>> -> memref<128x128xf32, #tpu.memory_space<vmem>>
      %dma_start3A_515 = arith.constant 0 : i32
      %dma_start3A_516 = tpu.memref_slice %arg13[%run_scoped3A_504, %dma_start3A_515] : memref<6x128xi32, #tpu.memory_space<vmem>> -> memref<1x128xi32, #tpu.memory_space<vmem>>
      %dma_start3A_517 = tpu.memref_squeeze %dma_start3A_516 : memref<1x128xi32, #tpu.memory_space<vmem>> -> memref<128xi32, #tpu.memory_space<vmem>>
      %dma_start3A_518 = arith.constant 0 : i32
      %dma_start3A_519 = arith.constant 0 : i32
      %dma_start3A_520 = tpu.memref_slice %arg15[%dma_start3A_518, %dma_start3A_519] : memref<768x128xf32, #tpu.memory_space<vmem_shared>> -> memref<768x128xf32, #tpu.memory_space<vmem_shared>>
      tpu.enqueue_indirect_dma source(%dma_start3A_514 : memref<128x128xf32, #tpu.memory_space<vmem>>) target(%dma_start3A_520 : memref<768x128xf32, #tpu.memory_space<vmem_shared>>) offsets(%dma_start3A_517 : memref<128xi32, #tpu.memory_space<vmem>>) semaphore(%run_scoped3A_511 : memref<!tpu.dma_semaphore, #tpu.memory_space<semaphore_mem>>) {add = true}
      %dma_wait3A_521 = arith.constant 512 : i32
      %dma_wait3A_522 = arith.constant 0 : i32
      %dma_wait3A_523 = tpu.memref_slice %arg14[%dma_wait3A_521, %dma_wait3A_522] : memref<768x128xf32, #tpu.memory_space<vmem>> -> memref<128x128xf32, #tpu.memory_space<vmem>>
      %dma_wait3A_524 = arith.constant 0 : i32
      %dma_wait3A_525 = tpu.memref_slice %arg13[%run_scoped3A_504, %dma_wait3A_524] : memref<6x128xi32, #tpu.memory_space<vmem>> -> memref<1x128xi32, #tpu.memory_space<vmem>>
      %dma_wait3A_526 = tpu.memref_squeeze %dma_wait3A_525 : memref<1x128xi32, #tpu.memory_space<vmem>> -> memref<128xi32, #tpu.memory_space<vmem>>
      %dma_wait3A_527 = arith.constant 0 : i32
      %dma_wait3A_528 = arith.constant 0 : i32
      %dma_wait3A_529 = tpu.memref_slice %arg15[%dma_wait3A_527, %dma_wait3A_528] : memref<768x128xf32, #tpu.memory_space<vmem_shared>> -> memref<768x128xf32, #tpu.memory_space<vmem_shared>>
      tpu.wait_indirect_dma semaphore(%run_scoped3A_511 : memref<!tpu.dma_semaphore, #tpu.memory_space<semaphore_mem>>) src(%dma_wait3A_523 : memref<128x128xf32, #tpu.memory_space<vmem>>) dst(%dma_wait3A_529 : memref<768x128xf32, #tpu.memory_space<vmem_shared>>)
      tpu.yield
    }) : () -> ()
    %run_scoped3A_505 = arith.constant 5 : i32
    "tpu.region"() ({
      %run_scoped3A_511 = tpu.sem_alloc : memref<!tpu.dma_semaphore, #tpu.memory_space<semaphore_mem>>
      %dma_start3A_512 = arith.constant 640 : i32
      %dma_start3A_513 = arith.constant 0 : i32
      %dma_start3A_514 = tpu.memref_slice %arg14[%dma_start3A_512, %dma_start3A_513] : memref<768x128xf32, #tpu.memory_space<vmem>> -> memref<128x128xf32, #tpu.memory_space<vmem>>
      %dma_start3A_515 = arith.constant 0 : i32
      %dma_start3A_516 = tpu.memref_slice %arg13[%run_scoped3A_505, %dma_start3A_515] : memref<6x128xi32, #tpu.memory_space<vmem>> -> memref<1x128xi32, #tpu.memory_space<vmem>>
      %dma_start3A_517 = tpu.memref_squeeze %dma_start3A_516 : memref<1x128xi32, #tpu.memory_space<vmem>> -> memref<128xi32, #tpu.memory_space<vmem>>
      %dma_start3A_518 = arith.constant 0 : i32
      %dma_start3A_519 = arith.constant 0 : i32
      %dma_start3A_520 = tpu.memref_slice %arg15[%dma_start3A_518, %dma_start3A_519] : memref<768x128xf32, #tpu.memory_space<vmem_shared>> -> memref<768x128xf32, #tpu.memory_space<vmem_shared>>
      tpu.enqueue_indirect_dma source(%dma_start3A_514 : memref<128x128xf32, #tpu.memory_space<vmem>>) target(%dma_start3A_520 : memref<768x128xf32, #tpu.memory_space<vmem_shared>>) offsets(%dma_start3A_517 : memref<128xi32, #tpu.memory_space<vmem>>) semaphore(%run_scoped3A_511 : memref<!tpu.dma_semaphore, #tpu.memory_space<semaphore_mem>>) {add = true}
      %dma_wait3A_521 = arith.constant 640 : i32
      %dma_wait3A_522 = arith.constant 0 : i32
      %dma_wait3A_523 = tpu.memref_slice %arg14[%dma_wait3A_521, %dma_wait3A_522] : memref<768x128xf32, #tpu.memory_space<vmem>> -> memref<128x128xf32, #tpu.memory_space<vmem>>
      %dma_wait3A_524 = arith.constant 0 : i32
      %dma_wait3A_525 = tpu.memref_slice %arg13[%run_scoped3A_505, %dma_wait3A_524] : memref<6x128xi32, #tpu.memory_space<vmem>> -> memref<1x128xi32, #tpu.memory_space<vmem>>
      %dma_wait3A_526 = tpu.memref_squeeze %dma_wait3A_525 : memref<1x128xi32, #tpu.memory_space<vmem>> -> memref<128xi32, #tpu.memory_space<vmem>>
      %dma_wait3A_527 = arith.constant 0 : i32
      %dma_wait3A_528 = arith.constant 0 : i32
      %dma_wait3A_529 = tpu.memref_slice %arg15[%dma_wait3A_527, %dma_wait3A_528] : memref<768x128xf32, #tpu.memory_space<vmem_shared>> -> memref<768x128xf32, #tpu.memory_space<vmem_shared>>
      tpu.wait_indirect_dma semaphore(%run_scoped3A_511 : memref<!tpu.dma_semaphore, #tpu.memory_space<semaphore_mem>>) src(%dma_wait3A_523 : memref<128x128xf32, #tpu.memory_space<vmem>>) dst(%dma_wait3A_529 : memref<768x128xf32, #tpu.memory_space<vmem_shared>>)
      tpu.yield
    }) : () -> ()
    %barrier3A_506 = arith.constant 0 : index
    tpu.barrier barrier_id(%barrier3A_506)
    %mul3A_507 = arith.constant 48 : i32
    %mul3A_508 = arith.muli %arg1, %mul3A_507 : i32
    %mul3A_509 = arith.constant 48 : i32
    %mul3A_510 = arith.muli %arg1, %mul3A_509 : i32
    "tpu.region"() ({
      %run_scoped3A_511 = tpu.sem_alloc : memref<!tpu.dma_semaphore, #tpu.memory_space<semaphore_mem>>
      %dma_start3A_512 = arith.constant 0 : i32
      %dma_start3A_513 = tpu.memref_slice %arg7[%arg0, %mul3A_510, %dma_start3A_512] : memref<2x768x128xf32, #tpu.memory_space<hbm>> -> memref<1x48x128xf32, #tpu.memory_space<hbm>>
      %dma_start3A_514 = tpu.memref_squeeze %dma_start3A_513 : memref<1x48x128xf32, #tpu.memory_space<hbm>> -> memref<48x128xf32, #tpu.memory_space<hbm>>
      %dma_start3A_515 = arith.constant 0 : i32
      %dma_start3A_516 = tpu.memref_slice %arg15[%mul3A_508, %dma_start3A_515] : memref<768x128xf32, #tpu.memory_space<vmem_shared>> -> memref<48x128xf32, #tpu.memory_space<vmem_shared>>
      tpu.enqueue_dma source(%dma_start3A_516 : memref<48x128xf32, #tpu.memory_space<vmem_shared>>) target(%dma_start3A_514 : memref<48x128xf32, #tpu.memory_space<hbm>>) target_semaphore(%run_scoped3A_511 : memref<!tpu.dma_semaphore, #tpu.memory_space<semaphore_mem>>)
      %dma_wait3A_517 = arith.constant 0 : i32
      %dma_wait3A_518 = tpu.memref_slice %arg7[%arg0, %mul3A_510, %dma_wait3A_517] : memref<2x768x128xf32, #tpu.memory_space<hbm>> -> memref<1x48x128xf32, #tpu.memory_space<hbm>>
      %dma_wait3A_519 = tpu.memref_squeeze %dma_wait3A_518 : memref<1x48x128xf32, #tpu.memory_space<hbm>> -> memref<48x128xf32, #tpu.memory_space<hbm>>
      %dma_wait3A_520 = arith.constant 0 : i32
      %dma_wait3A_521 = tpu.memref_slice %arg15[%mul3A_508, %dma_wait3A_520] : memref<768x128xf32, #tpu.memory_space<vmem_shared>> -> memref<48x128xf32, #tpu.memory_space<vmem_shared>>
      tpu.wait_dma2 semaphore(%run_scoped3A_511 : memref<!tpu.dma_semaphore, #tpu.memory_space<semaphore_mem>>) src(%dma_wait3A_521 : memref<48x128xf32, #tpu.memory_space<vmem_shared>>) dst(%dma_wait3A_519 : memref<48x128xf32, #tpu.memory_space<hbm>>)
      tpu.yield
    }) : () -> ()
    return
  }
}

module attributes {stable_mosaic.version = 14 : i64} {
  func.func @_tc_body(%arg0: memref<2x768x128xf32, #tpu.memory_space<vmem>>, %arg1: memref<9x128x64xbf16, #tpu.memory_space<vmem>>, %arg2: memref<1x64xf32, #tpu.memory_space<vmem>>, %arg3: memref<9x64x32xbf16, #tpu.memory_space<vmem>>, %arg4: memref<1x32xf32, #tpu.memory_space<vmem>>, %arg5: memref<32x36x512xbf16, #tpu.memory_space<vmem>>, %arg6: memref<1x512xf32, #tpu.memory_space<vmem>>, %arg7: memref<128x32xbf16, #tpu.memory_space<vmem>>, %arg8: memref<1x32xf32, #tpu.memory_space<vmem>>, %arg9: memref<128x32xbf16, #tpu.memory_space<vmem>>, %arg10: memref<1x32xf32, #tpu.memory_space<vmem>>, %arg11: memref<128x32xbf16, #tpu.memory_space<vmem>>, %arg12: memref<1x32xf32, #tpu.memory_space<vmem>>, %arg13: memref<128x32xbf16, #tpu.memory_space<vmem>>, %arg14: memref<1x32xf32, #tpu.memory_space<vmem>>, %arg15: memref<32x8xbf16, #tpu.memory_space<vmem>>, %arg16: memref<1x8xf32, #tpu.memory_space<vmem>>, %arg17: memref<32x6xbf16, #tpu.memory_space<vmem>>, %arg18: memref<1x6xf32, #tpu.memory_space<vmem>>, %arg19: memref<32x1xbf16, #tpu.memory_space<vmem>>, %arg20: memref<1x1xf32, #tpu.memory_space<vmem>>, %arg21: memref<32x1xbf16, #tpu.memory_space<vmem>>, %arg22: memref<1x1xf32, #tpu.memory_space<vmem>>, %arg23: memref<1x8xf32, #tpu.memory_space<vmem>>, %arg24: memref<1x6xf32, #tpu.memory_space<vmem>>, %arg25: memref<1x2xf32, #tpu.memory_space<vmem>>) attributes {dimension_semantics = [], scalar_prefetch = 0 : i64, scratch_operands = 0 : i64, tpu.core_type = #tpu.core_type<tc>} {
    %get3A = arith.constant 0 : index
    %get3A_0 = arith.constant 0 : index
    %get3A_1 = arith.constant 0 : index
    %get3A_2 = vector.load %arg0[%get3A, %get3A_0, %get3A_1] : memref<2x768x128xf32, #tpu.memory_space<vmem>>, vector<1x768x128xf32>
    %get3A_3 = vector.shape_cast %get3A_2 : vector<1x768x128xf32> to vector<768x128xf32>
    %get3A_4 = arith.constant 1 : index
    %get3A_5 = arith.constant 0 : index
    %get3A_6 = arith.constant 0 : index
    %get3A_7 = vector.load %arg0[%get3A_4, %get3A_5, %get3A_6] : memref<2x768x128xf32, #tpu.memory_space<vmem>>, vector<1x768x128xf32>
    %get3A_8 = vector.shape_cast %get3A_7 : vector<1x768x128xf32> to vector<768x128xf32>
    %add3A = arith.addf %get3A_3, %get3A_8 : vector<768x128xf32>
    %iota3A = tpu.iota {dimensions = array<i32: 0>} : vector<768x1xi32>
    %jit3A = arith.constant 26 : i32
    %div3A = vector.broadcast %jit3A : i32 to vector<768x1xi32>
    %div3A_9 = arith.divsi %iota3A, %div3A : vector<768x1xi32>
    %sign3A = arith.constant 0 : i32
    %sign3A_10 = vector.broadcast %sign3A : i32 to vector<768x1xi32>
    %sign3A_11 = arith.cmpi sgt, %iota3A, %sign3A_10 : vector<768x1xi32>
    %sign3A_12 = arith.extui %sign3A_11 : vector<768x1xi1> to vector<768x1xi32>
    %sign3A_13 = arith.constant 0 : i32
    %sign3A_14 = vector.broadcast %sign3A_13 : i32 to vector<768x1xi32>
    %sign3A_15 = arith.cmpi slt, %iota3A, %sign3A_14 : vector<768x1xi32>
    %sign3A_16 = arith.extui %sign3A_15 : vector<768x1xi1> to vector<768x1xi32>
    %sign3A_17 = arith.subi %sign3A_12, %sign3A_16 : vector<768x1xi32>
    %sign3A_18 = arith.constant 0 : i32
    %sign3A_19 = arith.cmpi sgt, %jit3A, %sign3A_18 : i32
    %sign3A_20 = arith.extui %sign3A_19 : i1 to i32
    %sign3A_21 = arith.constant 0 : i32
    %sign3A_22 = arith.cmpi slt, %jit3A, %sign3A_21 : i32
    %sign3A_23 = arith.extui %sign3A_22 : i1 to i32
    %sign3A_24 = arith.subi %sign3A_20, %sign3A_23 : i32
    %ne3A = vector.broadcast %sign3A_24 : i32 to vector<768x1xi32>
    %ne3A_25 = arith.cmpi ne, %sign3A_17, %ne3A : vector<768x1xi32>
    %rem3A = vector.broadcast %jit3A : i32 to vector<768x1xi32>
    %rem3A_26 = arith.remsi %iota3A, %rem3A : vector<768x1xi32>
    %ne3A_27 = arith.constant 0 : i32
    %ne3A_28 = vector.broadcast %ne3A_27 : i32 to vector<768x1xi32>
    %ne3A_29 = arith.cmpi ne, %rem3A_26, %ne3A_28 : vector<768x1xi32>
    %and3A = arith.andi %ne3A_25, %ne3A_29 : vector<768x1xi1>
    %sub3A = arith.constant 1 : i32
    %sub3A_30 = vector.broadcast %sub3A : i32 to vector<768x1xi32>
    %sub3A_31 = arith.subi %div3A_9, %sub3A_30 : vector<768x1xi32>
    %select_n3A = arith.select %and3A, %sub3A_31, %div3A_9 : vector<768x1xi1>, vector<768x1xi32>
    %jit3A_32 = arith.constant 26 : i32
    %eq3A = arith.constant 0 : i32
    %eq3A_33 = arith.cmpi eq, %jit3A_32, %eq3A : i32
    %jit3A_34 = arith.constant 1 : i32
    %select_n3A_35 = arith.select %eq3A_33, %jit3A_34, %jit3A_32 : i32
    %rem3A_36 = vector.broadcast %select_n3A_35 : i32 to vector<768x1xi32>
    %rem3A_37 = arith.remsi %iota3A, %rem3A_36 : vector<768x1xi32>
    %ne3A_38 = arith.constant 0 : i32
    %ne3A_39 = vector.broadcast %ne3A_38 : i32 to vector<768x1xi32>
    %ne3A_40 = arith.cmpi ne, %rem3A_37, %ne3A_39 : vector<768x1xi32>
    %lt3A = arith.constant 0 : i32
    %lt3A_41 = vector.broadcast %lt3A : i32 to vector<768x1xi32>
    %lt3A_42 = arith.cmpi slt, %rem3A_37, %lt3A_41 : vector<768x1xi32>
    %lt3A_43 = arith.constant 0 : i32
    %lt3A_44 = arith.cmpi slt, %select_n3A_35, %lt3A_43 : i32
    %ne3A_45 = vector.broadcast %lt3A_44 : i1 to vector<768x1xi1>
    %ne3A_46 = vector.broadcast %ne3A_45 : vector<768x1xi1> to vector<768x1xi1>
    %ne3A_47 = arith.xori %lt3A_42, %ne3A_46 : vector<768x1xi1>
    %and3A_48 = arith.andi %ne3A_47, %ne3A_40 : vector<768x1xi1>
    %add3A_49 = vector.broadcast %select_n3A_35 : i32 to vector<768x1xi32>
    %add3A_50 = arith.addi %rem3A_37, %add3A_49 : vector<768x1xi32>
    %select_n3A_51 = arith.select %and3A_48, %add3A_50, %rem3A_37 : vector<768x1xi1>, vector<768x1xi32>
    %ge3A = arith.constant 1 : i32
    %ge3A_52 = vector.broadcast %ge3A : i32 to vector<768x1xi32>
    %ge3A_53 = arith.cmpi sge, %select_n3A, %ge3A_52 : vector<768x1xi32>
    %le3A = arith.constant 24 : i32
    %le3A_54 = vector.broadcast %le3A : i32 to vector<768x1xi32>
    %le3A_55 = arith.cmpi sle, %select_n3A, %le3A_54 : vector<768x1xi32>
    %and3A_56 = arith.andi %ge3A_53, %le3A_55 : vector<768x1xi1>
    %ge3A_57 = arith.constant 1 : i32
    %ge3A_58 = vector.broadcast %ge3A_57 : i32 to vector<768x1xi32>
    %ge3A_59 = arith.cmpi sge, %select_n3A_51, %ge3A_58 : vector<768x1xi32>
    %and3A_60 = arith.andi %and3A_56, %ge3A_59 : vector<768x1xi1>
    %le3A_61 = arith.constant 24 : i32
    %le3A_62 = vector.broadcast %le3A_61 : i32 to vector<768x1xi32>
    %le3A_63 = arith.cmpi sle, %select_n3A_51, %le3A_62 : vector<768x1xi32>
    %and3A_64 = arith.andi %and3A_60, %le3A_63 : vector<768x1xi1>
    %lt3A_65 = arith.constant 676 : i32
    %lt3A_66 = vector.broadcast %lt3A_65 : i32 to vector<768x1xi32>
    %lt3A_67 = arith.cmpi slt, %iota3A, %lt3A_66 : vector<768x1xi32>
    %and3A_68 = arith.andi %and3A_64, %lt3A_67 : vector<768x1xi1>
    %convert_element_type3A = arith.extui %and3A_68 : vector<768x1xi1> to vector<768x1xi32>
    %convert_element_type3A_69 = arith.sitofp %convert_element_type3A : vector<768x1xi32> to vector<768x1xf32>
    %convert_element_type3A_70 = arith.truncf %add3A : vector<768x128xf32> to vector<768x128xbf16>
    %broadcast_in_dim3A = arith.constant 0.000000e+00 : f32
    %broadcast_in_dim3A_71 = vector.broadcast %broadcast_in_dim3A : f32 to vector<768x64xf32>
    %slice3A = vector.extract_strided_slice %convert_element_type3A_70 {offsets = [741, 0], sizes = [27, 128], strides = [1, 1]} : vector<768x128xbf16> to vector<27x128xbf16>
    %slice3A_72 = vector.extract_strided_slice %convert_element_type3A_70 {offsets = [0, 0], sizes = [741, 128], strides = [1, 1]} : vector<768x128xbf16> to vector<741x128xbf16>
    %concatenate3A = tpu.concatenate %slice3A, %slice3A_72 in 0 : vector<27x128xbf16>, vector<741x128xbf16> -> vector<768x128xbf16>
    %get3A_73 = arith.constant 0 : index
    %get3A_74 = arith.constant 0 : index
    %get3A_75 = arith.constant 0 : index
    %get3A_76 = vector.load %arg1[%get3A_73, %get3A_74, %get3A_75] : memref<9x128x64xbf16, #tpu.memory_space<vmem>>, vector<1x128x64xbf16>
    %get3A_77 = vector.shape_cast %get3A_76 : vector<1x128x64xbf16> to vector<128x64xbf16>
    %dot_general3A = arith.constant dense<0.000000e+00> : vector<768x64xf32>
    %dot_general3A_78 = tpu.matmul %concatenate3A, %get3A_77, %dot_general3A {dimension_numbers = #tpu.dot_dimension_numbers<[1], [0], [0], [1], [0, 0, 1, 1], [], []>, transpose_lhs_hint = false} : vector<768x128xbf16>, vector<128x64xbf16>, vector<768x64xf32> -> vector<768x64xf32>
    %add3A_79 = arith.addf %broadcast_in_dim3A_71, %dot_general3A_78 : vector<768x64xf32>
    %slice3A_80 = vector.extract_strided_slice %convert_element_type3A_70 {offsets = [742, 0], sizes = [26, 128], strides = [1, 1]} : vector<768x128xbf16> to vector<26x128xbf16>
    %slice3A_81 = vector.extract_strided_slice %convert_element_type3A_70 {offsets = [0, 0], sizes = [742, 128], strides = [1, 1]} : vector<768x128xbf16> to vector<742x128xbf16>
    %concatenate3A_82 = tpu.concatenate %slice3A_80, %slice3A_81 in 0 : vector<26x128xbf16>, vector<742x128xbf16> -> vector<768x128xbf16>
    %get3A_83 = arith.constant 1 : index
    %get3A_84 = arith.constant 0 : index
    %get3A_85 = arith.constant 0 : index
    %get3A_86 = vector.load %arg1[%get3A_83, %get3A_84, %get3A_85] : memref<9x128x64xbf16, #tpu.memory_space<vmem>>, vector<1x128x64xbf16>
    %get3A_87 = vector.shape_cast %get3A_86 : vector<1x128x64xbf16> to vector<128x64xbf16>
    %dot_general3A_88 = arith.constant dense<0.000000e+00> : vector<768x64xf32>
    %dot_general3A_89 = tpu.matmul %concatenate3A_82, %get3A_87, %dot_general3A_88 {dimension_numbers = #tpu.dot_dimension_numbers<[1], [0], [0], [1], [0, 0, 1, 1], [], []>, transpose_lhs_hint = false} : vector<768x128xbf16>, vector<128x64xbf16>, vector<768x64xf32> -> vector<768x64xf32>
    %add3A_90 = arith.addf %add3A_79, %dot_general3A_89 : vector<768x64xf32>
    %slice3A_91 = vector.extract_strided_slice %convert_element_type3A_70 {offsets = [743, 0], sizes = [25, 128], strides = [1, 1]} : vector<768x128xbf16> to vector<25x128xbf16>
    %slice3A_92 = vector.extract_strided_slice %convert_element_type3A_70 {offsets = [0, 0], sizes = [743, 128], strides = [1, 1]} : vector<768x128xbf16> to vector<743x128xbf16>
    %concatenate3A_93 = tpu.concatenate %slice3A_91, %slice3A_92 in 0 : vector<25x128xbf16>, vector<743x128xbf16> -> vector<768x128xbf16>
    %get3A_94 = arith.constant 2 : index
    %get3A_95 = arith.constant 0 : index
    %get3A_96 = arith.constant 0 : index
    %get3A_97 = vector.load %arg1[%get3A_94, %get3A_95, %get3A_96] : memref<9x128x64xbf16, #tpu.memory_space<vmem>>, vector<1x128x64xbf16>
    %get3A_98 = vector.shape_cast %get3A_97 : vector<1x128x64xbf16> to vector<128x64xbf16>
    %dot_general3A_99 = arith.constant dense<0.000000e+00> : vector<768x64xf32>
    %dot_general3A_100 = tpu.matmul %concatenate3A_93, %get3A_98, %dot_general3A_99 {dimension_numbers = #tpu.dot_dimension_numbers<[1], [0], [0], [1], [0, 0, 1, 1], [], []>, transpose_lhs_hint = false} : vector<768x128xbf16>, vector<128x64xbf16>, vector<768x64xf32> -> vector<768x64xf32>
    %add3A_101 = arith.addf %add3A_90, %dot_general3A_100 : vector<768x64xf32>
    %slice3A_102 = vector.extract_strided_slice %convert_element_type3A_70 {offsets = [767, 0], sizes = [1, 128], strides = [1, 1]} : vector<768x128xbf16> to vector<1x128xbf16>
    %slice3A_103 = vector.extract_strided_slice %convert_element_type3A_70 {offsets = [0, 0], sizes = [767, 128], strides = [1, 1]} : vector<768x128xbf16> to vector<767x128xbf16>
    %concatenate3A_104 = tpu.concatenate %slice3A_102, %slice3A_103 in 0 : vector<1x128xbf16>, vector<767x128xbf16> -> vector<768x128xbf16>
    %get3A_105 = arith.constant 3 : index
    %get3A_106 = arith.constant 0 : index
    %get3A_107 = arith.constant 0 : index
    %get3A_108 = vector.load %arg1[%get3A_105, %get3A_106, %get3A_107] : memref<9x128x64xbf16, #tpu.memory_space<vmem>>, vector<1x128x64xbf16>
    %get3A_109 = vector.shape_cast %get3A_108 : vector<1x128x64xbf16> to vector<128x64xbf16>
    %dot_general3A_110 = arith.constant dense<0.000000e+00> : vector<768x64xf32>
    %dot_general3A_111 = tpu.matmul %concatenate3A_104, %get3A_109, %dot_general3A_110 {dimension_numbers = #tpu.dot_dimension_numbers<[1], [0], [0], [1], [0, 0, 1, 1], [], []>, transpose_lhs_hint = false} : vector<768x128xbf16>, vector<128x64xbf16>, vector<768x64xf32> -> vector<768x64xf32>
    %add3A_112 = arith.addf %add3A_101, %dot_general3A_111 : vector<768x64xf32>
    %get3A_113 = arith.constant 4 : index
    %get3A_114 = arith.constant 0 : index
    %get3A_115 = arith.constant 0 : index
    %get3A_116 = vector.load %arg1[%get3A_113, %get3A_114, %get3A_115] : memref<9x128x64xbf16, #tpu.memory_space<vmem>>, vector<1x128x64xbf16>
    %get3A_117 = vector.shape_cast %get3A_116 : vector<1x128x64xbf16> to vector<128x64xbf16>
    %dot_general3A_118 = arith.constant dense<0.000000e+00> : vector<768x64xf32>
    %dot_general3A_119 = tpu.matmul %convert_element_type3A_70, %get3A_117, %dot_general3A_118 {dimension_numbers = #tpu.dot_dimension_numbers<[1], [0], [0], [1], [0, 0, 1, 1], [], []>, transpose_lhs_hint = false} : vector<768x128xbf16>, vector<128x64xbf16>, vector<768x64xf32> -> vector<768x64xf32>
    %add3A_120 = arith.addf %add3A_112, %dot_general3A_119 : vector<768x64xf32>
    %slice3A_121 = vector.extract_strided_slice %convert_element_type3A_70 {offsets = [1, 0], sizes = [767, 128], strides = [1, 1]} : vector<768x128xbf16> to vector<767x128xbf16>
    %slice3A_122 = vector.extract_strided_slice %convert_element_type3A_70 {offsets = [0, 0], sizes = [1, 128], strides = [1, 1]} : vector<768x128xbf16> to vector<1x128xbf16>
    %concatenate3A_123 = tpu.concatenate %slice3A_121, %slice3A_122 in 0 : vector<767x128xbf16>, vector<1x128xbf16> -> vector<768x128xbf16>
    %get3A_124 = arith.constant 5 : index
    %get3A_125 = arith.constant 0 : index
    %get3A_126 = arith.constant 0 : index
    %get3A_127 = vector.load %arg1[%get3A_124, %get3A_125, %get3A_126] : memref<9x128x64xbf16, #tpu.memory_space<vmem>>, vector<1x128x64xbf16>
    %get3A_128 = vector.shape_cast %get3A_127 : vector<1x128x64xbf16> to vector<128x64xbf16>
    %dot_general3A_129 = arith.constant dense<0.000000e+00> : vector<768x64xf32>
    %dot_general3A_130 = tpu.matmul %concatenate3A_123, %get3A_128, %dot_general3A_129 {dimension_numbers = #tpu.dot_dimension_numbers<[1], [0], [0], [1], [0, 0, 1, 1], [], []>, transpose_lhs_hint = false} : vector<768x128xbf16>, vector<128x64xbf16>, vector<768x64xf32> -> vector<768x64xf32>
    %add3A_131 = arith.addf %add3A_120, %dot_general3A_130 : vector<768x64xf32>
    %slice3A_132 = vector.extract_strided_slice %convert_element_type3A_70 {offsets = [25, 0], sizes = [743, 128], strides = [1, 1]} : vector<768x128xbf16> to vector<743x128xbf16>
    %slice3A_133 = vector.extract_strided_slice %convert_element_type3A_70 {offsets = [0, 0], sizes = [25, 128], strides = [1, 1]} : vector<768x128xbf16> to vector<25x128xbf16>
    %concatenate3A_134 = tpu.concatenate %slice3A_132, %slice3A_133 in 0 : vector<743x128xbf16>, vector<25x128xbf16> -> vector<768x128xbf16>
    %get3A_135 = arith.constant 6 : index
    %get3A_136 = arith.constant 0 : index
    %get3A_137 = arith.constant 0 : index
    %get3A_138 = vector.load %arg1[%get3A_135, %get3A_136, %get3A_137] : memref<9x128x64xbf16, #tpu.memory_space<vmem>>, vector<1x128x64xbf16>
    %get3A_139 = vector.shape_cast %get3A_138 : vector<1x128x64xbf16> to vector<128x64xbf16>
    %dot_general3A_140 = arith.constant dense<0.000000e+00> : vector<768x64xf32>
    %dot_general3A_141 = tpu.matmul %concatenate3A_134, %get3A_139, %dot_general3A_140 {dimension_numbers = #tpu.dot_dimension_numbers<[1], [0], [0], [1], [0, 0, 1, 1], [], []>, transpose_lhs_hint = false} : vector<768x128xbf16>, vector<128x64xbf16>, vector<768x64xf32> -> vector<768x64xf32>
    %add3A_142 = arith.addf %add3A_131, %dot_general3A_141 : vector<768x64xf32>
    %slice3A_143 = vector.extract_strided_slice %convert_element_type3A_70 {offsets = [26, 0], sizes = [742, 128], strides = [1, 1]} : vector<768x128xbf16> to vector<742x128xbf16>
    %slice3A_144 = vector.extract_strided_slice %convert_element_type3A_70 {offsets = [0, 0], sizes = [26, 128], strides = [1, 1]} : vector<768x128xbf16> to vector<26x128xbf16>
    %concatenate3A_145 = tpu.concatenate %slice3A_143, %slice3A_144 in 0 : vector<742x128xbf16>, vector<26x128xbf16> -> vector<768x128xbf16>
    %get3A_146 = arith.constant 7 : index
    %get3A_147 = arith.constant 0 : index
    %get3A_148 = arith.constant 0 : index
    %get3A_149 = vector.load %arg1[%get3A_146, %get3A_147, %get3A_148] : memref<9x128x64xbf16, #tpu.memory_space<vmem>>, vector<1x128x64xbf16>
    %get3A_150 = vector.shape_cast %get3A_149 : vector<1x128x64xbf16> to vector<128x64xbf16>
    %dot_general3A_151 = arith.constant dense<0.000000e+00> : vector<768x64xf32>
    %dot_general3A_152 = tpu.matmul %concatenate3A_145, %get3A_150, %dot_general3A_151 {dimension_numbers = #tpu.dot_dimension_numbers<[1], [0], [0], [1], [0, 0, 1, 1], [], []>, transpose_lhs_hint = false} : vector<768x128xbf16>, vector<128x64xbf16>, vector<768x64xf32> -> vector<768x64xf32>
    %add3A_153 = arith.addf %add3A_142, %dot_general3A_152 : vector<768x64xf32>
    %slice3A_154 = vector.extract_strided_slice %convert_element_type3A_70 {offsets = [27, 0], sizes = [741, 128], strides = [1, 1]} : vector<768x128xbf16> to vector<741x128xbf16>
    %slice3A_155 = vector.extract_strided_slice %convert_element_type3A_70 {offsets = [0, 0], sizes = [27, 128], strides = [1, 1]} : vector<768x128xbf16> to vector<27x128xbf16>
    %concatenate3A_156 = tpu.concatenate %slice3A_154, %slice3A_155 in 0 : vector<741x128xbf16>, vector<27x128xbf16> -> vector<768x128xbf16>
    %get3A_157 = arith.constant 8 : index
    %get3A_158 = arith.constant 0 : index
    %get3A_159 = arith.constant 0 : index
    %get3A_160 = vector.load %arg1[%get3A_157, %get3A_158, %get3A_159] : memref<9x128x64xbf16, #tpu.memory_space<vmem>>, vector<1x128x64xbf16>
    %get3A_161 = vector.shape_cast %get3A_160 : vector<1x128x64xbf16> to vector<128x64xbf16>
    %dot_general3A_162 = arith.constant dense<0.000000e+00> : vector<768x64xf32>
    %dot_general3A_163 = tpu.matmul %concatenate3A_156, %get3A_161, %dot_general3A_162 {dimension_numbers = #tpu.dot_dimension_numbers<[1], [0], [0], [1], [0, 0, 1, 1], [], []>, transpose_lhs_hint = false} : vector<768x128xbf16>, vector<128x64xbf16>, vector<768x64xf32> -> vector<768x64xf32>
    %add3A_164 = arith.addf %add3A_153, %dot_general3A_163 : vector<768x64xf32>
    %get3A_165 = arith.constant 0 : index
    %get3A_166 = arith.constant 0 : index
    %get3A_167 = vector.load %arg2[%get3A_165, %get3A_166] : memref<1x64xf32, #tpu.memory_space<vmem>>, vector<1x64xf32>
    %add3A_168 = vector.broadcast %get3A_167 : vector<1x64xf32> to vector<768x64xf32>
    %add3A_169 = arith.addf %add3A_164, %add3A_168 : vector<768x64xf32>
    %max3A = arith.constant 0.000000e+00 : f32
    %max3A_170 = vector.broadcast %max3A : f32 to vector<768x64xf32>
    %max3A_171 = arith.maximumf %add3A_169, %max3A_170 : vector<768x64xf32>
    %mul3A = vector.broadcast %convert_element_type3A_69 : vector<768x1xf32> to vector<768x64xf32>
    %mul3A_172 = arith.mulf %max3A_171, %mul3A : vector<768x64xf32>
    %convert_element_type3A_173 = arith.truncf %mul3A_172 : vector<768x64xf32> to vector<768x64xbf16>
    %broadcast_in_dim3A_174 = arith.constant 0.000000e+00 : f32
    %broadcast_in_dim3A_175 = vector.broadcast %broadcast_in_dim3A_174 : f32 to vector<768x32xf32>
    %slice3A_176 = vector.extract_strided_slice %convert_element_type3A_173 {offsets = [741, 0], sizes = [27, 64], strides = [1, 1]} : vector<768x64xbf16> to vector<27x64xbf16>
    %slice3A_177 = vector.extract_strided_slice %convert_element_type3A_173 {offsets = [0, 0], sizes = [741, 64], strides = [1, 1]} : vector<768x64xbf16> to vector<741x64xbf16>
    %concatenate3A_178 = tpu.concatenate %slice3A_176, %slice3A_177 in 0 : vector<27x64xbf16>, vector<741x64xbf16> -> vector<768x64xbf16>
    %get3A_179 = arith.constant 0 : index
    %get3A_180 = arith.constant 0 : index
    %get3A_181 = arith.constant 0 : index
    %get3A_182 = vector.load %arg3[%get3A_179, %get3A_180, %get3A_181] : memref<9x64x32xbf16, #tpu.memory_space<vmem>>, vector<1x64x32xbf16>
    %get3A_183 = vector.shape_cast %get3A_182 : vector<1x64x32xbf16> to vector<64x32xbf16>
    %dot_general3A_184 = arith.constant dense<0.000000e+00> : vector<768x32xf32>
    %dot_general3A_185 = tpu.matmul %concatenate3A_178, %get3A_183, %dot_general3A_184 {dimension_numbers = #tpu.dot_dimension_numbers<[1], [0], [0], [1], [0, 0, 1, 1], [], []>, transpose_lhs_hint = false} : vector<768x64xbf16>, vector<64x32xbf16>, vector<768x32xf32> -> vector<768x32xf32>
    %add3A_186 = arith.addf %broadcast_in_dim3A_175, %dot_general3A_185 : vector<768x32xf32>
    %slice3A_187 = vector.extract_strided_slice %convert_element_type3A_173 {offsets = [742, 0], sizes = [26, 64], strides = [1, 1]} : vector<768x64xbf16> to vector<26x64xbf16>
    %slice3A_188 = vector.extract_strided_slice %convert_element_type3A_173 {offsets = [0, 0], sizes = [742, 64], strides = [1, 1]} : vector<768x64xbf16> to vector<742x64xbf16>
    %concatenate3A_189 = tpu.concatenate %slice3A_187, %slice3A_188 in 0 : vector<26x64xbf16>, vector<742x64xbf16> -> vector<768x64xbf16>
    %get3A_190 = arith.constant 1 : index
    %get3A_191 = arith.constant 0 : index
    %get3A_192 = arith.constant 0 : index
    %get3A_193 = vector.load %arg3[%get3A_190, %get3A_191, %get3A_192] : memref<9x64x32xbf16, #tpu.memory_space<vmem>>, vector<1x64x32xbf16>
    %get3A_194 = vector.shape_cast %get3A_193 : vector<1x64x32xbf16> to vector<64x32xbf16>
    %dot_general3A_195 = arith.constant dense<0.000000e+00> : vector<768x32xf32>
    %dot_general3A_196 = tpu.matmul %concatenate3A_189, %get3A_194, %dot_general3A_195 {dimension_numbers = #tpu.dot_dimension_numbers<[1], [0], [0], [1], [0, 0, 1, 1], [], []>, transpose_lhs_hint = false} : vector<768x64xbf16>, vector<64x32xbf16>, vector<768x32xf32> -> vector<768x32xf32>
    %add3A_197 = arith.addf %add3A_186, %dot_general3A_196 : vector<768x32xf32>
    %slice3A_198 = vector.extract_strided_slice %convert_element_type3A_173 {offsets = [743, 0], sizes = [25, 64], strides = [1, 1]} : vector<768x64xbf16> to vector<25x64xbf16>
    %slice3A_199 = vector.extract_strided_slice %convert_element_type3A_173 {offsets = [0, 0], sizes = [743, 64], strides = [1, 1]} : vector<768x64xbf16> to vector<743x64xbf16>
    %concatenate3A_200 = tpu.concatenate %slice3A_198, %slice3A_199 in 0 : vector<25x64xbf16>, vector<743x64xbf16> -> vector<768x64xbf16>
    %get3A_201 = arith.constant 2 : index
    %get3A_202 = arith.constant 0 : index
    %get3A_203 = arith.constant 0 : index
    %get3A_204 = vector.load %arg3[%get3A_201, %get3A_202, %get3A_203] : memref<9x64x32xbf16, #tpu.memory_space<vmem>>, vector<1x64x32xbf16>
    %get3A_205 = vector.shape_cast %get3A_204 : vector<1x64x32xbf16> to vector<64x32xbf16>
    %dot_general3A_206 = arith.constant dense<0.000000e+00> : vector<768x32xf32>
    %dot_general3A_207 = tpu.matmul %concatenate3A_200, %get3A_205, %dot_general3A_206 {dimension_numbers = #tpu.dot_dimension_numbers<[1], [0], [0], [1], [0, 0, 1, 1], [], []>, transpose_lhs_hint = false} : vector<768x64xbf16>, vector<64x32xbf16>, vector<768x32xf32> -> vector<768x32xf32>
    %add3A_208 = arith.addf %add3A_197, %dot_general3A_207 : vector<768x32xf32>
    %slice3A_209 = vector.extract_strided_slice %convert_element_type3A_173 {offsets = [767, 0], sizes = [1, 64], strides = [1, 1]} : vector<768x64xbf16> to vector<1x64xbf16>
    %slice3A_210 = vector.extract_strided_slice %convert_element_type3A_173 {offsets = [0, 0], sizes = [767, 64], strides = [1, 1]} : vector<768x64xbf16> to vector<767x64xbf16>
    %concatenate3A_211 = tpu.concatenate %slice3A_209, %slice3A_210 in 0 : vector<1x64xbf16>, vector<767x64xbf16> -> vector<768x64xbf16>
    %get3A_212 = arith.constant 3 : index
    %get3A_213 = arith.constant 0 : index
    %get3A_214 = arith.constant 0 : index
    %get3A_215 = vector.load %arg3[%get3A_212, %get3A_213, %get3A_214] : memref<9x64x32xbf16, #tpu.memory_space<vmem>>, vector<1x64x32xbf16>
    %get3A_216 = vector.shape_cast %get3A_215 : vector<1x64x32xbf16> to vector<64x32xbf16>
    %dot_general3A_217 = arith.constant dense<0.000000e+00> : vector<768x32xf32>
    %dot_general3A_218 = tpu.matmul %concatenate3A_211, %get3A_216, %dot_general3A_217 {dimension_numbers = #tpu.dot_dimension_numbers<[1], [0], [0], [1], [0, 0, 1, 1], [], []>, transpose_lhs_hint = false} : vector<768x64xbf16>, vector<64x32xbf16>, vector<768x32xf32> -> vector<768x32xf32>
    %add3A_219 = arith.addf %add3A_208, %dot_general3A_218 : vector<768x32xf32>
    %get3A_220 = arith.constant 4 : index
    %get3A_221 = arith.constant 0 : index
    %get3A_222 = arith.constant 0 : index
    %get3A_223 = vector.load %arg3[%get3A_220, %get3A_221, %get3A_222] : memref<9x64x32xbf16, #tpu.memory_space<vmem>>, vector<1x64x32xbf16>
    %get3A_224 = vector.shape_cast %get3A_223 : vector<1x64x32xbf16> to vector<64x32xbf16>
    %dot_general3A_225 = arith.constant dense<0.000000e+00> : vector<768x32xf32>
    %dot_general3A_226 = tpu.matmul %convert_element_type3A_173, %get3A_224, %dot_general3A_225 {dimension_numbers = #tpu.dot_dimension_numbers<[1], [0], [0], [1], [0, 0, 1, 1], [], []>, transpose_lhs_hint = false} : vector<768x64xbf16>, vector<64x32xbf16>, vector<768x32xf32> -> vector<768x32xf32>
    %add3A_227 = arith.addf %add3A_219, %dot_general3A_226 : vector<768x32xf32>
    %slice3A_228 = vector.extract_strided_slice %convert_element_type3A_173 {offsets = [1, 0], sizes = [767, 64], strides = [1, 1]} : vector<768x64xbf16> to vector<767x64xbf16>
    %slice3A_229 = vector.extract_strided_slice %convert_element_type3A_173 {offsets = [0, 0], sizes = [1, 64], strides = [1, 1]} : vector<768x64xbf16> to vector<1x64xbf16>
    %concatenate3A_230 = tpu.concatenate %slice3A_228, %slice3A_229 in 0 : vector<767x64xbf16>, vector<1x64xbf16> -> vector<768x64xbf16>
    %get3A_231 = arith.constant 5 : index
    %get3A_232 = arith.constant 0 : index
    %get3A_233 = arith.constant 0 : index
    %get3A_234 = vector.load %arg3[%get3A_231, %get3A_232, %get3A_233] : memref<9x64x32xbf16, #tpu.memory_space<vmem>>, vector<1x64x32xbf16>
    %get3A_235 = vector.shape_cast %get3A_234 : vector<1x64x32xbf16> to vector<64x32xbf16>
    %dot_general3A_236 = arith.constant dense<0.000000e+00> : vector<768x32xf32>
    %dot_general3A_237 = tpu.matmul %concatenate3A_230, %get3A_235, %dot_general3A_236 {dimension_numbers = #tpu.dot_dimension_numbers<[1], [0], [0], [1], [0, 0, 1, 1], [], []>, transpose_lhs_hint = false} : vector<768x64xbf16>, vector<64x32xbf16>, vector<768x32xf32> -> vector<768x32xf32>
    %add3A_238 = arith.addf %add3A_227, %dot_general3A_237 : vector<768x32xf32>
    %slice3A_239 = vector.extract_strided_slice %convert_element_type3A_173 {offsets = [25, 0], sizes = [743, 64], strides = [1, 1]} : vector<768x64xbf16> to vector<743x64xbf16>
    %slice3A_240 = vector.extract_strided_slice %convert_element_type3A_173 {offsets = [0, 0], sizes = [25, 64], strides = [1, 1]} : vector<768x64xbf16> to vector<25x64xbf16>
    %concatenate3A_241 = tpu.concatenate %slice3A_239, %slice3A_240 in 0 : vector<743x64xbf16>, vector<25x64xbf16> -> vector<768x64xbf16>
    %get3A_242 = arith.constant 6 : index
    %get3A_243 = arith.constant 0 : index
    %get3A_244 = arith.constant 0 : index
    %get3A_245 = vector.load %arg3[%get3A_242, %get3A_243, %get3A_244] : memref<9x64x32xbf16, #tpu.memory_space<vmem>>, vector<1x64x32xbf16>
    %get3A_246 = vector.shape_cast %get3A_245 : vector<1x64x32xbf16> to vector<64x32xbf16>
    %dot_general3A_247 = arith.constant dense<0.000000e+00> : vector<768x32xf32>
    %dot_general3A_248 = tpu.matmul %concatenate3A_241, %get3A_246, %dot_general3A_247 {dimension_numbers = #tpu.dot_dimension_numbers<[1], [0], [0], [1], [0, 0, 1, 1], [], []>, transpose_lhs_hint = false} : vector<768x64xbf16>, vector<64x32xbf16>, vector<768x32xf32> -> vector<768x32xf32>
    %add3A_249 = arith.addf %add3A_238, %dot_general3A_248 : vector<768x32xf32>
    %slice3A_250 = vector.extract_strided_slice %convert_element_type3A_173 {offsets = [26, 0], sizes = [742, 64], strides = [1, 1]} : vector<768x64xbf16> to vector<742x64xbf16>
    %slice3A_251 = vector.extract_strided_slice %convert_element_type3A_173 {offsets = [0, 0], sizes = [26, 64], strides = [1, 1]} : vector<768x64xbf16> to vector<26x64xbf16>
    %concatenate3A_252 = tpu.concatenate %slice3A_250, %slice3A_251 in 0 : vector<742x64xbf16>, vector<26x64xbf16> -> vector<768x64xbf16>
    %get3A_253 = arith.constant 7 : index
    %get3A_254 = arith.constant 0 : index
    %get3A_255 = arith.constant 0 : index
    %get3A_256 = vector.load %arg3[%get3A_253, %get3A_254, %get3A_255] : memref<9x64x32xbf16, #tpu.memory_space<vmem>>, vector<1x64x32xbf16>
    %get3A_257 = vector.shape_cast %get3A_256 : vector<1x64x32xbf16> to vector<64x32xbf16>
    %dot_general3A_258 = arith.constant dense<0.000000e+00> : vector<768x32xf32>
    %dot_general3A_259 = tpu.matmul %concatenate3A_252, %get3A_257, %dot_general3A_258 {dimension_numbers = #tpu.dot_dimension_numbers<[1], [0], [0], [1], [0, 0, 1, 1], [], []>, transpose_lhs_hint = false} : vector<768x64xbf16>, vector<64x32xbf16>, vector<768x32xf32> -> vector<768x32xf32>
    %add3A_260 = arith.addf %add3A_249, %dot_general3A_259 : vector<768x32xf32>
    %slice3A_261 = vector.extract_strided_slice %convert_element_type3A_173 {offsets = [27, 0], sizes = [741, 64], strides = [1, 1]} : vector<768x64xbf16> to vector<741x64xbf16>
    %slice3A_262 = vector.extract_strided_slice %convert_element_type3A_173 {offsets = [0, 0], sizes = [27, 64], strides = [1, 1]} : vector<768x64xbf16> to vector<27x64xbf16>
    %concatenate3A_263 = tpu.concatenate %slice3A_261, %slice3A_262 in 0 : vector<741x64xbf16>, vector<27x64xbf16> -> vector<768x64xbf16>
    %get3A_264 = arith.constant 8 : index
    %get3A_265 = arith.constant 0 : index
    %get3A_266 = arith.constant 0 : index
    %get3A_267 = vector.load %arg3[%get3A_264, %get3A_265, %get3A_266] : memref<9x64x32xbf16, #tpu.memory_space<vmem>>, vector<1x64x32xbf16>
    %get3A_268 = vector.shape_cast %get3A_267 : vector<1x64x32xbf16> to vector<64x32xbf16>
    %dot_general3A_269 = arith.constant dense<0.000000e+00> : vector<768x32xf32>
    %dot_general3A_270 = tpu.matmul %concatenate3A_263, %get3A_268, %dot_general3A_269 {dimension_numbers = #tpu.dot_dimension_numbers<[1], [0], [0], [1], [0, 0, 1, 1], [], []>, transpose_lhs_hint = false} : vector<768x64xbf16>, vector<64x32xbf16>, vector<768x32xf32> -> vector<768x32xf32>
    %add3A_271 = arith.addf %add3A_260, %dot_general3A_270 : vector<768x32xf32>
    %get3A_272 = arith.constant 0 : index
    %get3A_273 = arith.constant 0 : index
    %get3A_274 = vector.load %arg4[%get3A_272, %get3A_273] : memref<1x32xf32, #tpu.memory_space<vmem>>, vector<1x32xf32>
    %add3A_275 = vector.broadcast %get3A_274 : vector<1x32xf32> to vector<768x32xf32>
    %add3A_276 = arith.addf %add3A_271, %add3A_275 : vector<768x32xf32>
    %max3A_277 = arith.constant 0.000000e+00 : f32
    %max3A_278 = vector.broadcast %max3A_277 : f32 to vector<768x32xf32>
    %max3A_279 = arith.maximumf %add3A_276, %max3A_278 : vector<768x32xf32>
    %iota3A_280 = tpu.iota {dimensions = array<i32: 0>} : vector<36x768xi32>
    %iota3A_281 = tpu.iota {dimensions = array<i32: 1>} : vector<36x768xi32>
    %jit3A_282 = arith.constant 26 : i32
    %div3A_283 = vector.broadcast %jit3A_282 : i32 to vector<36x768xi32>
    %div3A_284 = arith.divsi %iota3A_281, %div3A_283 : vector<36x768xi32>
    %sign3A_285 = arith.constant 0 : i32
    %sign3A_286 = vector.broadcast %sign3A_285 : i32 to vector<36x768xi32>
    %sign3A_287 = arith.cmpi sgt, %iota3A_281, %sign3A_286 : vector<36x768xi32>
    %sign3A_288 = arith.extui %sign3A_287 : vector<36x768xi1> to vector<36x768xi32>
    %sign3A_289 = arith.constant 0 : i32
    %sign3A_290 = vector.broadcast %sign3A_289 : i32 to vector<36x768xi32>
    %sign3A_291 = arith.cmpi slt, %iota3A_281, %sign3A_290 : vector<36x768xi32>
    %sign3A_292 = arith.extui %sign3A_291 : vector<36x768xi1> to vector<36x768xi32>
    %sign3A_293 = arith.subi %sign3A_288, %sign3A_292 : vector<36x768xi32>
    %sign3A_294 = arith.constant 0 : i32
    %sign3A_295 = arith.cmpi sgt, %jit3A_282, %sign3A_294 : i32
    %sign3A_296 = arith.extui %sign3A_295 : i1 to i32
    %sign3A_297 = arith.constant 0 : i32
    %sign3A_298 = arith.cmpi slt, %jit3A_282, %sign3A_297 : i32
    %sign3A_299 = arith.extui %sign3A_298 : i1 to i32
    %sign3A_300 = arith.subi %sign3A_296, %sign3A_299 : i32
    %ne3A_301 = vector.broadcast %sign3A_300 : i32 to vector<36x768xi32>
    %ne3A_302 = arith.cmpi ne, %sign3A_293, %ne3A_301 : vector<36x768xi32>
    %rem3A_303 = vector.broadcast %jit3A_282 : i32 to vector<36x768xi32>
    %rem3A_304 = arith.remsi %iota3A_281, %rem3A_303 : vector<36x768xi32>
    %ne3A_305 = arith.constant 0 : i32
    %ne3A_306 = vector.broadcast %ne3A_305 : i32 to vector<36x768xi32>
    %ne3A_307 = arith.cmpi ne, %rem3A_304, %ne3A_306 : vector<36x768xi32>
    %and3A_308 = arith.andi %ne3A_302, %ne3A_307 : vector<36x768xi1>
    %sub3A_309 = arith.constant 1 : i32
    %sub3A_310 = vector.broadcast %sub3A_309 : i32 to vector<36x768xi32>
    %sub3A_311 = arith.subi %div3A_284, %sub3A_310 : vector<36x768xi32>
    %select_n3A_312 = arith.select %and3A_308, %sub3A_311, %div3A_284 : vector<36x768xi1>, vector<36x768xi32>
    %jit3A_313 = arith.constant 26 : i32
    %eq3A_314 = arith.constant 0 : i32
    %eq3A_315 = arith.cmpi eq, %jit3A_313, %eq3A_314 : i32
    %jit3A_316 = arith.constant 1 : i32
    %select_n3A_317 = arith.select %eq3A_315, %jit3A_316, %jit3A_313 : i32
    %rem3A_318 = vector.broadcast %select_n3A_317 : i32 to vector<36x768xi32>
    %rem3A_319 = arith.remsi %iota3A_281, %rem3A_318 : vector<36x768xi32>
    %ne3A_320 = arith.constant 0 : i32
    %ne3A_321 = vector.broadcast %ne3A_320 : i32 to vector<36x768xi32>
    %ne3A_322 = arith.cmpi ne, %rem3A_319, %ne3A_321 : vector<36x768xi32>
    %lt3A_323 = arith.constant 0 : i32
    %lt3A_324 = vector.broadcast %lt3A_323 : i32 to vector<36x768xi32>
    %lt3A_325 = arith.cmpi slt, %rem3A_319, %lt3A_324 : vector<36x768xi32>
    %lt3A_326 = arith.constant 0 : i32
    %lt3A_327 = arith.cmpi slt, %select_n3A_317, %lt3A_326 : i32
    %ne3A_328 = vector.broadcast %lt3A_327 : i1 to vector<36x768xi1>
    %ne3A_329 = vector.broadcast %ne3A_328 : vector<36x768xi1> to vector<36x768xi1>
    %ne3A_330 = arith.xori %lt3A_325, %ne3A_329 : vector<36x768xi1>
    %and3A_331 = arith.andi %ne3A_330, %ne3A_322 : vector<36x768xi1>
    %add3A_332 = vector.broadcast %select_n3A_317 : i32 to vector<36x768xi32>
    %add3A_333 = arith.addi %rem3A_319, %add3A_332 : vector<36x768xi32>
    %select_n3A_334 = arith.select %and3A_331, %add3A_333, %rem3A_319 : vector<36x768xi1>, vector<36x768xi32>
    %ge3A_335 = arith.constant 1 : i32
    %ge3A_336 = vector.broadcast %ge3A_335 : i32 to vector<36x768xi32>
    %ge3A_337 = arith.cmpi sge, %select_n3A_312, %ge3A_336 : vector<36x768xi32>
    %le3A_338 = arith.constant 24 : i32
    %le3A_339 = vector.broadcast %le3A_338 : i32 to vector<36x768xi32>
    %le3A_340 = arith.cmpi sle, %select_n3A_312, %le3A_339 : vector<36x768xi32>
    %and3A_341 = arith.andi %ge3A_337, %le3A_340 : vector<36x768xi1>
    %ge3A_342 = arith.constant 1 : i32
    %ge3A_343 = vector.broadcast %ge3A_342 : i32 to vector<36x768xi32>
    %ge3A_344 = arith.cmpi sge, %select_n3A_334, %ge3A_343 : vector<36x768xi32>
    %and3A_345 = arith.andi %and3A_341, %ge3A_344 : vector<36x768xi1>
    %le3A_346 = arith.constant 24 : i32
    %le3A_347 = vector.broadcast %le3A_346 : i32 to vector<36x768xi32>
    %le3A_348 = arith.cmpi sle, %select_n3A_334, %le3A_347 : vector<36x768xi32>
    %and3A_349 = arith.andi %and3A_345, %le3A_348 : vector<36x768xi1>
    %lt3A_350 = arith.constant 676 : i32
    %lt3A_351 = vector.broadcast %lt3A_350 : i32 to vector<36x768xi32>
    %lt3A_352 = arith.cmpi slt, %iota3A_281, %lt3A_351 : vector<36x768xi32>
    %and3A_353 = arith.andi %and3A_349, %lt3A_352 : vector<36x768xi1>
    %sub3A_354 = arith.constant 1 : i32
    %sub3A_355 = vector.broadcast %sub3A_354 : i32 to vector<36x768xi32>
    %sub3A_356 = arith.subi %select_n3A_312, %sub3A_355 : vector<36x768xi32>
    %jit3A_357 = arith.constant 4 : i32
    %div3A_358 = vector.broadcast %jit3A_357 : i32 to vector<36x768xi32>
    %div3A_359 = arith.divsi %sub3A_356, %div3A_358 : vector<36x768xi32>
    %sign3A_360 = arith.constant 0 : i32
    %sign3A_361 = vector.broadcast %sign3A_360 : i32 to vector<36x768xi32>
    %sign3A_362 = arith.cmpi sgt, %sub3A_356, %sign3A_361 : vector<36x768xi32>
    %sign3A_363 = arith.extui %sign3A_362 : vector<36x768xi1> to vector<36x768xi32>
    %sign3A_364 = arith.constant 0 : i32
    %sign3A_365 = vector.broadcast %sign3A_364 : i32 to vector<36x768xi32>
    %sign3A_366 = arith.cmpi slt, %sub3A_356, %sign3A_365 : vector<36x768xi32>
    %sign3A_367 = arith.extui %sign3A_366 : vector<36x768xi1> to vector<36x768xi32>
    %sign3A_368 = arith.subi %sign3A_363, %sign3A_367 : vector<36x768xi32>
    %sign3A_369 = arith.constant 0 : i32
    %sign3A_370 = arith.cmpi sgt, %jit3A_357, %sign3A_369 : i32
    %sign3A_371 = arith.extui %sign3A_370 : i1 to i32
    %sign3A_372 = arith.constant 0 : i32
    %sign3A_373 = arith.cmpi slt, %jit3A_357, %sign3A_372 : i32
    %sign3A_374 = arith.extui %sign3A_373 : i1 to i32
    %sign3A_375 = arith.subi %sign3A_371, %sign3A_374 : i32
    %ne3A_376 = vector.broadcast %sign3A_375 : i32 to vector<36x768xi32>
    %ne3A_377 = arith.cmpi ne, %sign3A_368, %ne3A_376 : vector<36x768xi32>
    %rem3A_378 = vector.broadcast %jit3A_357 : i32 to vector<36x768xi32>
    %rem3A_379 = arith.remsi %sub3A_356, %rem3A_378 : vector<36x768xi32>
    %ne3A_380 = arith.constant 0 : i32
    %ne3A_381 = vector.broadcast %ne3A_380 : i32 to vector<36x768xi32>
    %ne3A_382 = arith.cmpi ne, %rem3A_379, %ne3A_381 : vector<36x768xi32>
    %and3A_383 = arith.andi %ne3A_377, %ne3A_382 : vector<36x768xi1>
    %sub3A_384 = arith.constant 1 : i32
    %sub3A_385 = vector.broadcast %sub3A_384 : i32 to vector<36x768xi32>
    %sub3A_386 = arith.subi %div3A_359, %sub3A_385 : vector<36x768xi32>
    %select_n3A_387 = arith.select %and3A_383, %sub3A_386, %div3A_359 : vector<36x768xi1>, vector<36x768xi32>
    %mul3A_388 = arith.constant 6 : i32
    %mul3A_389 = vector.broadcast %mul3A_388 : i32 to vector<36x768xi32>
    %mul3A_390 = arith.muli %select_n3A_387, %mul3A_389 : vector<36x768xi32>
    %sub3A_391 = arith.constant 1 : i32
    %sub3A_392 = vector.broadcast %sub3A_391 : i32 to vector<36x768xi32>
    %sub3A_393 = arith.subi %select_n3A_334, %sub3A_392 : vector<36x768xi32>
    %jit3A_394 = arith.constant 4 : i32
    %div3A_395 = vector.broadcast %jit3A_394 : i32 to vector<36x768xi32>
    %div3A_396 = arith.divsi %sub3A_393, %div3A_395 : vector<36x768xi32>
    %sign3A_397 = arith.constant 0 : i32
    %sign3A_398 = vector.broadcast %sign3A_397 : i32 to vector<36x768xi32>
    %sign3A_399 = arith.cmpi sgt, %sub3A_393, %sign3A_398 : vector<36x768xi32>
    %sign3A_400 = arith.extui %sign3A_399 : vector<36x768xi1> to vector<36x768xi32>
    %sign3A_401 = arith.constant 0 : i32
    %sign3A_402 = vector.broadcast %sign3A_401 : i32 to vector<36x768xi32>
    %sign3A_403 = arith.cmpi slt, %sub3A_393, %sign3A_402 : vector<36x768xi32>
    %sign3A_404 = arith.extui %sign3A_403 : vector<36x768xi1> to vector<36x768xi32>
    %sign3A_405 = arith.subi %sign3A_400, %sign3A_404 : vector<36x768xi32>
    %sign3A_406 = arith.constant 0 : i32
    %sign3A_407 = arith.cmpi sgt, %jit3A_394, %sign3A_406 : i32
    %sign3A_408 = arith.extui %sign3A_407 : i1 to i32
    %sign3A_409 = arith.constant 0 : i32
    %sign3A_410 = arith.cmpi slt, %jit3A_394, %sign3A_409 : i32
    %sign3A_411 = arith.extui %sign3A_410 : i1 to i32
    %sign3A_412 = arith.subi %sign3A_408, %sign3A_411 : i32
    %ne3A_413 = vector.broadcast %sign3A_412 : i32 to vector<36x768xi32>
    %ne3A_414 = arith.cmpi ne, %sign3A_405, %ne3A_413 : vector<36x768xi32>
    %rem3A_415 = vector.broadcast %jit3A_394 : i32 to vector<36x768xi32>
    %rem3A_416 = arith.remsi %sub3A_393, %rem3A_415 : vector<36x768xi32>
    %ne3A_417 = arith.constant 0 : i32
    %ne3A_418 = vector.broadcast %ne3A_417 : i32 to vector<36x768xi32>
    %ne3A_419 = arith.cmpi ne, %rem3A_416, %ne3A_418 : vector<36x768xi32>
    %and3A_420 = arith.andi %ne3A_414, %ne3A_419 : vector<36x768xi1>
    %sub3A_421 = arith.constant 1 : i32
    %sub3A_422 = vector.broadcast %sub3A_421 : i32 to vector<36x768xi32>
    %sub3A_423 = arith.subi %div3A_396, %sub3A_422 : vector<36x768xi32>
    %select_n3A_424 = arith.select %and3A_420, %sub3A_423, %div3A_396 : vector<36x768xi1>, vector<36x768xi32>
    %add3A_425 = arith.addi %mul3A_390, %select_n3A_424 : vector<36x768xi32>
    %eq3A_426 = arith.cmpi eq, %iota3A_280, %add3A_425 : vector<36x768xi32>
    %and3A_427 = arith.andi %eq3A_426, %and3A_353 : vector<36x768xi1>
    %jit3A_428 = arith.constant 6.250000e-02 : f32
    %jit3A_429 = arith.constant 0.000000e+00 : f32
    %broadcast_in_dim3A_430 = vector.broadcast %jit3A_428 : f32 to vector<36x768xf32>
    %broadcast_in_dim3A_431 = vector.broadcast %jit3A_429 : f32 to vector<36x768xf32>
    %select_n3A_432 = arith.select %and3A_427, %broadcast_in_dim3A_430, %broadcast_in_dim3A_431 : vector<36x768xi1>, vector<36x768xf32>
    %dot_general3A_433 = arith.constant dense<0.000000e+00> : vector<36x32xf32>
    %dot_general3A_434 = tpu.matmul %select_n3A_432, %max3A_279, %dot_general3A_433 {dimension_numbers = #tpu.dot_dimension_numbers<[1], [0], [0], [1], [0, 0, 1, 1], [], []>, precision = #tpu.contract_precision<fp32>, transpose_lhs_hint = false} : vector<36x768xf32>, vector<768x32xf32>, vector<36x32xf32> -> vector<36x32xf32>
    %convert_element_type3A_435 = arith.truncf %dot_general3A_434 : vector<36x32xf32> to vector<36x32xbf16>
    %broadcast_in_dim3A_436 = arith.constant 0.000000e+00 : f32
    %broadcast_in_dim3A_437 = vector.broadcast %broadcast_in_dim3A_436 : f32 to vector<1x512xf32>
    %slice3A_438 = vector.extract_strided_slice %convert_element_type3A_435 {offsets = [0, 0], sizes = [36, 1], strides = [1, 1]} : vector<36x32xbf16> to vector<36x1xbf16>
    %get3A_439 = arith.constant 0 : index
    %get3A_440 = arith.constant 0 : index
    %get3A_441 = arith.constant 0 : index
    %get3A_442 = vector.load %arg5[%get3A_439, %get3A_440, %get3A_441] : memref<32x36x512xbf16, #tpu.memory_space<vmem>>, vector<1x36x512xbf16>
    %get3A_443 = vector.shape_cast %get3A_442 : vector<1x36x512xbf16> to vector<36x512xbf16>
    %dot_general3A_444 = arith.constant dense<0.000000e+00> : vector<1x512xf32>
    %dot_general3A_445 = tpu.matmul %slice3A_438, %get3A_443, %dot_general3A_444 {dimension_numbers = #tpu.dot_dimension_numbers<[0], [0], [1], [1], [0, 1, 1, 1], [], []>, transpose_lhs_hint = false} : vector<36x1xbf16>, vector<36x512xbf16>, vector<1x512xf32> -> vector<1x512xf32>
    %add3A_446 = arith.addf %broadcast_in_dim3A_437, %dot_general3A_445 : vector<1x512xf32>
    %slice3A_447 = vector.extract_strided_slice %convert_element_type3A_435 {offsets = [0, 1], sizes = [36, 1], strides = [1, 1]} : vector<36x32xbf16> to vector<36x1xbf16>
    %get3A_448 = arith.constant 1 : index
    %get3A_449 = arith.constant 0 : index
    %get3A_450 = arith.constant 0 : index
    %get3A_451 = vector.load %arg5[%get3A_448, %get3A_449, %get3A_450] : memref<32x36x512xbf16, #tpu.memory_space<vmem>>, vector<1x36x512xbf16>
    %get3A_452 = vector.shape_cast %get3A_451 : vector<1x36x512xbf16> to vector<36x512xbf16>
    %dot_general3A_453 = arith.constant dense<0.000000e+00> : vector<1x512xf32>
    %dot_general3A_454 = tpu.matmul %slice3A_447, %get3A_452, %dot_general3A_453 {dimension_numbers = #tpu.dot_dimension_numbers<[0], [0], [1], [1], [0, 1, 1, 1], [], []>, transpose_lhs_hint = false} : vector<36x1xbf16>, vector<36x512xbf16>, vector<1x512xf32> -> vector<1x512xf32>
    %add3A_455 = arith.addf %add3A_446, %dot_general3A_454 : vector<1x512xf32>
    %slice3A_456 = vector.extract_strided_slice %convert_element_type3A_435 {offsets = [0, 2], sizes = [36, 1], strides = [1, 1]} : vector<36x32xbf16> to vector<36x1xbf16>
    %get3A_457 = arith.constant 2 : index
    %get3A_458 = arith.constant 0 : index
    %get3A_459 = arith.constant 0 : index
    %get3A_460 = vector.load %arg5[%get3A_457, %get3A_458, %get3A_459] : memref<32x36x512xbf16, #tpu.memory_space<vmem>>, vector<1x36x512xbf16>
    %get3A_461 = vector.shape_cast %get3A_460 : vector<1x36x512xbf16> to vector<36x512xbf16>
    %dot_general3A_462 = arith.constant dense<0.000000e+00> : vector<1x512xf32>
    %dot_general3A_463 = tpu.matmul %slice3A_456, %get3A_461, %dot_general3A_462 {dimension_numbers = #tpu.dot_dimension_numbers<[0], [0], [1], [1], [0, 1, 1, 1], [], []>, transpose_lhs_hint = false} : vector<36x1xbf16>, vector<36x512xbf16>, vector<1x512xf32> -> vector<1x512xf32>
    %add3A_464 = arith.addf %add3A_455, %dot_general3A_463 : vector<1x512xf32>
    %slice3A_465 = vector.extract_strided_slice %convert_element_type3A_435 {offsets = [0, 3], sizes = [36, 1], strides = [1, 1]} : vector<36x32xbf16> to vector<36x1xbf16>
    %get3A_466 = arith.constant 3 : index
    %get3A_467 = arith.constant 0 : index
    %get3A_468 = arith.constant 0 : index
    %get3A_469 = vector.load %arg5[%get3A_466, %get3A_467, %get3A_468] : memref<32x36x512xbf16, #tpu.memory_space<vmem>>, vector<1x36x512xbf16>
    %get3A_470 = vector.shape_cast %get3A_469 : vector<1x36x512xbf16> to vector<36x512xbf16>
    %dot_general3A_471 = arith.constant dense<0.000000e+00> : vector<1x512xf32>
    %dot_general3A_472 = tpu.matmul %slice3A_465, %get3A_470, %dot_general3A_471 {dimension_numbers = #tpu.dot_dimension_numbers<[0], [0], [1], [1], [0, 1, 1, 1], [], []>, transpose_lhs_hint = false} : vector<36x1xbf16>, vector<36x512xbf16>, vector<1x512xf32> -> vector<1x512xf32>
    %add3A_473 = arith.addf %add3A_464, %dot_general3A_472 : vector<1x512xf32>
    %slice3A_474 = vector.extract_strided_slice %convert_element_type3A_435 {offsets = [0, 4], sizes = [36, 1], strides = [1, 1]} : vector<36x32xbf16> to vector<36x1xbf16>
    %get3A_475 = arith.constant 4 : index
    %get3A_476 = arith.constant 0 : index
    %get3A_477 = arith.constant 0 : index
    %get3A_478 = vector.load %arg5[%get3A_475, %get3A_476, %get3A_477] : memref<32x36x512xbf16, #tpu.memory_space<vmem>>, vector<1x36x512xbf16>
    %get3A_479 = vector.shape_cast %get3A_478 : vector<1x36x512xbf16> to vector<36x512xbf16>
    %dot_general3A_480 = arith.constant dense<0.000000e+00> : vector<1x512xf32>
    %dot_general3A_481 = tpu.matmul %slice3A_474, %get3A_479, %dot_general3A_480 {dimension_numbers = #tpu.dot_dimension_numbers<[0], [0], [1], [1], [0, 1, 1, 1], [], []>, transpose_lhs_hint = false} : vector<36x1xbf16>, vector<36x512xbf16>, vector<1x512xf32> -> vector<1x512xf32>
    %add3A_482 = arith.addf %add3A_473, %dot_general3A_481 : vector<1x512xf32>
    %slice3A_483 = vector.extract_strided_slice %convert_element_type3A_435 {offsets = [0, 5], sizes = [36, 1], strides = [1, 1]} : vector<36x32xbf16> to vector<36x1xbf16>
    %get3A_484 = arith.constant 5 : index
    %get3A_485 = arith.constant 0 : index
    %get3A_486 = arith.constant 0 : index
    %get3A_487 = vector.load %arg5[%get3A_484, %get3A_485, %get3A_486] : memref<32x36x512xbf16, #tpu.memory_space<vmem>>, vector<1x36x512xbf16>
    %get3A_488 = vector.shape_cast %get3A_487 : vector<1x36x512xbf16> to vector<36x512xbf16>
    %dot_general3A_489 = arith.constant dense<0.000000e+00> : vector<1x512xf32>
    %dot_general3A_490 = tpu.matmul %slice3A_483, %get3A_488, %dot_general3A_489 {dimension_numbers = #tpu.dot_dimension_numbers<[0], [0], [1], [1], [0, 1, 1, 1], [], []>, transpose_lhs_hint = false} : vector<36x1xbf16>, vector<36x512xbf16>, vector<1x512xf32> -> vector<1x512xf32>
    %add3A_491 = arith.addf %add3A_482, %dot_general3A_490 : vector<1x512xf32>
    %slice3A_492 = vector.extract_strided_slice %convert_element_type3A_435 {offsets = [0, 6], sizes = [36, 1], strides = [1, 1]} : vector<36x32xbf16> to vector<36x1xbf16>
    %get3A_493 = arith.constant 6 : index
    %get3A_494 = arith.constant 0 : index
    %get3A_495 = arith.constant 0 : index
    %get3A_496 = vector.load %arg5[%get3A_493, %get3A_494, %get3A_495] : memref<32x36x512xbf16, #tpu.memory_space<vmem>>, vector<1x36x512xbf16>
    %get3A_497 = vector.shape_cast %get3A_496 : vector<1x36x512xbf16> to vector<36x512xbf16>
    %dot_general3A_498 = arith.constant dense<0.000000e+00> : vector<1x512xf32>
    %dot_general3A_499 = tpu.matmul %slice3A_492, %get3A_497, %dot_general3A_498 {dimension_numbers = #tpu.dot_dimension_numbers<[0], [0], [1], [1], [0, 1, 1, 1], [], []>, transpose_lhs_hint = false} : vector<36x1xbf16>, vector<36x512xbf16>, vector<1x512xf32> -> vector<1x512xf32>
    %add3A_500 = arith.addf %add3A_491, %dot_general3A_499 : vector<1x512xf32>
    %slice3A_501 = vector.extract_strided_slice %convert_element_type3A_435 {offsets = [0, 7], sizes = [36, 1], strides = [1, 1]} : vector<36x32xbf16> to vector<36x1xbf16>
    %get3A_502 = arith.constant 7 : index
    %get3A_503 = arith.constant 0 : index
    %get3A_504 = arith.constant 0 : index
    %get3A_505 = vector.load %arg5[%get3A_502, %get3A_503, %get3A_504] : memref<32x36x512xbf16, #tpu.memory_space<vmem>>, vector<1x36x512xbf16>
    %get3A_506 = vector.shape_cast %get3A_505 : vector<1x36x512xbf16> to vector<36x512xbf16>
    %dot_general3A_507 = arith.constant dense<0.000000e+00> : vector<1x512xf32>
    %dot_general3A_508 = tpu.matmul %slice3A_501, %get3A_506, %dot_general3A_507 {dimension_numbers = #tpu.dot_dimension_numbers<[0], [0], [1], [1], [0, 1, 1, 1], [], []>, transpose_lhs_hint = false} : vector<36x1xbf16>, vector<36x512xbf16>, vector<1x512xf32> -> vector<1x512xf32>
    %add3A_509 = arith.addf %add3A_500, %dot_general3A_508 : vector<1x512xf32>
    %slice3A_510 = vector.extract_strided_slice %convert_element_type3A_435 {offsets = [0, 8], sizes = [36, 1], strides = [1, 1]} : vector<36x32xbf16> to vector<36x1xbf16>
    %get3A_511 = arith.constant 8 : index
    %get3A_512 = arith.constant 0 : index
    %get3A_513 = arith.constant 0 : index
    %get3A_514 = vector.load %arg5[%get3A_511, %get3A_512, %get3A_513] : memref<32x36x512xbf16, #tpu.memory_space<vmem>>, vector<1x36x512xbf16>
    %get3A_515 = vector.shape_cast %get3A_514 : vector<1x36x512xbf16> to vector<36x512xbf16>
    %dot_general3A_516 = arith.constant dense<0.000000e+00> : vector<1x512xf32>
    %dot_general3A_517 = tpu.matmul %slice3A_510, %get3A_515, %dot_general3A_516 {dimension_numbers = #tpu.dot_dimension_numbers<[0], [0], [1], [1], [0, 1, 1, 1], [], []>, transpose_lhs_hint = false} : vector<36x1xbf16>, vector<36x512xbf16>, vector<1x512xf32> -> vector<1x512xf32>
    %add3A_518 = arith.addf %add3A_509, %dot_general3A_517 : vector<1x512xf32>
    %slice3A_519 = vector.extract_strided_slice %convert_element_type3A_435 {offsets = [0, 9], sizes = [36, 1], strides = [1, 1]} : vector<36x32xbf16> to vector<36x1xbf16>
    %get3A_520 = arith.constant 9 : index
    %get3A_521 = arith.constant 0 : index
    %get3A_522 = arith.constant 0 : index
    %get3A_523 = vector.load %arg5[%get3A_520, %get3A_521, %get3A_522] : memref<32x36x512xbf16, #tpu.memory_space<vmem>>, vector<1x36x512xbf16>
    %get3A_524 = vector.shape_cast %get3A_523 : vector<1x36x512xbf16> to vector<36x512xbf16>
    %dot_general3A_525 = arith.constant dense<0.000000e+00> : vector<1x512xf32>
    %dot_general3A_526 = tpu.matmul %slice3A_519, %get3A_524, %dot_general3A_525 {dimension_numbers = #tpu.dot_dimension_numbers<[0], [0], [1], [1], [0, 1, 1, 1], [], []>, transpose_lhs_hint = false} : vector<36x1xbf16>, vector<36x512xbf16>, vector<1x512xf32> -> vector<1x512xf32>
    %add3A_527 = arith.addf %add3A_518, %dot_general3A_526 : vector<1x512xf32>
    %slice3A_528 = vector.extract_strided_slice %convert_element_type3A_435 {offsets = [0, 10], sizes = [36, 1], strides = [1, 1]} : vector<36x32xbf16> to vector<36x1xbf16>
    %get3A_529 = arith.constant 10 : index
    %get3A_530 = arith.constant 0 : index
    %get3A_531 = arith.constant 0 : index
    %get3A_532 = vector.load %arg5[%get3A_529, %get3A_530, %get3A_531] : memref<32x36x512xbf16, #tpu.memory_space<vmem>>, vector<1x36x512xbf16>
    %get3A_533 = vector.shape_cast %get3A_532 : vector<1x36x512xbf16> to vector<36x512xbf16>
    %dot_general3A_534 = arith.constant dense<0.000000e+00> : vector<1x512xf32>
    %dot_general3A_535 = tpu.matmul %slice3A_528, %get3A_533, %dot_general3A_534 {dimension_numbers = #tpu.dot_dimension_numbers<[0], [0], [1], [1], [0, 1, 1, 1], [], []>, transpose_lhs_hint = false} : vector<36x1xbf16>, vector<36x512xbf16>, vector<1x512xf32> -> vector<1x512xf32>
    %add3A_536 = arith.addf %add3A_527, %dot_general3A_535 : vector<1x512xf32>
    %slice3A_537 = vector.extract_strided_slice %convert_element_type3A_435 {offsets = [0, 11], sizes = [36, 1], strides = [1, 1]} : vector<36x32xbf16> to vector<36x1xbf16>
    %get3A_538 = arith.constant 11 : index
    %get3A_539 = arith.constant 0 : index
    %get3A_540 = arith.constant 0 : index
    %get3A_541 = vector.load %arg5[%get3A_538, %get3A_539, %get3A_540] : memref<32x36x512xbf16, #tpu.memory_space<vmem>>, vector<1x36x512xbf16>
    %get3A_542 = vector.shape_cast %get3A_541 : vector<1x36x512xbf16> to vector<36x512xbf16>
    %dot_general3A_543 = arith.constant dense<0.000000e+00> : vector<1x512xf32>
    %dot_general3A_544 = tpu.matmul %slice3A_537, %get3A_542, %dot_general3A_543 {dimension_numbers = #tpu.dot_dimension_numbers<[0], [0], [1], [1], [0, 1, 1, 1], [], []>, transpose_lhs_hint = false} : vector<36x1xbf16>, vector<36x512xbf16>, vector<1x512xf32> -> vector<1x512xf32>
    %add3A_545 = arith.addf %add3A_536, %dot_general3A_544 : vector<1x512xf32>
    %slice3A_546 = vector.extract_strided_slice %convert_element_type3A_435 {offsets = [0, 12], sizes = [36, 1], strides = [1, 1]} : vector<36x32xbf16> to vector<36x1xbf16>
    %get3A_547 = arith.constant 12 : index
    %get3A_548 = arith.constant 0 : index
    %get3A_549 = arith.constant 0 : index
    %get3A_550 = vector.load %arg5[%get3A_547, %get3A_548, %get3A_549] : memref<32x36x512xbf16, #tpu.memory_space<vmem>>, vector<1x36x512xbf16>
    %get3A_551 = vector.shape_cast %get3A_550 : vector<1x36x512xbf16> to vector<36x512xbf16>
    %dot_general3A_552 = arith.constant dense<0.000000e+00> : vector<1x512xf32>
    %dot_general3A_553 = tpu.matmul %slice3A_546, %get3A_551, %dot_general3A_552 {dimension_numbers = #tpu.dot_dimension_numbers<[0], [0], [1], [1], [0, 1, 1, 1], [], []>, transpose_lhs_hint = false} : vector<36x1xbf16>, vector<36x512xbf16>, vector<1x512xf32> -> vector<1x512xf32>
    %add3A_554 = arith.addf %add3A_545, %dot_general3A_553 : vector<1x512xf32>
    %slice3A_555 = vector.extract_strided_slice %convert_element_type3A_435 {offsets = [0, 13], sizes = [36, 1], strides = [1, 1]} : vector<36x32xbf16> to vector<36x1xbf16>
    %get3A_556 = arith.constant 13 : index
    %get3A_557 = arith.constant 0 : index
    %get3A_558 = arith.constant 0 : index
    %get3A_559 = vector.load %arg5[%get3A_556, %get3A_557, %get3A_558] : memref<32x36x512xbf16, #tpu.memory_space<vmem>>, vector<1x36x512xbf16>
    %get3A_560 = vector.shape_cast %get3A_559 : vector<1x36x512xbf16> to vector<36x512xbf16>
    %dot_general3A_561 = arith.constant dense<0.000000e+00> : vector<1x512xf32>
    %dot_general3A_562 = tpu.matmul %slice3A_555, %get3A_560, %dot_general3A_561 {dimension_numbers = #tpu.dot_dimension_numbers<[0], [0], [1], [1], [0, 1, 1, 1], [], []>, transpose_lhs_hint = false} : vector<36x1xbf16>, vector<36x512xbf16>, vector<1x512xf32> -> vector<1x512xf32>
    %add3A_563 = arith.addf %add3A_554, %dot_general3A_562 : vector<1x512xf32>
    %slice3A_564 = vector.extract_strided_slice %convert_element_type3A_435 {offsets = [0, 14], sizes = [36, 1], strides = [1, 1]} : vector<36x32xbf16> to vector<36x1xbf16>
    %get3A_565 = arith.constant 14 : index
    %get3A_566 = arith.constant 0 : index
    %get3A_567 = arith.constant 0 : index
    %get3A_568 = vector.load %arg5[%get3A_565, %get3A_566, %get3A_567] : memref<32x36x512xbf16, #tpu.memory_space<vmem>>, vector<1x36x512xbf16>
    %get3A_569 = vector.shape_cast %get3A_568 : vector<1x36x512xbf16> to vector<36x512xbf16>
    %dot_general3A_570 = arith.constant dense<0.000000e+00> : vector<1x512xf32>
    %dot_general3A_571 = tpu.matmul %slice3A_564, %get3A_569, %dot_general3A_570 {dimension_numbers = #tpu.dot_dimension_numbers<[0], [0], [1], [1], [0, 1, 1, 1], [], []>, transpose_lhs_hint = false} : vector<36x1xbf16>, vector<36x512xbf16>, vector<1x512xf32> -> vector<1x512xf32>
    %add3A_572 = arith.addf %add3A_563, %dot_general3A_571 : vector<1x512xf32>
    %slice3A_573 = vector.extract_strided_slice %convert_element_type3A_435 {offsets = [0, 15], sizes = [36, 1], strides = [1, 1]} : vector<36x32xbf16> to vector<36x1xbf16>
    %get3A_574 = arith.constant 15 : index
    %get3A_575 = arith.constant 0 : index
    %get3A_576 = arith.constant 0 : index
    %get3A_577 = vector.load %arg5[%get3A_574, %get3A_575, %get3A_576] : memref<32x36x512xbf16, #tpu.memory_space<vmem>>, vector<1x36x512xbf16>
    %get3A_578 = vector.shape_cast %get3A_577 : vector<1x36x512xbf16> to vector<36x512xbf16>
    %dot_general3A_579 = arith.constant dense<0.000000e+00> : vector<1x512xf32>
    %dot_general3A_580 = tpu.matmul %slice3A_573, %get3A_578, %dot_general3A_579 {dimension_numbers = #tpu.dot_dimension_numbers<[0], [0], [1], [1], [0, 1, 1, 1], [], []>, transpose_lhs_hint = false} : vector<36x1xbf16>, vector<36x512xbf16>, vector<1x512xf32> -> vector<1x512xf32>
    %add3A_581 = arith.addf %add3A_572, %dot_general3A_580 : vector<1x512xf32>
    %slice3A_582 = vector.extract_strided_slice %convert_element_type3A_435 {offsets = [0, 16], sizes = [36, 1], strides = [1, 1]} : vector<36x32xbf16> to vector<36x1xbf16>
    %get3A_583 = arith.constant 16 : index
    %get3A_584 = arith.constant 0 : index
    %get3A_585 = arith.constant 0 : index
    %get3A_586 = vector.load %arg5[%get3A_583, %get3A_584, %get3A_585] : memref<32x36x512xbf16, #tpu.memory_space<vmem>>, vector<1x36x512xbf16>
    %get3A_587 = vector.shape_cast %get3A_586 : vector<1x36x512xbf16> to vector<36x512xbf16>
    %dot_general3A_588 = arith.constant dense<0.000000e+00> : vector<1x512xf32>
    %dot_general3A_589 = tpu.matmul %slice3A_582, %get3A_587, %dot_general3A_588 {dimension_numbers = #tpu.dot_dimension_numbers<[0], [0], [1], [1], [0, 1, 1, 1], [], []>, transpose_lhs_hint = false} : vector<36x1xbf16>, vector<36x512xbf16>, vector<1x512xf32> -> vector<1x512xf32>
    %add3A_590 = arith.addf %add3A_581, %dot_general3A_589 : vector<1x512xf32>
    %slice3A_591 = vector.extract_strided_slice %convert_element_type3A_435 {offsets = [0, 17], sizes = [36, 1], strides = [1, 1]} : vector<36x32xbf16> to vector<36x1xbf16>
    %get3A_592 = arith.constant 17 : index
    %get3A_593 = arith.constant 0 : index
    %get3A_594 = arith.constant 0 : index
    %get3A_595 = vector.load %arg5[%get3A_592, %get3A_593, %get3A_594] : memref<32x36x512xbf16, #tpu.memory_space<vmem>>, vector<1x36x512xbf16>
    %get3A_596 = vector.shape_cast %get3A_595 : vector<1x36x512xbf16> to vector<36x512xbf16>
    %dot_general3A_597 = arith.constant dense<0.000000e+00> : vector<1x512xf32>
    %dot_general3A_598 = tpu.matmul %slice3A_591, %get3A_596, %dot_general3A_597 {dimension_numbers = #tpu.dot_dimension_numbers<[0], [0], [1], [1], [0, 1, 1, 1], [], []>, transpose_lhs_hint = false} : vector<36x1xbf16>, vector<36x512xbf16>, vector<1x512xf32> -> vector<1x512xf32>
    %add3A_599 = arith.addf %add3A_590, %dot_general3A_598 : vector<1x512xf32>
    %slice3A_600 = vector.extract_strided_slice %convert_element_type3A_435 {offsets = [0, 18], sizes = [36, 1], strides = [1, 1]} : vector<36x32xbf16> to vector<36x1xbf16>
    %get3A_601 = arith.constant 18 : index
    %get3A_602 = arith.constant 0 : index
    %get3A_603 = arith.constant 0 : index
    %get3A_604 = vector.load %arg5[%get3A_601, %get3A_602, %get3A_603] : memref<32x36x512xbf16, #tpu.memory_space<vmem>>, vector<1x36x512xbf16>
    %get3A_605 = vector.shape_cast %get3A_604 : vector<1x36x512xbf16> to vector<36x512xbf16>
    %dot_general3A_606 = arith.constant dense<0.000000e+00> : vector<1x512xf32>
    %dot_general3A_607 = tpu.matmul %slice3A_600, %get3A_605, %dot_general3A_606 {dimension_numbers = #tpu.dot_dimension_numbers<[0], [0], [1], [1], [0, 1, 1, 1], [], []>, transpose_lhs_hint = false} : vector<36x1xbf16>, vector<36x512xbf16>, vector<1x512xf32> -> vector<1x512xf32>
    %add3A_608 = arith.addf %add3A_599, %dot_general3A_607 : vector<1x512xf32>
    %slice3A_609 = vector.extract_strided_slice %convert_element_type3A_435 {offsets = [0, 19], sizes = [36, 1], strides = [1, 1]} : vector<36x32xbf16> to vector<36x1xbf16>
    %get3A_610 = arith.constant 19 : index
    %get3A_611 = arith.constant 0 : index
    %get3A_612 = arith.constant 0 : index
    %get3A_613 = vector.load %arg5[%get3A_610, %get3A_611, %get3A_612] : memref<32x36x512xbf16, #tpu.memory_space<vmem>>, vector<1x36x512xbf16>
    %get3A_614 = vector.shape_cast %get3A_613 : vector<1x36x512xbf16> to vector<36x512xbf16>
    %dot_general3A_615 = arith.constant dense<0.000000e+00> : vector<1x512xf32>
    %dot_general3A_616 = tpu.matmul %slice3A_609, %get3A_614, %dot_general3A_615 {dimension_numbers = #tpu.dot_dimension_numbers<[0], [0], [1], [1], [0, 1, 1, 1], [], []>, transpose_lhs_hint = false} : vector<36x1xbf16>, vector<36x512xbf16>, vector<1x512xf32> -> vector<1x512xf32>
    %add3A_617 = arith.addf %add3A_608, %dot_general3A_616 : vector<1x512xf32>
    %slice3A_618 = vector.extract_strided_slice %convert_element_type3A_435 {offsets = [0, 20], sizes = [36, 1], strides = [1, 1]} : vector<36x32xbf16> to vector<36x1xbf16>
    %get3A_619 = arith.constant 20 : index
    %get3A_620 = arith.constant 0 : index
    %get3A_621 = arith.constant 0 : index
    %get3A_622 = vector.load %arg5[%get3A_619, %get3A_620, %get3A_621] : memref<32x36x512xbf16, #tpu.memory_space<vmem>>, vector<1x36x512xbf16>
    %get3A_623 = vector.shape_cast %get3A_622 : vector<1x36x512xbf16> to vector<36x512xbf16>
    %dot_general3A_624 = arith.constant dense<0.000000e+00> : vector<1x512xf32>
    %dot_general3A_625 = tpu.matmul %slice3A_618, %get3A_623, %dot_general3A_624 {dimension_numbers = #tpu.dot_dimension_numbers<[0], [0], [1], [1], [0, 1, 1, 1], [], []>, transpose_lhs_hint = false} : vector<36x1xbf16>, vector<36x512xbf16>, vector<1x512xf32> -> vector<1x512xf32>
    %add3A_626 = arith.addf %add3A_617, %dot_general3A_625 : vector<1x512xf32>
    %slice3A_627 = vector.extract_strided_slice %convert_element_type3A_435 {offsets = [0, 21], sizes = [36, 1], strides = [1, 1]} : vector<36x32xbf16> to vector<36x1xbf16>
    %get3A_628 = arith.constant 21 : index
    %get3A_629 = arith.constant 0 : index
    %get3A_630 = arith.constant 0 : index
    %get3A_631 = vector.load %arg5[%get3A_628, %get3A_629, %get3A_630] : memref<32x36x512xbf16, #tpu.memory_space<vmem>>, vector<1x36x512xbf16>
    %get3A_632 = vector.shape_cast %get3A_631 : vector<1x36x512xbf16> to vector<36x512xbf16>
    %dot_general3A_633 = arith.constant dense<0.000000e+00> : vector<1x512xf32>
    %dot_general3A_634 = tpu.matmul %slice3A_627, %get3A_632, %dot_general3A_633 {dimension_numbers = #tpu.dot_dimension_numbers<[0], [0], [1], [1], [0, 1, 1, 1], [], []>, transpose_lhs_hint = false} : vector<36x1xbf16>, vector<36x512xbf16>, vector<1x512xf32> -> vector<1x512xf32>
    %add3A_635 = arith.addf %add3A_626, %dot_general3A_634 : vector<1x512xf32>
    %slice3A_636 = vector.extract_strided_slice %convert_element_type3A_435 {offsets = [0, 22], sizes = [36, 1], strides = [1, 1]} : vector<36x32xbf16> to vector<36x1xbf16>
    %get3A_637 = arith.constant 22 : index
    %get3A_638 = arith.constant 0 : index
    %get3A_639 = arith.constant 0 : index
    %get3A_640 = vector.load %arg5[%get3A_637, %get3A_638, %get3A_639] : memref<32x36x512xbf16, #tpu.memory_space<vmem>>, vector<1x36x512xbf16>
    %get3A_641 = vector.shape_cast %get3A_640 : vector<1x36x512xbf16> to vector<36x512xbf16>
    %dot_general3A_642 = arith.constant dense<0.000000e+00> : vector<1x512xf32>
    %dot_general3A_643 = tpu.matmul %slice3A_636, %get3A_641, %dot_general3A_642 {dimension_numbers = #tpu.dot_dimension_numbers<[0], [0], [1], [1], [0, 1, 1, 1], [], []>, transpose_lhs_hint = false} : vector<36x1xbf16>, vector<36x512xbf16>, vector<1x512xf32> -> vector<1x512xf32>
    %add3A_644 = arith.addf %add3A_635, %dot_general3A_643 : vector<1x512xf32>
    %slice3A_645 = vector.extract_strided_slice %convert_element_type3A_435 {offsets = [0, 23], sizes = [36, 1], strides = [1, 1]} : vector<36x32xbf16> to vector<36x1xbf16>
    %get3A_646 = arith.constant 23 : index
    %get3A_647 = arith.constant 0 : index
    %get3A_648 = arith.constant 0 : index
    %get3A_649 = vector.load %arg5[%get3A_646, %get3A_647, %get3A_648] : memref<32x36x512xbf16, #tpu.memory_space<vmem>>, vector<1x36x512xbf16>
    %get3A_650 = vector.shape_cast %get3A_649 : vector<1x36x512xbf16> to vector<36x512xbf16>
    %dot_general3A_651 = arith.constant dense<0.000000e+00> : vector<1x512xf32>
    %dot_general3A_652 = tpu.matmul %slice3A_645, %get3A_650, %dot_general3A_651 {dimension_numbers = #tpu.dot_dimension_numbers<[0], [0], [1], [1], [0, 1, 1, 1], [], []>, transpose_lhs_hint = false} : vector<36x1xbf16>, vector<36x512xbf16>, vector<1x512xf32> -> vector<1x512xf32>
    %add3A_653 = arith.addf %add3A_644, %dot_general3A_652 : vector<1x512xf32>
    %slice3A_654 = vector.extract_strided_slice %convert_element_type3A_435 {offsets = [0, 24], sizes = [36, 1], strides = [1, 1]} : vector<36x32xbf16> to vector<36x1xbf16>
    %get3A_655 = arith.constant 24 : index
    %get3A_656 = arith.constant 0 : index
    %get3A_657 = arith.constant 0 : index
    %get3A_658 = vector.load %arg5[%get3A_655, %get3A_656, %get3A_657] : memref<32x36x512xbf16, #tpu.memory_space<vmem>>, vector<1x36x512xbf16>
    %get3A_659 = vector.shape_cast %get3A_658 : vector<1x36x512xbf16> to vector<36x512xbf16>
    %dot_general3A_660 = arith.constant dense<0.000000e+00> : vector<1x512xf32>
    %dot_general3A_661 = tpu.matmul %slice3A_654, %get3A_659, %dot_general3A_660 {dimension_numbers = #tpu.dot_dimension_numbers<[0], [0], [1], [1], [0, 1, 1, 1], [], []>, transpose_lhs_hint = false} : vector<36x1xbf16>, vector<36x512xbf16>, vector<1x512xf32> -> vector<1x512xf32>
    %add3A_662 = arith.addf %add3A_653, %dot_general3A_661 : vector<1x512xf32>
    %slice3A_663 = vector.extract_strided_slice %convert_element_type3A_435 {offsets = [0, 25], sizes = [36, 1], strides = [1, 1]} : vector<36x32xbf16> to vector<36x1xbf16>
    %get3A_664 = arith.constant 25 : index
    %get3A_665 = arith.constant 0 : index
    %get3A_666 = arith.constant 0 : index
    %get3A_667 = vector.load %arg5[%get3A_664, %get3A_665, %get3A_666] : memref<32x36x512xbf16, #tpu.memory_space<vmem>>, vector<1x36x512xbf16>
    %get3A_668 = vector.shape_cast %get3A_667 : vector<1x36x512xbf16> to vector<36x512xbf16>
    %dot_general3A_669 = arith.constant dense<0.000000e+00> : vector<1x512xf32>
    %dot_general3A_670 = tpu.matmul %slice3A_663, %get3A_668, %dot_general3A_669 {dimension_numbers = #tpu.dot_dimension_numbers<[0], [0], [1], [1], [0, 1, 1, 1], [], []>, transpose_lhs_hint = false} : vector<36x1xbf16>, vector<36x512xbf16>, vector<1x512xf32> -> vector<1x512xf32>
    %add3A_671 = arith.addf %add3A_662, %dot_general3A_670 : vector<1x512xf32>
    %slice3A_672 = vector.extract_strided_slice %convert_element_type3A_435 {offsets = [0, 26], sizes = [36, 1], strides = [1, 1]} : vector<36x32xbf16> to vector<36x1xbf16>
    %get3A_673 = arith.constant 26 : index
    %get3A_674 = arith.constant 0 : index
    %get3A_675 = arith.constant 0 : index
    %get3A_676 = vector.load %arg5[%get3A_673, %get3A_674, %get3A_675] : memref<32x36x512xbf16, #tpu.memory_space<vmem>>, vector<1x36x512xbf16>
    %get3A_677 = vector.shape_cast %get3A_676 : vector<1x36x512xbf16> to vector<36x512xbf16>
    %dot_general3A_678 = arith.constant dense<0.000000e+00> : vector<1x512xf32>
    %dot_general3A_679 = tpu.matmul %slice3A_672, %get3A_677, %dot_general3A_678 {dimension_numbers = #tpu.dot_dimension_numbers<[0], [0], [1], [1], [0, 1, 1, 1], [], []>, transpose_lhs_hint = false} : vector<36x1xbf16>, vector<36x512xbf16>, vector<1x512xf32> -> vector<1x512xf32>
    %add3A_680 = arith.addf %add3A_671, %dot_general3A_679 : vector<1x512xf32>
    %slice3A_681 = vector.extract_strided_slice %convert_element_type3A_435 {offsets = [0, 27], sizes = [36, 1], strides = [1, 1]} : vector<36x32xbf16> to vector<36x1xbf16>
    %get3A_682 = arith.constant 27 : index
    %get3A_683 = arith.constant 0 : index
    %get3A_684 = arith.constant 0 : index
    %get3A_685 = vector.load %arg5[%get3A_682, %get3A_683, %get3A_684] : memref<32x36x512xbf16, #tpu.memory_space<vmem>>, vector<1x36x512xbf16>
    %get3A_686 = vector.shape_cast %get3A_685 : vector<1x36x512xbf16> to vector<36x512xbf16>
    %dot_general3A_687 = arith.constant dense<0.000000e+00> : vector<1x512xf32>
    %dot_general3A_688 = tpu.matmul %slice3A_681, %get3A_686, %dot_general3A_687 {dimension_numbers = #tpu.dot_dimension_numbers<[0], [0], [1], [1], [0, 1, 1, 1], [], []>, transpose_lhs_hint = false} : vector<36x1xbf16>, vector<36x512xbf16>, vector<1x512xf32> -> vector<1x512xf32>
    %add3A_689 = arith.addf %add3A_680, %dot_general3A_688 : vector<1x512xf32>
    %slice3A_690 = vector.extract_strided_slice %convert_element_type3A_435 {offsets = [0, 28], sizes = [36, 1], strides = [1, 1]} : vector<36x32xbf16> to vector<36x1xbf16>
    %get3A_691 = arith.constant 28 : index
    %get3A_692 = arith.constant 0 : index
    %get3A_693 = arith.constant 0 : index
    %get3A_694 = vector.load %arg5[%get3A_691, %get3A_692, %get3A_693] : memref<32x36x512xbf16, #tpu.memory_space<vmem>>, vector<1x36x512xbf16>
    %get3A_695 = vector.shape_cast %get3A_694 : vector<1x36x512xbf16> to vector<36x512xbf16>
    %dot_general3A_696 = arith.constant dense<0.000000e+00> : vector<1x512xf32>
    %dot_general3A_697 = tpu.matmul %slice3A_690, %get3A_695, %dot_general3A_696 {dimension_numbers = #tpu.dot_dimension_numbers<[0], [0], [1], [1], [0, 1, 1, 1], [], []>, transpose_lhs_hint = false} : vector<36x1xbf16>, vector<36x512xbf16>, vector<1x512xf32> -> vector<1x512xf32>
    %add3A_698 = arith.addf %add3A_689, %dot_general3A_697 : vector<1x512xf32>
    %slice3A_699 = vector.extract_strided_slice %convert_element_type3A_435 {offsets = [0, 29], sizes = [36, 1], strides = [1, 1]} : vector<36x32xbf16> to vector<36x1xbf16>
    %get3A_700 = arith.constant 29 : index
    %get3A_701 = arith.constant 0 : index
    %get3A_702 = arith.constant 0 : index
    %get3A_703 = vector.load %arg5[%get3A_700, %get3A_701, %get3A_702] : memref<32x36x512xbf16, #tpu.memory_space<vmem>>, vector<1x36x512xbf16>
    %get3A_704 = vector.shape_cast %get3A_703 : vector<1x36x512xbf16> to vector<36x512xbf16>
    %dot_general3A_705 = arith.constant dense<0.000000e+00> : vector<1x512xf32>
    %dot_general3A_706 = tpu.matmul %slice3A_699, %get3A_704, %dot_general3A_705 {dimension_numbers = #tpu.dot_dimension_numbers<[0], [0], [1], [1], [0, 1, 1, 1], [], []>, transpose_lhs_hint = false} : vector<36x1xbf16>, vector<36x512xbf16>, vector<1x512xf32> -> vector<1x512xf32>
    %add3A_707 = arith.addf %add3A_698, %dot_general3A_706 : vector<1x512xf32>
    %slice3A_708 = vector.extract_strided_slice %convert_element_type3A_435 {offsets = [0, 30], sizes = [36, 1], strides = [1, 1]} : vector<36x32xbf16> to vector<36x1xbf16>
    %get3A_709 = arith.constant 30 : index
    %get3A_710 = arith.constant 0 : index
    %get3A_711 = arith.constant 0 : index
    %get3A_712 = vector.load %arg5[%get3A_709, %get3A_710, %get3A_711] : memref<32x36x512xbf16, #tpu.memory_space<vmem>>, vector<1x36x512xbf16>
    %get3A_713 = vector.shape_cast %get3A_712 : vector<1x36x512xbf16> to vector<36x512xbf16>
    %dot_general3A_714 = arith.constant dense<0.000000e+00> : vector<1x512xf32>
    %dot_general3A_715 = tpu.matmul %slice3A_708, %get3A_713, %dot_general3A_714 {dimension_numbers = #tpu.dot_dimension_numbers<[0], [0], [1], [1], [0, 1, 1, 1], [], []>, transpose_lhs_hint = false} : vector<36x1xbf16>, vector<36x512xbf16>, vector<1x512xf32> -> vector<1x512xf32>
    %add3A_716 = arith.addf %add3A_707, %dot_general3A_715 : vector<1x512xf32>
    %slice3A_717 = vector.extract_strided_slice %convert_element_type3A_435 {offsets = [0, 31], sizes = [36, 1], strides = [1, 1]} : vector<36x32xbf16> to vector<36x1xbf16>
    %get3A_718 = arith.constant 31 : index
    %get3A_719 = arith.constant 0 : index
    %get3A_720 = arith.constant 0 : index
    %get3A_721 = vector.load %arg5[%get3A_718, %get3A_719, %get3A_720] : memref<32x36x512xbf16, #tpu.memory_space<vmem>>, vector<1x36x512xbf16>
    %get3A_722 = vector.shape_cast %get3A_721 : vector<1x36x512xbf16> to vector<36x512xbf16>
    %dot_general3A_723 = arith.constant dense<0.000000e+00> : vector<1x512xf32>
    %dot_general3A_724 = tpu.matmul %slice3A_717, %get3A_722, %dot_general3A_723 {dimension_numbers = #tpu.dot_dimension_numbers<[0], [0], [1], [1], [0, 1, 1, 1], [], []>, transpose_lhs_hint = false} : vector<36x1xbf16>, vector<36x512xbf16>, vector<1x512xf32> -> vector<1x512xf32>
    %add3A_725 = arith.addf %add3A_716, %dot_general3A_724 : vector<1x512xf32>
    %get3A_726 = arith.constant 0 : index
    %get3A_727 = arith.constant 0 : index
    %get3A_728 = vector.load %arg6[%get3A_726, %get3A_727] : memref<1x512xf32, #tpu.memory_space<vmem>>, vector<1x512xf32>
    %add3A_729 = arith.addf %add3A_725, %get3A_728 : vector<1x512xf32>
    %max3A_730 = arith.constant 0.000000e+00 : f32
    %max3A_731 = vector.broadcast %max3A_730 : f32 to vector<1x512xf32>
    %max3A_732 = arith.maximumf %add3A_729, %max3A_731 : vector<1x512xf32>
    %slice3A_733 = vector.extract_strided_slice %max3A_732 {offsets = [0, 0], sizes = [1, 128], strides = [1, 1]} : vector<1x512xf32> to vector<1x128xf32>
    %get3A_734 = arith.constant 0 : index
    %get3A_735 = arith.constant 0 : index
    %get3A_736 = vector.load %arg7[%get3A_734, %get3A_735] : memref<128x32xbf16, #tpu.memory_space<vmem>>, vector<128x32xbf16>
    %get3A_737 = arith.constant 0 : index
    %get3A_738 = arith.constant 0 : index
    %get3A_739 = vector.load %arg8[%get3A_737, %get3A_738] : memref<1x32xf32, #tpu.memory_space<vmem>>, vector<1x32xf32>
    %convert_element_type3A_740 = arith.truncf %slice3A_733 : vector<1x128xf32> to vector<1x128xbf16>
    %dot_general3A_741 = arith.constant dense<0.000000e+00> : vector<1x32xf32>
    %dot_general3A_742 = tpu.matmul %convert_element_type3A_740, %get3A_736, %dot_general3A_741 {dimension_numbers = #tpu.dot_dimension_numbers<[1], [0], [0], [1], [0, 0, 1, 1], [], []>, transpose_lhs_hint = false} : vector<1x128xbf16>, vector<128x32xbf16>, vector<1x32xf32> -> vector<1x32xf32>
    %add3A_743 = arith.addf %dot_general3A_742, %get3A_739 : vector<1x32xf32>
    %max3A_744 = arith.constant 0.000000e+00 : f32
    %max3A_745 = vector.broadcast %max3A_744 : f32 to vector<1x32xf32>
    %max3A_746 = arith.maximumf %add3A_743, %max3A_745 : vector<1x32xf32>
    %slice3A_747 = vector.extract_strided_slice %max3A_732 {offsets = [0, 128], sizes = [1, 128], strides = [1, 1]} : vector<1x512xf32> to vector<1x128xf32>
    %get3A_748 = arith.constant 0 : index
    %get3A_749 = arith.constant 0 : index
    %get3A_750 = vector.load %arg9[%get3A_748, %get3A_749] : memref<128x32xbf16, #tpu.memory_space<vmem>>, vector<128x32xbf16>
    %get3A_751 = arith.constant 0 : index
    %get3A_752 = arith.constant 0 : index
    %get3A_753 = vector.load %arg10[%get3A_751, %get3A_752] : memref<1x32xf32, #tpu.memory_space<vmem>>, vector<1x32xf32>
    %convert_element_type3A_754 = arith.truncf %slice3A_747 : vector<1x128xf32> to vector<1x128xbf16>
    %dot_general3A_755 = arith.constant dense<0.000000e+00> : vector<1x32xf32>
    %dot_general3A_756 = tpu.matmul %convert_element_type3A_754, %get3A_750, %dot_general3A_755 {dimension_numbers = #tpu.dot_dimension_numbers<[1], [0], [0], [1], [0, 0, 1, 1], [], []>, transpose_lhs_hint = false} : vector<1x128xbf16>, vector<128x32xbf16>, vector<1x32xf32> -> vector<1x32xf32>
    %add3A_757 = arith.addf %dot_general3A_756, %get3A_753 : vector<1x32xf32>
    %max3A_758 = arith.constant 0.000000e+00 : f32
    %max3A_759 = vector.broadcast %max3A_758 : f32 to vector<1x32xf32>
    %max3A_760 = arith.maximumf %add3A_757, %max3A_759 : vector<1x32xf32>
    %slice3A_761 = vector.extract_strided_slice %max3A_732 {offsets = [0, 256], sizes = [1, 128], strides = [1, 1]} : vector<1x512xf32> to vector<1x128xf32>
    %get3A_762 = arith.constant 0 : index
    %get3A_763 = arith.constant 0 : index
    %get3A_764 = vector.load %arg11[%get3A_762, %get3A_763] : memref<128x32xbf16, #tpu.memory_space<vmem>>, vector<128x32xbf16>
    %get3A_765 = arith.constant 0 : index
    %get3A_766 = arith.constant 0 : index
    %get3A_767 = vector.load %arg12[%get3A_765, %get3A_766] : memref<1x32xf32, #tpu.memory_space<vmem>>, vector<1x32xf32>
    %convert_element_type3A_768 = arith.truncf %slice3A_761 : vector<1x128xf32> to vector<1x128xbf16>
    %dot_general3A_769 = arith.constant dense<0.000000e+00> : vector<1x32xf32>
    %dot_general3A_770 = tpu.matmul %convert_element_type3A_768, %get3A_764, %dot_general3A_769 {dimension_numbers = #tpu.dot_dimension_numbers<[1], [0], [0], [1], [0, 0, 1, 1], [], []>, transpose_lhs_hint = false} : vector<1x128xbf16>, vector<128x32xbf16>, vector<1x32xf32> -> vector<1x32xf32>
    %add3A_771 = arith.addf %dot_general3A_770, %get3A_767 : vector<1x32xf32>
    %max3A_772 = arith.constant 0.000000e+00 : f32
    %max3A_773 = vector.broadcast %max3A_772 : f32 to vector<1x32xf32>
    %max3A_774 = arith.maximumf %add3A_771, %max3A_773 : vector<1x32xf32>
    %slice3A_775 = vector.extract_strided_slice %max3A_732 {offsets = [0, 384], sizes = [1, 128], strides = [1, 1]} : vector<1x512xf32> to vector<1x128xf32>
    %get3A_776 = arith.constant 0 : index
    %get3A_777 = arith.constant 0 : index
    %get3A_778 = vector.load %arg13[%get3A_776, %get3A_777] : memref<128x32xbf16, #tpu.memory_space<vmem>>, vector<128x32xbf16>
    %get3A_779 = arith.constant 0 : index
    %get3A_780 = arith.constant 0 : index
    %get3A_781 = vector.load %arg14[%get3A_779, %get3A_780] : memref<1x32xf32, #tpu.memory_space<vmem>>, vector<1x32xf32>
    %convert_element_type3A_782 = arith.truncf %slice3A_775 : vector<1x128xf32> to vector<1x128xbf16>
    %dot_general3A_783 = arith.constant dense<0.000000e+00> : vector<1x32xf32>
    %dot_general3A_784 = tpu.matmul %convert_element_type3A_782, %get3A_778, %dot_general3A_783 {dimension_numbers = #tpu.dot_dimension_numbers<[1], [0], [0], [1], [0, 0, 1, 1], [], []>, transpose_lhs_hint = false} : vector<1x128xbf16>, vector<128x32xbf16>, vector<1x32xf32> -> vector<1x32xf32>
    %add3A_785 = arith.addf %dot_general3A_784, %get3A_781 : vector<1x32xf32>
    %max3A_786 = arith.constant 0.000000e+00 : f32
    %max3A_787 = vector.broadcast %max3A_786 : f32 to vector<1x32xf32>
    %max3A_788 = arith.maximumf %add3A_785, %max3A_787 : vector<1x32xf32>
    %get3A_789 = arith.constant 0 : index
    %get3A_790 = arith.constant 0 : index
    %get3A_791 = vector.load %arg15[%get3A_789, %get3A_790] : memref<32x8xbf16, #tpu.memory_space<vmem>>, vector<32x8xbf16>
    %get3A_792 = arith.constant 0 : index
    %get3A_793 = arith.constant 0 : index
    %get3A_794 = vector.load %arg16[%get3A_792, %get3A_793] : memref<1x8xf32, #tpu.memory_space<vmem>>, vector<1x8xf32>
    %convert_element_type3A_795 = arith.truncf %max3A_746 : vector<1x32xf32> to vector<1x32xbf16>
    %dot_general3A_796 = arith.constant dense<0.000000e+00> : vector<1x8xf32>
    %dot_general3A_797 = tpu.matmul %convert_element_type3A_795, %get3A_791, %dot_general3A_796 {dimension_numbers = #tpu.dot_dimension_numbers<[1], [0], [0], [1], [0, 0, 1, 1], [], []>, transpose_lhs_hint = false} : vector<1x32xbf16>, vector<32x8xbf16>, vector<1x8xf32> -> vector<1x8xf32>
    %add3A_798 = arith.addf %dot_general3A_797, %get3A_794 : vector<1x8xf32>
    %swap3A = arith.constant 0 : index
    %swap3A_799 = arith.constant 0 : index
    %swap3A_800 = vector.load %arg23[%swap3A, %swap3A_799] : memref<1x8xf32, #tpu.memory_space<vmem>>, vector<1x8xf32>
    tpu.vector_store %arg23[%swap3A, %swap3A_799], %add3A_798 {strides = array<i32>} : memref<1x8xf32, #tpu.memory_space<vmem>>, vector<1x8xf32>,
    %get3A_801 = arith.constant 0 : index
    %get3A_802 = arith.constant 0 : index
    %get3A_803 = vector.load %arg17[%get3A_801, %get3A_802] : memref<32x6xbf16, #tpu.memory_space<vmem>>, vector<32x6xbf16>
    %get3A_804 = arith.constant 0 : index
    %get3A_805 = arith.constant 0 : index
    %get3A_806 = vector.load %arg18[%get3A_804, %get3A_805] : memref<1x6xf32, #tpu.memory_space<vmem>>, vector<1x6xf32>
    %convert_element_type3A_807 = arith.truncf %max3A_760 : vector<1x32xf32> to vector<1x32xbf16>
    %dot_general3A_808 = arith.constant dense<0.000000e+00> : vector<1x6xf32>
    %dot_general3A_809 = tpu.matmul %convert_element_type3A_807, %get3A_803, %dot_general3A_808 {dimension_numbers = #tpu.dot_dimension_numbers<[1], [0], [0], [1], [0, 0, 1, 1], [], []>, transpose_lhs_hint = false} : vector<1x32xbf16>, vector<32x6xbf16>, vector<1x6xf32> -> vector<1x6xf32>
    %add3A_810 = arith.addf %dot_general3A_809, %get3A_806 : vector<1x6xf32>
    %swap3A_811 = arith.constant 0 : index
    %swap3A_812 = arith.constant 0 : index
    %swap3A_813 = vector.load %arg24[%swap3A_811, %swap3A_812] : memref<1x6xf32, #tpu.memory_space<vmem>>, vector<1x6xf32>
    tpu.vector_store %arg24[%swap3A_811, %swap3A_812], %add3A_810 {strides = array<i32>} : memref<1x6xf32, #tpu.memory_space<vmem>>, vector<1x6xf32>,
    %get3A_814 = arith.constant 0 : index
    %get3A_815 = arith.constant 0 : index
    %get3A_816 = vector.load %arg19[%get3A_814, %get3A_815] : memref<32x1xbf16, #tpu.memory_space<vmem>>, vector<32x1xbf16>
    %get3A_817 = arith.constant 0 : index
    %get3A_818 = arith.constant 0 : index
    %get3A_819 = vector.load %arg20[%get3A_817, %get3A_818] : memref<1x1xf32, #tpu.memory_space<vmem>>, vector<1x1xf32>
    %convert_element_type3A_820 = arith.truncf %max3A_774 : vector<1x32xf32> to vector<1x32xbf16>
    %dot_general3A_821 = arith.constant dense<0.000000e+00> : vector<1x1xf32>
    %dot_general3A_822 = tpu.matmul %convert_element_type3A_820, %get3A_816, %dot_general3A_821 {dimension_numbers = #tpu.dot_dimension_numbers<[1], [0], [0], [1], [0, 0, 1, 1], [], []>, transpose_lhs_hint = false} : vector<1x32xbf16>, vector<32x1xbf16>, vector<1x1xf32> -> vector<1x1xf32>
    %add3A_823 = arith.addf %dot_general3A_822, %get3A_819 : vector<1x1xf32>
    %tanh3A = math.tanh %add3A_823 : vector<1x1xf32>
    %get3A_824 = arith.constant 0 : index
    %get3A_825 = arith.constant 0 : index
    %get3A_826 = vector.load %arg21[%get3A_824, %get3A_825] : memref<32x1xbf16, #tpu.memory_space<vmem>>, vector<32x1xbf16>
    %get3A_827 = arith.constant 0 : index
    %get3A_828 = arith.constant 0 : index
    %get3A_829 = vector.load %arg22[%get3A_827, %get3A_828] : memref<1x1xf32, #tpu.memory_space<vmem>>, vector<1x1xf32>
    %convert_element_type3A_830 = arith.truncf %max3A_788 : vector<1x32xf32> to vector<1x32xbf16>
    %dot_general3A_831 = arith.constant dense<0.000000e+00> : vector<1x1xf32>
    %dot_general3A_832 = tpu.matmul %convert_element_type3A_830, %get3A_826, %dot_general3A_831 {dimension_numbers = #tpu.dot_dimension_numbers<[1], [0], [0], [1], [0, 0, 1, 1], [], []>, transpose_lhs_hint = false} : vector<1x32xbf16>, vector<32x1xbf16>, vector<1x1xf32> -> vector<1x1xf32>
    %add3A_833 = arith.addf %dot_general3A_832, %get3A_829 : vector<1x1xf32>
    %tanh3A_834 = math.tanh %add3A_833 : vector<1x1xf32>
    %concatenate3A_835 = tpu.concatenate %tanh3A, %tanh3A_834 in 1 : vector<1x1xf32>, vector<1x1xf32> -> vector<1x2xf32>
    %swap3A_836 = arith.constant 0 : index
    %swap3A_837 = arith.constant 0 : index
    %swap3A_838 = vector.load %arg25[%swap3A_836, %swap3A_837] : memref<1x2xf32, #tpu.memory_space<vmem>>, vector<1x2xf32>
    tpu.vector_store %arg25[%swap3A_836, %swap3A_837], %concatenate3A_835 {strides = array<i32>} : memref<1x2xf32, #tpu.memory_space<vmem>>, vector<1x2xf32>,
    return
  }
}

</mosaic_0001>

<sc_bundles>
// kernel: kernel.4.cloned.1.call-start
scs
__scs_entry_jumppad:
0x0: {  	(pc) =	sbr.rel $0x88, $3  }
0x1: {  	(tag) =	ssettag $0x0;
	lr =	simm.s32 $0x1  }
0x2: {  	[smem:$0x3F82] =	sst lr;
	_ =	strace $0xD0000000  }
0x3: {  	_ = 	snop  }
0x4: {  	_ = 	snop  }
0x5: {  	_ = 	snop  }
0x6: {  	_ = 	snop  }
0x7: {  	_ = 	snop  }
__scs_overlays_trampoline_lowered:
0x8: {  	[smem:$0x3F91] =	sst s0  }
0x9: {  	[smem:$0x3F92] =	sst s1  }
0xa: {  	[smem:$0x3F93] =	sst s2  }
0xb: {  	[smem:$0x3F94] =	sst s3  }
0xc: {  	[smem:$0x3F95] =	sst s4  }
0xd: {  	[smem:$0x3F96] =	sst s5  }
0xe: {  	[smem:$0x3F97] =	sst s6  }
0xf: {  	[smem:$0x3F98] =	sst s7  }
0x10: {  	[smem:$0x3F99] =	sst s8  }
0x11: {  	[smem:$0x3F9A] =	sst s9;
	s0 =	simm.s32 @!p0 $0x0  }
0x12: {  	s1 =	sld [smem:$0x3F80];
	s0 =	simm.s32 @p0 $0x1  }
0x13: {  	[smem:$0x3F9B] =	sst s0;
	s0 =	simm.s32 @!p1 $0x0  }
0x14: {  	s2 =	sld [smem:$0x3F7F];
	s0 =	simm.s32 @p1 $0x1  }
0x15: {  	[smem:$0x3F9C] =	sst s0;
	s0 =	simm.s32 @!p2 $0x0  }
0x16: {  	s3 =	sld [smem:$0x3FDB];
	s0 =	simm.s32 @p2 $0x1  }
0x17: {  	s4 =	simm.s32 $0x1BF5;
	[smem:$0x3F9E] =	sst s0  }
0x18: {  	s0 =	sld [smem:$0x3F81];
	_ =	swait.ge [sflag:s4], $0x0  }
0x19: {  	s7 =	sld [smem:$0x3F82]  }
0x1a: {  	s8 =	sadd.s32 $0xFFFFE003, lr  }
0x1b: {  	s9 =	sadd.s32 $0xFFFFFEF7, lr;
	s5 =	simm.s32 $0xFFFFFFFF;
	p2 =	slt.u32 s8, $0xFFFFF086  }
0x1c: {  	p1 =	slt.u32 s9, $0xF7A;
	s5 =	simm.s32 @!p2 $0x0  }
0x1d: {  	s5 =	simm.s32 @p1 $0x1;
	p0 =	seq.s32 s7, s2  }
0x1e: {  	s7 =	smul.u32 @!p0 $0xF7A, s2;
	p2 =	seq.s32 @!p0 s5, $0x0  }
0x1f: {  	s9 =	smul.u32 $0xF7A, s1;
	s8 =	simm.s32 @!p0 $0x1BF5;
	p2 =	por !p2, p0  }
0x20: {  	[sflag:s8] =	ssyncset.s32 @!p0 $0xFFFFF086;
	s6 =	sadd.s32 @!p0 s3, s7;
	s7 =	simm.s32 @!p0 $0x108  }
0x21: {  	s3 =	sadd.s32 s3, s9;
	s6 =	sadd.s32 @!p0 $0x88, s6;
	s7 =	simm.s32 @p2 $0x1082  }
0x22: {  	[simem:s7], [sflag:s8] =	dma.local @!p0 [hbm:s6], $0xF7A  }
0x23: {  	s9 =	sor.u32 $0xD0000000, s2;
	s6 =	simm.s32 $0x108;
	_ =	swait.ge @!p0 [sflag:s8], $0x0  }
0x24: {  	s3 =	sadd.s32 $0x88, s3;
	s6 =	simm.s32 @!p1 $0x1082;
	[sflag:s4] =	ssyncset.s32 $0xFFFFF086  }
0x25: {  	[simem:s6], [sflag:s4] =	dma.local [hbm:s3], $0xF7A  }
0x26: {  	[smem:$0x3F82] =	sst s1;
	(tag) =	ssettag s2;
	_ =	strace s9  }
0x27: {  	s1 =	sld [smem:$0x3F92]  }
0x28: {  	s2 =	sld [smem:$0x3F93]  }
0x29: {  	s4 =	sld [smem:$0x3F95]  }
0x2a: {  	p0 =	seq.s32 s5, $0x0;
	s5 =	sld [smem:$0x3F96]  }
0x2b: {  	s6 =	sld [smem:$0x3F97]  }
0x2c: {  	s7 =	sld [smem:$0x3F98]  }
0x2d: {  	s3 =	simm.s32 $0x108;
	s8 =	sld [smem:$0x3F99]  }
0x2e: {  	s3 =	simm.s32 @!p0 $0x1082;
	s9 =	sld [smem:$0x3F9A]  }
0x2f: {  	lr =	sadd.s32 s0, s3;
	s0 =	sld [smem:$0x3F91]  }
0x30: {  	s3 =	sld [smem:$0x3F94]  }
0x31: {  	[smem:$0x3F9D] =	sst s10  }
0x32: {  	s10 =	sld [smem:$0x3F9B];
	_ =	sdelay $0x3  }
0x33: {  	p0 =	seq.s32 s10, $0x1;
	s10 =	sld [smem:$0x3F9D];
	_ =	sdelay $0x3  }
0x34: {  	[smem:$0x3F9D] =	sst s10  }
0x35: {  	s10 =	sld [smem:$0x3F9C];
	_ =	sdelay $0x3  }
0x36: {  	p1 =	seq.s32 s10, $0x1;
	s10 =	sld [smem:$0x3F9D];
	_ =	sdelay $0x3  }
0x37: {  	[smem:$0x3F9D] =	sst s10  }
0x38: {  	s10 =	sld [smem:$0x3F9E]  }
0x39: {  	_ = 	snop;
	(pc) =	sbr.ind lr, $3  }
0x3a: {  	_ = 	snop  }
0x3b: {  	_ = 	snop  }
0x3c: {  	p2 =	seq.s32 s10, $0x1;
	s10 =	sld [smem:$0x3F9D]  }
0x3d: {  	_ =	shalt  }
0x3e: {  	_ =	shalt  }
0x3f: {  	_ =	shalt  }
0x40: {  	_ =	shalt  }
0x41: {  	_ =	shalt  }
0x42: {  	_ =	shalt  }
0x43: {  	_ =	shalt  }
0x44: {  	_ =	shalt  }
0x45: {  	_ =	shalt  }
0x46: {  	_ =	shalt  }
0x47: {  	_ =	shalt  }
0x48: {  	_ =	shalt  }
0x49: {  	_ =	shalt  }
0x4a: {  	_ =	shalt  }
0x4b: {  	_ =	shalt  }
0x4c: {  	_ =	shalt  }
0x4d: {  	_ =	shalt  }
0x4e: {  	_ =	shalt  }
0x4f: {  	_ =	shalt  }
0x50: {  	_ =	shalt  }
0x51: {  	_ =	shalt  }
0x52: {  	_ =	shalt  }
0x53: {  	_ =	shalt  }
0x54: {  	_ =	shalt  }
0x55: {  	_ =	shalt  }
0x56: {  	_ =	shalt  }
0x57: {  	_ =	shalt  }
0x58: {  	_ =	shalt  }
0x59: {  	_ =	shalt  }
0x5a: {  	_ =	shalt  }
0x5b: {  	_ =	shalt  }
0x5c: {  	_ =	shalt  }
0x5d: {  	_ =	shalt  }
0x5e: {  	_ =	shalt  }
0x5f: {  	_ =	shalt  }
0x60: {  	_ =	shalt  }
0x61: {  	_ =	shalt  }
0x62: {  	_ =	shalt  }
0x63: {  	_ =	shalt  }
0x64: {  	_ =	shalt  }
0x65: {  	_ =	shalt  }
0x66: {  	_ =	shalt  }
0x67: {  	_ =	shalt  }
0x68: {  	_ =	shalt  }
0x69: {  	_ =	shalt  }
0x6a: {  	_ =	shalt  }
0x6b: {  	_ =	shalt  }
0x6c: {  	_ =	shalt  }
0x6d: {  	_ =	shalt  }
0x6e: {  	_ =	shalt  }
0x6f: {  	_ =	shalt  }
0x70: {  	_ =	shalt  }
0x71: {  	_ =	shalt  }
0x72: {  	_ =	shalt  }
0x73: {  	_ =	shalt  }
0x74: {  	_ =	shalt  }
0x75: {  	_ =	shalt  }
0x76: {  	_ =	shalt  }
0x77: {  	_ =	shalt  }
0x78: {  	_ =	shalt  }
0x79: {  	_ =	shalt  }
0x7a: {  	_ =	shalt  }
0x7b: {  	_ =	shalt  }
0x7c: {  	_ =	shalt  }
0x7d: {  	_ =	shalt  }
0x7e: {  	_ =	shalt  }
0x7f: {  	_ =	shalt  }
0x80: {  	_ =	shalt  }
0x81: {  	_ =	shalt  }
0x82: {  	_ =	shalt  }
0x83: {  	_ =	shalt  }
0x84: {  	_ =	shalt  }
0x85: {  	_ =	shalt  }
0x86: {  	_ =	shalt  }
0x87: {  	_ =	shalt  }
.Lfunc_end0:
.L_simem_size_0:
called_computation_lowered:
.L_overlay_start_0:
0x88: {  	s2 =	sld [smem:$0x3FD9]  }
0x89: {  	s3 =	sld [smem:$0x3FFE];
	_ =	sdelay $0x1  }
0x8a: {  	s1 =	srdreg.scid  }
0x8b: {  	s0 =	sand.u32 $0x1, s1  }
0x8c: {  	s17 =	sshll.u32 s0, $0xA;
	s2 =	sadd.s32 s3, s2  }
0x8d: {  	s2 =	sadd.s32 s2, s17  }
0x8e: {  	[smem:$0x3FA9] =	sst s2  }
0x8f: {  	_ = 	snop  }
0x90: {  	s2 =	sld [smem:$0x3FB8]  }
0x91: {  	s18 =	sld [smem:$0x3FB7];
	(tm) =	ssettm $0x1  }
0x92: {  	s4 =	sld [smem:$0x3FFB];
	_ =	sdelay $0x3  }
0x93: {  	_ =	strace s4  }
0x94: {  	s4 =	sld [smem:$0x3FFC];
	_ =	sdelay $0x3  }
0x95: {  	_ =	strace s4  }
0x96: {  	s4 =	sld [smem:$0x3FFD];
	_ =	sdelay $0x3  }
0x97: {  	_ =	strace s4  }
0x98: {  	_ =	strace $0x8FFFFFFF  }
0x99: {  	s19 =	sld [smem:$0x3FDB];
	_ =	sdelay $0x1  }
0x9a: {  	s5 =	simm.s32 $_scs_section_size  }
0x9b: {  	s6 =	simm.s32 $_size__tile_overlayer_lowered;
	s7 =	simm.s32 $_tile_overlayer_lowered  }
0x9c: {  	s22 =	simm.s32 $0x1BFF;
	s21 =	sshll.u32 s7, $0x1;
	s4 =	sadd.s32 s5, s19  }
0x9d: {  	s8 =	simm.s32 $0x0;
	s20 =	sshll.u32 s6, $0x1;
	s6 =	sadd.s32 s21, s4  }
0x9e: {  	[timem:s8], [sflag:s22] =	dma.local [hbm:s6], s20  }
0x9f: {  	_ =	swait.ge [sflag:s22], s20  }
0xa0: {  	s5 =	ssub.s32 $0x0, s20;
	[sflag:s22] =	ssyncset.done $0x0  }
0xa1: {  	[sflag:s22] =	ssyncadd.s32 s5;
	_ =	sdelay $0x1  }
0xa2: {  	s23 =	simm.s32 $0x1B8B  }
0xa3: {  	_ =	swait.ge [sflag:s23], $0x1  }
0xa4: {  	[sflag:s23] =	ssyncset.done $0x0  }
0xa5: {  	s25 =	simm.s32 $0x1B8E;
	s24 =	sld [smem:$0x3FFE];
	[sflag:s23] =	ssyncadd.s32 $0xFFFFFFFF  }
0xa6: {  	s26 =	simm.s32 $execute0_lowered;
	[smem:$0x3FD2] =	sst s25  }
0xa7: {  	s6 =	sshll.u32 s26, $0x1;
	_ =	strace $0x80000046;
	[dreg:$0x1] =	wrdreg $0xFFFFFFFF  }
0xa8: {  	s28 =	simm.s32 $_size_execute0_lowered;
	s4 =	sadd.s32 s4, s6;
	[dreg:$0x0] =	wrdreg $0x0  }
0xa9: {  	s6 =	sshll.u32 s28, $0x1;
	[dreg:$0x2] =	wrdreg s4  }
0xaa: {  	[dreg:$0x3] =	wrdreg s6  }
0xab: {  	[dreg:$0x4] =	wrdreg $0xC0  }
0xac: {  	_ =	task [dreg:s8], $0x5FFFF  }
0xad: {  	[dreg:$0x1] =	wrdreg $0xFFFFFFFF  }
0xae: {  	[dreg:$0x0] =	wrdreg $0x60  }
0xaf: {  	[dreg:$0x2] =	wrdreg s24  }
0xb0: {  	[dreg:$0x3] =	wrdreg s2  }
0xb1: {  	[dreg:$0x4] =	wrdreg s18  }
0xb2: {  	[dreg:$0x5] =	wrdreg $0x191000  }
0xb3: {  	[dreg:$0x6] =	wrdreg $0x9  }
0xb4: {  	_ =	task.clear_ibuf [dreg:s8], $0x7FFFF;
	_ =	strace $0x90000046  }
0xb5: {  	s29 =	simm.s32 $0x9;
	_ =	strace $0x80000048  }
0xb6: {  	_ =	swait.ge [sflag:s29], $0x1  }
0xb7: {  	[sflag:s29] =	ssyncadd.s32 $0xFFFFFFFF  }
0xb8: {  	_ =	strace $0x90000048  }
0xb9: {  	_ =	sfence  }
0xba: {  	s30 =	sld [smem:$0x0];
	_ =	sdelay $0x2  }
0xbb: {  	s31 =	sshll.u32 s1, $0xD;
	s1 =	sshrl.u32 s1, $0x2  }
0xbc: {  	s3 =	sand.u32 $0x4000, s31;
	s1 =	sadd.s32 s1, s30  }
0xbd: {  	s0 =	sor.u32 s3, s0;
	s1 =	sshll.u32 s1, $0x11  }
0xbe: {  	s0 =	sor.u32 s1, s0  }
0xbf: {  	s0 =	sadd.s32 $0x8F2B, s0  }
0xc0: {  	[sflag:s0] =	ssyncadd.remote.s32 $0x1  }
0xc1: {  	_ =	sfence.sel $0xFFFF  }
0xc2: {  	[dreg:$0x0] =	wrdreg $0xFFFFFFFF;
	(pc) =	sbr.abs _section_cstart, $3  }
0xc3: {  	[dreg:$0x1] =	wrdreg $0xFFFFFFFF  }
0xc4: {  	_ =	task.clear_ibuf [dreg:s8], $0x2FFFF;
	_ =	strace $0x9FFFFFFF  }
0xc5: {  	(tm) =	ssettm $0x7FFFFFFF  }
tec
execute0_lowered:
.L_overlay_start_1:
0x0: {  	(tag) =	ssettag $0x1  }
0x1: {  	s0 =	rddreg [dreg:$0x0];
	s4 =	simm.s32 $0x0  }
0x2: {  	[smem:$0x7FF] =	sst s4  }
0x3: {  	s3 =	rddreg [dreg:$0x3];
	v0 =	vimm.f32 $2.500000000e-01;
	_ =	strace $0x80000047  }
0x4: {  	(erf) = vrcp.f32 v0;
	v0 =	vlaneseq.u32  }
0x5: {  	v2 =	vor.u32 $0x10, v0  }
0x6: {  	[tilespmem:$0x1FEC0] =	vst v2;
	v2 =	vor.u32 $0x20, v0  }
0x7: {  	[tilespmem:$0x1FED0] =	vst v2;
	v2 =	vor.u32 $0x30, v0  }
0x8: {  	[tilespmem:$0x1FEE0] =	vst v2;
	v2 =	vor.u32 $0x40, v0  }
0x9: {  	[tilespmem:$0x1FEF0] =	vst v2;
	v2 =	vor.u32 $0x50, v0  }
0xa: {  	[tilespmem:$0x1FF00] =	vst v2;
	v2 =	vor.u32 $0x60, v0  }
0xb: {  	[tilespmem:$0x1FF10] =	vst v2;
	v2 =	vor.u32 $0x70, v0  }
0xc: {  	v1 =	vimm.f32 $0.0e+00;
	[tilespmem:$0x1FF20] =	vst v2;
	v2 =	vor.u32 $0x80, v0  }
0xd: {  	s1 =	srdreg.scid;
	s20 =	simm.s32 $0xD00;
	v22 =	vor.u32 $0x150, v0;
	v23 =	vor.u32 $0x160, v0;
	[tilespmem:$0x1FF30] =	vst v2;
	v2 =	vor.u32 $0x90, v0  }
0xe: {  	s5 =	stileid.u32;
	s21 =	simm.s32 $0x1100;
	s22 =	simm.s32 $0xD80;
	v24 =	vor.u32 $0x170, v0;
	v25 =	vor.u32 $0x180, v0;
	[tilespmem:$0x1FF40] =	vst v2;
	v2 =	vor.u32 $0xA0, v0  }
0xf: {  	s16 =	simm.s32 $0x2;
	s23 =	simm.s32 $0x5100;
	s24 =	simm.s32 $0xE00;
	v26 =	vor.u32 $0x190, v0;
	v27 =	vor.u32 $0x1A0, v0;
	[tilespmem:$0x1FF50] =	vst v2;
	v2 =	vor.u32 $0xB0, v0  }
0x10: {  	s18 =	simm.s32 $0x1;
	s25 =	simm.s32 $0x9100;
	s28 =	simm.s32 $0xD100;
	v28 =	vor.u32 $0x1B0, v0;
	v29 =	vor.u32 $0x1C0, v0;
	[tilespmem:$0x1FF60] =	vst v2;
	v2 =	vor.u32 $0xC0, v0  }
0x11: {  	s19 =	simm.s32 $0x80;
	s29 =	simm.s32 $0xF00;
	s30 =	simm.s32 $0x11100;
	v30 =	vor.u32 $0x1D0, v0;
	v31 =	vor.u32 $0x1E0, v0;
	[tilespmem:$0x1FF70] =	vst v2;
	v2 =	vor.u32 $0xD0, v0  }
0x12: {  	s1 =	sand.u32 $0x1, s1;
	s2 =	smul.u32 $0x1800, s5;
	s7 =	sshll.u32 s5, $0x8;
	v32 =	vor.u32 $0x1F0, v0;
	v33 =	vor.u32 $0x200, v0;
	[tilespmem:$0x1FF80] =	vst v2;
	v2 =	vor.u32 $0xE0, v0  }
0x13: {  	s6 =	smul.u32 $0x18000, s1;
	s8 =	sshll.u32 s1, $0x7;
	s1 =	ssub.s32 $0x2, s1;
	v34 =	vor.u32 $0x210, v0;
	v35 =	vor.u32 $0x220, v0;
	[tilespmem:$0x1FF90] =	vst v2;
	v2 =	vor.u32 $0xF0, v0  }
0x14: {  	s31 =	simm.s32 $0xF80;
	s7 =	sor.u32 s8, s7;
	s26 =	sshrl.u32 s1, $0x1;
	v36 =	vor.u32 $0x230, v0;
	v37 =	vor.u32 $0x240, v0;
	[tilespmem:$0x1FFA0] =	vst v2;
	v2 =	vor.u32 $0x100, v0  }
0x15: {  	s10 =	sadd.s32 $0x1100, s2;
	s6 =	sadd.s32 s2, s6;
	s9 =	sadd.s32 s7, s0;
	v38 =	vor.u32 $0x250, v0;
	v39 =	vor.u32 $0x260, v0;
	[tilespmem:$0x1FFB0] =	vst v2;
	v2 =	vor.u32 $0x110, v0  }
0x16: {  	s1 =	ssub.s32 s1, s26;
	v40 =	vor.u32 $0x270, v0;
	v41 =	vor.u32 $0x280, v0;
	s26 =	simm.s32 $0xE80;
	s6 =	sshrl.u32 s6, $0x3;
	[tilespmem:$0x1FFC0] =	vst v2;
	v2 =	vor.u32 $0x120, v0  }
0x17: {  	v42 =	vor.u32 $0x290, v0;
	v43 =	vor.u32 $0x2A0, v0;
	s7 =	sadd.s32 $0x4C00, s9;
	s8 =	sadd.s32 $0x3C00, s9;
	s12 =	smax.u32 s1, $0x1;
	[tilespmem:$0x1FFD0] =	vst v2;
	v2 =	vor.u32 $0x130, v0  }
0x18: {  	v44 =	vor.u32 $0x2B0, v0;
	v45 =	vor.u32 $0x2C0, v0;
	s1 =	simm.s32 $0x0;
	s0 =	sadd.s32 s6, s0;
	s6 =	sadd.s32 $0x5C00, s9;
	[tilespmem:$0x1FFE0] =	vst v2;
	v2 =	vor.u32 $0x140, v0  }
0x19: {  	v47 =	vor.u32 $0x2D0, v0;
	v48 =	vor.u32 $0x2E0, v0;
	v49 =	vor.u32 $0x2F0, v0;
	s9 =	sadd.s32 s2, s3;
	s11 =	sadd.s32 $0x6C00, s0;
	s0 =	simm.s32 $0x15100;
	v46 =	vpop (erf);
	[tilespmem:$0x1FFF0] =	vst v2  }
.LBB2_1:
0x1a: {  	[tilespmem:s4], [sflag:$0x1] =	stream.linear.gather [hbm4b:s6+s4], $0x400, $0x38;
	[tilespmem:$0x1A900] =	vst v63  }
0x1b: {  	s2 =	simm.s32 $0x400  }
0x1c: {  	[tilespmem:s2], [sflag:$0x1] =	stream.linear.gather [hbm4b:s7+s4], $0x400, $0x38;
	[tilespmem:$0x1A900] =	vst v63  }
0x1d: {  	s13 =	simm.s32 $0x800  }
0x1e: {  	[tilespmem:s13], [sflag:$0x1] =	stream.linear.gather [hbm4b:s8+s4], $0x400, $0x38;
	[tilespmem:$0x1A900] =	vst v63  }
0x1f: {  	s14 =	rddreg [dreg:$0x1];
	s13 =	simm.s32 $0xC00  }
0x20: {  	[tilespmem:s13], [sflag:$0x2] =	stream.linear.gather [hbm4b:s14+s4], $0x80, $0x38;
	[tilespmem:$0x1A900] =	vst v63  }
0x21: {  	_ =	swait.ge [sflag:s16], $0x80  }
0x22: {  	[sflag:s16] =	ssyncset.done $0x0  }
0x23: {  	[sflag:s16] =	ssyncadd.s32 $0xFFFFFF80  }
0x24: {  	s17 =	simm.s32 $0xC80;
	s15 =	rddreg [dreg:$0x2]  }
0x25: {  	[tilespmem:s17], [sflag:$0x2] =	stream.linear.gather [hbm4b:s15+s4], $0x80, $0x38;
	[tilespmem:$0x1A900] =	vst v63  }
0x26: {  	_ =	swait.ge [sflag:s16], $0x80  }
0x27: {  	[sflag:s16] =	ssyncset.done $0x0  }
0x28: {  	s2 =	simm.s32 $0x0;
	s13 =	simm.s32 $0x200;
	[sflag:s16] =	ssyncadd.s32 $0xFFFFFF80  }
.LBB2_2:
0x29: {  	p0 =	sne.s32 s13, $0x5FE00;
	[tilespmem:s2+$0x1170] =	vst v1  }
0x2a: {  	[tilespmem:s2+$0x1100] =	vst v1  }
0x2b: {  	[tilespmem:s2+$0x1110] =	vst v1  }
.Ltmp0:
0x2c: {  	[tilespmem:s2+$0x1120] =	vst v1;
	(pc) =	sbr.rel @p0 .LBB2_2-.Ltmp0, $4  }
0x2d: {  	[tilespmem:s2+$0x1130] =	vst v1  }
0x2e: {  	[tilespmem:s2+$0x1140] =	vst v1  }
0x2f: {  	[tilespmem:s2+$0x1150] =	vst v1  }
0x30: {  	[tilespmem:s2+$0x1160] =	vst v1;
	s2 =	sshra.s32 s13, $0x2;
	s13 =	sadd.s32 $0x200, s13  }
0x31: {  	[tilespmem:s2+$0x1170] =	vst v1  }
0x32: {  	[tilespmem:s2+$0x1100] =	vst v1  }
0x33: {  	[tilespmem:s2+$0x1110] =	vst v1  }
0x34: {  	[tilespmem:s2+$0x1120] =	vst v1  }
0x35: {  	[tilespmem:s2+$0x1130] =	vst v1  }
0x36: {  	[tilespmem:s2+$0x1140] =	vst v1  }
0x37: {  	[tilespmem:s2+$0x1150] =	vst v1  }
0x38: {  	[tilespmem:s2+$0x1160] =	vst v1  }
0x39: {  	v2 =	vld [tilespmem:$0x1FEC0];
	_ =	sdelay $0x4  }
0x3a: {  	[tilespmem:$0xD10] =	vst v2;
	v2 =	vld [tilespmem:$0x1FED0];
	_ =	sdelay $0x4  }
0x3b: {  	[tilespmem:$0xD20] =	vst v2;
	v2 =	vld [tilespmem:$0x1FEE0];
	_ =	sdelay $0x4  }
0x3c: {  	[tilespmem:$0xD30] =	vst v2;
	v2 =	vld [tilespmem:$0x1FEF0];
	_ =	sdelay $0x4  }
0x3d: {  	[tilespmem:$0xD40] =	vst v2;
	v2 =	vld [tilespmem:$0x1FF00];
	_ =	sdelay $0x4  }
0x3e: {  	[tilespmem:$0xD50] =	vst v2;
	v2 =	vld [tilespmem:$0x1FF10];
	_ =	sdelay $0x4  }
0x3f: {  	[tilespmem:$0xD60] =	vst v2;
	v2 =	vld [tilespmem:$0x1FF20];
	_ =	sdelay $0x4  }
0x40: {  	[tilespmem:$0xD70] =	vst v2;
	v2 =	vld [tilespmem:$0x1FF30];
	_ =	sdelay $0x4  }
0x41: {  	[tilespmem:$0xD80] =	vst v2;
	v2 =	vld [tilespmem:$0x1FF40];
	_ =	sdelay $0x4  }
0x42: {  	[tilespmem:$0xD90] =	vst v2;
	v2 =	vld [tilespmem:$0x1FF50];
	_ =	sdelay $0x4  }
0x43: {  	[tilespmem:$0xDA0] =	vst v2;
	v2 =	vld [tilespmem:$0x1FF60];
	_ =	sdelay $0x4  }
0x44: {  	[tilespmem:$0xDB0] =	vst v2;
	v2 =	vld [tilespmem:$0x1FF70];
	_ =	sdelay $0x4  }
0x45: {  	[tilespmem:$0xDC0] =	vst v2;
	v2 =	vld [tilespmem:$0x1FF80];
	_ =	sdelay $0x4  }
0x46: {  	[tilespmem:$0xDD0] =	vst v2;
	v2 =	vld [tilespmem:$0x1FF90]  }
0x47: {  	[tilespmem:$0xD00] =	vst v0  }
0x48: {  	[tilespmem:$0xE50] =	vst v22  }
0x49: {  	[tilespmem:$0xE60] =	vst v23  }
0x4a: {  	[tilespmem:$0xE70] =	vst v24  }
0x4b: {  	[tilespmem:$0xDE0] =	vst v2;
	v2 =	vld [tilespmem:$0x1FFA0]  }
0x4c: {  	[tilespmem:$0xE80] =	vst v25  }
0x4d: {  	[tilespmem:$0xE90] =	vst v26  }
0x4e: {  	[tilespmem:$0xEA0] =	vst v27  }
0x4f: {  	[tilespmem:$0xEB0] =	vst v28  }
0x50: {  	[tilespmem:$0xDF0] =	vst v2;
	v2 =	vld [tilespmem:$0x1FFB0]  }
0x51: {  	[tilespmem:$0xEC0] =	vst v29  }
0x52: {  	[tilespmem:$0xED0] =	vst v30  }
0x53: {  	[tilespmem:$0xEE0] =	vst v31  }
0x54: {  	[tilespmem:$0xEF0] =	vst v32  }
0x55: {  	[tilespmem:$0xE00] =	vst v2;
	v2 =	vld [tilespmem:$0x1FFC0]  }
0x56: {  	[tilespmem:$0xF00] =	vst v33  }
0x57: {  	[tilespmem:$0xF10] =	vst v34  }
0x58: {  	[tilespmem:$0xF20] =	vst v35  }
0x59: {  	[tilespmem:$0xF30] =	vst v36  }
0x5a: {  	[tilespmem:$0xE10] =	vst v2;
	v2 =	vld [tilespmem:$0x1FFD0]  }
0x5b: {  	[tilespmem:$0xF40] =	vst v37  }
0x5c: {  	[tilespmem:$0xF50] =	vst v38  }
0x5d: {  	[tilespmem:$0xF60] =	vst v39  }
0x5e: {  	[tilespmem:$0xF70] =	vst v40  }
0x5f: {  	[tilespmem:$0xE20] =	vst v2;
	v2 =	vld [tilespmem:$0x1FFE0]  }
0x60: {  	[tilespmem:$0xF80] =	vst v41  }
0x61: {  	[tilespmem:$0xF90] =	vst v42  }
0x62: {  	[tilespmem:$0xFA0] =	vst v43  }
0x63: {  	[tilespmem:$0xFB0] =	vst v44  }
0x64: {  	[tilespmem:$0xE30] =	vst v2;
	v2 =	vld [tilespmem:$0x1FFF0]  }
0x65: {  	[tilespmem:$0xFC0] =	vst v45  }
0x66: {  	[tilespmem:$0xFD0] =	vst v47  }
0x67: {  	[tilespmem:$0xFE0] =	vst v48  }
0x68: {  	[tilespmem:$0xFF0] =	vst v49  }
0x69: {  	[tilespmem:$0xE40] =	vst v2  }
0x6a: {  	[spmem:s9] =	stream.linear.scatter [tilespmem:s10], [sflag:$0x2], $0x1800, $0x38;
	[tilespmem:$0x1A900] =	vst v63  }
0x6b: {  	_ =	swait.ge [sflag:s16], $0x1800  }
0x6c: {  	[sflag:s16] =	ssyncset.done $0x0  }
0x6d: {  	[sflag:s16] =	ssyncadd.s32 $0xFFFFE800  }
0x6e: {  	[bflag:$0x0] =	sbarrier.arrive $0xFFFF  }
0x6f: {  	_ =	swait.ge [sflag:s18], $0x400  }
0x70: {  	[sflag:s18] =	ssyncset.done $0x0  }
0x71: {  	[sflag:s18] =	ssyncadd.s32 $0xFFFFFC00  }
0x72: {  	_ =	swait.ge [sflag:s18], $0x400  }
0x73: {  	[sflag:s18] =	ssyncset.done $0x0  }
0x74: {  	[sflag:s18] =	ssyncadd.s32 $0xFFFFFC00  }
0x75: {  	_ =	swait.ge [sflag:s18], $0x400  }
0x76: {  	[sflag:s18] =	ssyncset.done $0x0  }
0x77: {  	[sflag:s18] =	ssyncadd.s32 $0xFFFFFC00  }
0x78: {  	v50 =	vld [tilespmem:$0xC00]  }
0x79: {  	v51 =	vld [tilespmem:$0xC10]  }
0x7a: {  	v52 =	vld [tilespmem:$0xC20]  }
0x7b: {  	v53 =	vld [tilespmem:$0xC30]  }
0x7c: {  	v54 =	vld [tilespmem:$0xC40]  }
0x7d: {  	v55 =	vld [tilespmem:$0xC50]  }
0x7e: {  	v56 =	vld [tilespmem:$0xC60]  }
0x7f: {  	v57 =	vld [tilespmem:$0xC70]  }
0x80: {  	v58 =	vld [tilespmem:$0xC80]  }
0x81: {  	v59 =	vld [tilespmem:$0xC90]  }
0x82: {  	v60 =	vld [tilespmem:$0xCA0]  }
0x83: {  	v61 =	vld [tilespmem:$0xCB0]  }
0x84: {  	v62 =	vld [tilespmem:$0xCC0]  }
0x85: {  	v63 =	vld [tilespmem:$0xCD0]  }
0x86: {  	s2 =	simm.s32 $0xFFFFFFFE;
	v2 =	vld [tilespmem:$0xCE0]  }
0x87: {  	s13 =	simm.s32 $0x810;
	s14 =	simm.s32 $0x410;
	s15 =	simm.s32 $0x10;
	v3 =	vld [tilespmem:$0xCF0]  }
.LBB2_4:
0x88: {  	v4 =	vld [tilespmem:s15+$0xFFFFFFF0];
	_ =	sdelay $0x1  }
0x89: {  	v5 =	vld [tilespmem:s14+$0xFFFFFFF0];
	_ =	sdelay $0x2  }
0x8a: {  	v4 =	vadd.f32 $3.000000000e+00, v4;
	_ =	sdelay $0x1  }
0x8b: {  	v5 =	vadd.f32 $3.000000000e+00, v5;
	v4 =	vmul.f32 v4, v46;
	_ =	sdelay $0x1  }
0x8c: {  	v5 =	vmul.f32 v5, v46;
	v4 =	vtrunc.f32 v4  }
0x8d: {  	v6 =	vcvt.f32.s32 v4  }
0x8e: {  	v4 =	vtrunc.f32 v5  }
0x8f: {  	v5 =	vcvt.f32.s32 v4;
	v7 =	vmul.u32 $0x1A, v6;
	_ =	sdelay $0x1  }
0x90: {  	vm0 =	vlt.u32 v6, $0x18;
	vm1 =	vlt.u32 v5, $0x18;
	v5 =	vadd.s32 v7, v5  }
0x91: {  	vm0 =	vmand vm0, vm1;
	v5 =	vadd.s32 $0x1B, v5  }
0x92: {  	v5 =	vnsel vm0, $0x2A4, v5  }
0x93: {  	v5 =	vshll.u32 v5, $0x9  }
0x94: {  	v4 =	vld [tilespmem:s13+$0xFFFFFFF0];
	v5 =	vshra.s32 v5, $0x2  }
0x95: {  	(v2sf) =	vpush v5, $0x0;
	_ =	sdelay $0x3  }
0x96: {  	v17 =	vbroadcast v4, $0x0  }
0x97: {  	v14 =	vbroadcast v4, $0x1  }
0x98: {  	v20 =	vbroadcast v4, $0x2;
	v18 =	vmul.f32 v17, v50  }
0x99: {  	v8 =	vmul.f32 v17, v51;
	v9 =	vmul.f32 v17, v52  }
0x9a: {  	v10 =	vmul.f32 v17, v53;
	v11 =	vmul.f32 v17, v54;
	(v2sf) =	vpush v5, $0x1  }
0x9b: {  	v12 =	vmul.f32 v17, v55;
	v13 =	vmul.f32 v17, v56  }
0x9c: {  	v6 =	vmul.f32 v17, v57;
	v15 =	vmul.f32 v14, v50  }
0x9d: {  	v16 =	vmul.f32 v14, v51;
	v7 =	vadd.f32 v18, v58;
	v8 =	vadd.f32 v8, v59  }
0x9e: {  	v17 =	vmul.f32 v14, v52;
	v9 =	vadd.f32 v9, v60;
	v10 =	vadd.f32 v10, v61  }
0x9f: {  	v19 =	vmul.f32 v14, v54;
	v11 =	vadd.f32 v11, v62;
	v12 =	vadd.f32 v12, v63  }
0xa0: {  	v21 =	vmul.f32 v20, v52;
	v13 =	vadd.f32 v13, v2;
	v6 =	vadd.f32 v6, v3  }
0xa1: {  	v15 =	vadd.f32 v15, v58;
	v16 =	vadd.f32 v16, v59;
	v7 =	vmax.f32 v7, $0.0e+00;
	s17 =	spop (v2sf)  }
0xa2: {  	v18 =	vmul.f32 v14, v53;
	v8 =	vmax.f32 v8, $0.0e+00;
	(v2sf) =	vpush v5, $0x2;
	[tilespmem:s17+$0x1100] =	vst.add.f32.msk $0xffff, v7  }
0xa3: {  	v17 =	vadd.f32 v17, v60;
	v19 =	vadd.f32 v19, v62;
	v9 =	vmax.f32 v9, $0.0e+00;
	[tilespmem:s17+$0x1110] =	vst.add.f32.msk $0xffff, v8  }
0xa4: {  	v10 =	vmax.f32 v10, $0.0e+00;
	v11 =	vmax.f32 v11, $0.0e+00;
	v18 =	vadd.f32 v18, v61;
	[tilespmem:s17+$0x1120] =	vst.add.f32.msk $0xffff, v9  }
0xa5: {  	v12 =	vmax.f32 v12, $0.0e+00;
	v13 =	vmax.f32 v13, $0.0e+00;
	v6 =	vmax.f32 v6, $0.0e+00;
	[tilespmem:s17+$0x1130] =	vst.add.f32.msk $0xffff, v10  }
0xa6: {  	v8 =	vmax.f32 v18, $0.0e+00;
	v18 =	vmax.f32 v19, $0.0e+00;
	v19 =	vmul.f32 v14, v56;
	[tilespmem:s17+$0x1140] =	vst.add.f32.msk $0xffff, v11  }
0xa7: {  	v15 =	vmax.f32 v15, $0.0e+00;
	v16 =	vmax.f32 v16, $0.0e+00;
	v17 =	vmax.f32 v17, $0.0e+00;
	[tilespmem:s17+$0x1150] =	vst.add.f32.msk $0xffff, v12  }
0xa8: {  	v7 =	vmul.f32 v14, v55;
	[tilespmem:s17+$0x1160] =	vst.add.f32.msk $0xffff, v13;
	v10 =	vadd.f32 v19, v2;
	v19 =	vmul.f32 v20, v51  }
0xa9: {  	v9 =	vmul.f32 v14, v57;
	v14 =	vmul.f32 v20, v50;
	[tilespmem:s17+$0x1170] =	vst.add.f32.msk $0xffff, v6;
	s17 =	spop (v2sf);
	(v2sf) =	vpush v5, $0x3  }
0xaa: {  	v13 =	vmul.f32 v20, v53;
	[tilespmem:s17+$0x1100] =	vst.add.f32.msk $0xffff, v15;
	v12 =	vadd.f32 v19, v59;
	v19 =	vadd.f32 v21, v60  }
0xab: {  	v15 =	vmul.f32 v20, v55;
	[tilespmem:s17+$0x1110] =	vst.add.f32.msk $0xffff, v16;
	v16 =	vmul.f32 v20, v56;
	v7 =	vadd.f32 v7, v63  }
0xac: {  	[tilespmem:s17+$0x1120] =	vst.add.f32.msk $0xffff, v17;
	v6 =	vmax.f32 v12, $0.0e+00;
	v12 =	vmax.f32 v19, $0.0e+00;
	v19 =	vmul.f32 v20, v54  }
0xad: {  	v17 =	vmul.f32 v20, v57;
	[tilespmem:s17+$0x1130] =	vst.add.f32.msk $0xffff, v8;
	v9 =	vadd.f32 v9, v3;
	v11 =	vadd.f32 v14, v58  }
0xae: {  	[tilespmem:s17+$0x1140] =	vst.add.f32.msk $0xffff, v18;
	v13 =	vadd.f32 v13, v61;
	v7 =	vmax.f32 v7, $0.0e+00;
	v14 =	vadd.f32 v19, v62  }
0xaf: {  	v15 =	vadd.f32 v15, v63;
	v10 =	vmax.f32 v10, $0.0e+00;
	[tilespmem:s17+$0x1150] =	vst.add.f32.msk $0xffff, v7;
	v19 =	vbroadcast v4, $0x3  }
0xb0: {  	v9 =	vmax.f32 v9, $0.0e+00;
	[tilespmem:s17+$0x1160] =	vst.add.f32.msk $0xffff, v10;
	v8 =	vmax.f32 v14, $0.0e+00;
	v14 =	vadd.f32 v16, v2  }
0xb1: {  	v17 =	vadd.f32 v17, v3;
	v11 =	vmax.f32 v11, $0.0e+00;
	[tilespmem:s17+$0x1170] =	vst.add.f32.msk $0xffff, v9;
	v16 =	vmul.f32 v19, v50;
	s17 =	spop (v2sf)  }
0xb2: {  	v13 =	vmax.f32 v13, $0.0e+00;
	v18 =	vmul.f32 v19, v51;
	v7 =	vmax.f32 v14, $0.0e+00;
	[tilespmem:s17+$0x1100] =	vst.add.f32.msk $0xffff, v11  }
0xb3: {  	v14 =	vadd.f32 v16, v58;
	v16 =	vmul.f32 v19, v52;
	(v2sf) =	vpush v5, $0x4;
	[tilespmem:s17+$0x1110] =	vst.add.f32.msk $0xffff, v6  }
0xb4: {  	v10 =	vmax.f32 v17, $0.0e+00;
	v17 =	vadd.f32 v18, v59;
	v18 =	vmul.f32 v19, v53;
	[tilespmem:s17+$0x1120] =	vst.add.f32.msk $0xffff, v12  }
0xb5: {  	v9 =	vmax.f32 v14, $0.0e+00;
	v14 =	vadd.f32 v16, v60;
	v16 =	vmul.f32 v19, v54;
	[tilespmem:s17+$0x1130] =	vst.add.f32.msk $0xffff, v13  }
0xb6: {  	v15 =	vmax.f32 v15, $0.0e+00;
	v11 =	vmax.f32 v17, $0.0e+00;
	v17 =	vadd.f32 v18, v61;
	[tilespmem:s17+$0x1140] =	vst.add.f32.msk $0xffff, v8  }
0xb7: {  	v18 =	vmul.f32 v19, v56;
	[tilespmem:s17+$0x1150] =	vst.add.f32.msk $0xffff, v15;
	v6 =	vadd.f32 v16, v62;
	v16 =	vmul.f32 v19, v55  }
0xb8: {  	[tilespmem:s17+$0x1160] =	vst.add.f32.msk $0xffff, v7;
	v12 =	vmax.f32 v14, $0.0e+00;
	v14 =	vmul.f32 v19, v57;
	v19 =	vbroadcast v4, $0x4  }
0xb9: {  	[tilespmem:s17+$0x1170] =	vst.add.f32.msk $0xffff, v10;
	s17 =	spop (v2sf);
	(v2sf) =	vpush v5, $0x5;
	v13 =	vmax.f32 v17, $0.0e+00;
	v16 =	vadd.f32 v16, v63  }
0xba: {  	v8 =	vadd.f32 v18, v2;
	v14 =	vadd.f32 v14, v3;
	v17 =	vmul.f32 v19, v50  }
0xbb: {  	[tilespmem:s17+$0x1100] =	vst.add.f32.msk $0xffff, v9;
	v18 =	vmul.f32 v19, v52;
	v15 =	vmax.f32 v16, $0.0e+00;
	v16 =	vmul.f32 v19, v51  }
0xbc: {  	[tilespmem:s17+$0x1110] =	vst.add.f32.msk $0xffff, v11;
	v7 =	vmax.f32 v8, $0.0e+00;
	v8 =	vmax.f32 v14, $0.0e+00;
	v14 =	vadd.f32 v17, v58  }
0xbd: {  	[tilespmem:s17+$0x1120] =	vst.add.f32.msk $0xffff, v12;
	v17 =	vmul.f32 v19, v53;
	v10 =	vadd.f32 v16, v59;
	v16 =	vadd.f32 v18, v60  }
0xbe: {  	v6 =	vmax.f32 v6, $0.0e+00;
	[tilespmem:s17+$0x1130] =	vst.add.f32.msk $0xffff, v13;
	v9 =	vmax.f32 v14, $0.0e+00;
	v14 =	vmul.f32 v19, v54  }
0xbf: {  	[tilespmem:s17+$0x1140] =	vst.add.f32.msk $0xffff, v6;
	v11 =	vmax.f32 v16, $0.0e+00;
	v16 =	vadd.f32 v17, v61  }
0xc0: {  	[tilespmem:s17+$0x1160] =	vst.add.f32.msk $0xffff, v7;
	v12 =	vadd.f32 v14, v62;
	v14 =	vmul.f32 v19, v55  }
0xc1: {  	[tilespmem:s17+$0x1150] =	vst.add.f32.msk $0xffff, v15;
	v18 =	vbroadcast v4, $0x5;
	v17 =	vmul.f32 v19, v56;
	v13 =	vmax.f32 v16, $0.0e+00  }
0xc2: {  	[tilespmem:s17+$0x1170] =	vst.add.f32.msk $0xffff, v8;
	v16 =	vmul.f32 v19, v57;
	v6 =	vmax.f32 v12, $0.0e+00;
	v12 =	vadd.f32 v14, v63;
	s17 =	spop (v2sf)  }
0xc3: {  	v10 =	vmax.f32 v10, $0.0e+00;
	v14 =	vadd.f32 v17, v2;
	(v2sf) =	vpush v5, $0x6;
	[tilespmem:s17+$0x1100] =	vst.add.f32.msk $0xffff, v9  }
0xc4: {  	v17 =	vmul.f32 v18, v51;
	v15 =	vadd.f32 v16, v3;
	v16 =	vmul.f32 v18, v50;
	[tilespmem:s17+$0x1110] =	vst.add.f32.msk $0xffff, v10  }
0xc5: {  	v7 =	vmax.f32 v12, $0.0e+00;
	v12 =	vmax.f32 v14, $0.0e+00;
	v14 =	vmul.f32 v18, v52;
	[tilespmem:s17+$0x1120] =	vst.add.f32.msk $0xffff, v11  }
0xc6: {  	v8 =	vmax.f32 v15, $0.0e+00;
	v15 =	vadd.f32 v16, v58;
	v16 =	vadd.f32 v17, v59;
	[tilespmem:s17+$0x1130] =	vst.add.f32.msk $0xffff, v13  }
0xc7: {  	v9 =	vadd.f32 v14, v60;
	v14 =	vmul.f32 v18, v53;
	[tilespmem:s17+$0x1140] =	vst.add.f32.msk $0xffff, v6  }
0xc8: {  	[tilespmem:s17+$0x1150] =	vst.add.f32.msk $0xffff, v7;
	v10 =	vmax.f32 v15, $0.0e+00;
	v15 =	vmax.f32 v16, $0.0e+00;
	v16 =	vmul.f32 v18, v54  }
0xc9: {  	v17 =	vbroadcast v4, $0x6;
	[tilespmem:s17+$0x1160] =	vst.add.f32.msk $0xffff, v12;
	v11 =	vadd.f32 v14, v61;
	v14 =	vmul.f32 v18, v55  }
0xca: {  	[tilespmem:s17+$0x1170] =	vst.add.f32.msk $0xffff, v8;
	s17 =	spop (v2sf);
	(v2sf) =	vpush v5, $0x7;
	v9 =	vmax.f32 v9, $0.0e+00;
	v13 =	vadd.f32 v16, v62  }
0xcb: {  	[tilespmem:s17+$0x1100] =	vst.add.f32.msk $0xffff, v10;
	v16 =	vmul.f32 v18, v56;
	v6 =	vmax.f32 v11, $0.0e+00;
	v11 =	vadd.f32 v14, v63  }
0xcc: {  	[tilespmem:s17+$0x1110] =	vst.add.f32.msk $0xffff, v15;
	v14 =	vmul.f32 v18, v57;
	v18 =	vmul.f32 v17, v55;
	v7 =	vmax.f32 v13, $0.0e+00  }
0xcd: {  	[tilespmem:s17+$0x1120] =	vst.add.f32.msk $0xffff, v9;
	v13 =	vadd.f32 v16, v2;
	v16 =	vmul.f32 v17, v50;
	v11 =	vmax.f32 v11, $0.0e+00  }
0xce: {  	v12 =	vadd.f32 v14, v3;
	v14 =	vmul.f32 v17, v51;
	[tilespmem:s17+$0x1140] =	vst.add.f32.msk $0xffff, v7;
	v7 =	vadd.f32 v18, v63  }
0xcf: {  	[tilespmem:s17+$0x1130] =	vst.add.f32.msk $0xffff, v6;
	v8 =	vmax.f32 v13, $0.0e+00;
	v13 =	vadd.f32 v16, v58;
	v16 =	vmul.f32 v17, v52  }
0xd0: {  	v19 =	vmul.f32 v17, v57;
	[tilespmem:s17+$0x1150] =	vst.add.f32.msk $0xffff, v11;
	v10 =	vmax.f32 v12, $0.0e+00;
	v12 =	vadd.f32 v14, v59  }
0xd1: {  	v15 =	vmul.f32 v17, v53;
	[tilespmem:s17+$0x1160] =	vst.add.f32.msk $0xffff, v8;
	v7 =	vmax.f32 v7, $0.0e+00;
	v14 =	vadd.f32 v16, v60  }
0xd2: {  	[tilespmem:s17+$0x1170] =	vst.add.f32.msk $0xffff, v10;
	v16 =	vmul.f32 v17, v54;
	v9 =	vmax.f32 v13, $0.0e+00;
	v12 =	vmax.f32 v12, $0.0e+00;
	s17 =	spop (v2sf)  }
0xd3: {  	v13 =	vmul.f32 v17, v56;
	v6 =	vmax.f32 v14, $0.0e+00;
	v14 =	vadd.f32 v15, v61;
	[tilespmem:s17+$0x1100] =	vst.add.f32.msk $0xffff, v9  }
0xd4: {  	v10 =	vadd.f32 v19, v3;
	v15 =	vadd.f32 v16, v62;
	v16 =	vbroadcast v4, $0x7;
	[tilespmem:s17+$0x1110] =	vst.add.f32.msk $0xffff, v12  }
0xd5: {  	v8 =	vadd.f32 v13, v2;
	v11 =	vmax.f32 v14, $0.0e+00;
	(v2sf) =	vpush v5, $0x8;
	[tilespmem:s17+$0x1120] =	vst.add.f32.msk $0xffff, v6  }
0xd6: {  	v14 =	vmax.f32 v15, $0.0e+00;
	v13 =	vmul.f32 v16, v50;
	v15 =	vmul.f32 v16, v51;
	[tilespmem:s17+$0x1130] =	vst.add.f32.msk $0xffff, v11  }
0xd7: {  	v10 =	vmax.f32 v10, $0.0e+00;
	v17 =	vmul.f32 v16, v52;
	v8 =	vmax.f32 v8, $0.0e+00;
	[tilespmem:s17+$0x1140] =	vst.add.f32.msk $0xffff, v14  }
0xd8: {  	v9 =	vmul.f32 v16, v53;
	[tilespmem:s17+$0x1150] =	vst.add.f32.msk $0xffff, v7;
	v18 =	vadd.f32 v13, v58;
	v12 =	vadd.f32 v15, v59  }
0xd9: {  	[tilespmem:s17+$0x1160] =	vst.add.f32.msk $0xffff, v8;
	v19 =	vadd.f32 v17, v60;
	v15 =	vmul.f32 v16, v56;
	v13 =	vmul.f32 v16, v57  }
0xda: {  	[tilespmem:s17+$0x1170] =	vst.add.f32.msk $0xffff, v10;
	s17 =	spop (v2sf);
	(v2sf) =	vpush v5, $0x9;
	v9 =	vadd.f32 v9, v61;
	v6 =	vmax.f32 v18, $0.0e+00  }
0xdb: {  	v18 =	vmul.f32 v16, v54;
	v11 =	vmax.f32 v12, $0.0e+00;
	v12 =	vmax.f32 v19, $0.0e+00  }
0xdc: {  	v19 =	vmul.f32 v16, v55;
	v16 =	vbroadcast v4, $0x8;
	v17 =	vadd.f32 v15, v2  }
0xdd: {  	v15 =	vbroadcast v4, $0xA;
	v8 =	vmax.f32 v9, $0.0e+00;
	[tilespmem:s17+$0x1100] =	vst.add.f32.msk $0xffff, v6;
	v14 =	vadd.f32 v18, v62  }
0xde: {  	[tilespmem:s17+$0x1110] =	vst.add.f32.msk $0xffff, v11;
	v7 =	vadd.f32 v19, v63;
	v18 =	vadd.f32 v13, v3;
	v19 =	vmul.f32 v16, v50  }
0xdf: {  	[tilespmem:s17+$0x1120] =	vst.add.f32.msk $0xffff, v12;
	v6 =	vmax.f32 v17, $0.0e+00;
	v17 =	vmul.f32 v16, v51;
	v13 =	vbroadcast v4, $0xB  }
0xe0: {  	[tilespmem:s17+$0x1130] =	vst.add.f32.msk $0xffff, v8;
	v9 =	vmax.f32 v14, $0.0e+00;
	v7 =	vmax.f32 v7, $0.0e+00;
	v11 =	vadd.f32 v19, v58  }
0xe1: {  	[tilespmem:s17+$0x1160] =	vst.add.f32.msk $0xffff, v6;
	v10 =	vmax.f32 v18, $0.0e+00;
	v18 =	vmul.f32 v16, v52;
	v12 =	vadd.f32 v17, v59  }
0xe2: {  	v14 =	vmul.f32 v16, v53;
	v19 =	vmul.f32 v16, v54;
	[tilespmem:s17+$0x1140] =	vst.add.f32.msk $0xffff, v9;
	v8 =	vmax.f32 v11, $0.0e+00  }
0xe3: {  	[tilespmem:s17+$0x1150] =	vst.add.f32.msk $0xffff, v7;
	v17 =	vadd.f32 v18, v60;
	v18 =	vmul.f32 v16, v55;
	v9 =	vmax.f32 v12, $0.0e+00  }
0xe4: {  	[tilespmem:s17+$0x1170] =	vst.add.f32.msk $0xffff, v10;
	v12 =	vadd.f32 v14, v61;
	v19 =	vadd.f32 v19, v62;
	v14 =	vbroadcast v4, $0x9;
	s17 =	spop (v2sf)  }
0xe5: {  	v7 =	vmax.f32 v17, $0.0e+00;
	v17 =	vadd.f32 v18, v63;
	v18 =	vmul.f32 v16, v56;
	[tilespmem:s17+$0x1100] =	vst.add.f32.msk $0xffff, v8  }
0xe6: {  	v6 =	vmax.f32 v12, $0.0e+00;
	v12 =	vmax.f32 v19, $0.0e+00;
	v19 =	vmul.f32 v16, v57;
	[tilespmem:s17+$0x1110] =	vst.add.f32.msk $0xffff, v9  }
0xe7: {  	v16 =	vmul.f32 v14, v54;
	v11 =	vadd.f32 v18, v2;
	(v2sf) =	vpush v5, $0xA;
	[tilespmem:s17+$0x1120] =	vst.add.f32.msk $0xffff, v7  }
0xe8: {  	v10 =	vmax.f32 v17, $0.0e+00;
	v18 =	vmul.f32 v14, v51;
	v8 =	vmul.f32 v14, v50;
	[tilespmem:s17+$0x1130] =	vst.add.f32.msk $0xffff, v6  }
0xe9: {  	v9 =	vmax.f32 v11, $0.0e+00;
	v11 =	vadd.f32 v19, v3;
	v19 =	vmul.f32 v14, v52;
	[tilespmem:s17+$0x1140] =	vst.add.f32.msk $0xffff, v12  }
0xea: {  	[tilespmem:s17+$0x1150] =	vst.add.f32.msk $0xffff, v10;
	v12 =	vbroadcast v4, $0xC;
	v7 =	vadd.f32 v8, v58;
	v8 =	vadd.f32 v18, v59  }
0xeb: {  	[tilespmem:s17+$0x1160] =	vst.add.f32.msk $0xffff, v9;
	v18 =	vmul.f32 v14, v53;
	v6 =	vmax.f32 v11, $0.0e+00;
	v19 =	vadd.f32 v19, v60  }
0xec: {  	v11 =	vadd.f32 v16, v62;
	v16 =	vmul.f32 v15, v50;
	[tilespmem:s17+$0x1170] =	vst.add.f32.msk $0xffff, v6;
	s17 =	spop (v2sf);
	(v2sf) =	vpush v5, $0xB  }
0xed: {  	v7 =	vmax.f32 v7, $0.0e+00;
	v17 =	vadd.f32 v18, v61;
	v18 =	vmul.f32 v14, v55  }
0xee: {  	v8 =	vmax.f32 v8, $0.0e+00;
	v10 =	vmax.f32 v19, $0.0e+00;
	v19 =	vmul.f32 v14, v56  }
0xef: {  	[tilespmem:s17+$0x1100] =	vst.add.f32.msk $0xffff, v7;
	v9 =	vmax.f32 v17, $0.0e+00;
	v17 =	vadd.f32 v18, v63;
	v18 =	vmul.f32 v14, v57  }
0xf0: {  	v6 =	vmax.f32 v11, $0.0e+00;
	v11 =	vmul.f32 v13, v57;
	[tilespmem:s17+$0x1110] =	vst.add.f32.msk $0xffff, v8;
	v19 =	vadd.f32 v19, v2  }
0xf1: {  	[tilespmem:s17+$0x1120] =	vst.add.f32.msk $0xffff, v10;
	v8 =	vmax.f32 v17, $0.0e+00;
	v17 =	vadd.f32 v18, v3;
	v18 =	vmul.f32 v15, v51  }
0xf2: {  	[tilespmem:s17+$0x1140] =	vst.add.f32.msk $0xffff, v6;
	v7 =	vmax.f32 v19, $0.0e+00;
	v19 =	vadd.f32 v16, v58;
	v16 =	vmul.f32 v15, v52  }
0xf3: {  	[tilespmem:s17+$0x1130] =	vst.add.f32.msk $0xffff, v9;
	v9 =	vmax.f32 v17, $0.0e+00;
	v17 =	vadd.f32 v18, v59;
	v18 =	vmul.f32 v15, v53  }
0xf4: {  	[tilespmem:s17+$0x1150] =	vst.add.f32.msk $0xffff, v8;
	v6 =	vmax.f32 v19, $0.0e+00;
	v19 =	vadd.f32 v16, v60;
	v16 =	vmul.f32 v15, v54  }
0xf5: {  	[tilespmem:s17+$0x1160] =	vst.add.f32.msk $0xffff, v7;
	v8 =	vmax.f32 v17, $0.0e+00;
	v17 =	vadd.f32 v18, v61;
	v18 =	vmul.f32 v15, v55  }
0xf6: {  	[tilespmem:s17+$0x1170] =	vst.add.f32.msk $0xffff, v9;
	v7 =	vmax.f32 v19, $0.0e+00;
	v19 =	vadd.f32 v16, v62;
	v16 =	vmul.f32 v15, v56;
	s17 =	spop (v2sf)  }
0xf7: {  	v10 =	vmul.f32 v13, v51;
	v9 =	vmax.f32 v17, $0.0e+00;
	v17 =	vadd.f32 v18, v63;
	[tilespmem:s17+$0x1100] =	vst.add.f32.msk $0xffff, v6  }
0xf8: {  	v18 =	vadd.f32 v16, v2;
	(v2sf) =	vpush v5, $0xC;
	v16 =	vmul.f32 v13, v50;
	[tilespmem:s17+$0x1110] =	vst.add.f32.msk $0xffff, v8  }
0xf9: {  	v6 =	vmax.f32 v19, $0.0e+00;
	v19 =	vmul.f32 v15, v57;
	[tilespmem:s17+$0x1120] =	vst.add.f32.msk $0xffff, v7;
	v15 =	vadd.f32 v11, v3  }
0xfa: {  	v8 =	vmax.f32 v17, $0.0e+00;
	v17 =	vmul.f32 v13, v52;
	[tilespmem:s17+$0x1140] =	vst.add.f32.msk $0xffff, v6;
	v6 =	vadd.f32 v10, v59  }
0xfb: {  	[tilespmem:s17+$0x1130] =	vst.add.f32.msk $0xffff, v9;
	v7 =	vmax.f32 v18, $0.0e+00;
	v18 =	vadd.f32 v19, v3;
	v19 =	vadd.f32 v16, v58  }
0xfc: {  	v16 =	vmul.f32 v13, v53;
	[tilespmem:s17+$0x1150] =	vst.add.f32.msk $0xffff, v8;
	v10 =	vadd.f32 v17, v60;
	v17 =	vmul.f32 v13, v54  }
0xfd: {  	[tilespmem:s17+$0x1160] =	vst.add.f32.msk $0xffff, v7;
	v6 =	vmax.f32 v6, $0.0e+00;
	v18 =	vmax.f32 v18, $0.0e+00;
	v19 =	vmax.f32 v19, $0.0e+00  }
0xfe: {  	v16 =	vadd.f32 v16, v61;
	v7 =	vmax.f32 v10, $0.0e+00;
	v17 =	vadd.f32 v17, v62;
	[tilespmem:s17+$0x1170] =	vst.add.f32.msk $0xffff, v18;
	s17 =	spop (v2sf)  }
0xff: {  	v18 =	vmul.f32 v13, v55;
	(v2sf) =	vpush v5, $0xD;
	[tilespmem:s17+$0x1100] =	vst.add.f32.msk $0xffff, v19;
	v19 =	vmul.f32 v13, v56  }
0x100: {  	v8 =	vmax.f32 v16, $0.0e+00;
	v16 =	vmul.f32 v12, v50;
	v13 =	vbroadcast v4, $0xD  }
0x101: {  	[tilespmem:s17+$0x1110] =	vst.add.f32.msk $0xffff, v6;
	v9 =	vmax.f32 v17, $0.0e+00;
	v6 =	vadd.f32 v18, v63;
	v18 =	vmul.f32 v12, v51  }
0x102: {  	[tilespmem:s17+$0x1120] =	vst.add.f32.msk $0xffff, v7;
	v17 =	vadd.f32 v19, v2;
	v19 =	vmul.f32 v12, v52;
	v11 =	vadd.f32 v16, v58  }
0x103: {  	[tilespmem:s17+$0x1140] =	vst.add.f32.msk $0xffff, v9;
	v6 =	vmax.f32 v6, $0.0e+00;
	v9 =	vadd.f32 v18, v59;
	v18 =	vmul.f32 v12, v53  }
0x104: {  	[tilespmem:s17+$0x1130] =	vst.add.f32.msk $0xffff, v8;
	v7 =	vmax.f32 v17, $0.0e+00;
	v16 =	vadd.f32 v19, v60;
	v19 =	vmul.f32 v12, v54  }
0x105: {  	[tilespmem:s17+$0x1150] =	vst.add.f32.msk $0xffff, v6;
	v17 =	vmax.f32 v15, $0.0e+00;
	v15 =	vmax.f32 v11, $0.0e+00;
	v9 =	vmax.f32 v9, $0.0e+00  }
0x106: {  	[tilespmem:s17+$0x1170] =	vst.add.f32.msk $0xffff, v17;
	v10 =	vmax.f32 v16, $0.0e+00;
	v16 =	vadd.f32 v18, v61;
	v17 =	vadd.f32 v19, v62  }
0x107: {  	[tilespmem:s17+$0x1160] =	vst.add.f32.msk $0xffff, v7;
	v18 =	vmul.f32 v12, v55;
	v19 =	vmul.f32 v12, v56;
	s17 =	spop (v2sf);
	(v2sf) =	vpush v5, $0xE  }
0x108: {  	v6 =	vmax.f32 v16, $0.0e+00;
	v8 =	vmax.f32 v17, $0.0e+00;
	v16 =	vmul.f32 v12, v57;
	[tilespmem:s17+$0x1100] =	vst.add.f32.msk $0xffff, v15  }
0x109: {  	v7 =	vadd.f32 v19, v2;
	v17 =	vmul.f32 v13, v50;
	v19 =	vmul.f32 v13, v52;
	[tilespmem:s17+$0x1110] =	vst.add.f32.msk $0xffff, v9  }
0x10a: {  	v12 =	vmul.f32 v13, v53;
	v15 =	vadd.f32 v18, v63;
	[tilespmem:s17+$0x1120] =	vst.add.f32.msk $0xffff, v10;
	v18 =	vmul.f32 v13, v51  }
0x10b: {  	[tilespmem:s17+$0x1130] =	vst.add.f32.msk $0xffff, v6;
	v9 =	vbroadcast v4, $0xE;
	v4 =	vbroadcast v4, $0xF  }
0x10c: {  	[tilespmem:s17+$0x1140] =	vst.add.f32.msk $0xffff, v8;
	v7 =	vmax.f32 v7, $0.0e+00;
	v16 =	vadd.f32 v16, v3;
	v17 =	vadd.f32 v17, v58  }
0x10d: {  	v19 =	vadd.f32 v19, v60;
	v6 =	vmax.f32 v15, $0.0e+00;
	v18 =	vadd.f32 v18, v59;
	[tilespmem:s17+$0x1160] =	vst.add.f32.msk $0xffff, v7  }
0x10e: {  	[tilespmem:s17+$0x1150] =	vst.add.f32.msk $0xffff, v6;
	v14 =	vmax.f32 v16, $0.0e+00;
	v15 =	vmax.f32 v17, $0.0e+00;
	v16 =	vmul.f32 v13, v54  }
0x10f: {  	[tilespmem:s17+$0x1170] =	vst.add.f32.msk $0xffff, v14;
	v6 =	vmax.f32 v18, $0.0e+00;
	v18 =	vadd.f32 v12, v61;
	v12 =	vmul.f32 v13, v55;
	s17 =	spop (v2sf)  }
0x110: {  	v17 =	vmax.f32 v19, $0.0e+00;
	v14 =	vmul.f32 v13, v56;
	v19 =	vadd.f32 v16, v62;
	[tilespmem:s17+$0x1100] =	vst.add.f32.msk $0xffff, v15  }
0x111: {  	(v2sf) =	vpush v5, $0xF;
	[tilespmem:s17+$0x1110] =	vst.add.f32.msk $0xffff, v6;
	v5 =	vmax.f32 v18, $0.0e+00;
	v16 =	vadd.f32 v12, v63  }
0x112: {  	[tilespmem:s17+$0x1120] =	vst.add.f32.msk $0xffff, v17;
	v17 =	vmul.f32 v13, v57;
	v18 =	vmul.f32 v9, v50;
	v15 =	vmax.f32 v19, $0.0e+00  }
0x113: {  	[tilespmem:s17+$0x1130] =	vst.add.f32.msk $0xffff, v5;
	v5 =	vadd.f32 v14, v2;
	v19 =	vmul.f32 v9, v51;
	v14 =	vmul.f32 v9, v52  }
0x114: {  	[tilespmem:s17+$0x1140] =	vst.add.f32.msk $0xffff, v15;
	v12 =	vmax.f32 v16, $0.0e+00;
	v13 =	vadd.f32 v17, v3;
	v6 =	vadd.f32 v18, v58  }
0x115: {  	v17 =	vmul.f32 v9, v53;
	[tilespmem:s17+$0x1150] =	vst.add.f32.msk $0xffff, v12;
	v5 =	vmax.f32 v5, $0.0e+00;
	v15 =	vadd.f32 v19, v59  }
0x116: {  	v16 =	vadd.f32 v14, v60;
	v19 =	vmul.f32 v9, v54;
	[tilespmem:s17+$0x1160] =	vst.add.f32.msk $0xffff, v5;
	v5 =	vmax.f32 v13, $0.0e+00  }
0x117: {  	[tilespmem:s17+$0x1170] =	vst.add.f32.msk $0xffff, v5;
	v5 =	vmax.f32 v6, $0.0e+00;
	v18 =	vmax.f32 v15, $0.0e+00;
	v15 =	vmul.f32 v9, v56;
	s17 =	spop (v2sf)  }
0x118: {  	v12 =	vadd.f32 v17, v61;
	v13 =	vmul.f32 v9, v55;
	v9 =	vmul.f32 v9, v57;
	[tilespmem:s17+$0x1100] =	vst.add.f32.msk $0xffff, v5  }
0x119: {  	v14 =	vadd.f32 v19, v62;
	v17 =	vadd.f32 v15, v2;
	v5 =	vmax.f32 v16, $0.0e+00;
	[tilespmem:s17+$0x1110] =	vst.add.f32.msk $0xffff, v18  }
0x11a: {  	v19 =	vadd.f32 v9, v3;
	v18 =	vmul.f32 v4, v50;
	[tilespmem:s17+$0x1120] =	vst.add.f32.msk $0xffff, v5;
	v5 =	vmax.f32 v12, $0.0e+00  }
0x11b: {  	v16 =	vadd.f32 v13, v63;
	v12 =	vmul.f32 v4, v51;
	[tilespmem:s17+$0x1130] =	vst.add.f32.msk $0xffff, v5;
	v5 =	vmax.f32 v14, $0.0e+00  }
0x11c: {  	v13 =	vadd.f32 v18, v58;
	v14 =	vmul.f32 v4, v52;
	v18 =	vmul.f32 v4, v54  }
0x11d: {  	[tilespmem:s17+$0x1140] =	vst.add.f32.msk $0xffff, v5;
	v5 =	vmax.f32 v16, $0.0e+00;
	v15 =	vadd.f32 v12, v59;
	v16 =	vmul.f32 v4, v53  }
0x11e: {  	v12 =	vmul.f32 v4, v55;
	[tilespmem:s17+$0x1150] =	vst.add.f32.msk $0xffff, v5;
	v5 =	vmax.f32 v17, $0.0e+00;
	v17 =	vadd.f32 v14, v60  }
0x11f: {  	v14 =	vmul.f32 v4, v56;
	v4 =	vmul.f32 v4, v57;
	[tilespmem:s17+$0x1160] =	vst.add.f32.msk $0xffff, v5;
	v5 =	vmax.f32 v19, $0.0e+00  }
0x120: {  	[tilespmem:s17+$0x1170] =	vst.add.f32.msk $0xffff, v5;
	v5 =	vmax.f32 v13, $0.0e+00;
	s17 =	spop (v2sf)  }
0x121: {  	v4 =	vadd.f32 v4, v3;
	[tilespmem:s17+$0x1100] =	vst.add.f32.msk $0xffff, v5;
	v5 =	vmax.f32 v15, $0.0e+00  }
0x122: {  	v19 =	vadd.f32 v16, v61;
	[tilespmem:s17+$0x1110] =	vst.add.f32.msk $0xffff, v5;
	v5 =	vmax.f32 v17, $0.0e+00  }
0x123: {  	v13 =	vadd.f32 v18, v62;
	v4 =	vmax.f32 v4, $0.0e+00;
	[tilespmem:s17+$0x1120] =	vst.add.f32.msk $0xffff, v5  }
0x124: {  	v15 =	vadd.f32 v12, v63;
	v5 =	vmax.f32 v19, $0.0e+00;
	[tilespmem:s17+$0x1170] =	vst.add.f32.msk $0xffff, v4  }
0x125: {  	v16 =	vadd.f32 v14, v2;
	[tilespmem:s17+$0x1130] =	vst.add.f32.msk $0xffff, v5;
	v5 =	vmax.f32 v13, $0.0e+00  }
0x126: {  	[tilespmem:s17+$0x1140] =	vst.add.f32.msk $0xffff, v5;
	v5 =	vmax.f32 v15, $0.0e+00  }
0x127: {  	[tilespmem:s17+$0x1150] =	vst.add.f32.msk $0xffff, v5;
	v5 =	vmax.f32 v16, $0.0e+00  }
0x128: {  	[tilespmem:s17+$0x1160] =	vst.add.f32.msk $0xffff, v5  }
0x129: {  	v4 =	vld [tilespmem:s15+$0x0];
	_ =	sdelay $0x1  }
0x12a: {  	v5 =	vld [tilespmem:s14+$0x0];
	_ =	sdelay $0x2  }
0x12b: {  	v4 =	vadd.f32 $3.000000000e+00, v4;
	_ =	sdelay $0x1  }
0x12c: {  	v5 =	vadd.f32 $3.000000000e+00, v5;
	v4 =	vmul.f32 v4, v46;
	_ =	sdelay $0x1  }
0x12d: {  	v5 =	vmul.f32 v5, v46;
	v4 =	vtrunc.f32 v4  }
0x12e: {  	v17 =	vcvt.f32.s32 v4  }
0x12f: {  	v4 =	vtrunc.f32 v5  }
0x130: {  	v5 =	vcvt.f32.s32 v4;
	v18 =	vmul.u32 $0x1A, v17;
	_ =	sdelay $0x1  }
0x131: {  	vm14 =	vlt.u32 v17, $0x18;
	vm15 =	vlt.u32 v5, $0x18;
	v5 =	vadd.s32 v18, v5  }
0x132: {  	vm0 =	vmand vm14, vm15;
	v5 =	vadd.s32 $0x1B, v5  }
0x133: {  	v5 =	vnsel vm0, $0x2A4, v5  }
0x134: {  	v5 =	vshll.u32 v5, $0x9  }
0x135: {  	v4 =	vld [tilespmem:s13+$0x0];
	v5 =	vshra.s32 v5, $0x2  }
0x136: {  	(v2sf) =	vpush v5, $0x0;
	_ =	sdelay $0x3  }
0x137: {  	v19 =	vbroadcast v4, $0x0;
	_ =	sdelay $0x1  }
0x138: {  	v20 =	vbroadcast v4, $0x2;
	v12 =	vmul.f32 v19, v50  }
0x139: {  	v13 =	vmul.f32 v19, v51;
	v14 =	vmul.f32 v19, v52  }
0x13a: {  	v15 =	vmul.f32 v19, v53;
	v16 =	vmul.f32 v19, v54;
	(v2sf) =	vpush v5, $0x1  }
0x13b: {  	v17 =	vmul.f32 v19, v55;
	v18 =	vmul.f32 v19, v56  }
0x13c: {  	v6 =	vmul.f32 v19, v57;
	v7 =	vadd.f32 v12, v58;
	v8 =	vadd.f32 v13, v59  }
0x13d: {  	v21 =	vmul.f32 v20, v52;
	v9 =	vadd.f32 v14, v60;
	v10 =	vadd.f32 v15, v61  }
0x13e: {  	v11 =	vadd.f32 v16, v62;
	v14 =	vbroadcast v4, $0x1;
	v12 =	vadd.f32 v17, v63  }
0x13f: {  	v13 =	vadd.f32 v18, v2;
	v6 =	vadd.f32 v6, v3;
	v7 =	vmax.f32 v7, $0.0e+00  }
0x140: {  	v8 =	vmax.f32 v8, $0.0e+00;
	v9 =	vmax.f32 v9, $0.0e+00;
	v10 =	vmax.f32 v10, $0.0e+00  }
0x141: {  	v11 =	vmax.f32 v11, $0.0e+00;
	v15 =	vmul.f32 v14, v50;
	v16 =	vmul.f32 v14, v51;
	s17 =	spop (v2sf)  }
0x142: {  	v18 =	vmul.f32 v14, v53;
	v19 =	vmul.f32 v14, v54;
	(v2sf) =	vpush v5, $0x2;
	[tilespmem:s17+$0x1100] =	vst.add.f32.msk $0xffff, v7  }
0x143: {  	v12 =	vmax.f32 v12, $0.0e+00;
	v17 =	vmul.f32 v14, v52;
	v15 =	vadd.f32 v15, v58;
	[tilespmem:s17+$0x1110] =	vst.add.f32.msk $0xffff, v8  }
0x144: {  	v13 =	vmax.f32 v13, $0.0e+00;
	v18 =	vadd.f32 v18, v61;
	v19 =	vadd.f32 v19, v62;
	[tilespmem:s17+$0x1120] =	vst.add.f32.msk $0xffff, v9  }
0x145: {  	v6 =	vmax.f32 v6, $0.0e+00;
	v16 =	vadd.f32 v16, v59;
	v17 =	vadd.f32 v17, v60;
	[tilespmem:s17+$0x1130] =	vst.add.f32.msk $0xffff, v10  }
0x146: {  	v8 =	vmax.f32 v18, $0.0e+00;
	v18 =	vmax.f32 v19, $0.0e+00;
	v19 =	vmul.f32 v14, v56;
	[tilespmem:s17+$0x1140] =	vst.add.f32.msk $0xffff, v11  }
0x147: {  	v15 =	vmax.f32 v15, $0.0e+00;
	v16 =	vmax.f32 v16, $0.0e+00;
	v17 =	vmax.f32 v17, $0.0e+00;
	[tilespmem:s17+$0x1150] =	vst.add.f32.msk $0xffff, v12  }
0x148: {  	v7 =	vmul.f32 v14, v55;
	[tilespmem:s17+$0x1160] =	vst.add.f32.msk $0xffff, v13;
	v10 =	vadd.f32 v19, v2;
	v19 =	vmul.f32 v20, v51  }
0x149: {  	v9 =	vmul.f32 v14, v57;
	v14 =	vmul.f32 v20, v50;
	[tilespmem:s17+$0x1170] =	vst.add.f32.msk $0xffff, v6;
	s17 =	spop (v2sf);
	(v2sf) =	vpush v5, $0x3  }
0x14a: {  	v13 =	vmul.f32 v20, v53;
	[tilespmem:s17+$0x1100] =	vst.add.f32.msk $0xffff, v15;
	v12 =	vadd.f32 v19, v59;
	v19 =	vadd.f32 v21, v60  }
0x14b: {  	v15 =	vmul.f32 v20, v55;
	[tilespmem:s17+$0x1110] =	vst.add.f32.msk $0xffff, v16;
	v16 =	vmul.f32 v20, v56;
	v7 =	vadd.f32 v7, v63  }
0x14c: {  	[tilespmem:s17+$0x1120] =	vst.add.f32.msk $0xffff, v17;
	v6 =	vmax.f32 v12, $0.0e+00;
	v12 =	vmax.f32 v19, $0.0e+00;
	v19 =	vmul.f32 v20, v54  }
0x14d: {  	v17 =	vmul.f32 v20, v57;
	[tilespmem:s17+$0x1130] =	vst.add.f32.msk $0xffff, v8;
	v9 =	vadd.f32 v9, v3;
	v11 =	vadd.f32 v14, v58  }
0x14e: {  	[tilespmem:s17+$0x1140] =	vst.add.f32.msk $0xffff, v18;
	v13 =	vadd.f32 v13, v61;
	v7 =	vmax.f32 v7, $0.0e+00;
	v14 =	vadd.f32 v19, v62  }
0x14f: {  	v15 =	vadd.f32 v15, v63;
	v10 =	vmax.f32 v10, $0.0e+00;
	[tilespmem:s17+$0x1150] =	vst.add.f32.msk $0xffff, v7;
	v19 =	vbroadcast v4, $0x3  }
0x150: {  	v9 =	vmax.f32 v9, $0.0e+00;
	[tilespmem:s17+$0x1160] =	vst.add.f32.msk $0xffff, v10;
	v8 =	vmax.f32 v14, $0.0e+00;
	v14 =	vadd.f32 v16, v2  }
0x151: {  	v17 =	vadd.f32 v17, v3;
	v11 =	vmax.f32 v11, $0.0e+00;
	[tilespmem:s17+$0x1170] =	vst.add.f32.msk $0xffff, v9;
	v16 =	vmul.f32 v19, v50;
	s17 =	spop (v2sf)  }
0x152: {  	v13 =	vmax.f32 v13, $0.0e+00;
	v18 =	vmul.f32 v19, v51;
	v7 =	vmax.f32 v14, $0.0e+00;
	[tilespmem:s17+$0x1100] =	vst.add.f32.msk $0xffff, v11  }
0x153: {  	v14 =	vadd.f32 v16, v58;
	v16 =	vmul.f32 v19, v52;
	(v2sf) =	vpush v5, $0x4;
	[tilespmem:s17+$0x1110] =	vst.add.f32.msk $0xffff, v6  }
0x154: {  	v10 =	vmax.f32 v17, $0.0e+00;
	v17 =	vadd.f32 v18, v59;
	v18 =	vmul.f32 v19, v53;
	[tilespmem:s17+$0x1120] =	vst.add.f32.msk $0xffff, v12  }
0x155: {  	v9 =	vmax.f32 v14, $0.0e+00;
	v14 =	vadd.f32 v16, v60;
	v16 =	vmul.f32 v19, v54;
	[tilespmem:s17+$0x1130] =	vst.add.f32.msk $0xffff, v13  }
0x156: {  	v15 =	vmax.f32 v15, $0.0e+00;
	v11 =	vmax.f32 v17, $0.0e+00;
	v17 =	vadd.f32 v18, v61;
	[tilespmem:s17+$0x1140] =	vst.add.f32.msk $0xffff, v8  }
0x157: {  	v18 =	vmul.f32 v19, v56;
	[tilespmem:s17+$0x1150] =	vst.add.f32.msk $0xffff, v15;
	v6 =	vadd.f32 v16, v62;
	v16 =	vmul.f32 v19, v55  }
0x158: {  	[tilespmem:s17+$0x1160] =	vst.add.f32.msk $0xffff, v7;
	v12 =	vmax.f32 v14, $0.0e+00;
	v14 =	vmul.f32 v19, v57;
	v19 =	vbroadcast v4, $0x4  }
0x159: {  	[tilespmem:s17+$0x1170] =	vst.add.f32.msk $0xffff, v10;
	s17 =	spop (v2sf);
	(v2sf) =	vpush v5, $0x5;
	v13 =	vmax.f32 v17, $0.0e+00;
	v16 =	vadd.f32 v16, v63  }
0x15a: {  	v8 =	vadd.f32 v18, v2;
	v14 =	vadd.f32 v14, v3;
	v17 =	vmul.f32 v19, v50  }
0x15b: {  	[tilespmem:s17+$0x1100] =	vst.add.f32.msk $0xffff, v9;
	v18 =	vmul.f32 v19, v52;
	v15 =	vmax.f32 v16, $0.0e+00;
	v16 =	vmul.f32 v19, v51  }
0x15c: {  	[tilespmem:s17+$0x1110] =	vst.add.f32.msk $0xffff, v11;
	v7 =	vmax.f32 v8, $0.0e+00;
	v8 =	vmax.f32 v14, $0.0e+00;
	v14 =	vadd.f32 v17, v58  }
0x15d: {  	[tilespmem:s17+$0x1120] =	vst.add.f32.msk $0xffff, v12;
	v17 =	vmul.f32 v19, v53;
	v10 =	vadd.f32 v16, v59;
	v16 =	vadd.f32 v18, v60  }
0x15e: {  	v6 =	vmax.f32 v6, $0.0e+00;
	[tilespmem:s17+$0x1130] =	vst.add.f32.msk $0xffff, v13;
	v9 =	vmax.f32 v14, $0.0e+00;
	v14 =	vmul.f32 v19, v54  }
0x15f: {  	[tilespmem:s17+$0x1140] =	vst.add.f32.msk $0xffff, v6;
	v11 =	vmax.f32 v16, $0.0e+00;
	v16 =	vadd.f32 v17, v61  }
0x160: {  	[tilespmem:s17+$0x1160] =	vst.add.f32.msk $0xffff, v7;
	v12 =	vadd.f32 v14, v62;
	v14 =	vmul.f32 v19, v55  }
0x161: {  	[tilespmem:s17+$0x1150] =	vst.add.f32.msk $0xffff, v15;
	v18 =	vbroadcast v4, $0x5;
	v17 =	vmul.f32 v19, v56;
	v13 =	vmax.f32 v16, $0.0e+00  }
0x162: {  	[tilespmem:s17+$0x1170] =	vst.add.f32.msk $0xffff, v8;
	v16 =	vmul.f32 v19, v57;
	v6 =	vmax.f32 v12, $0.0e+00;
	v12 =	vadd.f32 v14, v63;
	s17 =	spop (v2sf)  }
0x163: {  	v10 =	vmax.f32 v10, $0.0e+00;
	v14 =	vadd.f32 v17, v2;
	(v2sf) =	vpush v5, $0x6;
	[tilespmem:s17+$0x1100] =	vst.add.f32.msk $0xffff, v9  }
0x164: {  	v17 =	vmul.f32 v18, v51;
	v15 =	vadd.f32 v16, v3;
	v16 =	vmul.f32 v18, v50;
	[tilespmem:s17+$0x1110] =	vst.add.f32.msk $0xffff, v10  }
0x165: {  	v7 =	vmax.f32 v12, $0.0e+00;
	v12 =	vmax.f32 v14, $0.0e+00;
	v14 =	vmul.f32 v18, v52;
	[tilespmem:s17+$0x1120] =	vst.add.f32.msk $0xffff, v11  }
0x166: {  	v8 =	vmax.f32 v15, $0.0e+00;
	v15 =	vadd.f32 v16, v58;
	[tilespmem:s17+$0x1130] =	vst.add.f32.msk $0xffff, v13  }
0x167: {  	v16 =	vadd.f32 v17, v59;
	v9 =	vadd.f32 v14, v60;
	v14 =	vmul.f32 v18, v53;
	[tilespmem:s17+$0x1140] =	vst.add.f32.msk $0xffff, v6  }
0x168: {  	v17 =	vbroadcast v4, $0x6;
	[tilespmem:s17+$0x1150] =	vst.add.f32.msk $0xffff, v7;
	v10 =	vmax.f32 v15, $0.0e+00  }
0x169: {  	[tilespmem:s17+$0x1160] =	vst.add.f32.msk $0xffff, v12;
	v15 =	vmax.f32 v16, $0.0e+00;
	v16 =	vmul.f32 v18, v54;
	v11 =	vadd.f32 v14, v61  }
0x16a: {  	[tilespmem:s17+$0x1170] =	vst.add.f32.msk $0xffff, v8;
	s17 =	spop (v2sf);
	(v2sf) =	vpush v5, $0x7;
	v9 =	vmax.f32 v9, $0.0e+00;
	v14 =	vmul.f32 v18, v55  }
0x16b: {  	[tilespmem:s17+$0x1100] =	vst.add.f32.msk $0xffff, v10;
	v13 =	vadd.f32 v16, v62;
	v16 =	vmul.f32 v18, v56;
	v6 =	vmax.f32 v11, $0.0e+00  }
0x16c: {  	[tilespmem:s17+$0x1110] =	vst.add.f32.msk $0xffff, v15;
	v11 =	vadd.f32 v14, v63;
	v14 =	vmul.f32 v18, v57;
	v18 =	vmul.f32 v17, v55  }
0x16d: {  	[tilespmem:s17+$0x1120] =	vst.add.f32.msk $0xffff, v9;
	v7 =	vmax.f32 v13, $0.0e+00;
	v13 =	vadd.f32 v16, v2;
	v16 =	vmul.f32 v17, v50  }
0x16e: {  	[tilespmem:s17+$0x1130] =	vst.add.f32.msk $0xffff, v6;
	v11 =	vmax.f32 v11, $0.0e+00;
	v12 =	vadd.f32 v14, v3;
	v14 =	vmul.f32 v17, v51  }
0x16f: {  	[tilespmem:s17+$0x1140] =	vst.add.f32.msk $0xffff, v7;
	v8 =	vmax.f32 v13, $0.0e+00;
	v13 =	vadd.f32 v16, v58;
	v16 =	vmul.f32 v17, v52  }
0x170: {  	v19 =	vmul.f32 v17, v57;
	v15 =	vmul.f32 v17, v53;
	v7 =	vadd.f32 v18, v63;
	[tilespmem:s17+$0x1150] =	vst.add.f32.msk $0xffff, v11  }
0x171: {  	v10 =	vmax.f32 v12, $0.0e+00;
	v12 =	vadd.f32 v14, v59;
	[tilespmem:s17+$0x1160] =	vst.add.f32.msk $0xffff, v8;
	v14 =	vadd.f32 v16, v60  }
0x172: {  	v7 =	vmax.f32 v7, $0.0e+00;
	[tilespmem:s17+$0x1170] =	vst.add.f32.msk $0xffff, v10;
	v16 =	vmul.f32 v17, v54;
	v9 =	vmax.f32 v13, $0.0e+00;
	s17 =	spop (v2sf)  }
0x173: {  	v12 =	vmax.f32 v12, $0.0e+00;
	v6 =	vmax.f32 v14, $0.0e+00;
	v14 =	vadd.f32 v15, v61;
	[tilespmem:s17+$0x1100] =	vst.add.f32.msk $0xffff, v9  }
0x174: {  	v13 =	vmul.f32 v17, v56;
	v15 =	vadd.f32 v16, v62;
	v16 =	vbroadcast v4, $0x7;
	[tilespmem:s17+$0x1110] =	vst.add.f32.msk $0xffff, v12  }
0x175: {  	v10 =	vadd.f32 v19, v3;
	v11 =	vmax.f32 v14, $0.0e+00;
	(v2sf) =	vpush v5, $0x8;
	[tilespmem:s17+$0x1120] =	vst.add.f32.msk $0xffff, v6  }
0x176: {  	v8 =	vadd.f32 v13, v2;
	v14 =	vmax.f32 v15, $0.0e+00;
	v13 =	vmul.f32 v16, v50;
	[tilespmem:s17+$0x1130] =	vst.add.f32.msk $0xffff, v11  }
0x177: {  	v10 =	vmax.f32 v10, $0.0e+00;
	v15 =	vmul.f32 v16, v51;
	v17 =	vmul.f32 v16, v52;
	[tilespmem:s17+$0x1140] =	vst.add.f32.msk $0xffff, v14  }
0x178: {  	v8 =	vmax.f32 v8, $0.0e+00;
	v9 =	vmul.f32 v16, v53;
	[tilespmem:s17+$0x1150] =	vst.add.f32.msk $0xffff, v7;
	v18 =	vadd.f32 v13, v58  }
0x179: {  	[tilespmem:s17+$0x1160] =	vst.add.f32.msk $0xffff, v8;
	v12 =	vadd.f32 v15, v59;
	v19 =	vadd.f32 v17, v60;
	v15 =	vmul.f32 v16, v56  }
0x17a: {  	[tilespmem:s17+$0x1170] =	vst.add.f32.msk $0xffff, v10;
	v13 =	vmul.f32 v16, v57;
	s17 =	spop (v2sf);
	(v2sf) =	vpush v5, $0x9;
	v9 =	vadd.f32 v9, v61  }
0x17b: {  	v6 =	vmax.f32 v18, $0.0e+00;
	v18 =	vmul.f32 v16, v54;
	v11 =	vmax.f32 v12, $0.0e+00  }
0x17c: {  	v12 =	vmax.f32 v19, $0.0e+00;
	v19 =	vmul.f32 v16, v55;
	v16 =	vbroadcast v4, $0x8  }
0x17d: {  	v17 =	vadd.f32 v15, v2;
	v15 =	vbroadcast v4, $0xA;
	[tilespmem:s17+$0x1100] =	vst.add.f32.msk $0xffff, v6;
	v14 =	vadd.f32 v18, v62  }
0x17e: {  	v8 =	vmax.f32 v9, $0.0e+00;
	[tilespmem:s17+$0x1110] =	vst.add.f32.msk $0xffff, v11;
	v7 =	vadd.f32 v19, v63;
	v18 =	vadd.f32 v13, v3  }
0x17f: {  	[tilespmem:s17+$0x1120] =	vst.add.f32.msk $0xffff, v12;
	v19 =	vmul.f32 v16, v50;
	v6 =	vmax.f32 v17, $0.0e+00;
	v17 =	vmul.f32 v16, v51  }
0x180: {  	[tilespmem:s17+$0x1130] =	vst.add.f32.msk $0xffff, v8;
	v13 =	vbroadcast v4, $0xB;
	v9 =	vmax.f32 v14, $0.0e+00;
	v7 =	vmax.f32 v7, $0.0e+00  }
0x181: {  	[tilespmem:s17+$0x1160] =	vst.add.f32.msk $0xffff, v6;
	v10 =	vmax.f32 v18, $0.0e+00;
	v11 =	vadd.f32 v19, v58;
	v18 =	vmul.f32 v16, v52  }
0x182: {  	v12 =	vadd.f32 v17, v59;
	v14 =	vmul.f32 v16, v53;
	v19 =	vmul.f32 v16, v54;
	[tilespmem:s17+$0x1140] =	vst.add.f32.msk $0xffff, v9  }
0x183: {  	[tilespmem:s17+$0x1150] =	vst.add.f32.msk $0xffff, v7;
	v8 =	vmax.f32 v11, $0.0e+00;
	v17 =	vadd.f32 v18, v60;
	v18 =	vmul.f32 v16, v55  }
0x184: {  	[tilespmem:s17+$0x1170] =	vst.add.f32.msk $0xffff, v10;
	v9 =	vmax.f32 v12, $0.0e+00;
	v12 =	vadd.f32 v14, v61;
	v19 =	vadd.f32 v19, v62;
	s17 =	spop (v2sf)  }
0x185: {  	v7 =	vmax.f32 v17, $0.0e+00;
	v17 =	vadd.f32 v18, v63;
	v18 =	vmul.f32 v16, v56;
	[tilespmem:s17+$0x1100] =	vst.add.f32.msk $0xffff, v8  }
0x186: {  	v14 =	vbroadcast v4, $0x9;
	v6 =	vmax.f32 v12, $0.0e+00;
	v12 =	vmax.f32 v19, $0.0e+00;
	[tilespmem:s17+$0x1110] =	vst.add.f32.msk $0xffff, v9  }
0x187: {  	v19 =	vmul.f32 v16, v57;
	v11 =	vadd.f32 v18, v2;
	(v2sf) =	vpush v5, $0xA;
	[tilespmem:s17+$0x1120] =	vst.add.f32.msk $0xffff, v7  }
0x188: {  	v10 =	vmax.f32 v17, $0.0e+00;
	v18 =	vmul.f32 v14, v51;
	v8 =	vmul.f32 v14, v50;
	[tilespmem:s17+$0x1130] =	vst.add.f32.msk $0xffff, v6  }
0x189: {  	v9 =	vmax.f32 v11, $0.0e+00;
	v11 =	vadd.f32 v19, v3;
	v19 =	vmul.f32 v14, v52;
	[tilespmem:s17+$0x1140] =	vst.add.f32.msk $0xffff, v12  }
0x18a: {  	v16 =	vmul.f32 v14, v54;
	[tilespmem:s17+$0x1150] =	vst.add.f32.msk $0xffff, v10;
	v7 =	vadd.f32 v8, v58;
	v8 =	vadd.f32 v18, v59  }
0x18b: {  	[tilespmem:s17+$0x1160] =	vst.add.f32.msk $0xffff, v9;
	v18 =	vmul.f32 v14, v53;
	v6 =	vmax.f32 v11, $0.0e+00;
	v19 =	vadd.f32 v19, v60  }
0x18c: {  	v12 =	vbroadcast v4, $0xC;
	v11 =	vadd.f32 v16, v62;
	[tilespmem:s17+$0x1170] =	vst.add.f32.msk $0xffff, v6;
	s17 =	spop (v2sf);
	(v2sf) =	vpush v5, $0xB  }
0x18d: {  	v7 =	vmax.f32 v7, $0.0e+00;
	v17 =	vadd.f32 v18, v61;
	v18 =	vmul.f32 v14, v55  }
0x18e: {  	v8 =	vmax.f32 v8, $0.0e+00;
	v10 =	vmax.f32 v19, $0.0e+00;
	v19 =	vmul.f32 v14, v56  }
0x18f: {  	[tilespmem:s17+$0x1100] =	vst.add.f32.msk $0xffff, v7;
	v9 =	vmax.f32 v17, $0.0e+00;
	v17 =	vadd.f32 v18, v63;
	v18 =	vmul.f32 v14, v57  }
0x190: {  	v16 =	vmul.f32 v15, v50;
	v6 =	vmax.f32 v11, $0.0e+00;
	[tilespmem:s17+$0x1110] =	vst.add.f32.msk $0xffff, v8;
	v19 =	vadd.f32 v19, v2  }
0x191: {  	[tilespmem:s17+$0x1120] =	vst.add.f32.msk $0xffff, v10;
	v8 =	vmax.f32 v17, $0.0e+00;
	v17 =	vadd.f32 v18, v3;
	v18 =	vmul.f32 v15, v51  }
0x192: {  	[tilespmem:s17+$0x1140] =	vst.add.f32.msk $0xffff, v6;
	v7 =	vmax.f32 v19, $0.0e+00;
	v19 =	vadd.f32 v16, v58;
	v16 =	vmul.f32 v15, v52  }
0x193: {  	[tilespmem:s17+$0x1130] =	vst.add.f32.msk $0xffff, v9;
	v9 =	vmax.f32 v17, $0.0e+00;
	v17 =	vadd.f32 v18, v59;
	v18 =	vmul.f32 v15, v53  }
0x194: {  	[tilespmem:s17+$0x1150] =	vst.add.f32.msk $0xffff, v8;
	v6 =	vmax.f32 v19, $0.0e+00;
	v19 =	vadd.f32 v16, v60;
	v16 =	vmul.f32 v15, v54  }
0x195: {  	[tilespmem:s17+$0x1160] =	vst.add.f32.msk $0xffff, v7;
	v8 =	vmax.f32 v17, $0.0e+00;
	v17 =	vadd.f32 v18, v61;
	v18 =	vmul.f32 v15, v55  }
0x196: {  	[tilespmem:s17+$0x1170] =	vst.add.f32.msk $0xffff, v9;
	v7 =	vmax.f32 v19, $0.0e+00;
	v19 =	vadd.f32 v16, v62;
	v16 =	vmul.f32 v15, v56;
	s17 =	spop (v2sf)  }
0x197: {  	v11 =	vmul.f32 v13, v57;
	v9 =	vmax.f32 v17, $0.0e+00;
	v17 =	vadd.f32 v18, v63;
	[tilespmem:s17+$0x1100] =	vst.add.f32.msk $0xffff, v6  }
0x198: {  	v10 =	vmul.f32 v13, v51;
	v18 =	vadd.f32 v16, v2;
	(v2sf) =	vpush v5, $0xC;
	[tilespmem:s17+$0x1110] =	vst.add.f32.msk $0xffff, v8  }
0x199: {  	v16 =	vmul.f32 v13, v50;
	v6 =	vmax.f32 v19, $0.0e+00;
	v19 =	vmul.f32 v15, v57;
	[tilespmem:s17+$0x1120] =	vst.add.f32.msk $0xffff, v7  }
0x19a: {  	v8 =	vmax.f32 v17, $0.0e+00;
	v17 =	vmul.f32 v13, v52;
	[tilespmem:s17+$0x1140] =	vst.add.f32.msk $0xffff, v6;
	v6 =	vadd.f32 v10, v59  }
0x19b: {  	[tilespmem:s17+$0x1130] =	vst.add.f32.msk $0xffff, v9;
	v7 =	vmax.f32 v18, $0.0e+00;
	v18 =	vadd.f32 v19, v3;
	v19 =	vadd.f32 v16, v58  }
0x19c: {  	v16 =	vmul.f32 v13, v53;
	[tilespmem:s17+$0x1150] =	vst.add.f32.msk $0xffff, v8;
	v10 =	vadd.f32 v17, v60;
	v17 =	vmul.f32 v13, v54  }
0x19d: {  	[tilespmem:s17+$0x1160] =	vst.add.f32.msk $0xffff, v7;
	v6 =	vmax.f32 v6, $0.0e+00;
	v18 =	vmax.f32 v18, $0.0e+00;
	v19 =	vmax.f32 v19, $0.0e+00  }
0x19e: {  	v16 =	vadd.f32 v16, v61;
	v7 =	vmax.f32 v10, $0.0e+00;
	v17 =	vadd.f32 v17, v62;
	[tilespmem:s17+$0x1170] =	vst.add.f32.msk $0xffff, v18;
	s17 =	spop (v2sf)  }
0x19f: {  	v18 =	vmul.f32 v13, v55;
	(v2sf) =	vpush v5, $0xD;
	[tilespmem:s17+$0x1100] =	vst.add.f32.msk $0xffff, v19;
	v19 =	vmul.f32 v13, v56  }
0x1a0: {  	v8 =	vmax.f32 v16, $0.0e+00;
	v16 =	vmul.f32 v12, v50;
	v9 =	vmax.f32 v17, $0.0e+00  }
0x1a1: {  	[tilespmem:s17+$0x1110] =	vst.add.f32.msk $0xffff, v6;
	v6 =	vadd.f32 v18, v63;
	v18 =	vmul.f32 v12, v51;
	v17 =	vadd.f32 v19, v2  }
0x1a2: {  	v15 =	vadd.f32 v11, v3;
	[tilespmem:s17+$0x1120] =	vst.add.f32.msk $0xffff, v7;
	v19 =	vmul.f32 v12, v52;
	v16 =	vadd.f32 v16, v58  }
0x1a3: {  	[tilespmem:s17+$0x1140] =	vst.add.f32.msk $0xffff, v9;
	v9 =	vadd.f32 v18, v59;
	v18 =	vmul.f32 v12, v53;
	v7 =	vmax.f32 v17, $0.0e+00  }
0x1a4: {  	[tilespmem:s17+$0x1130] =	vst.add.f32.msk $0xffff, v8;
	v10 =	vadd.f32 v19, v60;
	v17 =	vmax.f32 v15, $0.0e+00;
	v19 =	vmul.f32 v12, v54  }
0x1a5: {  	v13 =	vbroadcast v4, $0xD;
	v6 =	vmax.f32 v6, $0.0e+00;
	[tilespmem:s17+$0x1170] =	vst.add.f32.msk $0xffff, v17;
	v17 =	vadd.f32 v18, v61  }
0x1a6: {  	[tilespmem:s17+$0x1150] =	vst.add.f32.msk $0xffff, v6;
	v16 =	vmax.f32 v16, $0.0e+00;
	v18 =	vadd.f32 v19, v62;
	v19 =	vmul.f32 v12, v55  }
0x1a7: {  	[tilespmem:s17+$0x1160] =	vst.add.f32.msk $0xffff, v7;
	v9 =	vmax.f32 v9, $0.0e+00;
	v6 =	vmax.f32 v17, $0.0e+00;
	s17 =	spop (v2sf);
	(v2sf) =	vpush v5, $0xE  }
0x1a8: {  	v8 =	vmax.f32 v18, $0.0e+00;
	v17 =	vadd.f32 v19, v63;
	v18 =	vmul.f32 v12, v57;
	[tilespmem:s17+$0x1100] =	vst.add.f32.msk $0xffff, v16  }
0x1a9: {  	v10 =	vmax.f32 v10, $0.0e+00;
	v19 =	vmul.f32 v13, v50;
	v16 =	vmul.f32 v12, v56;
	[tilespmem:s17+$0x1110] =	vst.add.f32.msk $0xffff, v9  }
0x1aa: {  	[tilespmem:s17+$0x1130] =	vst.add.f32.msk $0xffff, v6;
	v9 =	vbroadcast v4, $0xE;
	v6 =	vmax.f32 v17, $0.0e+00;
	v17 =	vmul.f32 v13, v52  }
0x1ab: {  	[tilespmem:s17+$0x1120] =	vst.add.f32.msk $0xffff, v10;
	v4 =	vbroadcast v4, $0xF;
	v18 =	vadd.f32 v18, v3;
	v19 =	vadd.f32 v19, v58  }
0x1ac: {  	[tilespmem:s17+$0x1140] =	vst.add.f32.msk $0xffff, v8;
	v7 =	vadd.f32 v16, v2;
	v16 =	vmul.f32 v13, v51;
	v15 =	vadd.f32 v17, v60  }
0x1ad: {  	[tilespmem:s17+$0x1150] =	vst.add.f32.msk $0xffff, v6;
	v17 =	vmax.f32 v18, $0.0e+00;
	v18 =	vmax.f32 v19, $0.0e+00;
	v19 =	vmul.f32 v13, v54  }
0x1ae: {  	v7 =	vmax.f32 v7, $0.0e+00;
	v14 =	vadd.f32 v16, v59;
	v16 =	vmul.f32 v13, v53;
	[tilespmem:s17+$0x1170] =	vst.add.f32.msk $0xffff, v17  }
0x1af: {  	v17 =	vmul.f32 v13, v56;
	[tilespmem:s17+$0x1160] =	vst.add.f32.msk $0xffff, v7;
	s17 =	spop (v2sf);
	v12 =	vmax.f32 v15, $0.0e+00;
	v15 =	vadd.f32 v19, v62  }
0x1b0: {  	v6 =	vmax.f32 v14, $0.0e+00;
	v14 =	vadd.f32 v16, v61;
	[tilespmem:s17+$0x1100] =	vst.add.f32.msk $0xffff, v18;
	v16 =	vmul.f32 v13, v55  }
0x1b1: {  	(v2sf) =	vpush v5, $0xF;
	[tilespmem:s17+$0x1120] =	vst.add.f32.msk $0xffff, v12;
	v12 =	vmul.f32 v13, v57;
	v13 =	vmul.f32 v9, v50  }
0x1b2: {  	[tilespmem:s17+$0x1110] =	vst.add.f32.msk $0xffff, v6;
	v18 =	vmax.f32 v15, $0.0e+00;
	v5 =	vmax.f32 v14, $0.0e+00;
	v19 =	vadd.f32 v16, v63  }
0x1b3: {  	v14 =	vmul.f32 v9, v51;
	v16 =	vadd.f32 v12, v3;
	[tilespmem:s17+$0x1130] =	vst.add.f32.msk $0xffff, v5;
	v5 =	vadd.f32 v17, v2  }
0x1b4: {  	[tilespmem:s17+$0x1140] =	vst.add.f32.msk $0xffff, v18;
	v6 =	vadd.f32 v13, v58;
	v17 =	vmul.f32 v9, v52;
	v15 =	vmax.f32 v19, $0.0e+00  }
0x1b5: {  	v12 =	vmul.f32 v9, v53;
	v18 =	vadd.f32 v14, v59;
	[tilespmem:s17+$0x1150] =	vst.add.f32.msk $0xffff, v15;
	v5 =	vmax.f32 v5, $0.0e+00  }
0x1b6: {  	v14 =	vmul.f32 v9, v54;
	v19 =	vadd.f32 v17, v60;
	[tilespmem:s17+$0x1160] =	vst.add.f32.msk $0xffff, v5;
	v5 =	vmax.f32 v16, $0.0e+00  }
0x1b7: {  	v13 =	vmax.f32 v18, $0.0e+00;
	v18 =	vmul.f32 v9, v56;
	[tilespmem:s17+$0x1170] =	vst.add.f32.msk $0xffff, v5;
	v5 =	vmax.f32 v6, $0.0e+00;
	s17 =	spop (v2sf)  }
0x1b8: {  	v15 =	vadd.f32 v12, v61;
	v16 =	vmul.f32 v9, v55;
	v9 =	vmul.f32 v9, v57;
	[tilespmem:s17+$0x1100] =	vst.add.f32.msk $0xffff, v5  }
0x1b9: {  	v17 =	vadd.f32 v14, v62;
	v12 =	vadd.f32 v18, v2;
	v5 =	vmax.f32 v19, $0.0e+00;
	[tilespmem:s17+$0x1110] =	vst.add.f32.msk $0xffff, v13  }
0x1ba: {  	v14 =	vadd.f32 v9, v3;
	v13 =	vmul.f32 v4, v50;
	[tilespmem:s17+$0x1120] =	vst.add.f32.msk $0xffff, v5;
	v5 =	vmax.f32 v15, $0.0e+00  }
0x1bb: {  	v19 =	vadd.f32 v16, v63;
	v15 =	vmul.f32 v4, v51;
	[tilespmem:s17+$0x1130] =	vst.add.f32.msk $0xffff, v5;
	v5 =	vmax.f32 v17, $0.0e+00  }
0x1bc: {  	v16 =	vadd.f32 v13, v58;
	v17 =	vmul.f32 v4, v52;
	v13 =	vmul.f32 v4, v54  }
0x1bd: {  	[tilespmem:s17+$0x1140] =	vst.add.f32.msk $0xffff, v5;
	v5 =	vmax.f32 v19, $0.0e+00;
	v18 =	vadd.f32 v15, v59;
	v19 =	vmul.f32 v4, v53  }
0x1be: {  	v15 =	vmul.f32 v4, v55;
	[tilespmem:s17+$0x1150] =	vst.add.f32.msk $0xffff, v5;
	v5 =	vmax.f32 v12, $0.0e+00;
	v12 =	vadd.f32 v17, v60  }
0x1bf: {  	v17 =	vmul.f32 v4, v56;
	v4 =	vmul.f32 v4, v57;
	[tilespmem:s17+$0x1160] =	vst.add.f32.msk $0xffff, v5;
	v5 =	vmax.f32 v14, $0.0e+00  }
0x1c0: {  	[tilespmem:s17+$0x1170] =	vst.add.f32.msk $0xffff, v5;
	v5 =	vmax.f32 v16, $0.0e+00;
	s17 =	spop (v2sf)  }
0x1c1: {  	v4 =	vadd.f32 v4, v3;
	[tilespmem:s17+$0x1100] =	vst.add.f32.msk $0xffff, v5;
	v5 =	vmax.f32 v18, $0.0e+00  }
0x1c2: {  	s2 =	sadd.s32 $0x2, s2;
	v14 =	vadd.f32 v19, v61;
	[tilespmem:s17+$0x1110] =	vst.add.f32.msk $0xffff, v5;
	v5 =	vmax.f32 v12, $0.0e+00  }
0x1c3: {  	p0 =	slt.u32 s2, $0x3E;
	v16 =	vadd.f32 v13, v62;
	v4 =	vmax.f32 v4, $0.0e+00;
	[tilespmem:s17+$0x1120] =	vst.add.f32.msk $0xffff, v5  }
.Ltmp1:
0x1c4: {  	v18 =	vadd.f32 v15, v63;
	v5 =	vmax.f32 v14, $0.0e+00;
	[tilespmem:s17+$0x1170] =	vst.add.f32.msk $0xffff, v4;
	(pc) =	sbr.rel @p0 .LBB2_4-.Ltmp1, $4  }
0x1c5: {  	v19 =	vadd.f32 v17, v2;
	[tilespmem:s17+$0x1130] =	vst.add.f32.msk $0xffff, v5;
	v5 =	vmax.f32 v16, $0.0e+00  }
0x1c6: {  	[tilespmem:s17+$0x1140] =	vst.add.f32.msk $0xffff, v5;
	v5 =	vmax.f32 v18, $0.0e+00  }
0x1c7: {  	[tilespmem:s17+$0x1150] =	vst.add.f32.msk $0xffff, v5;
	v5 =	vmax.f32 v19, $0.0e+00  }
0x1c8: {  	s14 =	sadd.s32 $0x20, s14;
	s15 =	sadd.s32 $0x20, s15;
	s13 =	sadd.s32 $0x20, s13;
	[tilespmem:s17+$0x1160] =	vst.add.f32.msk $0xffff, v5  }
0x1c9: {  	[spmem:s3] =	stream.indirect.scatter.add.f32 [tilespmem:s21], [sflag:$0x2], $0x80, s20, s19, $0xb8;
	[tilespmem:$0x1A900] =	vst v63  }
0x1ca: {  	_ =	swait.ge [sflag:s16], $0x4000  }
0x1cb: {  	[sflag:s16] =	ssyncset.done $0x0  }
0x1cc: {  	[sflag:s16] =	ssyncadd.s32 $0xFFFFC000  }
0x1cd: {  	[spmem:s3] =	stream.indirect.scatter.add.f32 [tilespmem:s23], [sflag:$0x2], $0x80, s22, s19, $0xb8;
	[tilespmem:$0x1A900] =	vst v63  }
0x1ce: {  	_ =	swait.ge [sflag:s16], $0x4000  }
0x1cf: {  	[sflag:s16] =	ssyncset.done $0x0  }
0x1d0: {  	[sflag:s16] =	ssyncadd.s32 $0xFFFFC000  }
0x1d1: {  	[spmem:s3] =	stream.indirect.scatter.add.f32 [tilespmem:s25], [sflag:$0x2], $0x80, s24, s19, $0xb8;
	[tilespmem:$0x1A900] =	vst v63  }
0x1d2: {  	_ =	swait.ge [sflag:s16], $0x4000  }
0x1d3: {  	[sflag:s16] =	ssyncset.done $0x0  }
0x1d4: {  	[sflag:s16] =	ssyncadd.s32 $0xFFFFC000  }
0x1d5: {  	[spmem:s3] =	stream.indirect.scatter.add.f32 [tilespmem:s28], [sflag:$0x2], $0x80, s26, s19, $0xb8;
	[tilespmem:$0x1A900] =	vst v63  }
0x1d6: {  	_ =	swait.ge [sflag:s16], $0x4000  }
0x1d7: {  	[sflag:s16] =	ssyncset.done $0x0  }
0x1d8: {  	[sflag:s16] =	ssyncadd.s32 $0xFFFFC000  }
0x1d9: {  	[spmem:s3] =	stream.indirect.scatter.add.f32 [tilespmem:s30], [sflag:$0x2], $0x80, s29, s19, $0xb8;
	[tilespmem:$0x1A900] =	vst v63  }
0x1da: {  	_ =	swait.ge [sflag:s16], $0x4000  }
0x1db: {  	[sflag:s16] =	ssyncset.done $0x0  }
0x1dc: {  	[sflag:s16] =	ssyncadd.s32 $0xFFFFC000  }
0x1dd: {  	[spmem:s3] =	stream.indirect.scatter.add.f32 [tilespmem:s0], [sflag:$0x2], $0x80, s31, s19, $0xb8;
	[tilespmem:$0x1A900] =	vst v63  }
0x1de: {  	_ =	swait.ge [sflag:s16], $0x4000  }
0x1df: {  	s2 =	sshll.u32 s5, $0x6;
	s1 =	sadd.s32 $0x1, s1;
	[sflag:s16] =	ssyncset.done $0x0  }
0x1e0: {  	s13 =	sshrl.u32 s9, $0x3;
	p0 =	sne.s32 s1, s12;
	[sflag:s16] =	ssyncadd.s32 $0xFFFFC000  }
.Ltmp2:
0x1e1: {  	s2 =	sor.u32 $0x1C02, s2;
	[bflag:$0x0] =	sbarrier.arrive $0xFFFF;
	(pc) =	sbr.rel @p0 .LBB2_1-.Ltmp2, $4  }
0x1e2: {  	[hbm:s11], [sflag:s2] =	dma.local [spmem:s13], $0x300  }
0x1e3: {  	_ =	swait.ge [sflag:s16], $0x300  }
0x1e4: {  	[sflag:s16] =	ssyncset.done $0x0  }
0x1e5: {  	[sflag:s16] =	ssyncadd.s32 $0xFFFFFD00  }
0x1e6: {  	_ =	sfence.sel $0x180000  }
0x1e7: {  	[bflag:$0x0] =	sbarrier.arrive $0xFFFF  }
0x1e8: {  	_ =	strace $0x90000047  }
0x1e9: {  	[bflag:$0x2] =	sbarrier.arrive $0xFFFF  }
0x1ea: {  	p0 =	sne.s32 s5, $0x0;
	s0 =	rddreg [dreg:$0x4]  }
0x1eb: {  	s0 =	sadd.s32 @!p0 $0x100000, s0  }
0x1ec: {  	[sflag:s0] =	ssyncadd.tile.s32 @!p0 $0x1;
	_ =	shalt  }
.Lfunc_end2:
_tile_overlayer_lowered:
.L_overlay_start_2:
0x1ed: {  	(tag) =	ssettag $0x2  }
0x1ee: {  	s0 =	rddreg [dreg:$0x0];
	s2 =	stileid.u32  }
0x1ef: {  	s1 =	rddreg [dreg:$0x1];
	p0 =	sne.s32 s2, $0x0  }
0x1f0: {  	s3 =	rddreg [dreg:$0x2];
	[bflag:$0x3] =	sbarrier.arrive $0xFFFF;
	s2 =	simm.s32 @!p0 $0x1C02  }
0x1f1: {  	[timem:s3], [sflag:s2] =	dma.local @!p0 [hbm:s0], s1  }
0x1f2: {  	s0 =	simm.s32 @!p0 $0x2  }
0x1f3: {  	_ =	swait.ge @!p0 [sflag:s0], s1  }
0x1f4: {  	s1 =	ssub.s32 @!p0 $0x0, s1;
	[sflag:s0] =	ssyncset.done @!p0 $0x0  }
0x1f5: {  	[sflag:s0] =	ssyncadd.s32 @!p0 s1  }
0x1f6: {  	[bflag:$0x3] =	sbarrier.arrive $0xFFFF  }
0x1f7: {  	_ =	shalt  }

</sc_bundles>
